<compile_context>
chip_gen: v7x
topology: tpu7x:2x2x1
jax: 0.10.2.dev20260603
libtpu: 0.0.44.dev20260713+nightly
codegen_flags: <defaults>
</compile_context>

<pallas_src>
import functools

import jax
import jax.numpy as jnp
from jax import lax
from jax.experimental import pallas as pl
from jax.experimental.pallas import tpu as pltpu
from jax.experimental.pallas import tpu_sc as plsc

N = 10000
E = 320000
D = 512
NW = 32
EPW = E // NW
NB = 16
BKT = 640
NPAD = NB * BKT
FS = 128
G = 128
TRASH = BKT
AGR = BKT + 8
LCAP = 10240
RING = 256
PCHUNK = 2000
RCHUNK = 1024

_mesh = plsc.VectorSubcoreMesh(core_axis_name="c", subcore_axis_name="s")
_params = pltpu.CompilerParams(needs_layout_passes=False)


EPW16 = 20096
NGR_FULL = 157
NGR_LAST = 145


def _make_segsum(with_deg):
    out_type = [jax.ShapeDtypeStruct((NPAD, D), jnp.float32)]
    if with_deg:
        out_type.append(jax.ShapeDtypeStruct((NPAD,), jnp.float32))
    scratch = [
        pltpu.VMEM((1024,), jnp.int32),
        pltpu.VMEM((1024,), jnp.int32),
        pltpu.VMEM((G,), jnp.int32),
        pltpu.VMEM((G,), jnp.int32),
        pltpu.VMEM((G, FS), jnp.float32),
        pltpu.VMEM((G,), jnp.float32),
        pltpu.VMEM((64, FS), jnp.float32),
        pltpu.VMEM((FS,), jnp.float32),
        pltpu.VMEM_SHARED((NPAD, FS), jnp.float32),
        pltpu.VMEM_SHARED((NPAD,), jnp.float32),
        pltpu.SemaphoreType.DMA,
    ]

    @functools.partial(pl.kernel, mesh=_mesh, out_type=out_type,
                       compiler_params=_params, scratch_types=scratch)
    def segsum(h4, ei, *refs):
        if with_deg:
            out, deg_out = refs[0], refs[1]
            (sv, dv, gidx_v, didx_v, rows_v, ones_v, zero_v, zd_v,
             agg_sh, deg_sh, sem) = refs[2:]
        else:
            out = refs[0]
            deg_out = None
            (sv, dv, gidx_v, didx_v, rows_v, ones_v, zero_v, zd_v,
             agg_sh, deg_sh, sem) = refs[1:]

        c = lax.axis_index("c")
        sidx = lax.axis_index("s")
        zero16 = jnp.zeros((16,), jnp.float32)
        base = sidx * EPW16
        ngroups = jnp.where(sidx == 15, NGR_LAST, NGR_FULL)
        rlo = pl.multiple_of(sidx * BKT, BKT)

        def zv(r, _):
            for k in range(8):
                zero_v[r, pl.ds(k * 16, 16)] = zero16
            return 0

        lax.fori_loop(0, 64, zv, 0)
        for k in range(8):
            ones_v[pl.ds(k * 16, 16)] = zero16 + 1.0
            zd_v[pl.ds(k * 16, 16)] = zero16

        def process_group(goff, f, do_deg):
            def ub(i, _):
                vs = sv[pl.ds(goff + i * 16, 16)]
                gidx_v[pl.ds(i * 16, 16)] = vs * 4 + f
                didx_v[pl.ds(i * 16, 16)] = dv[pl.ds(goff + i * 16, 16)]
                return 0

            lax.fori_loop(0, G // 16, ub, 0)
            pltpu.async_copy(h4.at[gidx_v], rows_v, sem).wait()
            pltpu.sync_copy(rows_v, agg_sh.at[didx_v], add=True)
            if with_deg:
                @pl.when(do_deg)
                def _():
                    pltpu.sync_copy(ones_v, deg_sh.at[didx_v], add=True)

        for p in range(2):
            f = 2 * p + c
            do_deg = jnp.logical_and(c == 0, p == 0)
            for t in range(BKT // 64):
                pltpu.sync_copy(zero_v,
                                agg_sh.at[pl.ds(rlo + t * 64, 64), :])
            if with_deg and p == 0:
                @pl.when(c == 0)
                def _():
                    for t in range(BKT // FS):
                        pltpu.sync_copy(
                            zd_v, deg_sh.at[pl.ds(rlo + t * FS, FS)])
            plsc.subcore_barrier()

            def chunk(t, _):
                goff = pl.multiple_of(base + t * 1024, 1024)
                pltpu.sync_copy(ei.at[pl.ds(goff, 1024)], sv)
                pltpu.sync_copy(ei.at[pl.ds(E + goff, 1024)], dv)
                for u in range(8):
                    @pl.when(t * 8 + u < ngroups)
                    def _(u=u):
                        process_group(u * G, f, do_deg)
                return 0

            lax.fori_loop(0, (NGR_FULL + 7) // 8, chunk, 0)
            plsc.subcore_barrier()
            pltpu.sync_copy(agg_sh.at[pl.ds(rlo, BKT), :],
                            out.at[pl.ds(rlo, BKT),
                                   pl.ds(pl.multiple_of(f * FS, FS), FS)])
            if with_deg and p == 0:
                @pl.when(c == 0)
                def _():
                    pltpu.sync_copy(deg_sh.at[pl.ds(rlo, BKT)],
                                    deg_out.at[pl.ds(rlo, BKT)])
            plsc.subcore_barrier()

    return segsum


_segsum_deg = _make_segsum(True)
_segsum = _make_segsum(False)


def _mm_body(x_ref, w_ref, o_ref):
    o_ref[...] = jnp.dot(x_ref[...], w_ref[...],
                         preferred_element_type=jnp.float32)


def _mm_in(x, w):
    return pl.pallas_call(
        _mm_body,
        grid=(5,),
        in_specs=[
            pl.BlockSpec((2000, 128), lambda i: (i, 0)),
            pl.BlockSpec((128, D), lambda i: (0, 0)),
        ],
        out_specs=pl.BlockSpec((2000, D), lambda i: (i, 0)),
        out_shape=jax.ShapeDtypeStruct((N, D), jnp.float32),
    )(x, w)


def _layer_body(sum_ref, deg_ref, h_ref, w_ref, o_ref):
    mean = sum_ref[...] / jnp.maximum(deg_ref[...], 1.0)
    o_ref[...] = jax.nn.relu(
        jnp.dot(mean, w_ref[...], preferred_element_type=jnp.float32)
    ) + h_ref[...]


def _layer(agg_sum, deg16, h, w):
    return pl.pallas_call(
        _layer_body,
        grid=(5,),
        in_specs=[
            pl.BlockSpec((2000, D), lambda i: (i, 0)),
            pl.BlockSpec((2000, 1), lambda i: (i, 0)),
            pl.BlockSpec((2000, D), lambda i: (i, 0)),
            pl.BlockSpec((D, D), lambda i: (0, 0)),
        ],
        out_specs=pl.BlockSpec((2000, D), lambda i: (i, 0)),
        out_shape=jax.ShapeDtypeStruct((N, D), jnp.float32),
    )(agg_sum, deg16, h, w)


def _head_body(h_ref, wc1_ref, bc1_ref, wc2_ref, bc2_ref, o_ref):
    z = jax.nn.relu(
        jnp.dot(h_ref[...], wc1_ref[...],
                preferred_element_type=jnp.float32) + bc1_ref[...]
    )
    logits = jnp.dot(z, wc2_ref[...],
                     preferred_element_type=jnp.float32) + bc2_ref[...]
    m = jnp.max(logits, axis=0, keepdims=True)
    e = jnp.exp(logits - m)
    o_ref[...] = e / jnp.sum(e, axis=0, keepdims=True)


def _head(h, wc1, bc1, wc2, bc2):
    return pl.pallas_call(
        _head_body,
        out_shape=jax.ShapeDtypeStruct((N, 8), jnp.float32),
    )(h, wc1, bc1, wc2, bc2)


def kernel(x, edge_index, W_in, W1, W2, Wc1, bc1, Wc2, bc2):
    h0 = _mm_in(x, W_in)
    ei_flat = jnp.concatenate(
        [edge_index.reshape(-1), jnp.zeros((2048,), jnp.int32)])
    sum1, deg = _segsum_deg(h0.reshape(4 * N, FS), ei_flat)
    deg1 = deg.reshape(NPAD, 1)
    h1 = _layer(sum1, deg1, h0, W1)
    (sum2,) = _segsum(h1.reshape(4 * N, FS), ei_flat)
    h2 = _layer(sum2, deg1, h1, W2)
    wc2p = jnp.pad(Wc2, ((0, 0), (0, 3)))
    bc2p = jnp.pad(bc2, (0, 3))
    out8 = _head(h2, Wc1, bc1.reshape(1, -1), wc2p, bc2p.reshape(1, -1))
    return out8[:, :5]

# --- scband reference (transcript-rebuilt; emitter-appended) ---
"""Pipeline reference for scband-gcndropout-model-28424093564929 (READ-ONLY COPY).

The authoritative reference and input builder live on the scoring server;
editing this copy changes nothing except your own understanding.
"""

import jax, jax.numpy as jnp
import numpy as np

N = 10000
E = 320000
D_IN = 128
D_H = 512
D_MID = 256
N_CLS = 5


def setup_inputs(seed: int = 0) -> dict:
    key = jax.random.key(seed)
    ks = jax.random.split(key, 10)
    x = jax.random.normal(ks[0], (N, D_IN), dtype=jnp.float32)
    edge_index = jax.random.randint(ks[1], (2, E), 0, N, dtype=jnp.int32)
    W_in = jax.random.normal(ks[2], (D_IN, D_H), dtype=jnp.float32) * (1.0 / np.sqrt(D_IN))
    W1 = jax.random.normal(ks[3], (D_H, D_H), dtype=jnp.float32) * (1.0 / np.sqrt(D_H))
    W2 = jax.random.normal(ks[4], (D_H, D_H), dtype=jnp.float32) * (1.0 / np.sqrt(D_H))
    Wc1 = jax.random.normal(ks[5], (D_H, D_MID), dtype=jnp.float32) * (1.0 / np.sqrt(D_H))
    bc1 = jnp.zeros((D_MID,), dtype=jnp.float32)
    Wc2 = jax.random.normal(ks[6], (D_MID, N_CLS), dtype=jnp.float32) * (1.0 / np.sqrt(D_MID))
    bc2 = jnp.zeros((N_CLS,), dtype=jnp.float32)
    return {"x": x, "edge_index": edge_index, "W_in": W_in, "W1": W1, "W2": W2,
            "Wc1": Wc1, "bc1": bc1, "Wc2": Wc2, "bc2": bc2}


def _gcn_layer(h, src, dst, W, n_nodes):
    msgs = jnp.take(h, src, axis=0)
    agg = jax.ops.segment_sum(msgs, dst, num_segments=n_nodes)
    deg = jax.ops.segment_sum(jnp.ones((src.shape[0],), dtype=h.dtype), dst, num_segments=n_nodes)
    agg = agg / jnp.clip(deg, 1.0)[:, None]
    return jax.nn.relu(agg @ W) + h  # residual (Resnet-style GCN block)


def reference(x, edge_index, W_in, W1, W2, Wc1, bc1, Wc2, bc2):
    n_nodes = x.shape[0]
    src = edge_index[0]
    dst = edge_index[1]
    # ResnetGCN: input projection then two residual mean-aggregation GCN layers -> [N, 512]
    h = x @ W_in
    h = _gcn_layer(h, src, dst, W1, n_nodes)
    h = _gcn_layer(h, src, dst, W2, n_nodes)
    # action_classify: Linear(512,256) -> ReLU -> Dropout(eval: identity) -> Linear(256,5) -> Softmax(dim=0)
    z = jax.nn.relu(h @ Wc1 + bc1)
    logits = z @ Wc2 + bc2
    return jax.nn.softmax(logits, axis=0)

if __name__ == "__main__":
    import jax
    _d = setup_inputs()
    print(jax.jit(kernel)(*tuple(_d.values())))

</pallas_src>

<mosaic_0001>
#map = affine_map<(d0, d1) -> (0, 0)>
#map1 = affine_map<(d0, d1) -> (0)>
module attributes {stable_mosaic.version = 14 : i64} {
  func.func @segsum(%arg0: i32, %arg1: i32, %arg2: memref<40000x128xf32, #tpu.memory_space<hbm>>, %arg3: memref<642048xi32, #tpu.memory_space<hbm>>, %arg4: memref<10240x512xf32, #tpu.memory_space<hbm>>, %arg5: memref<10240xf32, #tpu.memory_space<hbm>>, %arg6: memref<1024xi32, #tpu.memory_space<vmem>>, %arg7: memref<1024xi32, #tpu.memory_space<vmem>>, %arg8: memref<128xi32, #tpu.memory_space<vmem>>, %arg9: memref<128xi32, #tpu.memory_space<vmem>>, %arg10: memref<128x128xf32, #tpu.memory_space<vmem>>, %arg11: memref<128xf32, #tpu.memory_space<vmem>>, %arg12: memref<64x128xf32, #tpu.memory_space<vmem>>, %arg13: memref<128xf32, #tpu.memory_space<vmem>>, %arg14: memref<10240x128xf32, #tpu.memory_space<vmem_shared>>, %arg15: memref<10240xf32, #tpu.memory_space<vmem_shared>>, %arg16: memref<!tpu.dma_semaphore, #tpu.memory_space<semaphore_mem>>) attributes {dimension_semantics = [#tpu.dimension_semantics<core_parallel>, #tpu.dimension_semantics<subcore_parallel>], iteration_bounds = array<i64: 2, 16>, scalar_prefetch = 0 : i64, scratch_operands = 11 : i64, tpu.core_type = #tpu.core_type<sc_vector_subcore>, window_params = [{transform_indices = #map}, {transform_indices = #map1}, {transform_indices = #map}, {transform_indices = #map1}]} {
    %broadcast_in_dim3A = arith.constant 0.000000e+00 : f32
    %broadcast_in_dim3A_0 = vector.broadcast %broadcast_in_dim3A : f32 to vector<16xf32>
    %mul3A = arith.constant 20096 : i32
    %mul3A_1 = arith.muli %arg1, %mul3A : i32
    %eq3A = arith.constant 15 : i32
    %eq3A_2 = arith.cmpi eq, %arg1, %eq3A : i32
    %jit3A = arith.constant 145 : i32
    %jit3A_3 = arith.constant 157 : i32
    %select_n3A = arith.select %eq3A_2, %jit3A, %jit3A_3 : i32
    %mul3A_4 = arith.constant 640 : i32
    %mul3A_5 = arith.muli %arg1, %mul3A_4 : i32
    %multiple_of3A = tpu.assume_multiple %mul3A_5, 640 : i32
    %scan3A = arith.constant 0 : i32
    %scan3A_6 = arith.constant 0 : i32
    %scan3A_7 = arith.constant 64 : i32
    %scan3A_8 = arith.addi %scan3A_6, %scan3A_7 : i32
    %scan3A_9 = arith.constant 1 : i32
    %scan3A_10 = scf.for %scan3A_150 = %scan3A_6 to %scan3A_8 step %scan3A_9 iter_args(%scan3A_151 = %scan3A) -> (i32)  : i32 {
      %swap3A_152 = arith.index_cast %scan3A_150 : i32 to index
      %swap3A_153 = arith.constant 0 : index
      %swap3A_154 = tpu.vector_load %arg12[%swap3A_152, %swap3A_153] {strides = array<i32>} : memref<64x128xf32, #tpu.memory_space<vmem>>, vector<16xf32>,
      tpu.vector_store %arg12[%swap3A_152, %swap3A_153], %broadcast_in_dim3A_0 {strides = array<i32>} : memref<64x128xf32, #tpu.memory_space<vmem>>, vector<16xf32>,
      %swap3A_155 = arith.index_cast %scan3A_150 : i32 to index
      %swap3A_156 = arith.constant 16 : index
      %swap3A_157 = tpu.vector_load %arg12[%swap3A_155, %swap3A_156] {strides = array<i32>} : memref<64x128xf32, #tpu.memory_space<vmem>>, vector<16xf32>,
      tpu.vector_store %arg12[%swap3A_155, %swap3A_156], %broadcast_in_dim3A_0 {strides = array<i32>} : memref<64x128xf32, #tpu.memory_space<vmem>>, vector<16xf32>,
      %swap3A_158 = arith.index_cast %scan3A_150 : i32 to index
      %swap3A_159 = arith.constant 32 : index
      %swap3A_160 = tpu.vector_load %arg12[%swap3A_158, %swap3A_159] {strides = array<i32>} : memref<64x128xf32, #tpu.memory_space<vmem>>, vector<16xf32>,
      tpu.vector_store %arg12[%swap3A_158, %swap3A_159], %broadcast_in_dim3A_0 {strides = array<i32>} : memref<64x128xf32, #tpu.memory_space<vmem>>, vector<16xf32>,
      %swap3A_161 = arith.index_cast %scan3A_150 : i32 to index
      %swap3A_162 = arith.constant 48 : index
      %swap3A_163 = tpu.vector_load %arg12[%swap3A_161, %swap3A_162] {strides = array<i32>} : memref<64x128xf32, #tpu.memory_space<vmem>>, vector<16xf32>,
      tpu.vector_store %arg12[%swap3A_161, %swap3A_162], %broadcast_in_dim3A_0 {strides = array<i32>} : memref<64x128xf32, #tpu.memory_space<vmem>>, vector<16xf32>,
      %swap3A_164 = arith.index_cast %scan3A_150 : i32 to index
      %swap3A_165 = arith.constant 64 : index
      %swap3A_166 = tpu.vector_load %arg12[%swap3A_164, %swap3A_165] {strides = array<i32>} : memref<64x128xf32, #tpu.memory_space<vmem>>, vector<16xf32>,
      tpu.vector_store %arg12[%swap3A_164, %swap3A_165], %broadcast_in_dim3A_0 {strides = array<i32>} : memref<64x128xf32, #tpu.memory_space<vmem>>, vector<16xf32>,
      %swap3A_167 = arith.index_cast %scan3A_150 : i32 to index
      %swap3A_168 = arith.constant 80 : index
      %swap3A_169 = tpu.vector_load %arg12[%swap3A_167, %swap3A_168] {strides = array<i32>} : memref<64x128xf32, #tpu.memory_space<vmem>>, vector<16xf32>,
      tpu.vector_store %arg12[%swap3A_167, %swap3A_168], %broadcast_in_dim3A_0 {strides = array<i32>} : memref<64x128xf32, #tpu.memory_space<vmem>>, vector<16xf32>,
      %swap3A_170 = arith.index_cast %scan3A_150 : i32 to index
      %swap3A_171 = arith.constant 96 : index
      %swap3A_172 = tpu.vector_load %arg12[%swap3A_170, %swap3A_171] {strides = array<i32>} : memref<64x128xf32, #tpu.memory_space<vmem>>, vector<16xf32>,
      tpu.vector_store %arg12[%swap3A_170, %swap3A_171], %broadcast_in_dim3A_0 {strides = array<i32>} : memref<64x128xf32, #tpu.memory_space<vmem>>, vector<16xf32>,
      %swap3A_173 = arith.index_cast %scan3A_150 : i32 to index
      %swap3A_174 = arith.constant 112 : index
      %swap3A_175 = tpu.vector_load %arg12[%swap3A_173, %swap3A_174] {strides = array<i32>} : memref<64x128xf32, #tpu.memory_space<vmem>>, vector<16xf32>,
      tpu.vector_store %arg12[%swap3A_173, %swap3A_174], %broadcast_in_dim3A_0 {strides = array<i32>} : memref<64x128xf32, #tpu.memory_space<vmem>>, vector<16xf32>,
      %scan3A_176 = arith.constant 0 : i32
      scf.yield %scan3A_176 : i32
    }
    %scan3A_11 = arith.constant 64 : i32
    %add3A = arith.constant 1.000000e+00 : f32
    %add3A_12 = vector.broadcast %add3A : f32 to vector<16xf32>
    %add3A_13 = arith.addf %broadcast_in_dim3A_0, %add3A_12 : vector<16xf32>
    %swap3A = arith.constant 0 : index
    %swap3A_14 = tpu.vector_load %arg11[%swap3A] {strides = array<i32>} : memref<128xf32, #tpu.memory_space<vmem>>, vector<16xf32>,
    tpu.vector_store %arg11[%swap3A], %add3A_13 {strides = array<i32>} : memref<128xf32, #tpu.memory_space<vmem>>, vector<16xf32>,
    %swap3A_15 = arith.constant 0 : index
    %swap3A_16 = tpu.vector_load %arg13[%swap3A_15] {strides = array<i32>} : memref<128xf32, #tpu.memory_space<vmem>>, vector<16xf32>,
    tpu.vector_store %arg13[%swap3A_15], %broadcast_in_dim3A_0 {strides = array<i32>} : memref<128xf32, #tpu.memory_space<vmem>>, vector<16xf32>,
    %add3A_17 = arith.constant 1.000000e+00 : f32
    %add3A_18 = vector.broadcast %add3A_17 : f32 to vector<16xf32>
    %add3A_19 = arith.addf %broadcast_in_dim3A_0, %add3A_18 : vector<16xf32>
    %swap3A_20 = arith.constant 16 : index
    %swap3A_21 = tpu.vector_load %arg11[%swap3A_20] {strides = array<i32>} : memref<128xf32, #tpu.memory_space<vmem>>, vector<16xf32>,
    tpu.vector_store %arg11[%swap3A_20], %add3A_19 {strides = array<i32>} : memref<128xf32, #tpu.memory_space<vmem>>, vector<16xf32>,
    %swap3A_22 = arith.constant 16 : index
    %swap3A_23 = tpu.vector_load %arg13[%swap3A_22] {strides = array<i32>} : memref<128xf32, #tpu.memory_space<vmem>>, vector<16xf32>,
    tpu.vector_store %arg13[%swap3A_22], %broadcast_in_dim3A_0 {strides = array<i32>} : memref<128xf32, #tpu.memory_space<vmem>>, vector<16xf32>,
    %add3A_24 = arith.constant 1.000000e+00 : f32
    %add3A_25 = vector.broadcast %add3A_24 : f32 to vector<16xf32>
    %add3A_26 = arith.addf %broadcast_in_dim3A_0, %add3A_25 : vector<16xf32>
    %swap3A_27 = arith.constant 32 : index
    %swap3A_28 = tpu.vector_load %arg11[%swap3A_27] {strides = array<i32>} : memref<128xf32, #tpu.memory_space<vmem>>, vector<16xf32>,
    tpu.vector_store %arg11[%swap3A_27], %add3A_26 {strides = array<i32>} : memref<128xf32, #tpu.memory_space<vmem>>, vector<16xf32>,
    %swap3A_29 = arith.constant 32 : index
    %swap3A_30 = tpu.vector_load %arg13[%swap3A_29] {strides = array<i32>} : memref<128xf32, #tpu.memory_space<vmem>>, vector<16xf32>,
    tpu.vector_store %arg13[%swap3A_29], %broadcast_in_dim3A_0 {strides = array<i32>} : memref<128xf32, #tpu.memory_space<vmem>>, vector<16xf32>,
    %add3A_31 = arith.constant 1.000000e+00 : f32
    %add3A_32 = vector.broadcast %add3A_31 : f32 to vector<16xf32>
    %add3A_33 = arith.addf %broadcast_in_dim3A_0, %add3A_32 : vector<16xf32>
    %swap3A_34 = arith.constant 48 : index
    %swap3A_35 = tpu.vector_load %arg11[%swap3A_34] {strides = array<i32>} : memref<128xf32, #tpu.memory_space<vmem>>, vector<16xf32>,
    tpu.vector_store %arg11[%swap3A_34], %add3A_33 {strides = array<i32>} : memref<128xf32, #tpu.memory_space<vmem>>, vector<16xf32>,
    %swap3A_36 = arith.constant 48 : index
    %swap3A_37 = tpu.vector_load %arg13[%swap3A_36] {strides = array<i32>} : memref<128xf32, #tpu.memory_space<vmem>>, vector<16xf32>,
    tpu.vector_store %arg13[%swap3A_36], %broadcast_in_dim3A_0 {strides = array<i32>} : memref<128xf32, #tpu.memory_space<vmem>>, vector<16xf32>,
    %add3A_38 = arith.constant 1.000000e+00 : f32
    %add3A_39 = vector.broadcast %add3A_38 : f32 to vector<16xf32>
    %add3A_40 = arith.addf %broadcast_in_dim3A_0, %add3A_39 : vector<16xf32>
    %swap3A_41 = arith.constant 64 : index
    %swap3A_42 = tpu.vector_load %arg11[%swap3A_41] {strides = array<i32>} : memref<128xf32, #tpu.memory_space<vmem>>, vector<16xf32>,
    tpu.vector_store %arg11[%swap3A_41], %add3A_40 {strides = array<i32>} : memref<128xf32, #tpu.memory_space<vmem>>, vector<16xf32>,
    %swap3A_43 = arith.constant 64 : index
    %swap3A_44 = tpu.vector_load %arg13[%swap3A_43] {strides = array<i32>} : memref<128xf32, #tpu.memory_space<vmem>>, vector<16xf32>,
    tpu.vector_store %arg13[%swap3A_43], %broadcast_in_dim3A_0 {strides = array<i32>} : memref<128xf32, #tpu.memory_space<vmem>>, vector<16xf32>,
    %add3A_45 = arith.constant 1.000000e+00 : f32
    %add3A_46 = vector.broadcast %add3A_45 : f32 to vector<16xf32>
    %add3A_47 = arith.addf %broadcast_in_dim3A_0, %add3A_46 : vector<16xf32>
    %swap3A_48 = arith.constant 80 : index
    %swap3A_49 = tpu.vector_load %arg11[%swap3A_48] {strides = array<i32>} : memref<128xf32, #tpu.memory_space<vmem>>, vector<16xf32>,
    tpu.vector_store %arg11[%swap3A_48], %add3A_47 {strides = array<i32>} : memref<128xf32, #tpu.memory_space<vmem>>, vector<16xf32>,
    %swap3A_50 = arith.constant 80 : index
    %swap3A_51 = tpu.vector_load %arg13[%swap3A_50] {strides = array<i32>} : memref<128xf32, #tpu.memory_space<vmem>>, vector<16xf32>,
    tpu.vector_store %arg13[%swap3A_50], %broadcast_in_dim3A_0 {strides = array<i32>} : memref<128xf32, #tpu.memory_space<vmem>>, vector<16xf32>,
    %add3A_52 = arith.constant 1.000000e+00 : f32
    %add3A_53 = vector.broadcast %add3A_52 : f32 to vector<16xf32>
    %add3A_54 = arith.addf %broadcast_in_dim3A_0, %add3A_53 : vector<16xf32>
    %swap3A_55 = arith.constant 96 : index
    %swap3A_56 = tpu.vector_load %arg11[%swap3A_55] {strides = array<i32>} : memref<128xf32, #tpu.memory_space<vmem>>, vector<16xf32>,
    tpu.vector_store %arg11[%swap3A_55], %add3A_54 {strides = array<i32>} : memref<128xf32, #tpu.memory_space<vmem>>, vector<16xf32>,
    %swap3A_57 = arith.constant 96 : index
    %swap3A_58 = tpu.vector_load %arg13[%swap3A_57] {strides = array<i32>} : memref<128xf32, #tpu.memory_space<vmem>>, vector<16xf32>,
    tpu.vector_store %arg13[%swap3A_57], %broadcast_in_dim3A_0 {strides = array<i32>} : memref<128xf32, #tpu.memory_space<vmem>>, vector<16xf32>,
    %add3A_59 = arith.constant 1.000000e+00 : f32
    %add3A_60 = vector.broadcast %add3A_59 : f32 to vector<16xf32>
    %add3A_61 = arith.addf %broadcast_in_dim3A_0, %add3A_60 : vector<16xf32>
    %swap3A_62 = arith.constant 112 : index
    %swap3A_63 = tpu.vector_load %arg11[%swap3A_62] {strides = array<i32>} : memref<128xf32, #tpu.memory_space<vmem>>, vector<16xf32>,
    tpu.vector_store %arg11[%swap3A_62], %add3A_61 {strides = array<i32>} : memref<128xf32, #tpu.memory_space<vmem>>, vector<16xf32>,
    %swap3A_64 = arith.constant 112 : index
    %swap3A_65 = tpu.vector_load %arg13[%swap3A_64] {strides = array<i32>} : memref<128xf32, #tpu.memory_space<vmem>>, vector<16xf32>,
    tpu.vector_store %arg13[%swap3A_64], %broadcast_in_dim3A_0 {strides = array<i32>} : memref<128xf32, #tpu.memory_space<vmem>>, vector<16xf32>,
    %add3A_66 = arith.constant 0 : i32
    %add3A_67 = arith.addi %add3A_66, %arg0 : i32
    %eq3A_68 = arith.constant 0 : i32
    %eq3A_69 = arith.cmpi eq, %arg0, %eq3A_68 : i32
    %and3A = arith.constant true
    %and3A_70 = arith.andi %eq3A_69, %and3A : i1
    %add3A_71 = arith.constant 0 : i32
    %add3A_72 = arith.addi %multiple_of3A, %add3A_71 : i32
    "tpu.region"() ({
      %run_scoped3A = tpu.sem_alloc : memref<!tpu.dma_semaphore, #tpu.memory_space<semaphore_mem>>
      %dma_start3A = arith.constant 0 : i32
      %dma_start3A_150 = tpu.memref_slice %arg14[%add3A_72, %dma_start3A] : memref<10240x128xf32, #tpu.memory_space<vmem_shared>> -> memref<64x128xf32, #tpu.memory_space<vmem_shared>>
      %dma_start3A_151 = arith.constant 0 : i32
      %dma_start3A_152 = tpu.memref_slice %arg14[%add3A_72, %dma_start3A_151] : memref<10240x128xf32, #tpu.memory_space<vmem_shared>> -> memref<64x128xf32, #tpu.memory_space<vmem_shared>>
      tpu.enqueue_dma source(%arg12 : memref<64x128xf32, #tpu.memory_space<vmem>>) target(%dma_start3A_152 : memref<64x128xf32, #tpu.memory_space<vmem_shared>>) target_semaphore(%run_scoped3A : memref<!tpu.dma_semaphore, #tpu.memory_space<semaphore_mem>>)
      %dma_wait3A = arith.constant 0 : i32
      %dma_wait3A_153 = tpu.memref_slice %arg14[%add3A_72, %dma_wait3A] : memref<10240x128xf32, #tpu.memory_space<vmem_shared>> -> memref<64x128xf32, #tpu.memory_space<vmem_shared>>
      %dma_wait3A_154 = arith.constant 0 : i32
      %dma_wait3A_155 = tpu.memref_slice %arg14[%add3A_72, %dma_wait3A_154] : memref<10240x128xf32, #tpu.memory_space<vmem_shared>> -> memref<64x128xf32, #tpu.memory_space<vmem_shared>>
      tpu.wait_dma2 semaphore(%run_scoped3A : memref<!tpu.dma_semaphore, #tpu.memory_space<semaphore_mem>>) src(%arg12 : memref<64x128xf32, #tpu.memory_space<vmem>>) dst(%dma_wait3A_155 : memref<64x128xf32, #tpu.memory_space<vmem_shared>>)
      tpu.yield
    }) : () -> ()
    %add3A_73 = arith.constant 64 : i32
    %add3A_74 = arith.addi %multiple_of3A, %add3A_73 : i32
    "tpu.region"() ({
      %run_scoped3A = tpu.sem_alloc : memref<!tpu.dma_semaphore, #tpu.memory_space<semaphore_mem>>
      %dma_start3A = arith.constant 0 : i32
      %dma_start3A_150 = tpu.memref_slice %arg14[%add3A_74, %dma_start3A] : memref<10240x128xf32, #tpu.memory_space<vmem_shared>> -> memref<64x128xf32, #tpu.memory_space<vmem_shared>>
      %dma_start3A_151 = arith.constant 0 : i32
      %dma_start3A_152 = tpu.memref_slice %arg14[%add3A_74, %dma_start3A_151] : memref<10240x128xf32, #tpu.memory_space<vmem_shared>> -> memref<64x128xf32, #tpu.memory_space<vmem_shared>>
      tpu.enqueue_dma source(%arg12 : memref<64x128xf32, #tpu.memory_space<vmem>>) target(%dma_start3A_152 : memref<64x128xf32, #tpu.memory_space<vmem_shared>>) target_semaphore(%run_scoped3A : memref<!tpu.dma_semaphore, #tpu.memory_space<semaphore_mem>>)
      %dma_wait3A = arith.constant 0 : i32
      %dma_wait3A_153 = tpu.memref_slice %arg14[%add3A_74, %dma_wait3A] : memref<10240x128xf32, #tpu.memory_space<vmem_shared>> -> memref<64x128xf32, #tpu.memory_space<vmem_shared>>
      %dma_wait3A_154 = arith.constant 0 : i32
      %dma_wait3A_155 = tpu.memref_slice %arg14[%add3A_74, %dma_wait3A_154] : memref<10240x128xf32, #tpu.memory_space<vmem_shared>> -> memref<64x128xf32, #tpu.memory_space<vmem_shared>>
      tpu.wait_dma2 semaphore(%run_scoped3A : memref<!tpu.dma_semaphore, #tpu.memory_space<semaphore_mem>>) src(%arg12 : memref<64x128xf32, #tpu.memory_space<vmem>>) dst(%dma_wait3A_155 : memref<64x128xf32, #tpu.memory_space<vmem_shared>>)
      tpu.yield
    }) : () -> ()
    %add3A_75 = arith.constant 128 : i32
    %add3A_76 = arith.addi %multiple_of3A, %add3A_75 : i32
    "tpu.region"() ({
      %run_scoped3A = tpu.sem_alloc : memref<!tpu.dma_semaphore, #tpu.memory_space<semaphore_mem>>
      %dma_start3A = arith.constant 0 : i32
      %dma_start3A_150 = tpu.memref_slice %arg14[%add3A_76, %dma_start3A] : memref<10240x128xf32, #tpu.memory_space<vmem_shared>> -> memref<64x128xf32, #tpu.memory_space<vmem_shared>>
      %dma_start3A_151 = arith.constant 0 : i32
      %dma_start3A_152 = tpu.memref_slice %arg14[%add3A_76, %dma_start3A_151] : memref<10240x128xf32, #tpu.memory_space<vmem_shared>> -> memref<64x128xf32, #tpu.memory_space<vmem_shared>>
      tpu.enqueue_dma source(%arg12 : memref<64x128xf32, #tpu.memory_space<vmem>>) target(%dma_start3A_152 : memref<64x128xf32, #tpu.memory_space<vmem_shared>>) target_semaphore(%run_scoped3A : memref<!tpu.dma_semaphore, #tpu.memory_space<semaphore_mem>>)
      %dma_wait3A = arith.constant 0 : i32
      %dma_wait3A_153 = tpu.memref_slice %arg14[%add3A_76, %dma_wait3A] : memref<10240x128xf32, #tpu.memory_space<vmem_shared>> -> memref<64x128xf32, #tpu.memory_space<vmem_shared>>
      %dma_wait3A_154 = arith.constant 0 : i32
      %dma_wait3A_155 = tpu.memref_slice %arg14[%add3A_76, %dma_wait3A_154] : memref<10240x128xf32, #tpu.memory_space<vmem_shared>> -> memref<64x128xf32, #tpu.memory_space<vmem_shared>>
      tpu.wait_dma2 semaphore(%run_scoped3A : memref<!tpu.dma_semaphore, #tpu.memory_space<semaphore_mem>>) src(%arg12 : memref<64x128xf32, #tpu.memory_space<vmem>>) dst(%dma_wait3A_155 : memref<64x128xf32, #tpu.memory_space<vmem_shared>>)
      tpu.yield
    }) : () -> ()
    %add3A_77 = arith.constant 192 : i32
    %add3A_78 = arith.addi %multiple_of3A, %add3A_77 : i32
    "tpu.region"() ({
      %run_scoped3A = tpu.sem_alloc : memref<!tpu.dma_semaphore, #tpu.memory_space<semaphore_mem>>
      %dma_start3A = arith.constant 0 : i32
      %dma_start3A_150 = tpu.memref_slice %arg14[%add3A_78, %dma_start3A] : memref<10240x128xf32, #tpu.memory_space<vmem_shared>> -> memref<64x128xf32, #tpu.memory_space<vmem_shared>>
      %dma_start3A_151 = arith.constant 0 : i32
      %dma_start3A_152 = tpu.memref_slice %arg14[%add3A_78, %dma_start3A_151] : memref<10240x128xf32, #tpu.memory_space<vmem_shared>> -> memref<64x128xf32, #tpu.memory_space<vmem_shared>>
      tpu.enqueue_dma source(%arg12 : memref<64x128xf32, #tpu.memory_space<vmem>>) target(%dma_start3A_152 : memref<64x128xf32, #tpu.memory_space<vmem_shared>>) target_semaphore(%run_scoped3A : memref<!tpu.dma_semaphore, #tpu.memory_space<semaphore_mem>>)
      %dma_wait3A = arith.constant 0 : i32
      %dma_wait3A_153 = tpu.memref_slice %arg14[%add3A_78, %dma_wait3A] : memref<10240x128xf32, #tpu.memory_space<vmem_shared>> -> memref<64x128xf32, #tpu.memory_space<vmem_shared>>
      %dma_wait3A_154 = arith.constant 0 : i32
      %dma_wait3A_155 = tpu.memref_slice %arg14[%add3A_78, %dma_wait3A_154] : memref<10240x128xf32, #tpu.memory_space<vmem_shared>> -> memref<64x128xf32, #tpu.memory_space<vmem_shared>>
      tpu.wait_dma2 semaphore(%run_scoped3A : memref<!tpu.dma_semaphore, #tpu.memory_space<semaphore_mem>>) src(%arg12 : memref<64x128xf32, #tpu.memory_space<vmem>>) dst(%dma_wait3A_155 : memref<64x128xf32, #tpu.memory_space<vmem_shared>>)
      tpu.yield
    }) : () -> ()
    %add3A_79 = arith.constant 256 : i32
    %add3A_80 = arith.addi %multiple_of3A, %add3A_79 : i32
    "tpu.region"() ({
      %run_scoped3A = tpu.sem_alloc : memref<!tpu.dma_semaphore, #tpu.memory_space<semaphore_mem>>
      %dma_start3A = arith.constant 0 : i32
      %dma_start3A_150 = tpu.memref_slice %arg14[%add3A_80, %dma_start3A] : memref<10240x128xf32, #tpu.memory_space<vmem_shared>> -> memref<64x128xf32, #tpu.memory_space<vmem_shared>>
      %dma_start3A_151 = arith.constant 0 : i32
      %dma_start3A_152 = tpu.memref_slice %arg14[%add3A_80, %dma_start3A_151] : memref<10240x128xf32, #tpu.memory_space<vmem_shared>> -> memref<64x128xf32, #tpu.memory_space<vmem_shared>>
      tpu.enqueue_dma source(%arg12 : memref<64x128xf32, #tpu.memory_space<vmem>>) target(%dma_start3A_152 : memref<64x128xf32, #tpu.memory_space<vmem_shared>>) target_semaphore(%run_scoped3A : memref<!tpu.dma_semaphore, #tpu.memory_space<semaphore_mem>>)
      %dma_wait3A = arith.constant 0 : i32
      %dma_wait3A_153 = tpu.memref_slice %arg14[%add3A_80, %dma_wait3A] : memref<10240x128xf32, #tpu.memory_space<vmem_shared>> -> memref<64x128xf32, #tpu.memory_space<vmem_shared>>
      %dma_wait3A_154 = arith.constant 0 : i32
      %dma_wait3A_155 = tpu.memref_slice %arg14[%add3A_80, %dma_wait3A_154] : memref<10240x128xf32, #tpu.memory_space<vmem_shared>> -> memref<64x128xf32, #tpu.memory_space<vmem_shared>>
      tpu.wait_dma2 semaphore(%run_scoped3A : memref<!tpu.dma_semaphore, #tpu.memory_space<semaphore_mem>>) src(%arg12 : memref<64x128xf32, #tpu.memory_space<vmem>>) dst(%dma_wait3A_155 : memref<64x128xf32, #tpu.memory_space<vmem_shared>>)
      tpu.yield
    }) : () -> ()
    %add3A_81 = arith.constant 320 : i32
    %add3A_82 = arith.addi %multiple_of3A, %add3A_81 : i32
    "tpu.region"() ({
      %run_scoped3A = tpu.sem_alloc : memref<!tpu.dma_semaphore, #tpu.memory_space<semaphore_mem>>
      %dma_start3A = arith.constant 0 : i32
      %dma_start3A_150 = tpu.memref_slice %arg14[%add3A_82, %dma_start3A] : memref<10240x128xf32, #tpu.memory_space<vmem_shared>> -> memref<64x128xf32, #tpu.memory_space<vmem_shared>>
      %dma_start3A_151 = arith.constant 0 : i32
      %dma_start3A_152 = tpu.memref_slice %arg14[%add3A_82, %dma_start3A_151] : memref<10240x128xf32, #tpu.memory_space<vmem_shared>> -> memref<64x128xf32, #tpu.memory_space<vmem_shared>>
      tpu.enqueue_dma source(%arg12 : memref<64x128xf32, #tpu.memory_space<vmem>>) target(%dma_start3A_152 : memref<64x128xf32, #tpu.memory_space<vmem_shared>>) target_semaphore(%run_scoped3A : memref<!tpu.dma_semaphore, #tpu.memory_space<semaphore_mem>>)
      %dma_wait3A = arith.constant 0 : i32
      %dma_wait3A_153 = tpu.memref_slice %arg14[%add3A_82, %dma_wait3A] : memref<10240x128xf32, #tpu.memory_space<vmem_shared>> -> memref<64x128xf32, #tpu.memory_space<vmem_shared>>
      %dma_wait3A_154 = arith.constant 0 : i32
      %dma_wait3A_155 = tpu.memref_slice %arg14[%add3A_82, %dma_wait3A_154] : memref<10240x128xf32, #tpu.memory_space<vmem_shared>> -> memref<64x128xf32, #tpu.memory_space<vmem_shared>>
      tpu.wait_dma2 semaphore(%run_scoped3A : memref<!tpu.dma_semaphore, #tpu.memory_space<semaphore_mem>>) src(%arg12 : memref<64x128xf32, #tpu.memory_space<vmem>>) dst(%dma_wait3A_155 : memref<64x128xf32, #tpu.memory_space<vmem_shared>>)
      tpu.yield
    }) : () -> ()
    %add3A_83 = arith.constant 384 : i32
    %add3A_84 = arith.addi %multiple_of3A, %add3A_83 : i32
    "tpu.region"() ({
      %run_scoped3A = tpu.sem_alloc : memref<!tpu.dma_semaphore, #tpu.memory_space<semaphore_mem>>
      %dma_start3A = arith.constant 0 : i32
      %dma_start3A_150 = tpu.memref_slice %arg14[%add3A_84, %dma_start3A] : memref<10240x128xf32, #tpu.memory_space<vmem_shared>> -> memref<64x128xf32, #tpu.memory_space<vmem_shared>>
      %dma_start3A_151 = arith.constant 0 : i32
      %dma_start3A_152 = tpu.memref_slice %arg14[%add3A_84, %dma_start3A_151] : memref<10240x128xf32, #tpu.memory_space<vmem_shared>> -> memref<64x128xf32, #tpu.memory_space<vmem_shared>>
      tpu.enqueue_dma source(%arg12 : memref<64x128xf32, #tpu.memory_space<vmem>>) target(%dma_start3A_152 : memref<64x128xf32, #tpu.memory_space<vmem_shared>>) target_semaphore(%run_scoped3A : memref<!tpu.dma_semaphore, #tpu.memory_space<semaphore_mem>>)
      %dma_wait3A = arith.constant 0 : i32
      %dma_wait3A_153 = tpu.memref_slice %arg14[%add3A_84, %dma_wait3A] : memref<10240x128xf32, #tpu.memory_space<vmem_shared>> -> memref<64x128xf32, #tpu.memory_space<vmem_shared>>
      %dma_wait3A_154 = arith.constant 0 : i32
      %dma_wait3A_155 = tpu.memref_slice %arg14[%add3A_84, %dma_wait3A_154] : memref<10240x128xf32, #tpu.memory_space<vmem_shared>> -> memref<64x128xf32, #tpu.memory_space<vmem_shared>>
      tpu.wait_dma2 semaphore(%run_scoped3A : memref<!tpu.dma_semaphore, #tpu.memory_space<semaphore_mem>>) src(%arg12 : memref<64x128xf32, #tpu.memory_space<vmem>>) dst(%dma_wait3A_155 : memref<64x128xf32, #tpu.memory_space<vmem_shared>>)
      tpu.yield
    }) : () -> ()
    %add3A_85 = arith.constant 448 : i32
    %add3A_86 = arith.addi %multiple_of3A, %add3A_85 : i32
    "tpu.region"() ({
      %run_scoped3A = tpu.sem_alloc : memref<!tpu.dma_semaphore, #tpu.memory_space<semaphore_mem>>
      %dma_start3A = arith.constant 0 : i32
      %dma_start3A_150 = tpu.memref_slice %arg14[%add3A_86, %dma_start3A] : memref<10240x128xf32, #tpu.memory_space<vmem_shared>> -> memref<64x128xf32, #tpu.memory_space<vmem_shared>>
      %dma_start3A_151 = arith.constant 0 : i32
      %dma_start3A_152 = tpu.memref_slice %arg14[%add3A_86, %dma_start3A_151] : memref<10240x128xf32, #tpu.memory_space<vmem_shared>> -> memref<64x128xf32, #tpu.memory_space<vmem_shared>>
      tpu.enqueue_dma source(%arg12 : memref<64x128xf32, #tpu.memory_space<vmem>>) target(%dma_start3A_152 : memref<64x128xf32, #tpu.memory_space<vmem_shared>>) target_semaphore(%run_scoped3A : memref<!tpu.dma_semaphore, #tpu.memory_space<semaphore_mem>>)
      %dma_wait3A = arith.constant 0 : i32
      %dma_wait3A_153 = tpu.memref_slice %arg14[%add3A_86, %dma_wait3A] : memref<10240x128xf32, #tpu.memory_space<vmem_shared>> -> memref<64x128xf32, #tpu.memory_space<vmem_shared>>
      %dma_wait3A_154 = arith.constant 0 : i32
      %dma_wait3A_155 = tpu.memref_slice %arg14[%add3A_86, %dma_wait3A_154] : memref<10240x128xf32, #tpu.memory_space<vmem_shared>> -> memref<64x128xf32, #tpu.memory_space<vmem_shared>>
      tpu.wait_dma2 semaphore(%run_scoped3A : memref<!tpu.dma_semaphore, #tpu.memory_space<semaphore_mem>>) src(%arg12 : memref<64x128xf32, #tpu.memory_space<vmem>>) dst(%dma_wait3A_155 : memref<64x128xf32, #tpu.memory_space<vmem_shared>>)
      tpu.yield
    }) : () -> ()
    %add3A_87 = arith.constant 512 : i32
    %add3A_88 = arith.addi %multiple_of3A, %add3A_87 : i32
    "tpu.region"() ({
      %run_scoped3A = tpu.sem_alloc : memref<!tpu.dma_semaphore, #tpu.memory_space<semaphore_mem>>
      %dma_start3A = arith.constant 0 : i32
      %dma_start3A_150 = tpu.memref_slice %arg14[%add3A_88, %dma_start3A] : memref<10240x128xf32, #tpu.memory_space<vmem_shared>> -> memref<64x128xf32, #tpu.memory_space<vmem_shared>>
      %dma_start3A_151 = arith.constant 0 : i32
      %dma_start3A_152 = tpu.memref_slice %arg14[%add3A_88, %dma_start3A_151] : memref<10240x128xf32, #tpu.memory_space<vmem_shared>> -> memref<64x128xf32, #tpu.memory_space<vmem_shared>>
      tpu.enqueue_dma source(%arg12 : memref<64x128xf32, #tpu.memory_space<vmem>>) target(%dma_start3A_152 : memref<64x128xf32, #tpu.memory_space<vmem_shared>>) target_semaphore(%run_scoped3A : memref<!tpu.dma_semaphore, #tpu.memory_space<semaphore_mem>>)
      %dma_wait3A = arith.constant 0 : i32
      %dma_wait3A_153 = tpu.memref_slice %arg14[%add3A_88, %dma_wait3A] : memref<10240x128xf32, #tpu.memory_space<vmem_shared>> -> memref<64x128xf32, #tpu.memory_space<vmem_shared>>
      %dma_wait3A_154 = arith.constant 0 : i32
      %dma_wait3A_155 = tpu.memref_slice %arg14[%add3A_88, %dma_wait3A_154] : memref<10240x128xf32, #tpu.memory_space<vmem_shared>> -> memref<64x128xf32, #tpu.memory_space<vmem_shared>>
      tpu.wait_dma2 semaphore(%run_scoped3A : memref<!tpu.dma_semaphore, #tpu.memory_space<semaphore_mem>>) src(%arg12 : memref<64x128xf32, #tpu.memory_space<vmem>>) dst(%dma_wait3A_155 : memref<64x128xf32, #tpu.memory_space<vmem_shared>>)
      tpu.yield
    }) : () -> ()
    %add3A_89 = arith.constant 576 : i32
    %add3A_90 = arith.addi %multiple_of3A, %add3A_89 : i32
    "tpu.region"() ({
      %run_scoped3A = tpu.sem_alloc : memref<!tpu.dma_semaphore, #tpu.memory_space<semaphore_mem>>
      %dma_start3A = arith.constant 0 : i32
      %dma_start3A_150 = tpu.memref_slice %arg14[%add3A_90, %dma_start3A] : memref<10240x128xf32, #tpu.memory_space<vmem_shared>> -> memref<64x128xf32, #tpu.memory_space<vmem_shared>>
      %dma_start3A_151 = arith.constant 0 : i32
      %dma_start3A_152 = tpu.memref_slice %arg14[%add3A_90, %dma_start3A_151] : memref<10240x128xf32, #tpu.memory_space<vmem_shared>> -> memref<64x128xf32, #tpu.memory_space<vmem_shared>>
      tpu.enqueue_dma source(%arg12 : memref<64x128xf32, #tpu.memory_space<vmem>>) target(%dma_start3A_152 : memref<64x128xf32, #tpu.memory_space<vmem_shared>>) target_semaphore(%run_scoped3A : memref<!tpu.dma_semaphore, #tpu.memory_space<semaphore_mem>>)
      %dma_wait3A = arith.constant 0 : i32
      %dma_wait3A_153 = tpu.memref_slice %arg14[%add3A_90, %dma_wait3A] : memref<10240x128xf32, #tpu.memory_space<vmem_shared>> -> memref<64x128xf32, #tpu.memory_space<vmem_shared>>
      %dma_wait3A_154 = arith.constant 0 : i32
      %dma_wait3A_155 = tpu.memref_slice %arg14[%add3A_90, %dma_wait3A_154] : memref<10240x128xf32, #tpu.memory_space<vmem_shared>> -> memref<64x128xf32, #tpu.memory_space<vmem_shared>>
      tpu.wait_dma2 semaphore(%run_scoped3A : memref<!tpu.dma_semaphore, #tpu.memory_space<semaphore_mem>>) src(%arg12 : memref<64x128xf32, #tpu.memory_space<vmem>>) dst(%dma_wait3A_155 : memref<64x128xf32, #tpu.memory_space<vmem_shared>>)
      tpu.yield
    }) : () -> ()
    %eq3A_91 = arith.constant 0 : i32
    %eq3A_92 = arith.cmpi eq, %arg0, %eq3A_91 : i32
    %convert_element_type3A = arith.extui %eq3A_92 : i1 to i32
    %cond3A = arith.constant 0 : i32
    %cond3A_93 = arith.cmpi ne, %convert_element_type3A, %cond3A : i32
    scf.if %cond3A_93 {
      %add3A_150 = arith.constant 0 : i32
      %add3A_151 = arith.addi %multiple_of3A, %add3A_150 : i32
      "tpu.region"() ({
        %run_scoped3A = tpu.sem_alloc : memref<!tpu.dma_semaphore, #tpu.memory_space<semaphore_mem>>
        %dma_start3A = tpu.memref_slice %arg15[%add3A_151] : memref<10240xf32, #tpu.memory_space<vmem_shared>> -> memref<128xf32, #tpu.memory_space<vmem_shared>>
        %dma_start3A_160 = tpu.memref_slice %arg15[%add3A_151] : memref<10240xf32, #tpu.memory_space<vmem_shared>> -> memref<128xf32, #tpu.memory_space<vmem_shared>>
        tpu.enqueue_dma source(%arg13 : memref<128xf32, #tpu.memory_space<vmem>>) target(%dma_start3A_160 : memref<128xf32, #tpu.memory_space<vmem_shared>>) target_semaphore(%run_scoped3A : memref<!tpu.dma_semaphore, #tpu.memory_space<semaphore_mem>>)
        %dma_wait3A = tpu.memref_slice %arg15[%add3A_151] : memref<10240xf32, #tpu.memory_space<vmem_shared>> -> memref<128xf32, #tpu.memory_space<vmem_shared>>
        %dma_wait3A_161 = tpu.memref_slice %arg15[%add3A_151] : memref<10240xf32, #tpu.memory_space<vmem_shared>> -> memref<128xf32, #tpu.memory_space<vmem_shared>>
        tpu.wait_dma2 semaphore(%run_scoped3A : memref<!tpu.dma_semaphore, #tpu.memory_space<semaphore_mem>>) src(%arg13 : memref<128xf32, #tpu.memory_space<vmem>>) dst(%dma_wait3A_161 : memref<128xf32, #tpu.memory_space<vmem_shared>>)
        tpu.yield
      }) : () -> ()
      %add3A_152 = arith.constant 128 : i32
      %add3A_153 = arith.addi %multiple_of3A, %add3A_152 : i32
      "tpu.region"() ({
        %run_scoped3A = tpu.sem_alloc : memref<!tpu.dma_semaphore, #tpu.memory_space<semaphore_mem>>
        %dma_start3A = tpu.memref_slice %arg15[%add3A_153] : memref<10240xf32, #tpu.memory_space<vmem_shared>> -> memref<128xf32, #tpu.memory_space<vmem_shared>>
        %dma_start3A_160 = tpu.memref_slice %arg15[%add3A_153] : memref<10240xf32, #tpu.memory_space<vmem_shared>> -> memref<128xf32, #tpu.memory_space<vmem_shared>>
        tpu.enqueue_dma source(%arg13 : memref<128xf32, #tpu.memory_space<vmem>>) target(%dma_start3A_160 : memref<128xf32, #tpu.memory_space<vmem_shared>>) target_semaphore(%run_scoped3A : memref<!tpu.dma_semaphore, #tpu.memory_space<semaphore_mem>>)
        %dma_wait3A = tpu.memref_slice %arg15[%add3A_153] : memref<10240xf32, #tpu.memory_space<vmem_shared>> -> memref<128xf32, #tpu.memory_space<vmem_shared>>
        %dma_wait3A_161 = tpu.memref_slice %arg15[%add3A_153] : memref<10240xf32, #tpu.memory_space<vmem_shared>> -> memref<128xf32, #tpu.memory_space<vmem_shared>>
        tpu.wait_dma2 semaphore(%run_scoped3A : memref<!tpu.dma_semaphore, #tpu.memory_space<semaphore_mem>>) src(%arg13 : memref<128xf32, #tpu.memory_space<vmem>>) dst(%dma_wait3A_161 : memref<128xf32, #tpu.memory_space<vmem_shared>>)
        tpu.yield
      }) : () -> ()
      %add3A_154 = arith.constant 256 : i32
      %add3A_155 = arith.addi %multiple_of3A, %add3A_154 : i32
      "tpu.region"() ({
        %run_scoped3A = tpu.sem_alloc : memref<!tpu.dma_semaphore, #tpu.memory_space<semaphore_mem>>
        %dma_start3A = tpu.memref_slice %arg15[%add3A_155] : memref<10240xf32, #tpu.memory_space<vmem_shared>> -> memref<128xf32, #tpu.memory_space<vmem_shared>>
        %dma_start3A_160 = tpu.memref_slice %arg15[%add3A_155] : memref<10240xf32, #tpu.memory_space<vmem_shared>> -> memref<128xf32, #tpu.memory_space<vmem_shared>>
        tpu.enqueue_dma source(%arg13 : memref<128xf32, #tpu.memory_space<vmem>>) target(%dma_start3A_160 : memref<128xf32, #tpu.memory_space<vmem_shared>>) target_semaphore(%run_scoped3A : memref<!tpu.dma_semaphore, #tpu.memory_space<semaphore_mem>>)
        %dma_wait3A = tpu.memref_slice %arg15[%add3A_155] : memref<10240xf32, #tpu.memory_space<vmem_shared>> -> memref<128xf32, #tpu.memory_space<vmem_shared>>
        %dma_wait3A_161 = tpu.memref_slice %arg15[%add3A_155] : memref<10240xf32, #tpu.memory_space<vmem_shared>> -> memref<128xf32, #tpu.memory_space<vmem_shared>>
        tpu.wait_dma2 semaphore(%run_scoped3A : memref<!tpu.dma_semaphore, #tpu.memory_space<semaphore_mem>>) src(%arg13 : memref<128xf32, #tpu.memory_space<vmem>>) dst(%dma_wait3A_161 : memref<128xf32, #tpu.memory_space<vmem_shared>>)
        tpu.yield
      }) : () -> ()
      %add3A_156 = arith.constant 384 : i32
      %add3A_157 = arith.addi %multiple_of3A, %add3A_156 : i32
      "tpu.region"() ({
        %run_scoped3A = tpu.sem_alloc : memref<!tpu.dma_semaphore, #tpu.memory_space<semaphore_mem>>
        %dma_start3A = tpu.memref_slice %arg15[%add3A_157] : memref<10240xf32, #tpu.memory_space<vmem_shared>> -> memref<128xf32, #tpu.memory_space<vmem_shared>>
        %dma_start3A_160 = tpu.memref_slice %arg15[%add3A_157] : memref<10240xf32, #tpu.memory_space<vmem_shared>> -> memref<128xf32, #tpu.memory_space<vmem_shared>>
        tpu.enqueue_dma source(%arg13 : memref<128xf32, #tpu.memory_space<vmem>>) target(%dma_start3A_160 : memref<128xf32, #tpu.memory_space<vmem_shared>>) target_semaphore(%run_scoped3A : memref<!tpu.dma_semaphore, #tpu.memory_space<semaphore_mem>>)
        %dma_wait3A = tpu.memref_slice %arg15[%add3A_157] : memref<10240xf32, #tpu.memory_space<vmem_shared>> -> memref<128xf32, #tpu.memory_space<vmem_shared>>
        %dma_wait3A_161 = tpu.memref_slice %arg15[%add3A_157] : memref<10240xf32, #tpu.memory_space<vmem_shared>> -> memref<128xf32, #tpu.memory_space<vmem_shared>>
        tpu.wait_dma2 semaphore(%run_scoped3A : memref<!tpu.dma_semaphore, #tpu.memory_space<semaphore_mem>>) src(%arg13 : memref<128xf32, #tpu.memory_space<vmem>>) dst(%dma_wait3A_161 : memref<128xf32, #tpu.memory_space<vmem_shared>>)
        tpu.yield
      }) : () -> ()
      %add3A_158 = arith.constant 512 : i32
      %add3A_159 = arith.addi %multiple_of3A, %add3A_158 : i32
      "tpu.region"() ({
        %run_scoped3A = tpu.sem_alloc : memref<!tpu.dma_semaphore, #tpu.memory_space<semaphore_mem>>
        %dma_start3A = tpu.memref_slice %arg15[%add3A_159] : memref<10240xf32, #tpu.memory_space<vmem_shared>> -> memref<128xf32, #tpu.memory_space<vmem_shared>>
        %dma_start3A_160 = tpu.memref_slice %arg15[%add3A_159] : memref<10240xf32, #tpu.memory_space<vmem_shared>> -> memref<128xf32, #tpu.memory_space<vmem_shared>>
        tpu.enqueue_dma source(%arg13 : memref<128xf32, #tpu.memory_space<vmem>>) target(%dma_start3A_160 : memref<128xf32, #tpu.memory_space<vmem_shared>>) target_semaphore(%run_scoped3A : memref<!tpu.dma_semaphore, #tpu.memory_space<semaphore_mem>>)
        %dma_wait3A = tpu.memref_slice %arg15[%add3A_159] : memref<10240xf32, #tpu.memory_space<vmem_shared>> -> memref<128xf32, #tpu.memory_space<vmem_shared>>
        %dma_wait3A_161 = tpu.memref_slice %arg15[%add3A_159] : memref<10240xf32, #tpu.memory_space<vmem_shared>> -> memref<128xf32, #tpu.memory_space<vmem_shared>>
        tpu.wait_dma2 semaphore(%run_scoped3A : memref<!tpu.dma_semaphore, #tpu.memory_space<semaphore_mem>>) src(%arg13 : memref<128xf32, #tpu.memory_space<vmem>>) dst(%dma_wait3A_161 : memref<128xf32, #tpu.memory_space<vmem_shared>>)
        tpu.yield
      }) : () -> ()
    } else {
    }
    %barrier3A = arith.constant 0 : index
    tpu.barrier barrier_id(%barrier3A)
    %scan3A_94 = arith.constant 0 : i32
    %scan3A_95 = arith.constant 0 : i32
    %scan3A_96 = arith.constant 20 : i32
    %scan3A_97 = arith.addi %scan3A_95, %scan3A_96 : i32
    %scan3A_98 = arith.constant 1 : i32
    %scan3A_99 = scf.for %scan3A_150 = %scan3A_95 to %scan3A_97 step %scan3A_98 iter_args(%scan3A_151 = %scan3A_94) -> (i32)  : i32 {
      %mul3A_152 = arith.constant 1024 : i32
      %mul3A_153 = arith.muli %scan3A_150, %mul3A_152 : i32
      %add3A_154 = arith.addi %mul3A_1, %mul3A_153 : i32
      %multiple_of3A_155 = tpu.assume_multiple %add3A_154, 1024 : i32
      "tpu.region"() ({
        %run_scoped3A = tpu.sem_alloc : memref<!tpu.dma_semaphore, #tpu.memory_space<semaphore_mem>>
        %dma_start3A = tpu.memref_slice %arg3[%multiple_of3A_155] : memref<642048xi32, #tpu.memory_space<hbm>> -> memref<1024xi32, #tpu.memory_space<hbm>>
        %dma_start3A_222 = tpu.memref_slice %arg3[%multiple_of3A_155] : memref<642048xi32, #tpu.memory_space<hbm>> -> memref<1024xi32, #tpu.memory_space<hbm>>
        tpu.enqueue_dma source(%dma_start3A_222 : memref<1024xi32, #tpu.memory_space<hbm>>) target(%arg6 : memref<1024xi32, #tpu.memory_space<vmem>>) target_semaphore(%run_scoped3A : memref<!tpu.dma_semaphore, #tpu.memory_space<semaphore_mem>>)
        %dma_wait3A = tpu.memref_slice %arg3[%multiple_of3A_155] : memref<642048xi32, #tpu.memory_space<hbm>> -> memref<1024xi32, #tpu.memory_space<hbm>>
        %dma_wait3A_223 = tpu.memref_slice %arg3[%multiple_of3A_155] : memref<642048xi32, #tpu.memory_space<hbm>> -> memref<1024xi32, #tpu.memory_space<hbm>>
        tpu.wait_dma2 semaphore(%run_scoped3A : memref<!tpu.dma_semaphore, #tpu.memory_space<semaphore_mem>>) src(%dma_wait3A_223 : memref<1024xi32, #tpu.memory_space<hbm>>) dst(%arg6 : memref<1024xi32, #tpu.memory_space<vmem>>)
        tpu.yield
      }) : () -> ()
      %add3A_156 = arith.constant 320000 : i32
      %add3A_157 = arith.addi %add3A_156, %multiple_of3A_155 : i32
      "tpu.region"() ({
        %run_scoped3A = tpu.sem_alloc : memref<!tpu.dma_semaphore, #tpu.memory_space<semaphore_mem>>
        %dma_start3A = tpu.memref_slice %arg3[%add3A_157] : memref<642048xi32, #tpu.memory_space<hbm>> -> memref<1024xi32, #tpu.memory_space<hbm>>
        %dma_start3A_222 = tpu.memref_slice %arg3[%add3A_157] : memref<642048xi32, #tpu.memory_space<hbm>> -> memref<1024xi32, #tpu.memory_space<hbm>>
        tpu.enqueue_dma source(%dma_start3A_222 : memref<1024xi32, #tpu.memory_space<hbm>>) target(%arg7 : memref<1024xi32, #tpu.memory_space<vmem>>) target_semaphore(%run_scoped3A : memref<!tpu.dma_semaphore, #tpu.memory_space<semaphore_mem>>)
        %dma_wait3A = tpu.memref_slice %arg3[%add3A_157] : memref<642048xi32, #tpu.memory_space<hbm>> -> memref<1024xi32, #tpu.memory_space<hbm>>
        %dma_wait3A_223 = tpu.memref_slice %arg3[%add3A_157] : memref<642048xi32, #tpu.memory_space<hbm>> -> memref<1024xi32, #tpu.memory_space<hbm>>
        tpu.wait_dma2 semaphore(%run_scoped3A : memref<!tpu.dma_semaphore, #tpu.memory_space<semaphore_mem>>) src(%dma_wait3A_223 : memref<1024xi32, #tpu.memory_space<hbm>>) dst(%arg7 : memref<1024xi32, #tpu.memory_space<vmem>>)
        tpu.yield
      }) : () -> ()
      %mul3A_158 = arith.constant 8 : i32
      %mul3A_159 = arith.muli %scan3A_150, %mul3A_158 : i32
      %add3A_160 = arith.constant 0 : i32
      %add3A_161 = arith.addi %mul3A_159, %add3A_160 : i32
      %lt3A = arith.cmpi slt, %add3A_161, %select_n3A : i32
      %convert_element_type3A_162 = arith.extui %lt3A : i1 to i32
      %cond3A_163 = arith.constant 0 : i32
      %cond3A_164 = arith.cmpi ne, %convert_element_type3A_162, %cond3A_163 : i32
      scf.if %cond3A_164 {
        %scan3A_222 = arith.constant 0 : i32
        %scan3A_223 = arith.constant 0 : i32
        %scan3A_224 = arith.constant 8 : i32
        %scan3A_225 = arith.addi %scan3A_223, %scan3A_224 : i32
        %scan3A_226 = arith.constant 1 : i32
        %scan3A_227 = scf.for %scan3A_236 = %scan3A_223 to %scan3A_225 step %scan3A_226 iter_args(%scan3A_237 = %scan3A_222) -> (i32)  : i32 {
          %mul3A_238 = arith.constant 16 : i32
          %mul3A_239 = arith.muli %scan3A_236, %mul3A_238 : i32
          %add3A_240 = arith.constant 0 : i32
          %add3A_241 = arith.addi %add3A_240, %mul3A_239 : i32
          %get3A = arith.index_cast %add3A_241 : i32 to index
          %get3A_242 = tpu.vector_load %arg6[%get3A] {strides = array<i32>} : memref<1024xi32, #tpu.memory_space<vmem>>, vector<16xi32>,
          %mul3A_243 = arith.constant 4 : i32
          %mul3A_244 = vector.broadcast %mul3A_243 : i32 to vector<16xi32>
          %mul3A_245 = arith.muli %get3A_242, %mul3A_244 : vector<16xi32>
          %add3A_246 = vector.broadcast %add3A_67 : i32 to vector<16xi32>
          %add3A_247 = arith.addi %mul3A_245, %add3A_246 : vector<16xi32>
          %mul3A_248 = arith.constant 16 : i32
          %mul3A_249 = arith.muli %scan3A_236, %mul3A_248 : i32
          %swap3A_250 = arith.index_cast %mul3A_249 : i32 to index
          %swap3A_251 = tpu.vector_load %arg8[%swap3A_250] {strides = array<i32>} : memref<128xi32, #tpu.memory_space<vmem>>, vector<16xi32>,
          tpu.vector_store %arg8[%swap3A_250], %add3A_247 {strides = array<i32>} : memref<128xi32, #tpu.memory_space<vmem>>, vector<16xi32>,
          %mul3A_252 = arith.constant 16 : i32
          %mul3A_253 = arith.muli %scan3A_236, %mul3A_252 : i32
          %add3A_254 = arith.constant 0 : i32
          %add3A_255 = arith.addi %add3A_254, %mul3A_253 : i32
          %get3A_256 = arith.index_cast %add3A_255 : i32 to index
          %get3A_257 = tpu.vector_load %arg7[%get3A_256] {strides = array<i32>} : memref<1024xi32, #tpu.memory_space<vmem>>, vector<16xi32>,
          %mul3A_258 = arith.constant 16 : i32
          %mul3A_259 = arith.muli %scan3A_236, %mul3A_258 : i32
          %swap3A_260 = arith.index_cast %mul3A_259 : i32 to index
          %swap3A_261 = tpu.vector_load %arg9[%swap3A_260] {strides = array<i32>} : memref<128xi32, #tpu.memory_space<vmem>>, vector<16xi32>,
          tpu.vector_store %arg9[%swap3A_260], %get3A_257 {strides = array<i32>} : memref<128xi32, #tpu.memory_space<vmem>>, vector<16xi32>,
          %scan3A_262 = arith.constant 0 : i32
          scf.yield %scan3A_262 : i32
        }
        %scan3A_228 = arith.constant 8 : i32
        %dma_start3A = arith.constant 0 : i32
        %dma_start3A_229 = arith.constant 0 : i32
        %dma_start3A_230 = tpu.memref_slice %arg2[%dma_start3A, %dma_start3A_229] : memref<40000x128xf32, #tpu.memory_space<hbm>> -> memref<40000x128xf32, #tpu.memory_space<hbm>>
        tpu.enqueue_indirect_dma source(%dma_start3A_230 : memref<40000x128xf32, #tpu.memory_space<hbm>>) target(%arg10 : memref<128x128xf32, #tpu.memory_space<vmem>>) offsets(%arg8 : memref<128xi32, #tpu.memory_space<vmem>>) semaphore(%arg16 : memref<!tpu.dma_semaphore, #tpu.memory_space<semaphore_mem>>)
        %dma_wait3A = arith.constant 0 : i32
        %dma_wait3A_231 = arith.constant 0 : i32
        %dma_wait3A_232 = tpu.memref_slice %arg2[%dma_wait3A, %dma_wait3A_231] : memref<40000x128xf32, #tpu.memory_space<hbm>> -> memref<40000x128xf32, #tpu.memory_space<hbm>>
        tpu.wait_indirect_dma semaphore(%arg16 : memref<!tpu.dma_semaphore, #tpu.memory_space<semaphore_mem>>) src(%dma_wait3A_232 : memref<40000x128xf32, #tpu.memory_space<hbm>>) dst(%arg10 : memref<128x128xf32, #tpu.memory_space<vmem>>)
        "tpu.region"() ({
          %run_scoped3A = tpu.sem_alloc : memref<!tpu.dma_semaphore, #tpu.memory_space<semaphore_mem>>
          %dma_start3A_236 = arith.constant 0 : i32
          %dma_start3A_237 = arith.constant 0 : i32
          %dma_start3A_238 = tpu.memref_slice %arg14[%dma_start3A_236, %dma_start3A_237] : memref<10240x128xf32, #tpu.memory_space<vmem_shared>> -> memref<10240x128xf32, #tpu.memory_space<vmem_shared>>
          tpu.enqueue_indirect_dma source(%arg10 : memref<128x128xf32, #tpu.memory_space<vmem>>) target(%dma_start3A_238 : memref<10240x128xf32, #tpu.memory_space<vmem_shared>>) offsets(%arg9 : memref<128xi32, #tpu.memory_space<vmem>>) semaphore(%run_scoped3A : memref<!tpu.dma_semaphore, #tpu.memory_space<semaphore_mem>>) {add = true}
          %dma_wait3A_239 = arith.constant 0 : i32
          %dma_wait3A_240 = arith.constant 0 : i32
          %dma_wait3A_241 = tpu.memref_slice %arg14[%dma_wait3A_239, %dma_wait3A_240] : memref<10240x128xf32, #tpu.memory_space<vmem_shared>> -> memref<10240x128xf32, #tpu.memory_space<vmem_shared>>
          tpu.wait_indirect_dma semaphore(%run_scoped3A : memref<!tpu.dma_semaphore, #tpu.memory_space<semaphore_mem>>) src(%arg10 : memref<128x128xf32, #tpu.memory_space<vmem>>) dst(%dma_wait3A_241 : memref<10240x128xf32, #tpu.memory_space<vmem_shared>>)
          tpu.yield
        }) : () -> ()
        %convert_element_type3A_233 = arith.extui %and3A_70 : i1 to i32
        %cond3A_234 = arith.constant 0 : i32
        %cond3A_235 = arith.cmpi ne, %convert_element_type3A_233, %cond3A_234 : i32
        scf.if %cond3A_235 {
          "tpu.region"() ({
            %run_scoped3A = tpu.sem_alloc : memref<!tpu.dma_semaphore, #tpu.memory_space<semaphore_mem>>
            %dma_start3A_236 = arith.constant 0 : i32
            %dma_start3A_237 = tpu.memref_slice %arg15[%dma_start3A_236] : memref<10240xf32, #tpu.memory_space<vmem_shared>> -> memref<10240xf32, #tpu.memory_space<vmem_shared>>
            tpu.enqueue_indirect_dma source(%arg11 : memref<128xf32, #tpu.memory_space<vmem>>) target(%dma_start3A_237 : memref<10240xf32, #tpu.memory_space<vmem_shared>>) offsets(%arg9 : memref<128xi32, #tpu.memory_space<vmem>>) semaphore(%run_scoped3A : memref<!tpu.dma_semaphore, #tpu.memory_space<semaphore_mem>>) {add = true}
            %dma_wait3A_238 = arith.constant 0 : i32
            %dma_wait3A_239 = tpu.memref_slice %arg15[%dma_wait3A_238] : memref<10240xf32, #tpu.memory_space<vmem_shared>> -> memref<10240xf32, #tpu.memory_space<vmem_shared>>
            tpu.wait_indirect_dma semaphore(%run_scoped3A : memref<!tpu.dma_semaphore, #tpu.memory_space<semaphore_mem>>) src(%arg11 : memref<128xf32, #tpu.memory_space<vmem>>) dst(%dma_wait3A_239 : memref<10240xf32, #tpu.memory_space<vmem_shared>>)
            tpu.yield
          }) : () -> ()
        } else {
        }
      } else {
      }
      %mul3A_165 = arith.constant 8 : i32
      %mul3A_166 = arith.muli %scan3A_150, %mul3A_165 : i32
      %add3A_167 = arith.constant 1 : i32
      %add3A_168 = arith.addi %mul3A_166, %add3A_167 : i32
      %lt3A_169 = arith.cmpi slt, %add3A_168, %select_n3A : i32
      %convert_element_type3A_170 = arith.extui %lt3A_169 : i1 to i32
      %cond3A_171 = arith.constant 0 : i32
      %cond3A_172 = arith.cmpi ne, %convert_element_type3A_170, %cond3A_171 : i32
      scf.if %cond3A_172 {
        %scan3A_222 = arith.constant 0 : i32
        %scan3A_223 = arith.constant 0 : i32
        %scan3A_224 = arith.constant 8 : i32
        %scan3A_225 = arith.addi %scan3A_223, %scan3A_224 : i32
        %scan3A_226 = arith.constant 1 : i32
        %scan3A_227 = scf.for %scan3A_236 = %scan3A_223 to %scan3A_225 step %scan3A_226 iter_args(%scan3A_237 = %scan3A_222) -> (i32)  : i32 {
          %mul3A_238 = arith.constant 16 : i32
          %mul3A_239 = arith.muli %scan3A_236, %mul3A_238 : i32
          %add3A_240 = arith.constant 128 : i32
          %add3A_241 = arith.addi %add3A_240, %mul3A_239 : i32
          %get3A = arith.index_cast %add3A_241 : i32 to index
          %get3A_242 = tpu.vector_load %arg6[%get3A] {strides = array<i32>} : memref<1024xi32, #tpu.memory_space<vmem>>, vector<16xi32>,
          %mul3A_243 = arith.constant 4 : i32
          %mul3A_244 = vector.broadcast %mul3A_243 : i32 to vector<16xi32>
          %mul3A_245 = arith.muli %get3A_242, %mul3A_244 : vector<16xi32>
          %add3A_246 = vector.broadcast %add3A_67 : i32 to vector<16xi32>
          %add3A_247 = arith.addi %mul3A_245, %add3A_246 : vector<16xi32>
          %mul3A_248 = arith.constant 16 : i32
          %mul3A_249 = arith.muli %scan3A_236, %mul3A_248 : i32
          %swap3A_250 = arith.index_cast %mul3A_249 : i32 to index
          %swap3A_251 = tpu.vector_load %arg8[%swap3A_250] {strides = array<i32>} : memref<128xi32, #tpu.memory_space<vmem>>, vector<16xi32>,
          tpu.vector_store %arg8[%swap3A_250], %add3A_247 {strides = array<i32>} : memref<128xi32, #tpu.memory_space<vmem>>, vector<16xi32>,
          %mul3A_252 = arith.constant 16 : i32
          %mul3A_253 = arith.muli %scan3A_236, %mul3A_252 : i32
          %add3A_254 = arith.constant 128 : i32
          %add3A_255 = arith.addi %add3A_254, %mul3A_253 : i32
          %get3A_256 = arith.index_cast %add3A_255 : i32 to index
          %get3A_257 = tpu.vector_load %arg7[%get3A_256] {strides = array<i32>} : memref<1024xi32, #tpu.memory_space<vmem>>, vector<16xi32>,
          %mul3A_258 = arith.constant 16 : i32
          %mul3A_259 = arith.muli %scan3A_236, %mul3A_258 : i32
          %swap3A_260 = arith.index_cast %mul3A_259 : i32 to index
          %swap3A_261 = tpu.vector_load %arg9[%swap3A_260] {strides = array<i32>} : memref<128xi32, #tpu.memory_space<vmem>>, vector<16xi32>,
          tpu.vector_store %arg9[%swap3A_260], %get3A_257 {strides = array<i32>} : memref<128xi32, #tpu.memory_space<vmem>>, vector<16xi32>,
          %scan3A_262 = arith.constant 0 : i32
          scf.yield %scan3A_262 : i32
        }
        %scan3A_228 = arith.constant 8 : i32
        %dma_start3A = arith.constant 0 : i32
        %dma_start3A_229 = arith.constant 0 : i32
        %dma_start3A_230 = tpu.memref_slice %arg2[%dma_start3A, %dma_start3A_229] : memref<40000x128xf32, #tpu.memory_space<hbm>> -> memref<40000x128xf32, #tpu.memory_space<hbm>>
        tpu.enqueue_indirect_dma source(%dma_start3A_230 : memref<40000x128xf32, #tpu.memory_space<hbm>>) target(%arg10 : memref<128x128xf32, #tpu.memory_space<vmem>>) offsets(%arg8 : memref<128xi32, #tpu.memory_space<vmem>>) semaphore(%arg16 : memref<!tpu.dma_semaphore, #tpu.memory_space<semaphore_mem>>)
        %dma_wait3A = arith.constant 0 : i32
        %dma_wait3A_231 = arith.constant 0 : i32
        %dma_wait3A_232 = tpu.memref_slice %arg2[%dma_wait3A, %dma_wait3A_231] : memref<40000x128xf32, #tpu.memory_space<hbm>> -> memref<40000x128xf32, #tpu.memory_space<hbm>>
        tpu.wait_indirect_dma semaphore(%arg16 : memref<!tpu.dma_semaphore, #tpu.memory_space<semaphore_mem>>) src(%dma_wait3A_232 : memref<40000x128xf32, #tpu.memory_space<hbm>>) dst(%arg10 : memref<128x128xf32, #tpu.memory_space<vmem>>)
        "tpu.region"() ({
          %run_scoped3A = tpu.sem_alloc : memref<!tpu.dma_semaphore, #tpu.memory_space<semaphore_mem>>
          %dma_start3A_236 = arith.constant 0 : i32
          %dma_start3A_237 = arith.constant 0 : i32
          %dma_start3A_238 = tpu.memref_slice %arg14[%dma_start3A_236, %dma_start3A_237] : memref<10240x128xf32, #tpu.memory_space<vmem_shared>> -> memref<10240x128xf32, #tpu.memory_space<vmem_shared>>
          tpu.enqueue_indirect_dma source(%arg10 : memref<128x128xf32, #tpu.memory_space<vmem>>) target(%dma_start3A_238 : memref<10240x128xf32, #tpu.memory_space<vmem_shared>>) offsets(%arg9 : memref<128xi32, #tpu.memory_space<vmem>>) semaphore(%run_scoped3A : memref<!tpu.dma_semaphore, #tpu.memory_space<semaphore_mem>>) {add = true}
          %dma_wait3A_239 = arith.constant 0 : i32
          %dma_wait3A_240 = arith.constant 0 : i32
          %dma_wait3A_241 = tpu.memref_slice %arg14[%dma_wait3A_239, %dma_wait3A_240] : memref<10240x128xf32, #tpu.memory_space<vmem_shared>> -> memref<10240x128xf32, #tpu.memory_space<vmem_shared>>
          tpu.wait_indirect_dma semaphore(%run_scoped3A : memref<!tpu.dma_semaphore, #tpu.memory_space<semaphore_mem>>) src(%arg10 : memref<128x128xf32, #tpu.memory_space<vmem>>) dst(%dma_wait3A_241 : memref<10240x128xf32, #tpu.memory_space<vmem_shared>>)
          tpu.yield
        }) : () -> ()
        %convert_element_type3A_233 = arith.extui %and3A_70 : i1 to i32
        %cond3A_234 = arith.constant 0 : i32
        %cond3A_235 = arith.cmpi ne, %convert_element_type3A_233, %cond3A_234 : i32
        scf.if %cond3A_235 {
          "tpu.region"() ({
            %run_scoped3A = tpu.sem_alloc : memref<!tpu.dma_semaphore, #tpu.memory_space<semaphore_mem>>
            %dma_start3A_236 = arith.constant 0 : i32
            %dma_start3A_237 = tpu.memref_slice %arg15[%dma_start3A_236] : memref<10240xf32, #tpu.memory_space<vmem_shared>> -> memref<10240xf32, #tpu.memory_space<vmem_shared>>
            tpu.enqueue_indirect_dma source(%arg11 : memref<128xf32, #tpu.memory_space<vmem>>) target(%dma_start3A_237 : memref<10240xf32, #tpu.memory_space<vmem_shared>>) offsets(%arg9 : memref<128xi32, #tpu.memory_space<vmem>>) semaphore(%run_scoped3A : memref<!tpu.dma_semaphore, #tpu.memory_space<semaphore_mem>>) {add = true}
            %dma_wait3A_238 = arith.constant 0 : i32
            %dma_wait3A_239 = tpu.memref_slice %arg15[%dma_wait3A_238] : memref<10240xf32, #tpu.memory_space<vmem_shared>> -> memref<10240xf32, #tpu.memory_space<vmem_shared>>
            tpu.wait_indirect_dma semaphore(%run_scoped3A : memref<!tpu.dma_semaphore, #tpu.memory_space<semaphore_mem>>) src(%arg11 : memref<128xf32, #tpu.memory_space<vmem>>) dst(%dma_wait3A_239 : memref<10240xf32, #tpu.memory_space<vmem_shared>>)
            tpu.yield
          }) : () -> ()
        } else {
        }
      } else {
      }
      %mul3A_173 = arith.constant 8 : i32
      %mul3A_174 = arith.muli %scan3A_150, %mul3A_173 : i32
      %add3A_175 = arith.constant 2 : i32
      %add3A_176 = arith.addi %mul3A_174, %add3A_175 : i32
      %lt3A_177 = arith.cmpi slt, %add3A_176, %select_n3A : i32
      %convert_element_type3A_178 = arith.extui %lt3A_177 : i1 to i32
      %cond3A_179 = arith.constant 0 : i32
      %cond3A_180 = arith.cmpi ne, %convert_element_type3A_178, %cond3A_179 : i32
      scf.if %cond3A_180 {
        %scan3A_222 = arith.constant 0 : i32
        %scan3A_223 = arith.constant 0 : i32
        %scan3A_224 = arith.constant 8 : i32
        %scan3A_225 = arith.addi %scan3A_223, %scan3A_224 : i32
        %scan3A_226 = arith.constant 1 : i32
        %scan3A_227 = scf.for %scan3A_236 = %scan3A_223 to %scan3A_225 step %scan3A_226 iter_args(%scan3A_237 = %scan3A_222) -> (i32)  : i32 {
          %mul3A_238 = arith.constant 16 : i32
          %mul3A_239 = arith.muli %scan3A_236, %mul3A_238 : i32
          %add3A_240 = arith.constant 256 : i32
          %add3A_241 = arith.addi %add3A_240, %mul3A_239 : i32
          %get3A = arith.index_cast %add3A_241 : i32 to index
          %get3A_242 = tpu.vector_load %arg6[%get3A] {strides = array<i32>} : memref<1024xi32, #tpu.memory_space<vmem>>, vector<16xi32>,
          %mul3A_243 = arith.constant 4 : i32
          %mul3A_244 = vector.broadcast %mul3A_243 : i32 to vector<16xi32>
          %mul3A_245 = arith.muli %get3A_242, %mul3A_244 : vector<16xi32>
          %add3A_246 = vector.broadcast %add3A_67 : i32 to vector<16xi32>
          %add3A_247 = arith.addi %mul3A_245, %add3A_246 : vector<16xi32>
          %mul3A_248 = arith.constant 16 : i32
          %mul3A_249 = arith.muli %scan3A_236, %mul3A_248 : i32
          %swap3A_250 = arith.index_cast %mul3A_249 : i32 to index
          %swap3A_251 = tpu.vector_load %arg8[%swap3A_250] {strides = array<i32>} : memref<128xi32, #tpu.memory_space<vmem>>, vector<16xi32>,
          tpu.vector_store %arg8[%swap3A_250], %add3A_247 {strides = array<i32>} : memref<128xi32, #tpu.memory_space<vmem>>, vector<16xi32>,
          %mul3A_252 = arith.constant 16 : i32
          %mul3A_253 = arith.muli %scan3A_236, %mul3A_252 : i32
          %add3A_254 = arith.constant 256 : i32
          %add3A_255 = arith.addi %add3A_254, %mul3A_253 : i32
          %get3A_256 = arith.index_cast %add3A_255 : i32 to index
          %get3A_257 = tpu.vector_load %arg7[%get3A_256] {strides = array<i32>} : memref<1024xi32, #tpu.memory_space<vmem>>, vector<16xi32>,
          %mul3A_258 = arith.constant 16 : i32
          %mul3A_259 = arith.muli %scan3A_236, %mul3A_258 : i32
          %swap3A_260 = arith.index_cast %mul3A_259 : i32 to index
          %swap3A_261 = tpu.vector_load %arg9[%swap3A_260] {strides = array<i32>} : memref<128xi32, #tpu.memory_space<vmem>>, vector<16xi32>,
          tpu.vector_store %arg9[%swap3A_260], %get3A_257 {strides = array<i32>} : memref<128xi32, #tpu.memory_space<vmem>>, vector<16xi32>,
          %scan3A_262 = arith.constant 0 : i32
          scf.yield %scan3A_262 : i32
        }
        %scan3A_228 = arith.constant 8 : i32
        %dma_start3A = arith.constant 0 : i32
        %dma_start3A_229 = arith.constant 0 : i32
        %dma_start3A_230 = tpu.memref_slice %arg2[%dma_start3A, %dma_start3A_229] : memref<40000x128xf32, #tpu.memory_space<hbm>> -> memref<40000x128xf32, #tpu.memory_space<hbm>>
        tpu.enqueue_indirect_dma source(%dma_start3A_230 : memref<40000x128xf32, #tpu.memory_space<hbm>>) target(%arg10 : memref<128x128xf32, #tpu.memory_space<vmem>>) offsets(%arg8 : memref<128xi32, #tpu.memory_space<vmem>>) semaphore(%arg16 : memref<!tpu.dma_semaphore, #tpu.memory_space<semaphore_mem>>)
        %dma_wait3A = arith.constant 0 : i32
        %dma_wait3A_231 = arith.constant 0 : i32
        %dma_wait3A_232 = tpu.memref_slice %arg2[%dma_wait3A, %dma_wait3A_231] : memref<40000x128xf32, #tpu.memory_space<hbm>> -> memref<40000x128xf32, #tpu.memory_space<hbm>>
        tpu.wait_indirect_dma semaphore(%arg16 : memref<!tpu.dma_semaphore, #tpu.memory_space<semaphore_mem>>) src(%dma_wait3A_232 : memref<40000x128xf32, #tpu.memory_space<hbm>>) dst(%arg10 : memref<128x128xf32, #tpu.memory_space<vmem>>)
        "tpu.region"() ({
          %run_scoped3A = tpu.sem_alloc : memref<!tpu.dma_semaphore, #tpu.memory_space<semaphore_mem>>
          %dma_start3A_236 = arith.constant 0 : i32
          %dma_start3A_237 = arith.constant 0 : i32
          %dma_start3A_238 = tpu.memref_slice %arg14[%dma_start3A_236, %dma_start3A_237] : memref<10240x128xf32, #tpu.memory_space<vmem_shared>> -> memref<10240x128xf32, #tpu.memory_space<vmem_shared>>
          tpu.enqueue_indirect_dma source(%arg10 : memref<128x128xf32, #tpu.memory_space<vmem>>) target(%dma_start3A_238 : memref<10240x128xf32, #tpu.memory_space<vmem_shared>>) offsets(%arg9 : memref<128xi32, #tpu.memory_space<vmem>>) semaphore(%run_scoped3A : memref<!tpu.dma_semaphore, #tpu.memory_space<semaphore_mem>>) {add = true}
          %dma_wait3A_239 = arith.constant 0 : i32
          %dma_wait3A_240 = arith.constant 0 : i32
          %dma_wait3A_241 = tpu.memref_slice %arg14[%dma_wait3A_239, %dma_wait3A_240] : memref<10240x128xf32, #tpu.memory_space<vmem_shared>> -> memref<10240x128xf32, #tpu.memory_space<vmem_shared>>
          tpu.wait_indirect_dma semaphore(%run_scoped3A : memref<!tpu.dma_semaphore, #tpu.memory_space<semaphore_mem>>) src(%arg10 : memref<128x128xf32, #tpu.memory_space<vmem>>) dst(%dma_wait3A_241 : memref<10240x128xf32, #tpu.memory_space<vmem_shared>>)
          tpu.yield
        }) : () -> ()
        %convert_element_type3A_233 = arith.extui %and3A_70 : i1 to i32
        %cond3A_234 = arith.constant 0 : i32
        %cond3A_235 = arith.cmpi ne, %convert_element_type3A_233, %cond3A_234 : i32
        scf.if %cond3A_235 {
          "tpu.region"() ({
            %run_scoped3A = tpu.sem_alloc : memref<!tpu.dma_semaphore, #tpu.memory_space<semaphore_mem>>
            %dma_start3A_236 = arith.constant 0 : i32
            %dma_start3A_237 = tpu.memref_slice %arg15[%dma_start3A_236] : memref<10240xf32, #tpu.memory_space<vmem_shared>> -> memref<10240xf32, #tpu.memory_space<vmem_shared>>
            tpu.enqueue_indirect_dma source(%arg11 : memref<128xf32, #tpu.memory_space<vmem>>) target(%dma_start3A_237 : memref<10240xf32, #tpu.memory_space<vmem_shared>>) offsets(%arg9 : memref<128xi32, #tpu.memory_space<vmem>>) semaphore(%run_scoped3A : memref<!tpu.dma_semaphore, #tpu.memory_space<semaphore_mem>>) {add = true}
            %dma_wait3A_238 = arith.constant 0 : i32
            %dma_wait3A_239 = tpu.memref_slice %arg15[%dma_wait3A_238] : memref<10240xf32, #tpu.memory_space<vmem_shared>> -> memref<10240xf32, #tpu.memory_space<vmem_shared>>
            tpu.wait_indirect_dma semaphore(%run_scoped3A : memref<!tpu.dma_semaphore, #tpu.memory_space<semaphore_mem>>) src(%arg11 : memref<128xf32, #tpu.memory_space<vmem>>) dst(%dma_wait3A_239 : memref<10240xf32, #tpu.memory_space<vmem_shared>>)
            tpu.yield
          }) : () -> ()
        } else {
        }
      } else {
      }
      %mul3A_181 = arith.constant 8 : i32
      %mul3A_182 = arith.muli %scan3A_150, %mul3A_181 : i32
      %add3A_183 = arith.constant 3 : i32
      %add3A_184 = arith.addi %mul3A_182, %add3A_183 : i32
      %lt3A_185 = arith.cmpi slt, %add3A_184, %select_n3A : i32
      %convert_element_type3A_186 = arith.extui %lt3A_185 : i1 to i32
      %cond3A_187 = arith.constant 0 : i32
      %cond3A_188 = arith.cmpi ne, %convert_element_type3A_186, %cond3A_187 : i32
      scf.if %cond3A_188 {
        %scan3A_222 = arith.constant 0 : i32
        %scan3A_223 = arith.constant 0 : i32
        %scan3A_224 = arith.constant 8 : i32
        %scan3A_225 = arith.addi %scan3A_223, %scan3A_224 : i32
        %scan3A_226 = arith.constant 1 : i32
        %scan3A_227 = scf.for %scan3A_236 = %scan3A_223 to %scan3A_225 step %scan3A_226 iter_args(%scan3A_237 = %scan3A_222) -> (i32)  : i32 {
          %mul3A_238 = arith.constant 16 : i32
          %mul3A_239 = arith.muli %scan3A_236, %mul3A_238 : i32
          %add3A_240 = arith.constant 384 : i32
          %add3A_241 = arith.addi %add3A_240, %mul3A_239 : i32
          %get3A = arith.index_cast %add3A_241 : i32 to index
          %get3A_242 = tpu.vector_load %arg6[%get3A] {strides = array<i32>} : memref<1024xi32, #tpu.memory_space<vmem>>, vector<16xi32>,
          %mul3A_243 = arith.constant 4 : i32
          %mul3A_244 = vector.broadcast %mul3A_243 : i32 to vector<16xi32>
          %mul3A_245 = arith.muli %get3A_242, %mul3A_244 : vector<16xi32>
          %add3A_246 = vector.broadcast %add3A_67 : i32 to vector<16xi32>
          %add3A_247 = arith.addi %mul3A_245, %add3A_246 : vector<16xi32>
          %mul3A_248 = arith.constant 16 : i32
          %mul3A_249 = arith.muli %scan3A_236, %mul3A_248 : i32
          %swap3A_250 = arith.index_cast %mul3A_249 : i32 to index
          %swap3A_251 = tpu.vector_load %arg8[%swap3A_250] {strides = array<i32>} : memref<128xi32, #tpu.memory_space<vmem>>, vector<16xi32>,
          tpu.vector_store %arg8[%swap3A_250], %add3A_247 {strides = array<i32>} : memref<128xi32, #tpu.memory_space<vmem>>, vector<16xi32>,
          %mul3A_252 = arith.constant 16 : i32
          %mul3A_253 = arith.muli %scan3A_236, %mul3A_252 : i32
          %add3A_254 = arith.constant 384 : i32
          %add3A_255 = arith.addi %add3A_254, %mul3A_253 : i32
          %get3A_256 = arith.index_cast %add3A_255 : i32 to index
          %get3A_257 = tpu.vector_load %arg7[%get3A_256] {strides = array<i32>} : memref<1024xi32, #tpu.memory_space<vmem>>, vector<16xi32>,
          %mul3A_258 = arith.constant 16 : i32
          %mul3A_259 = arith.muli %scan3A_236, %mul3A_258 : i32
          %swap3A_260 = arith.index_cast %mul3A_259 : i32 to index
          %swap3A_261 = tpu.vector_load %arg9[%swap3A_260] {strides = array<i32>} : memref<128xi32, #tpu.memory_space<vmem>>, vector<16xi32>,
          tpu.vector_store %arg9[%swap3A_260], %get3A_257 {strides = array<i32>} : memref<128xi32, #tpu.memory_space<vmem>>, vector<16xi32>,
          %scan3A_262 = arith.constant 0 : i32
          scf.yield %scan3A_262 : i32
        }
        %scan3A_228 = arith.constant 8 : i32
        %dma_start3A = arith.constant 0 : i32
        %dma_start3A_229 = arith.constant 0 : i32
        %dma_start3A_230 = tpu.memref_slice %arg2[%dma_start3A, %dma_start3A_229] : memref<40000x128xf32, #tpu.memory_space<hbm>> -> memref<40000x128xf32, #tpu.memory_space<hbm>>
        tpu.enqueue_indirect_dma source(%dma_start3A_230 : memref<40000x128xf32, #tpu.memory_space<hbm>>) target(%arg10 : memref<128x128xf32, #tpu.memory_space<vmem>>) offsets(%arg8 : memref<128xi32, #tpu.memory_space<vmem>>) semaphore(%arg16 : memref<!tpu.dma_semaphore, #tpu.memory_space<semaphore_mem>>)
        %dma_wait3A = arith.constant 0 : i32
        %dma_wait3A_231 = arith.constant 0 : i32
        %dma_wait3A_232 = tpu.memref_slice %arg2[%dma_wait3A, %dma_wait3A_231] : memref<40000x128xf32, #tpu.memory_space<hbm>> -> memref<40000x128xf32, #tpu.memory_space<hbm>>
        tpu.wait_indirect_dma semaphore(%arg16 : memref<!tpu.dma_semaphore, #tpu.memory_space<semaphore_mem>>) src(%dma_wait3A_232 : memref<40000x128xf32, #tpu.memory_space<hbm>>) dst(%arg10 : memref<128x128xf32, #tpu.memory_space<vmem>>)
        "tpu.region"() ({
          %run_scoped3A = tpu.sem_alloc : memref<!tpu.dma_semaphore, #tpu.memory_space<semaphore_mem>>
          %dma_start3A_236 = arith.constant 0 : i32
          %dma_start3A_237 = arith.constant 0 : i32
          %dma_start3A_238 = tpu.memref_slice %arg14[%dma_start3A_236, %dma_start3A_237] : memref<10240x128xf32, #tpu.memory_space<vmem_shared>> -> memref<10240x128xf32, #tpu.memory_space<vmem_shared>>
          tpu.enqueue_indirect_dma source(%arg10 : memref<128x128xf32, #tpu.memory_space<vmem>>) target(%dma_start3A_238 : memref<10240x128xf32, #tpu.memory_space<vmem_shared>>) offsets(%arg9 : memref<128xi32, #tpu.memory_space<vmem>>) semaphore(%run_scoped3A : memref<!tpu.dma_semaphore, #tpu.memory_space<semaphore_mem>>) {add = true}
          %dma_wait3A_239 = arith.constant 0 : i32
          %dma_wait3A_240 = arith.constant 0 : i32
          %dma_wait3A_241 = tpu.memref_slice %arg14[%dma_wait3A_239, %dma_wait3A_240] : memref<10240x128xf32, #tpu.memory_space<vmem_shared>> -> memref<10240x128xf32, #tpu.memory_space<vmem_shared>>
          tpu.wait_indirect_dma semaphore(%run_scoped3A : memref<!tpu.dma_semaphore, #tpu.memory_space<semaphore_mem>>) src(%arg10 : memref<128x128xf32, #tpu.memory_space<vmem>>) dst(%dma_wait3A_241 : memref<10240x128xf32, #tpu.memory_space<vmem_shared>>)
          tpu.yield
        }) : () -> ()
        %convert_element_type3A_233 = arith.extui %and3A_70 : i1 to i32
        %cond3A_234 = arith.constant 0 : i32
        %cond3A_235 = arith.cmpi ne, %convert_element_type3A_233, %cond3A_234 : i32
        scf.if %cond3A_235 {
          "tpu.region"() ({
            %run_scoped3A = tpu.sem_alloc : memref<!tpu.dma_semaphore, #tpu.memory_space<semaphore_mem>>
            %dma_start3A_236 = arith.constant 0 : i32
            %dma_start3A_237 = tpu.memref_slice %arg15[%dma_start3A_236] : memref<10240xf32, #tpu.memory_space<vmem_shared>> -> memref<10240xf32, #tpu.memory_space<vmem_shared>>
            tpu.enqueue_indirect_dma source(%arg11 : memref<128xf32, #tpu.memory_space<vmem>>) target(%dma_start3A_237 : memref<10240xf32, #tpu.memory_space<vmem_shared>>) offsets(%arg9 : memref<128xi32, #tpu.memory_space<vmem>>) semaphore(%run_scoped3A : memref<!tpu.dma_semaphore, #tpu.memory_space<semaphore_mem>>) {add = true}
            %dma_wait3A_238 = arith.constant 0 : i32
            %dma_wait3A_239 = tpu.memref_slice %arg15[%dma_wait3A_238] : memref<10240xf32, #tpu.memory_space<vmem_shared>> -> memref<10240xf32, #tpu.memory_space<vmem_shared>>
            tpu.wait_indirect_dma semaphore(%run_scoped3A : memref<!tpu.dma_semaphore, #tpu.memory_space<semaphore_mem>>) src(%arg11 : memref<128xf32, #tpu.memory_space<vmem>>) dst(%dma_wait3A_239 : memref<10240xf32, #tpu.memory_space<vmem_shared>>)
            tpu.yield
          }) : () -> ()
        } else {
        }
      } else {
      }
      %mul3A_189 = arith.constant 8 : i32
      %mul3A_190 = arith.muli %scan3A_150, %mul3A_189 : i32
      %add3A_191 = arith.constant 4 : i32
      %add3A_192 = arith.addi %mul3A_190, %add3A_191 : i32
      %lt3A_193 = arith.cmpi slt, %add3A_192, %select_n3A : i32
      %convert_element_type3A_194 = arith.extui %lt3A_193 : i1 to i32
      %cond3A_195 = arith.constant 0 : i32
      %cond3A_196 = arith.cmpi ne, %convert_element_type3A_194, %cond3A_195 : i32
      scf.if %cond3A_196 {
        %scan3A_222 = arith.constant 0 : i32
        %scan3A_223 = arith.constant 0 : i32
        %scan3A_224 = arith.constant 8 : i32
        %scan3A_225 = arith.addi %scan3A_223, %scan3A_224 : i32
        %scan3A_226 = arith.constant 1 : i32
        %scan3A_227 = scf.for %scan3A_236 = %scan3A_223 to %scan3A_225 step %scan3A_226 iter_args(%scan3A_237 = %scan3A_222) -> (i32)  : i32 {
          %mul3A_238 = arith.constant 16 : i32
          %mul3A_239 = arith.muli %scan3A_236, %mul3A_238 : i32
          %add3A_240 = arith.constant 512 : i32
          %add3A_241 = arith.addi %add3A_240, %mul3A_239 : i32
          %get3A = arith.index_cast %add3A_241 : i32 to index
          %get3A_242 = tpu.vector_load %arg6[%get3A] {strides = array<i32>} : memref<1024xi32, #tpu.memory_space<vmem>>, vector<16xi32>,
          %mul3A_243 = arith.constant 4 : i32
          %mul3A_244 = vector.broadcast %mul3A_243 : i32 to vector<16xi32>
          %mul3A_245 = arith.muli %get3A_242, %mul3A_244 : vector<16xi32>
          %add3A_246 = vector.broadcast %add3A_67 : i32 to vector<16xi32>
          %add3A_247 = arith.addi %mul3A_245, %add3A_246 : vector<16xi32>
          %mul3A_248 = arith.constant 16 : i32
          %mul3A_249 = arith.muli %scan3A_236, %mul3A_248 : i32
          %swap3A_250 = arith.index_cast %mul3A_249 : i32 to index
          %swap3A_251 = tpu.vector_load %arg8[%swap3A_250] {strides = array<i32>} : memref<128xi32, #tpu.memory_space<vmem>>, vector<16xi32>,
          tpu.vector_store %arg8[%swap3A_250], %add3A_247 {strides = array<i32>} : memref<128xi32, #tpu.memory_space<vmem>>, vector<16xi32>,
          %mul3A_252 = arith.constant 16 : i32
          %mul3A_253 = arith.muli %scan3A_236, %mul3A_252 : i32
          %add3A_254 = arith.constant 512 : i32
          %add3A_255 = arith.addi %add3A_254, %mul3A_253 : i32
          %get3A_256 = arith.index_cast %add3A_255 : i32 to index
          %get3A_257 = tpu.vector_load %arg7[%get3A_256] {strides = array<i32>} : memref<1024xi32, #tpu.memory_space<vmem>>, vector<16xi32>,
          %mul3A_258 = arith.constant 16 : i32
          %mul3A_259 = arith.muli %scan3A_236, %mul3A_258 : i32
          %swap3A_260 = arith.index_cast %mul3A_259 : i32 to index
          %swap3A_261 = tpu.vector_load %arg9[%swap3A_260] {strides = array<i32>} : memref<128xi32, #tpu.memory_space<vmem>>, vector<16xi32>,
          tpu.vector_store %arg9[%swap3A_260], %get3A_257 {strides = array<i32>} : memref<128xi32, #tpu.memory_space<vmem>>, vector<16xi32>,
          %scan3A_262 = arith.constant 0 : i32
          scf.yield %scan3A_262 : i32
        }
        %scan3A_228 = arith.constant 8 : i32
        %dma_start3A = arith.constant 0 : i32
        %dma_start3A_229 = arith.constant 0 : i32
        %dma_start3A_230 = tpu.memref_slice %arg2[%dma_start3A, %dma_start3A_229] : memref<40000x128xf32, #tpu.memory_space<hbm>> -> memref<40000x128xf32, #tpu.memory_space<hbm>>
        tpu.enqueue_indirect_dma source(%dma_start3A_230 : memref<40000x128xf32, #tpu.memory_space<hbm>>) target(%arg10 : memref<128x128xf32, #tpu.memory_space<vmem>>) offsets(%arg8 : memref<128xi32, #tpu.memory_space<vmem>>) semaphore(%arg16 : memref<!tpu.dma_semaphore, #tpu.memory_space<semaphore_mem>>)
        %dma_wait3A = arith.constant 0 : i32
        %dma_wait3A_231 = arith.constant 0 : i32
        %dma_wait3A_232 = tpu.memref_slice %arg2[%dma_wait3A, %dma_wait3A_231] : memref<40000x128xf32, #tpu.memory_space<hbm>> -> memref<40000x128xf32, #tpu.memory_space<hbm>>
        tpu.wait_indirect_dma semaphore(%arg16 : memref<!tpu.dma_semaphore, #tpu.memory_space<semaphore_mem>>) src(%dma_wait3A_232 : memref<40000x128xf32, #tpu.memory_space<hbm>>) dst(%arg10 : memref<128x128xf32, #tpu.memory_space<vmem>>)
        "tpu.region"() ({
          %run_scoped3A = tpu.sem_alloc : memref<!tpu.dma_semaphore, #tpu.memory_space<semaphore_mem>>
          %dma_start3A_236 = arith.constant 0 : i32
          %dma_start3A_237 = arith.constant 0 : i32
          %dma_start3A_238 = tpu.memref_slice %arg14[%dma_start3A_236, %dma_start3A_237] : memref<10240x128xf32, #tpu.memory_space<vmem_shared>> -> memref<10240x128xf32, #tpu.memory_space<vmem_shared>>
          tpu.enqueue_indirect_dma source(%arg10 : memref<128x128xf32, #tpu.memory_space<vmem>>) target(%dma_start3A_238 : memref<10240x128xf32, #tpu.memory_space<vmem_shared>>) offsets(%arg9 : memref<128xi32, #tpu.memory_space<vmem>>) semaphore(%run_scoped3A : memref<!tpu.dma_semaphore, #tpu.memory_space<semaphore_mem>>) {add = true}
          %dma_wait3A_239 = arith.constant 0 : i32
          %dma_wait3A_240 = arith.constant 0 : i32
          %dma_wait3A_241 = tpu.memref_slice %arg14[%dma_wait3A_239, %dma_wait3A_240] : memref<10240x128xf32, #tpu.memory_space<vmem_shared>> -> memref<10240x128xf32, #tpu.memory_space<vmem_shared>>
          tpu.wait_indirect_dma semaphore(%run_scoped3A : memref<!tpu.dma_semaphore, #tpu.memory_space<semaphore_mem>>) src(%arg10 : memref<128x128xf32, #tpu.memory_space<vmem>>) dst(%dma_wait3A_241 : memref<10240x128xf32, #tpu.memory_space<vmem_shared>>)
          tpu.yield
        }) : () -> ()
        %convert_element_type3A_233 = arith.extui %and3A_70 : i1 to i32
        %cond3A_234 = arith.constant 0 : i32
        %cond3A_235 = arith.cmpi ne, %convert_element_type3A_233, %cond3A_234 : i32
        scf.if %cond3A_235 {
          "tpu.region"() ({
            %run_scoped3A = tpu.sem_alloc : memref<!tpu.dma_semaphore, #tpu.memory_space<semaphore_mem>>
            %dma_start3A_236 = arith.constant 0 : i32
            %dma_start3A_237 = tpu.memref_slice %arg15[%dma_start3A_236] : memref<10240xf32, #tpu.memory_space<vmem_shared>> -> memref<10240xf32, #tpu.memory_space<vmem_shared>>
            tpu.enqueue_indirect_dma source(%arg11 : memref<128xf32, #tpu.memory_space<vmem>>) target(%dma_start3A_237 : memref<10240xf32, #tpu.memory_space<vmem_shared>>) offsets(%arg9 : memref<128xi32, #tpu.memory_space<vmem>>) semaphore(%run_scoped3A : memref<!tpu.dma_semaphore, #tpu.memory_space<semaphore_mem>>) {add = true}
            %dma_wait3A_238 = arith.constant 0 : i32
            %dma_wait3A_239 = tpu.memref_slice %arg15[%dma_wait3A_238] : memref<10240xf32, #tpu.memory_space<vmem_shared>> -> memref<10240xf32, #tpu.memory_space<vmem_shared>>
            tpu.wait_indirect_dma semaphore(%run_scoped3A : memref<!tpu.dma_semaphore, #tpu.memory_space<semaphore_mem>>) src(%arg11 : memref<128xf32, #tpu.memory_space<vmem>>) dst(%dma_wait3A_239 : memref<10240xf32, #tpu.memory_space<vmem_shared>>)
            tpu.yield
          }) : () -> ()
        } else {
        }
      } else {
      }
      %mul3A_197 = arith.constant 8 : i32
      %mul3A_198 = arith.muli %scan3A_150, %mul3A_197 : i32
      %add3A_199 = arith.constant 5 : i32
      %add3A_200 = arith.addi %mul3A_198, %add3A_199 : i32
      %lt3A_201 = arith.cmpi slt, %add3A_200, %select_n3A : i32
      %convert_element_type3A_202 = arith.extui %lt3A_201 : i1 to i32
      %cond3A_203 = arith.constant 0 : i32
      %cond3A_204 = arith.cmpi ne, %convert_element_type3A_202, %cond3A_203 : i32
      scf.if %cond3A_204 {
        %scan3A_222 = arith.constant 0 : i32
        %scan3A_223 = arith.constant 0 : i32
        %scan3A_224 = arith.constant 8 : i32
        %scan3A_225 = arith.addi %scan3A_223, %scan3A_224 : i32
        %scan3A_226 = arith.constant 1 : i32
        %scan3A_227 = scf.for %scan3A_236 = %scan3A_223 to %scan3A_225 step %scan3A_226 iter_args(%scan3A_237 = %scan3A_222) -> (i32)  : i32 {
          %mul3A_238 = arith.constant 16 : i32
          %mul3A_239 = arith.muli %scan3A_236, %mul3A_238 : i32
          %add3A_240 = arith.constant 640 : i32
          %add3A_241 = arith.addi %add3A_240, %mul3A_239 : i32
          %get3A = arith.index_cast %add3A_241 : i32 to index
          %get3A_242 = tpu.vector_load %arg6[%get3A] {strides = array<i32>} : memref<1024xi32, #tpu.memory_space<vmem>>, vector<16xi32>,
          %mul3A_243 = arith.constant 4 : i32
          %mul3A_244 = vector.broadcast %mul3A_243 : i32 to vector<16xi32>
          %mul3A_245 = arith.muli %get3A_242, %mul3A_244 : vector<16xi32>
          %add3A_246 = vector.broadcast %add3A_67 : i32 to vector<16xi32>
          %add3A_247 = arith.addi %mul3A_245, %add3A_246 : vector<16xi32>
          %mul3A_248 = arith.constant 16 : i32
          %mul3A_249 = arith.muli %scan3A_236, %mul3A_248 : i32
          %swap3A_250 = arith.index_cast %mul3A_249 : i32 to index
          %swap3A_251 = tpu.vector_load %arg8[%swap3A_250] {strides = array<i32>} : memref<128xi32, #tpu.memory_space<vmem>>, vector<16xi32>,
          tpu.vector_store %arg8[%swap3A_250], %add3A_247 {strides = array<i32>} : memref<128xi32, #tpu.memory_space<vmem>>, vector<16xi32>,
          %mul3A_252 = arith.constant 16 : i32
          %mul3A_253 = arith.muli %scan3A_236, %mul3A_252 : i32
          %add3A_254 = arith.constant 640 : i32
          %add3A_255 = arith.addi %add3A_254, %mul3A_253 : i32
          %get3A_256 = arith.index_cast %add3A_255 : i32 to index
          %get3A_257 = tpu.vector_load %arg7[%get3A_256] {strides = array<i32>} : memref<1024xi32, #tpu.memory_space<vmem>>, vector<16xi32>,
          %mul3A_258 = arith.constant 16 : i32
          %mul3A_259 = arith.muli %scan3A_236, %mul3A_258 : i32
          %swap3A_260 = arith.index_cast %mul3A_259 : i32 to index
          %swap3A_261 = tpu.vector_load %arg9[%swap3A_260] {strides = array<i32>} : memref<128xi32, #tpu.memory_space<vmem>>, vector<16xi32>,
          tpu.vector_store %arg9[%swap3A_260], %get3A_257 {strides = array<i32>} : memref<128xi32, #tpu.memory_space<vmem>>, vector<16xi32>,
          %scan3A_262 = arith.constant 0 : i32
          scf.yield %scan3A_262 : i32
        }
        %scan3A_228 = arith.constant 8 : i32
        %dma_start3A = arith.constant 0 : i32
        %dma_start3A_229 = arith.constant 0 : i32
        %dma_start3A_230 = tpu.memref_slice %arg2[%dma_start3A, %dma_start3A_229] : memref<40000x128xf32, #tpu.memory_space<hbm>> -> memref<40000x128xf32, #tpu.memory_space<hbm>>
        tpu.enqueue_indirect_dma source(%dma_start3A_230 : memref<40000x128xf32, #tpu.memory_space<hbm>>) target(%arg10 : memref<128x128xf32, #tpu.memory_space<vmem>>) offsets(%arg8 : memref<128xi32, #tpu.memory_space<vmem>>) semaphore(%arg16 : memref<!tpu.dma_semaphore, #tpu.memory_space<semaphore_mem>>)
        %dma_wait3A = arith.constant 0 : i32
        %dma_wait3A_231 = arith.constant 0 : i32
        %dma_wait3A_232 = tpu.memref_slice %arg2[%dma_wait3A, %dma_wait3A_231] : memref<40000x128xf32, #tpu.memory_space<hbm>> -> memref<40000x128xf32, #tpu.memory_space<hbm>>
        tpu.wait_indirect_dma semaphore(%arg16 : memref<!tpu.dma_semaphore, #tpu.memory_space<semaphore_mem>>) src(%dma_wait3A_232 : memref<40000x128xf32, #tpu.memory_space<hbm>>) dst(%arg10 : memref<128x128xf32, #tpu.memory_space<vmem>>)
        "tpu.region"() ({
          %run_scoped3A = tpu.sem_alloc : memref<!tpu.dma_semaphore, #tpu.memory_space<semaphore_mem>>
          %dma_start3A_236 = arith.constant 0 : i32
          %dma_start3A_237 = arith.constant 0 : i32
          %dma_start3A_238 = tpu.memref_slice %arg14[%dma_start3A_236, %dma_start3A_237] : memref<10240x128xf32, #tpu.memory_space<vmem_shared>> -> memref<10240x128xf32, #tpu.memory_space<vmem_shared>>
          tpu.enqueue_indirect_dma source(%arg10 : memref<128x128xf32, #tpu.memory_space<vmem>>) target(%dma_start3A_238 : memref<10240x128xf32, #tpu.memory_space<vmem_shared>>) offsets(%arg9 : memref<128xi32, #tpu.memory_space<vmem>>) semaphore(%run_scoped3A : memref<!tpu.dma_semaphore, #tpu.memory_space<semaphore_mem>>) {add = true}
          %dma_wait3A_239 = arith.constant 0 : i32
          %dma_wait3A_240 = arith.constant 0 : i32
          %dma_wait3A_241 = tpu.memref_slice %arg14[%dma_wait3A_239, %dma_wait3A_240] : memref<10240x128xf32, #tpu.memory_space<vmem_shared>> -> memref<10240x128xf32, #tpu.memory_space<vmem_shared>>
          tpu.wait_indirect_dma semaphore(%run_scoped3A : memref<!tpu.dma_semaphore, #tpu.memory_space<semaphore_mem>>) src(%arg10 : memref<128x128xf32, #tpu.memory_space<vmem>>) dst(%dma_wait3A_241 : memref<10240x128xf32, #tpu.memory_space<vmem_shared>>)
          tpu.yield
        }) : () -> ()
        %convert_element_type3A_233 = arith.extui %and3A_70 : i1 to i32
        %cond3A_234 = arith.constant 0 : i32
        %cond3A_235 = arith.cmpi ne, %convert_element_type3A_233, %cond3A_234 : i32
        scf.if %cond3A_235 {
          "tpu.region"() ({
            %run_scoped3A = tpu.sem_alloc : memref<!tpu.dma_semaphore, #tpu.memory_space<semaphore_mem>>
            %dma_start3A_236 = arith.constant 0 : i32
            %dma_start3A_237 = tpu.memref_slice %arg15[%dma_start3A_236] : memref<10240xf32, #tpu.memory_space<vmem_shared>> -> memref<10240xf32, #tpu.memory_space<vmem_shared>>
            tpu.enqueue_indirect_dma source(%arg11 : memref<128xf32, #tpu.memory_space<vmem>>) target(%dma_start3A_237 : memref<10240xf32, #tpu.memory_space<vmem_shared>>) offsets(%arg9 : memref<128xi32, #tpu.memory_space<vmem>>) semaphore(%run_scoped3A : memref<!tpu.dma_semaphore, #tpu.memory_space<semaphore_mem>>) {add = true}
            %dma_wait3A_238 = arith.constant 0 : i32
            %dma_wait3A_239 = tpu.memref_slice %arg15[%dma_wait3A_238] : memref<10240xf32, #tpu.memory_space<vmem_shared>> -> memref<10240xf32, #tpu.memory_space<vmem_shared>>
            tpu.wait_indirect_dma semaphore(%run_scoped3A : memref<!tpu.dma_semaphore, #tpu.memory_space<semaphore_mem>>) src(%arg11 : memref<128xf32, #tpu.memory_space<vmem>>) dst(%dma_wait3A_239 : memref<10240xf32, #tpu.memory_space<vmem_shared>>)
            tpu.yield
          }) : () -> ()
        } else {
        }
      } else {
      }
      %mul3A_205 = arith.constant 8 : i32
      %mul3A_206 = arith.muli %scan3A_150, %mul3A_205 : i32
      %add3A_207 = arith.constant 6 : i32
      %add3A_208 = arith.addi %mul3A_206, %add3A_207 : i32
      %lt3A_209 = arith.cmpi slt, %add3A_208, %select_n3A : i32
      %convert_element_type3A_210 = arith.extui %lt3A_209 : i1 to i32
      %cond3A_211 = arith.constant 0 : i32
      %cond3A_212 = arith.cmpi ne, %convert_element_type3A_210, %cond3A_211 : i32
      scf.if %cond3A_212 {
        %scan3A_222 = arith.constant 0 : i32
        %scan3A_223 = arith.constant 0 : i32
        %scan3A_224 = arith.constant 8 : i32
        %scan3A_225 = arith.addi %scan3A_223, %scan3A_224 : i32
        %scan3A_226 = arith.constant 1 : i32
        %scan3A_227 = scf.for %scan3A_236 = %scan3A_223 to %scan3A_225 step %scan3A_226 iter_args(%scan3A_237 = %scan3A_222) -> (i32)  : i32 {
          %mul3A_238 = arith.constant 16 : i32
          %mul3A_239 = arith.muli %scan3A_236, %mul3A_238 : i32
          %add3A_240 = arith.constant 768 : i32
          %add3A_241 = arith.addi %add3A_240, %mul3A_239 : i32
          %get3A = arith.index_cast %add3A_241 : i32 to index
          %get3A_242 = tpu.vector_load %arg6[%get3A] {strides = array<i32>} : memref<1024xi32, #tpu.memory_space<vmem>>, vector<16xi32>,
          %mul3A_243 = arith.constant 4 : i32
          %mul3A_244 = vector.broadcast %mul3A_243 : i32 to vector<16xi32>
          %mul3A_245 = arith.muli %get3A_242, %mul3A_244 : vector<16xi32>
          %add3A_246 = vector.broadcast %add3A_67 : i32 to vector<16xi32>
          %add3A_247 = arith.addi %mul3A_245, %add3A_246 : vector<16xi32>
          %mul3A_248 = arith.constant 16 : i32
          %mul3A_249 = arith.muli %scan3A_236, %mul3A_248 : i32
          %swap3A_250 = arith.index_cast %mul3A_249 : i32 to index
          %swap3A_251 = tpu.vector_load %arg8[%swap3A_250] {strides = array<i32>} : memref<128xi32, #tpu.memory_space<vmem>>, vector<16xi32>,
          tpu.vector_store %arg8[%swap3A_250], %add3A_247 {strides = array<i32>} : memref<128xi32, #tpu.memory_space<vmem>>, vector<16xi32>,
          %mul3A_252 = arith.constant 16 : i32
          %mul3A_253 = arith.muli %scan3A_236, %mul3A_252 : i32
          %add3A_254 = arith.constant 768 : i32
          %add3A_255 = arith.addi %add3A_254, %mul3A_253 : i32
          %get3A_256 = arith.index_cast %add3A_255 : i32 to index
          %get3A_257 = tpu.vector_load %arg7[%get3A_256] {strides = array<i32>} : memref<1024xi32, #tpu.memory_space<vmem>>, vector<16xi32>,
          %mul3A_258 = arith.constant 16 : i32
          %mul3A_259 = arith.muli %scan3A_236, %mul3A_258 : i32
          %swap3A_260 = arith.index_cast %mul3A_259 : i32 to index
          %swap3A_261 = tpu.vector_load %arg9[%swap3A_260] {strides = array<i32>} : memref<128xi32, #tpu.memory_space<vmem>>, vector<16xi32>,
          tpu.vector_store %arg9[%swap3A_260], %get3A_257 {strides = array<i32>} : memref<128xi32, #tpu.memory_space<vmem>>, vector<16xi32>,
          %scan3A_262 = arith.constant 0 : i32
          scf.yield %scan3A_262 : i32
        }
        %scan3A_228 = arith.constant 8 : i32
        %dma_start3A = arith.constant 0 : i32
        %dma_start3A_229 = arith.constant 0 : i32
        %dma_start3A_230 = tpu.memref_slice %arg2[%dma_start3A, %dma_start3A_229] : memref<40000x128xf32, #tpu.memory_space<hbm>> -> memref<40000x128xf32, #tpu.memory_space<hbm>>
        tpu.enqueue_indirect_dma source(%dma_start3A_230 : memref<40000x128xf32, #tpu.memory_space<hbm>>) target(%arg10 : memref<128x128xf32, #tpu.memory_space<vmem>>) offsets(%arg8 : memref<128xi32, #tpu.memory_space<vmem>>) semaphore(%arg16 : memref<!tpu.dma_semaphore, #tpu.memory_space<semaphore_mem>>)
        %dma_wait3A = arith.constant 0 : i32
        %dma_wait3A_231 = arith.constant 0 : i32
        %dma_wait3A_232 = tpu.memref_slice %arg2[%dma_wait3A, %dma_wait3A_231] : memref<40000x128xf32, #tpu.memory_space<hbm>> -> memref<40000x128xf32, #tpu.memory_space<hbm>>
        tpu.wait_indirect_dma semaphore(%arg16 : memref<!tpu.dma_semaphore, #tpu.memory_space<semaphore_mem>>) src(%dma_wait3A_232 : memref<40000x128xf32, #tpu.memory_space<hbm>>) dst(%arg10 : memref<128x128xf32, #tpu.memory_space<vmem>>)
        "tpu.region"() ({
          %run_scoped3A = tpu.sem_alloc : memref<!tpu.dma_semaphore, #tpu.memory_space<semaphore_mem>>
          %dma_start3A_236 = arith.constant 0 : i32
          %dma_start3A_237 = arith.constant 0 : i32
          %dma_start3A_238 = tpu.memref_slice %arg14[%dma_start3A_236, %dma_start3A_237] : memref<10240x128xf32, #tpu.memory_space<vmem_shared>> -> memref<10240x128xf32, #tpu.memory_space<vmem_shared>>
          tpu.enqueue_indirect_dma source(%arg10 : memref<128x128xf32, #tpu.memory_space<vmem>>) target(%dma_start3A_238 : memref<10240x128xf32, #tpu.memory_space<vmem_shared>>) offsets(%arg9 : memref<128xi32, #tpu.memory_space<vmem>>) semaphore(%run_scoped3A : memref<!tpu.dma_semaphore, #tpu.memory_space<semaphore_mem>>) {add = true}
          %dma_wait3A_239 = arith.constant 0 : i32
          %dma_wait3A_240 = arith.constant 0 : i32
          %dma_wait3A_241 = tpu.memref_slice %arg14[%dma_wait3A_239, %dma_wait3A_240] : memref<10240x128xf32, #tpu.memory_space<vmem_shared>> -> memref<10240x128xf32, #tpu.memory_space<vmem_shared>>
          tpu.wait_indirect_dma semaphore(%run_scoped3A : memref<!tpu.dma_semaphore, #tpu.memory_space<semaphore_mem>>) src(%arg10 : memref<128x128xf32, #tpu.memory_space<vmem>>) dst(%dma_wait3A_241 : memref<10240x128xf32, #tpu.memory_space<vmem_shared>>)
          tpu.yield
        }) : () -> ()
        %convert_element_type3A_233 = arith.extui %and3A_70 : i1 to i32
        %cond3A_234 = arith.constant 0 : i32
        %cond3A_235 = arith.cmpi ne, %convert_element_type3A_233, %cond3A_234 : i32
        scf.if %cond3A_235 {
          "tpu.region"() ({
            %run_scoped3A = tpu.sem_alloc : memref<!tpu.dma_semaphore, #tpu.memory_space<semaphore_mem>>
            %dma_start3A_236 = arith.constant 0 : i32
            %dma_start3A_237 = tpu.memref_slice %arg15[%dma_start3A_236] : memref<10240xf32, #tpu.memory_space<vmem_shared>> -> memref<10240xf32, #tpu.memory_space<vmem_shared>>
            tpu.enqueue_indirect_dma source(%arg11 : memref<128xf32, #tpu.memory_space<vmem>>) target(%dma_start3A_237 : memref<10240xf32, #tpu.memory_space<vmem_shared>>) offsets(%arg9 : memref<128xi32, #tpu.memory_space<vmem>>) semaphore(%run_scoped3A : memref<!tpu.dma_semaphore, #tpu.memory_space<semaphore_mem>>) {add = true}
            %dma_wait3A_238 = arith.constant 0 : i32
            %dma_wait3A_239 = tpu.memref_slice %arg15[%dma_wait3A_238] : memref<10240xf32, #tpu.memory_space<vmem_shared>> -> memref<10240xf32, #tpu.memory_space<vmem_shared>>
            tpu.wait_indirect_dma semaphore(%run_scoped3A : memref<!tpu.dma_semaphore, #tpu.memory_space<semaphore_mem>>) src(%arg11 : memref<128xf32, #tpu.memory_space<vmem>>) dst(%dma_wait3A_239 : memref<10240xf32, #tpu.memory_space<vmem_shared>>)
            tpu.yield
          }) : () -> ()
        } else {
        }
      } else {
      }
      %mul3A_213 = arith.constant 8 : i32
      %mul3A_214 = arith.muli %scan3A_150, %mul3A_213 : i32
      %add3A_215 = arith.constant 7 : i32
      %add3A_216 = arith.addi %mul3A_214, %add3A_215 : i32
      %lt3A_217 = arith.cmpi slt, %add3A_216, %select_n3A : i32
      %convert_element_type3A_218 = arith.extui %lt3A_217 : i1 to i32
      %cond3A_219 = arith.constant 0 : i32
      %cond3A_220 = arith.cmpi ne, %convert_element_type3A_218, %cond3A_219 : i32
      scf.if %cond3A_220 {
        %scan3A_222 = arith.constant 0 : i32
        %scan3A_223 = arith.constant 0 : i32
        %scan3A_224 = arith.constant 8 : i32
        %scan3A_225 = arith.addi %scan3A_223, %scan3A_224 : i32
        %scan3A_226 = arith.constant 1 : i32
        %scan3A_227 = scf.for %scan3A_236 = %scan3A_223 to %scan3A_225 step %scan3A_226 iter_args(%scan3A_237 = %scan3A_222) -> (i32)  : i32 {
          %mul3A_238 = arith.constant 16 : i32
          %mul3A_239 = arith.muli %scan3A_236, %mul3A_238 : i32
          %add3A_240 = arith.constant 896 : i32
          %add3A_241 = arith.addi %add3A_240, %mul3A_239 : i32
          %get3A = arith.index_cast %add3A_241 : i32 to index
          %get3A_242 = tpu.vector_load %arg6[%get3A] {strides = array<i32>} : memref<1024xi32, #tpu.memory_space<vmem>>, vector<16xi32>,
          %mul3A_243 = arith.constant 4 : i32
          %mul3A_244 = vector.broadcast %mul3A_243 : i32 to vector<16xi32>
          %mul3A_245 = arith.muli %get3A_242, %mul3A_244 : vector<16xi32>
          %add3A_246 = vector.broadcast %add3A_67 : i32 to vector<16xi32>
          %add3A_247 = arith.addi %mul3A_245, %add3A_246 : vector<16xi32>
          %mul3A_248 = arith.constant 16 : i32
          %mul3A_249 = arith.muli %scan3A_236, %mul3A_248 : i32
          %swap3A_250 = arith.index_cast %mul3A_249 : i32 to index
          %swap3A_251 = tpu.vector_load %arg8[%swap3A_250] {strides = array<i32>} : memref<128xi32, #tpu.memory_space<vmem>>, vector<16xi32>,
          tpu.vector_store %arg8[%swap3A_250], %add3A_247 {strides = array<i32>} : memref<128xi32, #tpu.memory_space<vmem>>, vector<16xi32>,
          %mul3A_252 = arith.constant 16 : i32
          %mul3A_253 = arith.muli %scan3A_236, %mul3A_252 : i32
          %add3A_254 = arith.constant 896 : i32
          %add3A_255 = arith.addi %add3A_254, %mul3A_253 : i32
          %get3A_256 = arith.index_cast %add3A_255 : i32 to index
          %get3A_257 = tpu.vector_load %arg7[%get3A_256] {strides = array<i32>} : memref<1024xi32, #tpu.memory_space<vmem>>, vector<16xi32>,
          %mul3A_258 = arith.constant 16 : i32
          %mul3A_259 = arith.muli %scan3A_236, %mul3A_258 : i32
          %swap3A_260 = arith.index_cast %mul3A_259 : i32 to index
          %swap3A_261 = tpu.vector_load %arg9[%swap3A_260] {strides = array<i32>} : memref<128xi32, #tpu.memory_space<vmem>>, vector<16xi32>,
          tpu.vector_store %arg9[%swap3A_260], %get3A_257 {strides = array<i32>} : memref<128xi32, #tpu.memory_space<vmem>>, vector<16xi32>,
          %scan3A_262 = arith.constant 0 : i32
          scf.yield %scan3A_262 : i32
        }
        %scan3A_228 = arith.constant 8 : i32
        %dma_start3A = arith.constant 0 : i32
        %dma_start3A_229 = arith.constant 0 : i32
        %dma_start3A_230 = tpu.memref_slice %arg2[%dma_start3A, %dma_start3A_229] : memref<40000x128xf32, #tpu.memory_space<hbm>> -> memref<40000x128xf32, #tpu.memory_space<hbm>>
        tpu.enqueue_indirect_dma source(%dma_start3A_230 : memref<40000x128xf32, #tpu.memory_space<hbm>>) target(%arg10 : memref<128x128xf32, #tpu.memory_space<vmem>>) offsets(%arg8 : memref<128xi32, #tpu.memory_space<vmem>>) semaphore(%arg16 : memref<!tpu.dma_semaphore, #tpu.memory_space<semaphore_mem>>)
        %dma_wait3A = arith.constant 0 : i32
        %dma_wait3A_231 = arith.constant 0 : i32
        %dma_wait3A_232 = tpu.memref_slice %arg2[%dma_wait3A, %dma_wait3A_231] : memref<40000x128xf32, #tpu.memory_space<hbm>> -> memref<40000x128xf32, #tpu.memory_space<hbm>>
        tpu.wait_indirect_dma semaphore(%arg16 : memref<!tpu.dma_semaphore, #tpu.memory_space<semaphore_mem>>) src(%dma_wait3A_232 : memref<40000x128xf32, #tpu.memory_space<hbm>>) dst(%arg10 : memref<128x128xf32, #tpu.memory_space<vmem>>)
        "tpu.region"() ({
          %run_scoped3A = tpu.sem_alloc : memref<!tpu.dma_semaphore, #tpu.memory_space<semaphore_mem>>
          %dma_start3A_236 = arith.constant 0 : i32
          %dma_start3A_237 = arith.constant 0 : i32
          %dma_start3A_238 = tpu.memref_slice %arg14[%dma_start3A_236, %dma_start3A_237] : memref<10240x128xf32, #tpu.memory_space<vmem_shared>> -> memref<10240x128xf32, #tpu.memory_space<vmem_shared>>
          tpu.enqueue_indirect_dma source(%arg10 : memref<128x128xf32, #tpu.memory_space<vmem>>) target(%dma_start3A_238 : memref<10240x128xf32, #tpu.memory_space<vmem_shared>>) offsets(%arg9 : memref<128xi32, #tpu.memory_space<vmem>>) semaphore(%run_scoped3A : memref<!tpu.dma_semaphore, #tpu.memory_space<semaphore_mem>>) {add = true}
          %dma_wait3A_239 = arith.constant 0 : i32
          %dma_wait3A_240 = arith.constant 0 : i32
          %dma_wait3A_241 = tpu.memref_slice %arg14[%dma_wait3A_239, %dma_wait3A_240] : memref<10240x128xf32, #tpu.memory_space<vmem_shared>> -> memref<10240x128xf32, #tpu.memory_space<vmem_shared>>
          tpu.wait_indirect_dma semaphore(%run_scoped3A : memref<!tpu.dma_semaphore, #tpu.memory_space<semaphore_mem>>) src(%arg10 : memref<128x128xf32, #tpu.memory_space<vmem>>) dst(%dma_wait3A_241 : memref<10240x128xf32, #tpu.memory_space<vmem_shared>>)
          tpu.yield
        }) : () -> ()
        %convert_element_type3A_233 = arith.extui %and3A_70 : i1 to i32
        %cond3A_234 = arith.constant 0 : i32
        %cond3A_235 = arith.cmpi ne, %convert_element_type3A_233, %cond3A_234 : i32
        scf.if %cond3A_235 {
          "tpu.region"() ({
            %run_scoped3A = tpu.sem_alloc : memref<!tpu.dma_semaphore, #tpu.memory_space<semaphore_mem>>
            %dma_start3A_236 = arith.constant 0 : i32
            %dma_start3A_237 = tpu.memref_slice %arg15[%dma_start3A_236] : memref<10240xf32, #tpu.memory_space<vmem_shared>> -> memref<10240xf32, #tpu.memory_space<vmem_shared>>
            tpu.enqueue_indirect_dma source(%arg11 : memref<128xf32, #tpu.memory_space<vmem>>) target(%dma_start3A_237 : memref<10240xf32, #tpu.memory_space<vmem_shared>>) offsets(%arg9 : memref<128xi32, #tpu.memory_space<vmem>>) semaphore(%run_scoped3A : memref<!tpu.dma_semaphore, #tpu.memory_space<semaphore_mem>>) {add = true}
            %dma_wait3A_238 = arith.constant 0 : i32
            %dma_wait3A_239 = tpu.memref_slice %arg15[%dma_wait3A_238] : memref<10240xf32, #tpu.memory_space<vmem_shared>> -> memref<10240xf32, #tpu.memory_space<vmem_shared>>
            tpu.wait_indirect_dma semaphore(%run_scoped3A : memref<!tpu.dma_semaphore, #tpu.memory_space<semaphore_mem>>) src(%arg11 : memref<128xf32, #tpu.memory_space<vmem>>) dst(%dma_wait3A_239 : memref<10240xf32, #tpu.memory_space<vmem_shared>>)
            tpu.yield
          }) : () -> ()
        } else {
        }
      } else {
      }
      %scan3A_221 = arith.constant 0 : i32
      scf.yield %scan3A_221 : i32
    }
    %scan3A_100 = arith.constant 20 : i32
    %barrier3A_101 = arith.constant 0 : index
    tpu.barrier barrier_id(%barrier3A_101)
    %mul3A_102 = arith.constant 128 : i32
    %mul3A_103 = arith.muli %add3A_67, %mul3A_102 : i32
    %multiple_of3A_104 = tpu.assume_multiple %mul3A_103, 128 : i32
    "tpu.region"() ({
      %run_scoped3A = tpu.sem_alloc : memref<!tpu.dma_semaphore, #tpu.memory_space<semaphore_mem>>
      %dma_start3A = tpu.memref_slice %arg4[%multiple_of3A, %multiple_of3A_104] : memref<10240x512xf32, #tpu.memory_space<hbm>> -> memref<640x128xf32, #tpu.memory_space<hbm>>
      %dma_start3A_150 = arith.constant 0 : i32
      %dma_start3A_151 = tpu.memref_slice %arg14[%multiple_of3A, %dma_start3A_150] : memref<10240x128xf32, #tpu.memory_space<vmem_shared>> -> memref<640x128xf32, #tpu.memory_space<vmem_shared>>
      tpu.enqueue_dma source(%dma_start3A_151 : memref<640x128xf32, #tpu.memory_space<vmem_shared>>) target(%dma_start3A : memref<640x128xf32, #tpu.memory_space<hbm>>) target_semaphore(%run_scoped3A : memref<!tpu.dma_semaphore, #tpu.memory_space<semaphore_mem>>)
      %dma_wait3A = tpu.memref_slice %arg4[%multiple_of3A, %multiple_of3A_104] : memref<10240x512xf32, #tpu.memory_space<hbm>> -> memref<640x128xf32, #tpu.memory_space<hbm>>
      %dma_wait3A_152 = arith.constant 0 : i32
      %dma_wait3A_153 = tpu.memref_slice %arg14[%multiple_of3A, %dma_wait3A_152] : memref<10240x128xf32, #tpu.memory_space<vmem_shared>> -> memref<640x128xf32, #tpu.memory_space<vmem_shared>>
      tpu.wait_dma2 semaphore(%run_scoped3A : memref<!tpu.dma_semaphore, #tpu.memory_space<semaphore_mem>>) src(%dma_wait3A_153 : memref<640x128xf32, #tpu.memory_space<vmem_shared>>) dst(%dma_wait3A : memref<640x128xf32, #tpu.memory_space<hbm>>)
      tpu.yield
    }) : () -> ()
    %eq3A_105 = arith.constant 0 : i32
    %eq3A_106 = arith.cmpi eq, %arg0, %eq3A_105 : i32
    %convert_element_type3A_107 = arith.extui %eq3A_106 : i1 to i32
    %cond3A_108 = arith.constant 0 : i32
    %cond3A_109 = arith.cmpi ne, %convert_element_type3A_107, %cond3A_108 : i32
    scf.if %cond3A_109 {
      "tpu.region"() ({
        %run_scoped3A = tpu.sem_alloc : memref<!tpu.dma_semaphore, #tpu.memory_space<semaphore_mem>>
        %dma_start3A = tpu.memref_slice %arg5[%multiple_of3A] : memref<10240xf32, #tpu.memory_space<hbm>> -> memref<640xf32, #tpu.memory_space<hbm>>
        %dma_start3A_150 = tpu.memref_slice %arg15[%multiple_of3A] : memref<10240xf32, #tpu.memory_space<vmem_shared>> -> memref<640xf32, #tpu.memory_space<vmem_shared>>
        tpu.enqueue_dma source(%dma_start3A_150 : memref<640xf32, #tpu.memory_space<vmem_shared>>) target(%dma_start3A : memref<640xf32, #tpu.memory_space<hbm>>) target_semaphore(%run_scoped3A : memref<!tpu.dma_semaphore, #tpu.memory_space<semaphore_mem>>)
        %dma_wait3A = tpu.memref_slice %arg5[%multiple_of3A] : memref<10240xf32, #tpu.memory_space<hbm>> -> memref<640xf32, #tpu.memory_space<hbm>>
        %dma_wait3A_151 = tpu.memref_slice %arg15[%multiple_of3A] : memref<10240xf32, #tpu.memory_space<vmem_shared>> -> memref<640xf32, #tpu.memory_space<vmem_shared>>
        tpu.wait_dma2 semaphore(%run_scoped3A : memref<!tpu.dma_semaphore, #tpu.memory_space<semaphore_mem>>) src(%dma_wait3A_151 : memref<640xf32, #tpu.memory_space<vmem_shared>>) dst(%dma_wait3A : memref<640xf32, #tpu.memory_space<hbm>>)
        tpu.yield
      }) : () -> ()
    } else {
    }
    %barrier3A_110 = arith.constant 0 : index
    tpu.barrier barrier_id(%barrier3A_110)
    %add3A_111 = arith.constant 2 : i32
    %add3A_112 = arith.addi %add3A_111, %arg0 : i32
    %eq3A_113 = arith.constant 0 : i32
    %eq3A_114 = arith.cmpi eq, %arg0, %eq3A_113 : i32
    %and3A_115 = arith.constant false
    %and3A_116 = arith.andi %eq3A_114, %and3A_115 : i1
    %add3A_117 = arith.constant 0 : i32
    %add3A_118 = arith.addi %multiple_of3A, %add3A_117 : i32
    "tpu.region"() ({
      %run_scoped3A = tpu.sem_alloc : memref<!tpu.dma_semaphore, #tpu.memory_space<semaphore_mem>>
      %dma_start3A = arith.constant 0 : i32
      %dma_start3A_150 = tpu.memref_slice %arg14[%add3A_118, %dma_start3A] : memref<10240x128xf32, #tpu.memory_space<vmem_shared>> -> memref<64x128xf32, #tpu.memory_space<vmem_shared>>
      %dma_start3A_151 = arith.constant 0 : i32
      %dma_start3A_152 = tpu.memref_slice %arg14[%add3A_118, %dma_start3A_151] : memref<10240x128xf32, #tpu.memory_space<vmem_shared>> -> memref<64x128xf32, #tpu.memory_space<vmem_shared>>
      tpu.enqueue_dma source(%arg12 : memref<64x128xf32, #tpu.memory_space<vmem>>) target(%dma_start3A_152 : memref<64x128xf32, #tpu.memory_space<vmem_shared>>) target_semaphore(%run_scoped3A : memref<!tpu.dma_semaphore, #tpu.memory_space<semaphore_mem>>)
      %dma_wait3A = arith.constant 0 : i32
      %dma_wait3A_153 = tpu.memref_slice %arg14[%add3A_118, %dma_wait3A] : memref<10240x128xf32, #tpu.memory_space<vmem_shared>> -> memref<64x128xf32, #tpu.memory_space<vmem_shared>>
      %dma_wait3A_154 = arith.constant 0 : i32
      %dma_wait3A_155 = tpu.memref_slice %arg14[%add3A_118, %dma_wait3A_154] : memref<10240x128xf32, #tpu.memory_space<vmem_shared>> -> memref<64x128xf32, #tpu.memory_space<vmem_shared>>
      tpu.wait_dma2 semaphore(%run_scoped3A : memref<!tpu.dma_semaphore, #tpu.memory_space<semaphore_mem>>) src(%arg12 : memref<64x128xf32, #tpu.memory_space<vmem>>) dst(%dma_wait3A_155 : memref<64x128xf32, #tpu.memory_space<vmem_shared>>)
      tpu.yield
    }) : () -> ()
    %add3A_119 = arith.constant 64 : i32
    %add3A_120 = arith.addi %multiple_of3A, %add3A_119 : i32
    "tpu.region"() ({
      %run_scoped3A = tpu.sem_alloc : memref<!tpu.dma_semaphore, #tpu.memory_space<semaphore_mem>>
      %dma_start3A = arith.constant 0 : i32
      %dma_start3A_150 = tpu.memref_slice %arg14[%add3A_120, %dma_start3A] : memref<10240x128xf32, #tpu.memory_space<vmem_shared>> -> memref<64x128xf32, #tpu.memory_space<vmem_shared>>
      %dma_start3A_151 = arith.constant 0 : i32
      %dma_start3A_152 = tpu.memref_slice %arg14[%add3A_120, %dma_start3A_151] : memref<10240x128xf32, #tpu.memory_space<vmem_shared>> -> memref<64x128xf32, #tpu.memory_space<vmem_shared>>
      tpu.enqueue_dma source(%arg12 : memref<64x128xf32, #tpu.memory_space<vmem>>) target(%dma_start3A_152 : memref<64x128xf32, #tpu.memory_space<vmem_shared>>) target_semaphore(%run_scoped3A : memref<!tpu.dma_semaphore, #tpu.memory_space<semaphore_mem>>)
      %dma_wait3A = arith.constant 0 : i32
      %dma_wait3A_153 = tpu.memref_slice %arg14[%add3A_120, %dma_wait3A] : memref<10240x128xf32, #tpu.memory_space<vmem_shared>> -> memref<64x128xf32, #tpu.memory_space<vmem_shared>>
      %dma_wait3A_154 = arith.constant 0 : i32
      %dma_wait3A_155 = tpu.memref_slice %arg14[%add3A_120, %dma_wait3A_154] : memref<10240x128xf32, #tpu.memory_space<vmem_shared>> -> memref<64x128xf32, #tpu.memory_space<vmem_shared>>
      tpu.wait_dma2 semaphore(%run_scoped3A : memref<!tpu.dma_semaphore, #tpu.memory_space<semaphore_mem>>) src(%arg12 : memref<64x128xf32, #tpu.memory_space<vmem>>) dst(%dma_wait3A_155 : memref<64x128xf32, #tpu.memory_space<vmem_shared>>)
      tpu.yield
    }) : () -> ()
    %add3A_121 = arith.constant 128 : i32
    %add3A_122 = arith.addi %multiple_of3A, %add3A_121 : i32
    "tpu.region"() ({
      %run_scoped3A = tpu.sem_alloc : memref<!tpu.dma_semaphore, #tpu.memory_space<semaphore_mem>>
      %dma_start3A = arith.constant 0 : i32
      %dma_start3A_150 = tpu.memref_slice %arg14[%add3A_122, %dma_start3A] : memref<10240x128xf32, #tpu.memory_space<vmem_shared>> -> memref<64x128xf32, #tpu.memory_space<vmem_shared>>
      %dma_start3A_151 = arith.constant 0 : i32
      %dma_start3A_152 = tpu.memref_slice %arg14[%add3A_122, %dma_start3A_151] : memref<10240x128xf32, #tpu.memory_space<vmem_shared>> -> memref<64x128xf32, #tpu.memory_space<vmem_shared>>
      tpu.enqueue_dma source(%arg12 : memref<64x128xf32, #tpu.memory_space<vmem>>) target(%dma_start3A_152 : memref<64x128xf32, #tpu.memory_space<vmem_shared>>) target_semaphore(%run_scoped3A : memref<!tpu.dma_semaphore, #tpu.memory_space<semaphore_mem>>)
      %dma_wait3A = arith.constant 0 : i32
      %dma_wait3A_153 = tpu.memref_slice %arg14[%add3A_122, %dma_wait3A] : memref<10240x128xf32, #tpu.memory_space<vmem_shared>> -> memref<64x128xf32, #tpu.memory_space<vmem_shared>>
      %dma_wait3A_154 = arith.constant 0 : i32
      %dma_wait3A_155 = tpu.memref_slice %arg14[%add3A_122, %dma_wait3A_154] : memref<10240x128xf32, #tpu.memory_space<vmem_shared>> -> memref<64x128xf32, #tpu.memory_space<vmem_shared>>
      tpu.wait_dma2 semaphore(%run_scoped3A : memref<!tpu.dma_semaphore, #tpu.memory_space<semaphore_mem>>) src(%arg12 : memref<64x128xf32, #tpu.memory_space<vmem>>) dst(%dma_wait3A_155 : memref<64x128xf32, #tpu.memory_space<vmem_shared>>)
      tpu.yield
    }) : () -> ()
    %add3A_123 = arith.constant 192 : i32
    %add3A_124 = arith.addi %multiple_of3A, %add3A_123 : i32
    "tpu.region"() ({
      %run_scoped3A = tpu.sem_alloc : memref<!tpu.dma_semaphore, #tpu.memory_space<semaphore_mem>>
      %dma_start3A = arith.constant 0 : i32
      %dma_start3A_150 = tpu.memref_slice %arg14[%add3A_124, %dma_start3A] : memref<10240x128xf32, #tpu.memory_space<vmem_shared>> -> memref<64x128xf32, #tpu.memory_space<vmem_shared>>
      %dma_start3A_151 = arith.constant 0 : i32
      %dma_start3A_152 = tpu.memref_slice %arg14[%add3A_124, %dma_start3A_151] : memref<10240x128xf32, #tpu.memory_space<vmem_shared>> -> memref<64x128xf32, #tpu.memory_space<vmem_shared>>
      tpu.enqueue_dma source(%arg12 : memref<64x128xf32, #tpu.memory_space<vmem>>) target(%dma_start3A_152 : memref<64x128xf32, #tpu.memory_space<vmem_shared>>) target_semaphore(%run_scoped3A : memref<!tpu.dma_semaphore, #tpu.memory_space<semaphore_mem>>)
      %dma_wait3A = arith.constant 0 : i32
      %dma_wait3A_153 = tpu.memref_slice %arg14[%add3A_124, %dma_wait3A] : memref<10240x128xf32, #tpu.memory_space<vmem_shared>> -> memref<64x128xf32, #tpu.memory_space<vmem_shared>>
      %dma_wait3A_154 = arith.constant 0 : i32
      %dma_wait3A_155 = tpu.memref_slice %arg14[%add3A_124, %dma_wait3A_154] : memref<10240x128xf32, #tpu.memory_space<vmem_shared>> -> memref<64x128xf32, #tpu.memory_space<vmem_shared>>
      tpu.wait_dma2 semaphore(%run_scoped3A : memref<!tpu.dma_semaphore, #tpu.memory_space<semaphore_mem>>) src(%arg12 : memref<64x128xf32, #tpu.memory_space<vmem>>) dst(%dma_wait3A_155 : memref<64x128xf32, #tpu.memory_space<vmem_shared>>)
      tpu.yield
    }) : () -> ()
    %add3A_125 = arith.constant 256 : i32
    %add3A_126 = arith.addi %multiple_of3A, %add3A_125 : i32
    "tpu.region"() ({
      %run_scoped3A = tpu.sem_alloc : memref<!tpu.dma_semaphore, #tpu.memory_space<semaphore_mem>>
      %dma_start3A = arith.constant 0 : i32
      %dma_start3A_150 = tpu.memref_slice %arg14[%add3A_126, %dma_start3A] : memref<10240x128xf32, #tpu.memory_space<vmem_shared>> -> memref<64x128xf32, #tpu.memory_space<vmem_shared>>
      %dma_start3A_151 = arith.constant 0 : i32
      %dma_start3A_152 = tpu.memref_slice %arg14[%add3A_126, %dma_start3A_151] : memref<10240x128xf32, #tpu.memory_space<vmem_shared>> -> memref<64x128xf32, #tpu.memory_space<vmem_shared>>
      tpu.enqueue_dma source(%arg12 : memref<64x128xf32, #tpu.memory_space<vmem>>) target(%dma_start3A_152 : memref<64x128xf32, #tpu.memory_space<vmem_shared>>) target_semaphore(%run_scoped3A : memref<!tpu.dma_semaphore, #tpu.memory_space<semaphore_mem>>)
      %dma_wait3A = arith.constant 0 : i32
      %dma_wait3A_153 = tpu.memref_slice %arg14[%add3A_126, %dma_wait3A] : memref<10240x128xf32, #tpu.memory_space<vmem_shared>> -> memref<64x128xf32, #tpu.memory_space<vmem_shared>>
      %dma_wait3A_154 = arith.constant 0 : i32
      %dma_wait3A_155 = tpu.memref_slice %arg14[%add3A_126, %dma_wait3A_154] : memref<10240x128xf32, #tpu.memory_space<vmem_shared>> -> memref<64x128xf32, #tpu.memory_space<vmem_shared>>
      tpu.wait_dma2 semaphore(%run_scoped3A : memref<!tpu.dma_semaphore, #tpu.memory_space<semaphore_mem>>) src(%arg12 : memref<64x128xf32, #tpu.memory_space<vmem>>) dst(%dma_wait3A_155 : memref<64x128xf32, #tpu.memory_space<vmem_shared>>)
      tpu.yield
    }) : () -> ()
    %add3A_127 = arith.constant 320 : i32
    %add3A_128 = arith.addi %multiple_of3A, %add3A_127 : i32
    "tpu.region"() ({
      %run_scoped3A = tpu.sem_alloc : memref<!tpu.dma_semaphore, #tpu.memory_space<semaphore_mem>>
      %dma_start3A = arith.constant 0 : i32
      %dma_start3A_150 = tpu.memref_slice %arg14[%add3A_128, %dma_start3A] : memref<10240x128xf32, #tpu.memory_space<vmem_shared>> -> memref<64x128xf32, #tpu.memory_space<vmem_shared>>
      %dma_start3A_151 = arith.constant 0 : i32
      %dma_start3A_152 = tpu.memref_slice %arg14[%add3A_128, %dma_start3A_151] : memref<10240x128xf32, #tpu.memory_space<vmem_shared>> -> memref<64x128xf32, #tpu.memory_space<vmem_shared>>
      tpu.enqueue_dma source(%arg12 : memref<64x128xf32, #tpu.memory_space<vmem>>) target(%dma_start3A_152 : memref<64x128xf32, #tpu.memory_space<vmem_shared>>) target_semaphore(%run_scoped3A : memref<!tpu.dma_semaphore, #tpu.memory_space<semaphore_mem>>)
      %dma_wait3A = arith.constant 0 : i32
      %dma_wait3A_153 = tpu.memref_slice %arg14[%add3A_128, %dma_wait3A] : memref<10240x128xf32, #tpu.memory_space<vmem_shared>> -> memref<64x128xf32, #tpu.memory_space<vmem_shared>>
      %dma_wait3A_154 = arith.constant 0 : i32
      %dma_wait3A_155 = tpu.memref_slice %arg14[%add3A_128, %dma_wait3A_154] : memref<10240x128xf32, #tpu.memory_space<vmem_shared>> -> memref<64x128xf32, #tpu.memory_space<vmem_shared>>
      tpu.wait_dma2 semaphore(%run_scoped3A : memref<!tpu.dma_semaphore, #tpu.memory_space<semaphore_mem>>) src(%arg12 : memref<64x128xf32, #tpu.memory_space<vmem>>) dst(%dma_wait3A_155 : memref<64x128xf32, #tpu.memory_space<vmem_shared>>)
      tpu.yield
    }) : () -> ()
    %add3A_129 = arith.constant 384 : i32
    %add3A_130 = arith.addi %multiple_of3A, %add3A_129 : i32
    "tpu.region"() ({
      %run_scoped3A = tpu.sem_alloc : memref<!tpu.dma_semaphore, #tpu.memory_space<semaphore_mem>>
      %dma_start3A = arith.constant 0 : i32
      %dma_start3A_150 = tpu.memref_slice %arg14[%add3A_130, %dma_start3A] : memref<10240x128xf32, #tpu.memory_space<vmem_shared>> -> memref<64x128xf32, #tpu.memory_space<vmem_shared>>
      %dma_start3A_151 = arith.constant 0 : i32
      %dma_start3A_152 = tpu.memref_slice %arg14[%add3A_130, %dma_start3A_151] : memref<10240x128xf32, #tpu.memory_space<vmem_shared>> -> memref<64x128xf32, #tpu.memory_space<vmem_shared>>
      tpu.enqueue_dma source(%arg12 : memref<64x128xf32, #tpu.memory_space<vmem>>) target(%dma_start3A_152 : memref<64x128xf32, #tpu.memory_space<vmem_shared>>) target_semaphore(%run_scoped3A : memref<!tpu.dma_semaphore, #tpu.memory_space<semaphore_mem>>)
      %dma_wait3A = arith.constant 0 : i32
      %dma_wait3A_153 = tpu.memref_slice %arg14[%add3A_130, %dma_wait3A] : memref<10240x128xf32, #tpu.memory_space<vmem_shared>> -> memref<64x128xf32, #tpu.memory_space<vmem_shared>>
      %dma_wait3A_154 = arith.constant 0 : i32
      %dma_wait3A_155 = tpu.memref_slice %arg14[%add3A_130, %dma_wait3A_154] : memref<10240x128xf32, #tpu.memory_space<vmem_shared>> -> memref<64x128xf32, #tpu.memory_space<vmem_shared>>
      tpu.wait_dma2 semaphore(%run_scoped3A : memref<!tpu.dma_semaphore, #tpu.memory_space<semaphore_mem>>) src(%arg12 : memref<64x128xf32, #tpu.memory_space<vmem>>) dst(%dma_wait3A_155 : memref<64x128xf32, #tpu.memory_space<vmem_shared>>)
      tpu.yield
    }) : () -> ()
    %add3A_131 = arith.constant 448 : i32
    %add3A_132 = arith.addi %multiple_of3A, %add3A_131 : i32
    "tpu.region"() ({
      %run_scoped3A = tpu.sem_alloc : memref<!tpu.dma_semaphore, #tpu.memory_space<semaphore_mem>>
      %dma_start3A = arith.constant 0 : i32
      %dma_start3A_150 = tpu.memref_slice %arg14[%add3A_132, %dma_start3A] : memref<10240x128xf32, #tpu.memory_space<vmem_shared>> -> memref<64x128xf32, #tpu.memory_space<vmem_shared>>
      %dma_start3A_151 = arith.constant 0 : i32
      %dma_start3A_152 = tpu.memref_slice %arg14[%add3A_132, %dma_start3A_151] : memref<10240x128xf32, #tpu.memory_space<vmem_shared>> -> memref<64x128xf32, #tpu.memory_space<vmem_shared>>
      tpu.enqueue_dma source(%arg12 : memref<64x128xf32, #tpu.memory_space<vmem>>) target(%dma_start3A_152 : memref<64x128xf32, #tpu.memory_space<vmem_shared>>) target_semaphore(%run_scoped3A : memref<!tpu.dma_semaphore, #tpu.memory_space<semaphore_mem>>)
      %dma_wait3A = arith.constant 0 : i32
      %dma_wait3A_153 = tpu.memref_slice %arg14[%add3A_132, %dma_wait3A] : memref<10240x128xf32, #tpu.memory_space<vmem_shared>> -> memref<64x128xf32, #tpu.memory_space<vmem_shared>>
      %dma_wait3A_154 = arith.constant 0 : i32
      %dma_wait3A_155 = tpu.memref_slice %arg14[%add3A_132, %dma_wait3A_154] : memref<10240x128xf32, #tpu.memory_space<vmem_shared>> -> memref<64x128xf32, #tpu.memory_space<vmem_shared>>
      tpu.wait_dma2 semaphore(%run_scoped3A : memref<!tpu.dma_semaphore, #tpu.memory_space<semaphore_mem>>) src(%arg12 : memref<64x128xf32, #tpu.memory_space<vmem>>) dst(%dma_wait3A_155 : memref<64x128xf32, #tpu.memory_space<vmem_shared>>)
      tpu.yield
    }) : () -> ()
    %add3A_133 = arith.constant 512 : i32
    %add3A_134 = arith.addi %multiple_of3A, %add3A_133 : i32
    "tpu.region"() ({
      %run_scoped3A = tpu.sem_alloc : memref<!tpu.dma_semaphore, #tpu.memory_space<semaphore_mem>>
      %dma_start3A = arith.constant 0 : i32
      %dma_start3A_150 = tpu.memref_slice %arg14[%add3A_134, %dma_start3A] : memref<10240x128xf32, #tpu.memory_space<vmem_shared>> -> memref<64x128xf32, #tpu.memory_space<vmem_shared>>
      %dma_start3A_151 = arith.constant 0 : i32
      %dma_start3A_152 = tpu.memref_slice %arg14[%add3A_134, %dma_start3A_151] : memref<10240x128xf32, #tpu.memory_space<vmem_shared>> -> memref<64x128xf32, #tpu.memory_space<vmem_shared>>
      tpu.enqueue_dma source(%arg12 : memref<64x128xf32, #tpu.memory_space<vmem>>) target(%dma_start3A_152 : memref<64x128xf32, #tpu.memory_space<vmem_shared>>) target_semaphore(%run_scoped3A : memref<!tpu.dma_semaphore, #tpu.memory_space<semaphore_mem>>)
      %dma_wait3A = arith.constant 0 : i32
      %dma_wait3A_153 = tpu.memref_slice %arg14[%add3A_134, %dma_wait3A] : memref<10240x128xf32, #tpu.memory_space<vmem_shared>> -> memref<64x128xf32, #tpu.memory_space<vmem_shared>>
      %dma_wait3A_154 = arith.constant 0 : i32
      %dma_wait3A_155 = tpu.memref_slice %arg14[%add3A_134, %dma_wait3A_154] : memref<10240x128xf32, #tpu.memory_space<vmem_shared>> -> memref<64x128xf32, #tpu.memory_space<vmem_shared>>
      tpu.wait_dma2 semaphore(%run_scoped3A : memref<!tpu.dma_semaphore, #tpu.memory_space<semaphore_mem>>) src(%arg12 : memref<64x128xf32, #tpu.memory_space<vmem>>) dst(%dma_wait3A_155 : memref<64x128xf32, #tpu.memory_space<vmem_shared>>)
      tpu.yield
    }) : () -> ()
    %add3A_135 = arith.constant 576 : i32
    %add3A_136 = arith.addi %multiple_of3A, %add3A_135 : i32
    "tpu.region"() ({
      %run_scoped3A = tpu.sem_alloc : memref<!tpu.dma_semaphore, #tpu.memory_space<semaphore_mem>>
      %dma_start3A = arith.constant 0 : i32
      %dma_start3A_150 = tpu.memref_slice %arg14[%add3A_136, %dma_start3A] : memref<10240x128xf32, #tpu.memory_space<vmem_shared>> -> memref<64x128xf32, #tpu.memory_space<vmem_shared>>
      %dma_start3A_151 = arith.constant 0 : i32
      %dma_start3A_152 = tpu.memref_slice %arg14[%add3A_136, %dma_start3A_151] : memref<10240x128xf32, #tpu.memory_space<vmem_shared>> -> memref<64x128xf32, #tpu.memory_space<vmem_shared>>
      tpu.enqueue_dma source(%arg12 : memref<64x128xf32, #tpu.memory_space<vmem>>) target(%dma_start3A_152 : memref<64x128xf32, #tpu.memory_space<vmem_shared>>) target_semaphore(%run_scoped3A : memref<!tpu.dma_semaphore, #tpu.memory_space<semaphore_mem>>)
      %dma_wait3A = arith.constant 0 : i32
      %dma_wait3A_153 = tpu.memref_slice %arg14[%add3A_136, %dma_wait3A] : memref<10240x128xf32, #tpu.memory_space<vmem_shared>> -> memref<64x128xf32, #tpu.memory_space<vmem_shared>>
      %dma_wait3A_154 = arith.constant 0 : i32
      %dma_wait3A_155 = tpu.memref_slice %arg14[%add3A_136, %dma_wait3A_154] : memref<10240x128xf32, #tpu.memory_space<vmem_shared>> -> memref<64x128xf32, #tpu.memory_space<vmem_shared>>
      tpu.wait_dma2 semaphore(%run_scoped3A : memref<!tpu.dma_semaphore, #tpu.memory_space<semaphore_mem>>) src(%arg12 : memref<64x128xf32, #tpu.memory_space<vmem>>) dst(%dma_wait3A_155 : memref<64x128xf32, #tpu.memory_space<vmem_shared>>)
      tpu.yield
    }) : () -> ()
    %barrier3A_137 = arith.constant 0 : index
    tpu.barrier barrier_id(%barrier3A_137)
    %scan3A_138 = arith.constant 0 : i32
    %scan3A_139 = arith.constant 0 : i32
    %scan3A_140 = arith.constant 20 : i32
    %scan3A_141 = arith.addi %scan3A_139, %scan3A_140 : i32
    %scan3A_142 = arith.constant 1 : i32
    %scan3A_143 = scf.for %scan3A_150 = %scan3A_139 to %scan3A_141 step %scan3A_142 iter_args(%scan3A_151 = %scan3A_138) -> (i32)  : i32 {
      %mul3A_152 = arith.constant 1024 : i32
      %mul3A_153 = arith.muli %scan3A_150, %mul3A_152 : i32
      %add3A_154 = arith.addi %mul3A_1, %mul3A_153 : i32
      %multiple_of3A_155 = tpu.assume_multiple %add3A_154, 1024 : i32
      "tpu.region"() ({
        %run_scoped3A = tpu.sem_alloc : memref<!tpu.dma_semaphore, #tpu.memory_space<semaphore_mem>>
        %dma_start3A = tpu.memref_slice %arg3[%multiple_of3A_155] : memref<642048xi32, #tpu.memory_space<hbm>> -> memref<1024xi32, #tpu.memory_space<hbm>>
        %dma_start3A_222 = tpu.memref_slice %arg3[%multiple_of3A_155] : memref<642048xi32, #tpu.memory_space<hbm>> -> memref<1024xi32, #tpu.memory_space<hbm>>
        tpu.enqueue_dma source(%dma_start3A_222 : memref<1024xi32, #tpu.memory_space<hbm>>) target(%arg6 : memref<1024xi32, #tpu.memory_space<vmem>>) target_semaphore(%run_scoped3A : memref<!tpu.dma_semaphore, #tpu.memory_space<semaphore_mem>>)
        %dma_wait3A = tpu.memref_slice %arg3[%multiple_of3A_155] : memref<642048xi32, #tpu.memory_space<hbm>> -> memref<1024xi32, #tpu.memory_space<hbm>>
        %dma_wait3A_223 = tpu.memref_slice %arg3[%multiple_of3A_155] : memref<642048xi32, #tpu.memory_space<hbm>> -> memref<1024xi32, #tpu.memory_space<hbm>>
        tpu.wait_dma2 semaphore(%run_scoped3A : memref<!tpu.dma_semaphore, #tpu.memory_space<semaphore_mem>>) src(%dma_wait3A_223 : memref<1024xi32, #tpu.memory_space<hbm>>) dst(%arg6 : memref<1024xi32, #tpu.memory_space<vmem>>)
        tpu.yield
      }) : () -> ()
      %add3A_156 = arith.constant 320000 : i32
      %add3A_157 = arith.addi %add3A_156, %multiple_of3A_155 : i32
      "tpu.region"() ({
        %run_scoped3A = tpu.sem_alloc : memref<!tpu.dma_semaphore, #tpu.memory_space<semaphore_mem>>
        %dma_start3A = tpu.memref_slice %arg3[%add3A_157] : memref<642048xi32, #tpu.memory_space<hbm>> -> memref<1024xi32, #tpu.memory_space<hbm>>
        %dma_start3A_222 = tpu.memref_slice %arg3[%add3A_157] : memref<642048xi32, #tpu.memory_space<hbm>> -> memref<1024xi32, #tpu.memory_space<hbm>>
        tpu.enqueue_dma source(%dma_start3A_222 : memref<1024xi32, #tpu.memory_space<hbm>>) target(%arg7 : memref<1024xi32, #tpu.memory_space<vmem>>) target_semaphore(%run_scoped3A : memref<!tpu.dma_semaphore, #tpu.memory_space<semaphore_mem>>)
        %dma_wait3A = tpu.memref_slice %arg3[%add3A_157] : memref<642048xi32, #tpu.memory_space<hbm>> -> memref<1024xi32, #tpu.memory_space<hbm>>
        %dma_wait3A_223 = tpu.memref_slice %arg3[%add3A_157] : memref<642048xi32, #tpu.memory_space<hbm>> -> memref<1024xi32, #tpu.memory_space<hbm>>
        tpu.wait_dma2 semaphore(%run_scoped3A : memref<!tpu.dma_semaphore, #tpu.memory_space<semaphore_mem>>) src(%dma_wait3A_223 : memref<1024xi32, #tpu.memory_space<hbm>>) dst(%arg7 : memref<1024xi32, #tpu.memory_space<vmem>>)
        tpu.yield
      }) : () -> ()
      %mul3A_158 = arith.constant 8 : i32
      %mul3A_159 = arith.muli %scan3A_150, %mul3A_158 : i32
      %add3A_160 = arith.constant 0 : i32
      %add3A_161 = arith.addi %mul3A_159, %add3A_160 : i32
      %lt3A = arith.cmpi slt, %add3A_161, %select_n3A : i32
      %convert_element_type3A_162 = arith.extui %lt3A : i1 to i32
      %cond3A_163 = arith.constant 0 : i32
      %cond3A_164 = arith.cmpi ne, %convert_element_type3A_162, %cond3A_163 : i32
      scf.if %cond3A_164 {
        %scan3A_222 = arith.constant 0 : i32
        %scan3A_223 = arith.constant 0 : i32
        %scan3A_224 = arith.constant 8 : i32
        %scan3A_225 = arith.addi %scan3A_223, %scan3A_224 : i32
        %scan3A_226 = arith.constant 1 : i32
        %scan3A_227 = scf.for %scan3A_236 = %scan3A_223 to %scan3A_225 step %scan3A_226 iter_args(%scan3A_237 = %scan3A_222) -> (i32)  : i32 {
          %mul3A_238 = arith.constant 16 : i32
          %mul3A_239 = arith.muli %scan3A_236, %mul3A_238 : i32
          %add3A_240 = arith.constant 0 : i32
          %add3A_241 = arith.addi %add3A_240, %mul3A_239 : i32
          %get3A = arith.index_cast %add3A_241 : i32 to index
          %get3A_242 = tpu.vector_load %arg6[%get3A] {strides = array<i32>} : memref<1024xi32, #tpu.memory_space<vmem>>, vector<16xi32>,
          %mul3A_243 = arith.constant 4 : i32
          %mul3A_244 = vector.broadcast %mul3A_243 : i32 to vector<16xi32>
          %mul3A_245 = arith.muli %get3A_242, %mul3A_244 : vector<16xi32>
          %add3A_246 = vector.broadcast %add3A_112 : i32 to vector<16xi32>
          %add3A_247 = arith.addi %mul3A_245, %add3A_246 : vector<16xi32>
          %mul3A_248 = arith.constant 16 : i32
          %mul3A_249 = arith.muli %scan3A_236, %mul3A_248 : i32
          %swap3A_250 = arith.index_cast %mul3A_249 : i32 to index
          %swap3A_251 = tpu.vector_load %arg8[%swap3A_250] {strides = array<i32>} : memref<128xi32, #tpu.memory_space<vmem>>, vector<16xi32>,
          tpu.vector_store %arg8[%swap3A_250], %add3A_247 {strides = array<i32>} : memref<128xi32, #tpu.memory_space<vmem>>, vector<16xi32>,
          %mul3A_252 = arith.constant 16 : i32
          %mul3A_253 = arith.muli %scan3A_236, %mul3A_252 : i32
          %add3A_254 = arith.constant 0 : i32
          %add3A_255 = arith.addi %add3A_254, %mul3A_253 : i32
          %get3A_256 = arith.index_cast %add3A_255 : i32 to index
          %get3A_257 = tpu.vector_load %arg7[%get3A_256] {strides = array<i32>} : memref<1024xi32, #tpu.memory_space<vmem>>, vector<16xi32>,
          %mul3A_258 = arith.constant 16 : i32
          %mul3A_259 = arith.muli %scan3A_236, %mul3A_258 : i32
          %swap3A_260 = arith.index_cast %mul3A_259 : i32 to index
          %swap3A_261 = tpu.vector_load %arg9[%swap3A_260] {strides = array<i32>} : memref<128xi32, #tpu.memory_space<vmem>>, vector<16xi32>,
          tpu.vector_store %arg9[%swap3A_260], %get3A_257 {strides = array<i32>} : memref<128xi32, #tpu.memory_space<vmem>>, vector<16xi32>,
          %scan3A_262 = arith.constant 0 : i32
          scf.yield %scan3A_262 : i32
        }
        %scan3A_228 = arith.constant 8 : i32
        %dma_start3A = arith.constant 0 : i32
        %dma_start3A_229 = arith.constant 0 : i32
        %dma_start3A_230 = tpu.memref_slice %arg2[%dma_start3A, %dma_start3A_229] : memref<40000x128xf32, #tpu.memory_space<hbm>> -> memref<40000x128xf32, #tpu.memory_space<hbm>>
        tpu.enqueue_indirect_dma source(%dma_start3A_230 : memref<40000x128xf32, #tpu.memory_space<hbm>>) target(%arg10 : memref<128x128xf32, #tpu.memory_space<vmem>>) offsets(%arg8 : memref<128xi32, #tpu.memory_space<vmem>>) semaphore(%arg16 : memref<!tpu.dma_semaphore, #tpu.memory_space<semaphore_mem>>)
        %dma_wait3A = arith.constant 0 : i32
        %dma_wait3A_231 = arith.constant 0 : i32
        %dma_wait3A_232 = tpu.memref_slice %arg2[%dma_wait3A, %dma_wait3A_231] : memref<40000x128xf32, #tpu.memory_space<hbm>> -> memref<40000x128xf32, #tpu.memory_space<hbm>>
        tpu.wait_indirect_dma semaphore(%arg16 : memref<!tpu.dma_semaphore, #tpu.memory_space<semaphore_mem>>) src(%dma_wait3A_232 : memref<40000x128xf32, #tpu.memory_space<hbm>>) dst(%arg10 : memref<128x128xf32, #tpu.memory_space<vmem>>)
        "tpu.region"() ({
          %run_scoped3A = tpu.sem_alloc : memref<!tpu.dma_semaphore, #tpu.memory_space<semaphore_mem>>
          %dma_start3A_236 = arith.constant 0 : i32
          %dma_start3A_237 = arith.constant 0 : i32
          %dma_start3A_238 = tpu.memref_slice %arg14[%dma_start3A_236, %dma_start3A_237] : memref<10240x128xf32, #tpu.memory_space<vmem_shared>> -> memref<10240x128xf32, #tpu.memory_space<vmem_shared>>
          tpu.enqueue_indirect_dma source(%arg10 : memref<128x128xf32, #tpu.memory_space<vmem>>) target(%dma_start3A_238 : memref<10240x128xf32, #tpu.memory_space<vmem_shared>>) offsets(%arg9 : memref<128xi32, #tpu.memory_space<vmem>>) semaphore(%run_scoped3A : memref<!tpu.dma_semaphore, #tpu.memory_space<semaphore_mem>>) {add = true}
          %dma_wait3A_239 = arith.constant 0 : i32
          %dma_wait3A_240 = arith.constant 0 : i32
          %dma_wait3A_241 = tpu.memref_slice %arg14[%dma_wait3A_239, %dma_wait3A_240] : memref<10240x128xf32, #tpu.memory_space<vmem_shared>> -> memref<10240x128xf32, #tpu.memory_space<vmem_shared>>
          tpu.wait_indirect_dma semaphore(%run_scoped3A : memref<!tpu.dma_semaphore, #tpu.memory_space<semaphore_mem>>) src(%arg10 : memref<128x128xf32, #tpu.memory_space<vmem>>) dst(%dma_wait3A_241 : memref<10240x128xf32, #tpu.memory_space<vmem_shared>>)
          tpu.yield
        }) : () -> ()
        %convert_element_type3A_233 = arith.extui %and3A_116 : i1 to i32
        %cond3A_234 = arith.constant 0 : i32
        %cond3A_235 = arith.cmpi ne, %convert_element_type3A_233, %cond3A_234 : i32
        scf.if %cond3A_235 {
          "tpu.region"() ({
            %run_scoped3A = tpu.sem_alloc : memref<!tpu.dma_semaphore, #tpu.memory_space<semaphore_mem>>
            %dma_start3A_236 = arith.constant 0 : i32
            %dma_start3A_237 = tpu.memref_slice %arg15[%dma_start3A_236] : memref<10240xf32, #tpu.memory_space<vmem_shared>> -> memref<10240xf32, #tpu.memory_space<vmem_shared>>
            tpu.enqueue_indirect_dma source(%arg11 : memref<128xf32, #tpu.memory_space<vmem>>) target(%dma_start3A_237 : memref<10240xf32, #tpu.memory_space<vmem_shared>>) offsets(%arg9 : memref<128xi32, #tpu.memory_space<vmem>>) semaphore(%run_scoped3A : memref<!tpu.dma_semaphore, #tpu.memory_space<semaphore_mem>>) {add = true}
            %dma_wait3A_238 = arith.constant 0 : i32
            %dma_wait3A_239 = tpu.memref_slice %arg15[%dma_wait3A_238] : memref<10240xf32, #tpu.memory_space<vmem_shared>> -> memref<10240xf32, #tpu.memory_space<vmem_shared>>
            tpu.wait_indirect_dma semaphore(%run_scoped3A : memref<!tpu.dma_semaphore, #tpu.memory_space<semaphore_mem>>) src(%arg11 : memref<128xf32, #tpu.memory_space<vmem>>) dst(%dma_wait3A_239 : memref<10240xf32, #tpu.memory_space<vmem_shared>>)
            tpu.yield
          }) : () -> ()
        } else {
        }
      } else {
      }
      %mul3A_165 = arith.constant 8 : i32
      %mul3A_166 = arith.muli %scan3A_150, %mul3A_165 : i32
      %add3A_167 = arith.constant 1 : i32
      %add3A_168 = arith.addi %mul3A_166, %add3A_167 : i32
      %lt3A_169 = arith.cmpi slt, %add3A_168, %select_n3A : i32
      %convert_element_type3A_170 = arith.extui %lt3A_169 : i1 to i32
      %cond3A_171 = arith.constant 0 : i32
      %cond3A_172 = arith.cmpi ne, %convert_element_type3A_170, %cond3A_171 : i32
      scf.if %cond3A_172 {
        %scan3A_222 = arith.constant 0 : i32
        %scan3A_223 = arith.constant 0 : i32
        %scan3A_224 = arith.constant 8 : i32
        %scan3A_225 = arith.addi %scan3A_223, %scan3A_224 : i32
        %scan3A_226 = arith.constant 1 : i32
        %scan3A_227 = scf.for %scan3A_236 = %scan3A_223 to %scan3A_225 step %scan3A_226 iter_args(%scan3A_237 = %scan3A_222) -> (i32)  : i32 {
          %mul3A_238 = arith.constant 16 : i32
          %mul3A_239 = arith.muli %scan3A_236, %mul3A_238 : i32
          %add3A_240 = arith.constant 128 : i32
          %add3A_241 = arith.addi %add3A_240, %mul3A_239 : i32
          %get3A = arith.index_cast %add3A_241 : i32 to index
          %get3A_242 = tpu.vector_load %arg6[%get3A] {strides = array<i32>} : memref<1024xi32, #tpu.memory_space<vmem>>, vector<16xi32>,
          %mul3A_243 = arith.constant 4 : i32
          %mul3A_244 = vector.broadcast %mul3A_243 : i32 to vector<16xi32>
          %mul3A_245 = arith.muli %get3A_242, %mul3A_244 : vector<16xi32>
          %add3A_246 = vector.broadcast %add3A_112 : i32 to vector<16xi32>
          %add3A_247 = arith.addi %mul3A_245, %add3A_246 : vector<16xi32>
          %mul3A_248 = arith.constant 16 : i32
          %mul3A_249 = arith.muli %scan3A_236, %mul3A_248 : i32
          %swap3A_250 = arith.index_cast %mul3A_249 : i32 to index
          %swap3A_251 = tpu.vector_load %arg8[%swap3A_250] {strides = array<i32>} : memref<128xi32, #tpu.memory_space<vmem>>, vector<16xi32>,
          tpu.vector_store %arg8[%swap3A_250], %add3A_247 {strides = array<i32>} : memref<128xi32, #tpu.memory_space<vmem>>, vector<16xi32>,
          %mul3A_252 = arith.constant 16 : i32
          %mul3A_253 = arith.muli %scan3A_236, %mul3A_252 : i32
          %add3A_254 = arith.constant 128 : i32
          %add3A_255 = arith.addi %add3A_254, %mul3A_253 : i32
          %get3A_256 = arith.index_cast %add3A_255 : i32 to index
          %get3A_257 = tpu.vector_load %arg7[%get3A_256] {strides = array<i32>} : memref<1024xi32, #tpu.memory_space<vmem>>, vector<16xi32>,
          %mul3A_258 = arith.constant 16 : i32
          %mul3A_259 = arith.muli %scan3A_236, %mul3A_258 : i32
          %swap3A_260 = arith.index_cast %mul3A_259 : i32 to index
          %swap3A_261 = tpu.vector_load %arg9[%swap3A_260] {strides = array<i32>} : memref<128xi32, #tpu.memory_space<vmem>>, vector<16xi32>,
          tpu.vector_store %arg9[%swap3A_260], %get3A_257 {strides = array<i32>} : memref<128xi32, #tpu.memory_space<vmem>>, vector<16xi32>,
          %scan3A_262 = arith.constant 0 : i32
          scf.yield %scan3A_262 : i32
        }
        %scan3A_228 = arith.constant 8 : i32
        %dma_start3A = arith.constant 0 : i32
        %dma_start3A_229 = arith.constant 0 : i32
        %dma_start3A_230 = tpu.memref_slice %arg2[%dma_start3A, %dma_start3A_229] : memref<40000x128xf32, #tpu.memory_space<hbm>> -> memref<40000x128xf32, #tpu.memory_space<hbm>>
        tpu.enqueue_indirect_dma source(%dma_start3A_230 : memref<40000x128xf32, #tpu.memory_space<hbm>>) target(%arg10 : memref<128x128xf32, #tpu.memory_space<vmem>>) offsets(%arg8 : memref<128xi32, #tpu.memory_space<vmem>>) semaphore(%arg16 : memref<!tpu.dma_semaphore, #tpu.memory_space<semaphore_mem>>)
        %dma_wait3A = arith.constant 0 : i32
        %dma_wait3A_231 = arith.constant 0 : i32
        %dma_wait3A_232 = tpu.memref_slice %arg2[%dma_wait3A, %dma_wait3A_231] : memref<40000x128xf32, #tpu.memory_space<hbm>> -> memref<40000x128xf32, #tpu.memory_space<hbm>>
        tpu.wait_indirect_dma semaphore(%arg16 : memref<!tpu.dma_semaphore, #tpu.memory_space<semaphore_mem>>) src(%dma_wait3A_232 : memref<40000x128xf32, #tpu.memory_space<hbm>>) dst(%arg10 : memref<128x128xf32, #tpu.memory_space<vmem>>)
        "tpu.region"() ({
          %run_scoped3A = tpu.sem_alloc : memref<!tpu.dma_semaphore, #tpu.memory_space<semaphore_mem>>
          %dma_start3A_236 = arith.constant 0 : i32
          %dma_start3A_237 = arith.constant 0 : i32
          %dma_start3A_238 = tpu.memref_slice %arg14[%dma_start3A_236, %dma_start3A_237] : memref<10240x128xf32, #tpu.memory_space<vmem_shared>> -> memref<10240x128xf32, #tpu.memory_space<vmem_shared>>
          tpu.enqueue_indirect_dma source(%arg10 : memref<128x128xf32, #tpu.memory_space<vmem>>) target(%dma_start3A_238 : memref<10240x128xf32, #tpu.memory_space<vmem_shared>>) offsets(%arg9 : memref<128xi32, #tpu.memory_space<vmem>>) semaphore(%run_scoped3A : memref<!tpu.dma_semaphore, #tpu.memory_space<semaphore_mem>>) {add = true}
          %dma_wait3A_239 = arith.constant 0 : i32
          %dma_wait3A_240 = arith.constant 0 : i32
          %dma_wait3A_241 = tpu.memref_slice %arg14[%dma_wait3A_239, %dma_wait3A_240] : memref<10240x128xf32, #tpu.memory_space<vmem_shared>> -> memref<10240x128xf32, #tpu.memory_space<vmem_shared>>
          tpu.wait_indirect_dma semaphore(%run_scoped3A : memref<!tpu.dma_semaphore, #tpu.memory_space<semaphore_mem>>) src(%arg10 : memref<128x128xf32, #tpu.memory_space<vmem>>) dst(%dma_wait3A_241 : memref<10240x128xf32, #tpu.memory_space<vmem_shared>>)
          tpu.yield
        }) : () -> ()
        %convert_element_type3A_233 = arith.extui %and3A_116 : i1 to i32
        %cond3A_234 = arith.constant 0 : i32
        %cond3A_235 = arith.cmpi ne, %convert_element_type3A_233, %cond3A_234 : i32
        scf.if %cond3A_235 {
          "tpu.region"() ({
            %run_scoped3A = tpu.sem_alloc : memref<!tpu.dma_semaphore, #tpu.memory_space<semaphore_mem>>
            %dma_start3A_236 = arith.constant 0 : i32
            %dma_start3A_237 = tpu.memref_slice %arg15[%dma_start3A_236] : memref<10240xf32, #tpu.memory_space<vmem_shared>> -> memref<10240xf32, #tpu.memory_space<vmem_shared>>
            tpu.enqueue_indirect_dma source(%arg11 : memref<128xf32, #tpu.memory_space<vmem>>) target(%dma_start3A_237 : memref<10240xf32, #tpu.memory_space<vmem_shared>>) offsets(%arg9 : memref<128xi32, #tpu.memory_space<vmem>>) semaphore(%run_scoped3A : memref<!tpu.dma_semaphore, #tpu.memory_space<semaphore_mem>>) {add = true}
            %dma_wait3A_238 = arith.constant 0 : i32
            %dma_wait3A_239 = tpu.memref_slice %arg15[%dma_wait3A_238] : memref<10240xf32, #tpu.memory_space<vmem_shared>> -> memref<10240xf32, #tpu.memory_space<vmem_shared>>
            tpu.wait_indirect_dma semaphore(%run_scoped3A : memref<!tpu.dma_semaphore, #tpu.memory_space<semaphore_mem>>) src(%arg11 : memref<128xf32, #tpu.memory_space<vmem>>) dst(%dma_wait3A_239 : memref<10240xf32, #tpu.memory_space<vmem_shared>>)
            tpu.yield
          }) : () -> ()
        } else {
        }
      } else {
      }
      %mul3A_173 = arith.constant 8 : i32
      %mul3A_174 = arith.muli %scan3A_150, %mul3A_173 : i32
      %add3A_175 = arith.constant 2 : i32
      %add3A_176 = arith.addi %mul3A_174, %add3A_175 : i32
      %lt3A_177 = arith.cmpi slt, %add3A_176, %select_n3A : i32
      %convert_element_type3A_178 = arith.extui %lt3A_177 : i1 to i32
      %cond3A_179 = arith.constant 0 : i32
      %cond3A_180 = arith.cmpi ne, %convert_element_type3A_178, %cond3A_179 : i32
      scf.if %cond3A_180 {
        %scan3A_222 = arith.constant 0 : i32
        %scan3A_223 = arith.constant 0 : i32
        %scan3A_224 = arith.constant 8 : i32
        %scan3A_225 = arith.addi %scan3A_223, %scan3A_224 : i32
        %scan3A_226 = arith.constant 1 : i32
        %scan3A_227 = scf.for %scan3A_236 = %scan3A_223 to %scan3A_225 step %scan3A_226 iter_args(%scan3A_237 = %scan3A_222) -> (i32)  : i32 {
          %mul3A_238 = arith.constant 16 : i32
          %mul3A_239 = arith.muli %scan3A_236, %mul3A_238 : i32
          %add3A_240 = arith.constant 256 : i32
          %add3A_241 = arith.addi %add3A_240, %mul3A_239 : i32
          %get3A = arith.index_cast %add3A_241 : i32 to index
          %get3A_242 = tpu.vector_load %arg6[%get3A] {strides = array<i32>} : memref<1024xi32, #tpu.memory_space<vmem>>, vector<16xi32>,
          %mul3A_243 = arith.constant 4 : i32
          %mul3A_244 = vector.broadcast %mul3A_243 : i32 to vector<16xi32>
          %mul3A_245 = arith.muli %get3A_242, %mul3A_244 : vector<16xi32>
          %add3A_246 = vector.broadcast %add3A_112 : i32 to vector<16xi32>
          %add3A_247 = arith.addi %mul3A_245, %add3A_246 : vector<16xi32>
          %mul3A_248 = arith.constant 16 : i32
          %mul3A_249 = arith.muli %scan3A_236, %mul3A_248 : i32
          %swap3A_250 = arith.index_cast %mul3A_249 : i32 to index
          %swap3A_251 = tpu.vector_load %arg8[%swap3A_250] {strides = array<i32>} : memref<128xi32, #tpu.memory_space<vmem>>, vector<16xi32>,
          tpu.vector_store %arg8[%swap3A_250], %add3A_247 {strides = array<i32>} : memref<128xi32, #tpu.memory_space<vmem>>, vector<16xi32>,
          %mul3A_252 = arith.constant 16 : i32
          %mul3A_253 = arith.muli %scan3A_236, %mul3A_252 : i32
          %add3A_254 = arith.constant 256 : i32
          %add3A_255 = arith.addi %add3A_254, %mul3A_253 : i32
          %get3A_256 = arith.index_cast %add3A_255 : i32 to index
          %get3A_257 = tpu.vector_load %arg7[%get3A_256] {strides = array<i32>} : memref<1024xi32, #tpu.memory_space<vmem>>, vector<16xi32>,
          %mul3A_258 = arith.constant 16 : i32
          %mul3A_259 = arith.muli %scan3A_236, %mul3A_258 : i32
          %swap3A_260 = arith.index_cast %mul3A_259 : i32 to index
          %swap3A_261 = tpu.vector_load %arg9[%swap3A_260] {strides = array<i32>} : memref<128xi32, #tpu.memory_space<vmem>>, vector<16xi32>,
          tpu.vector_store %arg9[%swap3A_260], %get3A_257 {strides = array<i32>} : memref<128xi32, #tpu.memory_space<vmem>>, vector<16xi32>,
          %scan3A_262 = arith.constant 0 : i32
          scf.yield %scan3A_262 : i32
        }
        %scan3A_228 = arith.constant 8 : i32
        %dma_start3A = arith.constant 0 : i32
        %dma_start3A_229 = arith.constant 0 : i32
        %dma_start3A_230 = tpu.memref_slice %arg2[%dma_start3A, %dma_start3A_229] : memref<40000x128xf32, #tpu.memory_space<hbm>> -> memref<40000x128xf32, #tpu.memory_space<hbm>>
        tpu.enqueue_indirect_dma source(%dma_start3A_230 : memref<40000x128xf32, #tpu.memory_space<hbm>>) target(%arg10 : memref<128x128xf32, #tpu.memory_space<vmem>>) offsets(%arg8 : memref<128xi32, #tpu.memory_space<vmem>>) semaphore(%arg16 : memref<!tpu.dma_semaphore, #tpu.memory_space<semaphore_mem>>)
        %dma_wait3A = arith.constant 0 : i32
        %dma_wait3A_231 = arith.constant 0 : i32
        %dma_wait3A_232 = tpu.memref_slice %arg2[%dma_wait3A, %dma_wait3A_231] : memref<40000x128xf32, #tpu.memory_space<hbm>> -> memref<40000x128xf32, #tpu.memory_space<hbm>>
        tpu.wait_indirect_dma semaphore(%arg16 : memref<!tpu.dma_semaphore, #tpu.memory_space<semaphore_mem>>) src(%dma_wait3A_232 : memref<40000x128xf32, #tpu.memory_space<hbm>>) dst(%arg10 : memref<128x128xf32, #tpu.memory_space<vmem>>)
        "tpu.region"() ({
          %run_scoped3A = tpu.sem_alloc : memref<!tpu.dma_semaphore, #tpu.memory_space<semaphore_mem>>
          %dma_start3A_236 = arith.constant 0 : i32
          %dma_start3A_237 = arith.constant 0 : i32
          %dma_start3A_238 = tpu.memref_slice %arg14[%dma_start3A_236, %dma_start3A_237] : memref<10240x128xf32, #tpu.memory_space<vmem_shared>> -> memref<10240x128xf32, #tpu.memory_space<vmem_shared>>
          tpu.enqueue_indirect_dma source(%arg10 : memref<128x128xf32, #tpu.memory_space<vmem>>) target(%dma_start3A_238 : memref<10240x128xf32, #tpu.memory_space<vmem_shared>>) offsets(%arg9 : memref<128xi32, #tpu.memory_space<vmem>>) semaphore(%run_scoped3A : memref<!tpu.dma_semaphore, #tpu.memory_space<semaphore_mem>>) {add = true}
          %dma_wait3A_239 = arith.constant 0 : i32
          %dma_wait3A_240 = arith.constant 0 : i32
          %dma_wait3A_241 = tpu.memref_slice %arg14[%dma_wait3A_239, %dma_wait3A_240] : memref<10240x128xf32, #tpu.memory_space<vmem_shared>> -> memref<10240x128xf32, #tpu.memory_space<vmem_shared>>
          tpu.wait_indirect_dma semaphore(%run_scoped3A : memref<!tpu.dma_semaphore, #tpu.memory_space<semaphore_mem>>) src(%arg10 : memref<128x128xf32, #tpu.memory_space<vmem>>) dst(%dma_wait3A_241 : memref<10240x128xf32, #tpu.memory_space<vmem_shared>>)
          tpu.yield
        }) : () -> ()
        %convert_element_type3A_233 = arith.extui %and3A_116 : i1 to i32
        %cond3A_234 = arith.constant 0 : i32
        %cond3A_235 = arith.cmpi ne, %convert_element_type3A_233, %cond3A_234 : i32
        scf.if %cond3A_235 {
          "tpu.region"() ({
            %run_scoped3A = tpu.sem_alloc : memref<!tpu.dma_semaphore, #tpu.memory_space<semaphore_mem>>
            %dma_start3A_236 = arith.constant 0 : i32
            %dma_start3A_237 = tpu.memref_slice %arg15[%dma_start3A_236] : memref<10240xf32, #tpu.memory_space<vmem_shared>> -> memref<10240xf32, #tpu.memory_space<vmem_shared>>
            tpu.enqueue_indirect_dma source(%arg11 : memref<128xf32, #tpu.memory_space<vmem>>) target(%dma_start3A_237 : memref<10240xf32, #tpu.memory_space<vmem_shared>>) offsets(%arg9 : memref<128xi32, #tpu.memory_space<vmem>>) semaphore(%run_scoped3A : memref<!tpu.dma_semaphore, #tpu.memory_space<semaphore_mem>>) {add = true}
            %dma_wait3A_238 = arith.constant 0 : i32
            %dma_wait3A_239 = tpu.memref_slice %arg15[%dma_wait3A_238] : memref<10240xf32, #tpu.memory_space<vmem_shared>> -> memref<10240xf32, #tpu.memory_space<vmem_shared>>
            tpu.wait_indirect_dma semaphore(%run_scoped3A : memref<!tpu.dma_semaphore, #tpu.memory_space<semaphore_mem>>) src(%arg11 : memref<128xf32, #tpu.memory_space<vmem>>) dst(%dma_wait3A_239 : memref<10240xf32, #tpu.memory_space<vmem_shared>>)
            tpu.yield
          }) : () -> ()
        } else {
        }
      } else {
      }
      %mul3A_181 = arith.constant 8 : i32
      %mul3A_182 = arith.muli %scan3A_150, %mul3A_181 : i32
      %add3A_183 = arith.constant 3 : i32
      %add3A_184 = arith.addi %mul3A_182, %add3A_183 : i32
      %lt3A_185 = arith.cmpi slt, %add3A_184, %select_n3A : i32
      %convert_element_type3A_186 = arith.extui %lt3A_185 : i1 to i32
      %cond3A_187 = arith.constant 0 : i32
      %cond3A_188 = arith.cmpi ne, %convert_element_type3A_186, %cond3A_187 : i32
      scf.if %cond3A_188 {
        %scan3A_222 = arith.constant 0 : i32
        %scan3A_223 = arith.constant 0 : i32
        %scan3A_224 = arith.constant 8 : i32
        %scan3A_225 = arith.addi %scan3A_223, %scan3A_224 : i32
        %scan3A_226 = arith.constant 1 : i32
        %scan3A_227 = scf.for %scan3A_236 = %scan3A_223 to %scan3A_225 step %scan3A_226 iter_args(%scan3A_237 = %scan3A_222) -> (i32)  : i32 {
          %mul3A_238 = arith.constant 16 : i32
          %mul3A_239 = arith.muli %scan3A_236, %mul3A_238 : i32
          %add3A_240 = arith.constant 384 : i32
          %add3A_241 = arith.addi %add3A_240, %mul3A_239 : i32
          %get3A = arith.index_cast %add3A_241 : i32 to index
          %get3A_242 = tpu.vector_load %arg6[%get3A] {strides = array<i32>} : memref<1024xi32, #tpu.memory_space<vmem>>, vector<16xi32>,
          %mul3A_243 = arith.constant 4 : i32
          %mul3A_244 = vector.broadcast %mul3A_243 : i32 to vector<16xi32>
          %mul3A_245 = arith.muli %get3A_242, %mul3A_244 : vector<16xi32>
          %add3A_246 = vector.broadcast %add3A_112 : i32 to vector<16xi32>
          %add3A_247 = arith.addi %mul3A_245, %add3A_246 : vector<16xi32>
          %mul3A_248 = arith.constant 16 : i32
          %mul3A_249 = arith.muli %scan3A_236, %mul3A_248 : i32
          %swap3A_250 = arith.index_cast %mul3A_249 : i32 to index
          %swap3A_251 = tpu.vector_load %arg8[%swap3A_250] {strides = array<i32>} : memref<128xi32, #tpu.memory_space<vmem>>, vector<16xi32>,
          tpu.vector_store %arg8[%swap3A_250], %add3A_247 {strides = array<i32>} : memref<128xi32, #tpu.memory_space<vmem>>, vector<16xi32>,
          %mul3A_252 = arith.constant 16 : i32
          %mul3A_253 = arith.muli %scan3A_236, %mul3A_252 : i32
          %add3A_254 = arith.constant 384 : i32
          %add3A_255 = arith.addi %add3A_254, %mul3A_253 : i32
          %get3A_256 = arith.index_cast %add3A_255 : i32 to index
          %get3A_257 = tpu.vector_load %arg7[%get3A_256] {strides = array<i32>} : memref<1024xi32, #tpu.memory_space<vmem>>, vector<16xi32>,
          %mul3A_258 = arith.constant 16 : i32
          %mul3A_259 = arith.muli %scan3A_236, %mul3A_258 : i32
          %swap3A_260 = arith.index_cast %mul3A_259 : i32 to index
          %swap3A_261 = tpu.vector_load %arg9[%swap3A_260] {strides = array<i32>} : memref<128xi32, #tpu.memory_space<vmem>>, vector<16xi32>,
          tpu.vector_store %arg9[%swap3A_260], %get3A_257 {strides = array<i32>} : memref<128xi32, #tpu.memory_space<vmem>>, vector<16xi32>,
          %scan3A_262 = arith.constant 0 : i32
          scf.yield %scan3A_262 : i32
        }
        %scan3A_228 = arith.constant 8 : i32
        %dma_start3A = arith.constant 0 : i32
        %dma_start3A_229 = arith.constant 0 : i32
        %dma_start3A_230 = tpu.memref_slice %arg2[%dma_start3A, %dma_start3A_229] : memref<40000x128xf32, #tpu.memory_space<hbm>> -> memref<40000x128xf32, #tpu.memory_space<hbm>>
        tpu.enqueue_indirect_dma source(%dma_start3A_230 : memref<40000x128xf32, #tpu.memory_space<hbm>>) target(%arg10 : memref<128x128xf32, #tpu.memory_space<vmem>>) offsets(%arg8 : memref<128xi32, #tpu.memory_space<vmem>>) semaphore(%arg16 : memref<!tpu.dma_semaphore, #tpu.memory_space<semaphore_mem>>)
        %dma_wait3A = arith.constant 0 : i32
        %dma_wait3A_231 = arith.constant 0 : i32
        %dma_wait3A_232 = tpu.memref_slice %arg2[%dma_wait3A, %dma_wait3A_231] : memref<40000x128xf32, #tpu.memory_space<hbm>> -> memref<40000x128xf32, #tpu.memory_space<hbm>>
        tpu.wait_indirect_dma semaphore(%arg16 : memref<!tpu.dma_semaphore, #tpu.memory_space<semaphore_mem>>) src(%dma_wait3A_232 : memref<40000x128xf32, #tpu.memory_space<hbm>>) dst(%arg10 : memref<128x128xf32, #tpu.memory_space<vmem>>)
        "tpu.region"() ({
          %run_scoped3A = tpu.sem_alloc : memref<!tpu.dma_semaphore, #tpu.memory_space<semaphore_mem>>
          %dma_start3A_236 = arith.constant 0 : i32
          %dma_start3A_237 = arith.constant 0 : i32
          %dma_start3A_238 = tpu.memref_slice %arg14[%dma_start3A_236, %dma_start3A_237] : memref<10240x128xf32, #tpu.memory_space<vmem_shared>> -> memref<10240x128xf32, #tpu.memory_space<vmem_shared>>
          tpu.enqueue_indirect_dma source(%arg10 : memref<128x128xf32, #tpu.memory_space<vmem>>) target(%dma_start3A_238 : memref<10240x128xf32, #tpu.memory_space<vmem_shared>>) offsets(%arg9 : memref<128xi32, #tpu.memory_space<vmem>>) semaphore(%run_scoped3A : memref<!tpu.dma_semaphore, #tpu.memory_space<semaphore_mem>>) {add = true}
          %dma_wait3A_239 = arith.constant 0 : i32
          %dma_wait3A_240 = arith.constant 0 : i32
          %dma_wait3A_241 = tpu.memref_slice %arg14[%dma_wait3A_239, %dma_wait3A_240] : memref<10240x128xf32, #tpu.memory_space<vmem_shared>> -> memref<10240x128xf32, #tpu.memory_space<vmem_shared>>
          tpu.wait_indirect_dma semaphore(%run_scoped3A : memref<!tpu.dma_semaphore, #tpu.memory_space<semaphore_mem>>) src(%arg10 : memref<128x128xf32, #tpu.memory_space<vmem>>) dst(%dma_wait3A_241 : memref<10240x128xf32, #tpu.memory_space<vmem_shared>>)
          tpu.yield
        }) : () -> ()
        %convert_element_type3A_233 = arith.extui %and3A_116 : i1 to i32
        %cond3A_234 = arith.constant 0 : i32
        %cond3A_235 = arith.cmpi ne, %convert_element_type3A_233, %cond3A_234 : i32
        scf.if %cond3A_235 {
          "tpu.region"() ({
            %run_scoped3A = tpu.sem_alloc : memref<!tpu.dma_semaphore, #tpu.memory_space<semaphore_mem>>
            %dma_start3A_236 = arith.constant 0 : i32
            %dma_start3A_237 = tpu.memref_slice %arg15[%dma_start3A_236] : memref<10240xf32, #tpu.memory_space<vmem_shared>> -> memref<10240xf32, #tpu.memory_space<vmem_shared>>
            tpu.enqueue_indirect_dma source(%arg11 : memref<128xf32, #tpu.memory_space<vmem>>) target(%dma_start3A_237 : memref<10240xf32, #tpu.memory_space<vmem_shared>>) offsets(%arg9 : memref<128xi32, #tpu.memory_space<vmem>>) semaphore(%run_scoped3A : memref<!tpu.dma_semaphore, #tpu.memory_space<semaphore_mem>>) {add = true}
            %dma_wait3A_238 = arith.constant 0 : i32
            %dma_wait3A_239 = tpu.memref_slice %arg15[%dma_wait3A_238] : memref<10240xf32, #tpu.memory_space<vmem_shared>> -> memref<10240xf32, #tpu.memory_space<vmem_shared>>
            tpu.wait_indirect_dma semaphore(%run_scoped3A : memref<!tpu.dma_semaphore, #tpu.memory_space<semaphore_mem>>) src(%arg11 : memref<128xf32, #tpu.memory_space<vmem>>) dst(%dma_wait3A_239 : memref<10240xf32, #tpu.memory_space<vmem_shared>>)
            tpu.yield
          }) : () -> ()
        } else {
        }
      } else {
      }
      %mul3A_189 = arith.constant 8 : i32
      %mul3A_190 = arith.muli %scan3A_150, %mul3A_189 : i32
      %add3A_191 = arith.constant 4 : i32
      %add3A_192 = arith.addi %mul3A_190, %add3A_191 : i32
      %lt3A_193 = arith.cmpi slt, %add3A_192, %select_n3A : i32
      %convert_element_type3A_194 = arith.extui %lt3A_193 : i1 to i32
      %cond3A_195 = arith.constant 0 : i32
      %cond3A_196 = arith.cmpi ne, %convert_element_type3A_194, %cond3A_195 : i32
      scf.if %cond3A_196 {
        %scan3A_222 = arith.constant 0 : i32
        %scan3A_223 = arith.constant 0 : i32
        %scan3A_224 = arith.constant 8 : i32
        %scan3A_225 = arith.addi %scan3A_223, %scan3A_224 : i32
        %scan3A_226 = arith.constant 1 : i32
        %scan3A_227 = scf.for %scan3A_236 = %scan3A_223 to %scan3A_225 step %scan3A_226 iter_args(%scan3A_237 = %scan3A_222) -> (i32)  : i32 {
          %mul3A_238 = arith.constant 16 : i32
          %mul3A_239 = arith.muli %scan3A_236, %mul3A_238 : i32
          %add3A_240 = arith.constant 512 : i32
          %add3A_241 = arith.addi %add3A_240, %mul3A_239 : i32
          %get3A = arith.index_cast %add3A_241 : i32 to index
          %get3A_242 = tpu.vector_load %arg6[%get3A] {strides = array<i32>} : memref<1024xi32, #tpu.memory_space<vmem>>, vector<16xi32>,
          %mul3A_243 = arith.constant 4 : i32
          %mul3A_244 = vector.broadcast %mul3A_243 : i32 to vector<16xi32>
          %mul3A_245 = arith.muli %get3A_242, %mul3A_244 : vector<16xi32>
          %add3A_246 = vector.broadcast %add3A_112 : i32 to vector<16xi32>
          %add3A_247 = arith.addi %mul3A_245, %add3A_246 : vector<16xi32>
          %mul3A_248 = arith.constant 16 : i32
          %mul3A_249 = arith.muli %scan3A_236, %mul3A_248 : i32
          %swap3A_250 = arith.index_cast %mul3A_249 : i32 to index
          %swap3A_251 = tpu.vector_load %arg8[%swap3A_250] {strides = array<i32>} : memref<128xi32, #tpu.memory_space<vmem>>, vector<16xi32>,
          tpu.vector_store %arg8[%swap3A_250], %add3A_247 {strides = array<i32>} : memref<128xi32, #tpu.memory_space<vmem>>, vector<16xi32>,
          %mul3A_252 = arith.constant 16 : i32
          %mul3A_253 = arith.muli %scan3A_236, %mul3A_252 : i32
          %add3A_254 = arith.constant 512 : i32
          %add3A_255 = arith.addi %add3A_254, %mul3A_253 : i32
          %get3A_256 = arith.index_cast %add3A_255 : i32 to index
          %get3A_257 = tpu.vector_load %arg7[%get3A_256] {strides = array<i32>} : memref<1024xi32, #tpu.memory_space<vmem>>, vector<16xi32>,
          %mul3A_258 = arith.constant 16 : i32
          %mul3A_259 = arith.muli %scan3A_236, %mul3A_258 : i32
          %swap3A_260 = arith.index_cast %mul3A_259 : i32 to index
          %swap3A_261 = tpu.vector_load %arg9[%swap3A_260] {strides = array<i32>} : memref<128xi32, #tpu.memory_space<vmem>>, vector<16xi32>,
          tpu.vector_store %arg9[%swap3A_260], %get3A_257 {strides = array<i32>} : memref<128xi32, #tpu.memory_space<vmem>>, vector<16xi32>,
          %scan3A_262 = arith.constant 0 : i32
          scf.yield %scan3A_262 : i32
        }
        %scan3A_228 = arith.constant 8 : i32
        %dma_start3A = arith.constant 0 : i32
        %dma_start3A_229 = arith.constant 0 : i32
        %dma_start3A_230 = tpu.memref_slice %arg2[%dma_start3A, %dma_start3A_229] : memref<40000x128xf32, #tpu.memory_space<hbm>> -> memref<40000x128xf32, #tpu.memory_space<hbm>>
        tpu.enqueue_indirect_dma source(%dma_start3A_230 : memref<40000x128xf32, #tpu.memory_space<hbm>>) target(%arg10 : memref<128x128xf32, #tpu.memory_space<vmem>>) offsets(%arg8 : memref<128xi32, #tpu.memory_space<vmem>>) semaphore(%arg16 : memref<!tpu.dma_semaphore, #tpu.memory_space<semaphore_mem>>)
        %dma_wait3A = arith.constant 0 : i32
        %dma_wait3A_231 = arith.constant 0 : i32
        %dma_wait3A_232 = tpu.memref_slice %arg2[%dma_wait3A, %dma_wait3A_231] : memref<40000x128xf32, #tpu.memory_space<hbm>> -> memref<40000x128xf32, #tpu.memory_space<hbm>>
        tpu.wait_indirect_dma semaphore(%arg16 : memref<!tpu.dma_semaphore, #tpu.memory_space<semaphore_mem>>) src(%dma_wait3A_232 : memref<40000x128xf32, #tpu.memory_space<hbm>>) dst(%arg10 : memref<128x128xf32, #tpu.memory_space<vmem>>)
        "tpu.region"() ({
          %run_scoped3A = tpu.sem_alloc : memref<!tpu.dma_semaphore, #tpu.memory_space<semaphore_mem>>
          %dma_start3A_236 = arith.constant 0 : i32
          %dma_start3A_237 = arith.constant 0 : i32
          %dma_start3A_238 = tpu.memref_slice %arg14[%dma_start3A_236, %dma_start3A_237] : memref<10240x128xf32, #tpu.memory_space<vmem_shared>> -> memref<10240x128xf32, #tpu.memory_space<vmem_shared>>
          tpu.enqueue_indirect_dma source(%arg10 : memref<128x128xf32, #tpu.memory_space<vmem>>) target(%dma_start3A_238 : memref<10240x128xf32, #tpu.memory_space<vmem_shared>>) offsets(%arg9 : memref<128xi32, #tpu.memory_space<vmem>>) semaphore(%run_scoped3A : memref<!tpu.dma_semaphore, #tpu.memory_space<semaphore_mem>>) {add = true}
          %dma_wait3A_239 = arith.constant 0 : i32
          %dma_wait3A_240 = arith.constant 0 : i32
          %dma_wait3A_241 = tpu.memref_slice %arg14[%dma_wait3A_239, %dma_wait3A_240] : memref<10240x128xf32, #tpu.memory_space<vmem_shared>> -> memref<10240x128xf32, #tpu.memory_space<vmem_shared>>
          tpu.wait_indirect_dma semaphore(%run_scoped3A : memref<!tpu.dma_semaphore, #tpu.memory_space<semaphore_mem>>) src(%arg10 : memref<128x128xf32, #tpu.memory_space<vmem>>) dst(%dma_wait3A_241 : memref<10240x128xf32, #tpu.memory_space<vmem_shared>>)
          tpu.yield
        }) : () -> ()
        %convert_element_type3A_233 = arith.extui %and3A_116 : i1 to i32
        %cond3A_234 = arith.constant 0 : i32
        %cond3A_235 = arith.cmpi ne, %convert_element_type3A_233, %cond3A_234 : i32
        scf.if %cond3A_235 {
          "tpu.region"() ({
            %run_scoped3A = tpu.sem_alloc : memref<!tpu.dma_semaphore, #tpu.memory_space<semaphore_mem>>
            %dma_start3A_236 = arith.constant 0 : i32
            %dma_start3A_237 = tpu.memref_slice %arg15[%dma_start3A_236] : memref<10240xf32, #tpu.memory_space<vmem_shared>> -> memref<10240xf32, #tpu.memory_space<vmem_shared>>
            tpu.enqueue_indirect_dma source(%arg11 : memref<128xf32, #tpu.memory_space<vmem>>) target(%dma_start3A_237 : memref<10240xf32, #tpu.memory_space<vmem_shared>>) offsets(%arg9 : memref<128xi32, #tpu.memory_space<vmem>>) semaphore(%run_scoped3A : memref<!tpu.dma_semaphore, #tpu.memory_space<semaphore_mem>>) {add = true}
            %dma_wait3A_238 = arith.constant 0 : i32
            %dma_wait3A_239 = tpu.memref_slice %arg15[%dma_wait3A_238] : memref<10240xf32, #tpu.memory_space<vmem_shared>> -> memref<10240xf32, #tpu.memory_space<vmem_shared>>
            tpu.wait_indirect_dma semaphore(%run_scoped3A : memref<!tpu.dma_semaphore, #tpu.memory_space<semaphore_mem>>) src(%arg11 : memref<128xf32, #tpu.memory_space<vmem>>) dst(%dma_wait3A_239 : memref<10240xf32, #tpu.memory_space<vmem_shared>>)
            tpu.yield
          }) : () -> ()
        } else {
        }
      } else {
      }
      %mul3A_197 = arith.constant 8 : i32
      %mul3A_198 = arith.muli %scan3A_150, %mul3A_197 : i32
      %add3A_199 = arith.constant 5 : i32
      %add3A_200 = arith.addi %mul3A_198, %add3A_199 : i32
      %lt3A_201 = arith.cmpi slt, %add3A_200, %select_n3A : i32
      %convert_element_type3A_202 = arith.extui %lt3A_201 : i1 to i32
      %cond3A_203 = arith.constant 0 : i32
      %cond3A_204 = arith.cmpi ne, %convert_element_type3A_202, %cond3A_203 : i32
      scf.if %cond3A_204 {
        %scan3A_222 = arith.constant 0 : i32
        %scan3A_223 = arith.constant 0 : i32
        %scan3A_224 = arith.constant 8 : i32
        %scan3A_225 = arith.addi %scan3A_223, %scan3A_224 : i32
        %scan3A_226 = arith.constant 1 : i32
        %scan3A_227 = scf.for %scan3A_236 = %scan3A_223 to %scan3A_225 step %scan3A_226 iter_args(%scan3A_237 = %scan3A_222) -> (i32)  : i32 {
          %mul3A_238 = arith.constant 16 : i32
          %mul3A_239 = arith.muli %scan3A_236, %mul3A_238 : i32
          %add3A_240 = arith.constant 640 : i32
          %add3A_241 = arith.addi %add3A_240, %mul3A_239 : i32
          %get3A = arith.index_cast %add3A_241 : i32 to index
          %get3A_242 = tpu.vector_load %arg6[%get3A] {strides = array<i32>} : memref<1024xi32, #tpu.memory_space<vmem>>, vector<16xi32>,
          %mul3A_243 = arith.constant 4 : i32
          %mul3A_244 = vector.broadcast %mul3A_243 : i32 to vector<16xi32>
          %mul3A_245 = arith.muli %get3A_242, %mul3A_244 : vector<16xi32>
          %add3A_246 = vector.broadcast %add3A_112 : i32 to vector<16xi32>
          %add3A_247 = arith.addi %mul3A_245, %add3A_246 : vector<16xi32>
          %mul3A_248 = arith.constant 16 : i32
          %mul3A_249 = arith.muli %scan3A_236, %mul3A_248 : i32
          %swap3A_250 = arith.index_cast %mul3A_249 : i32 to index
          %swap3A_251 = tpu.vector_load %arg8[%swap3A_250] {strides = array<i32>} : memref<128xi32, #tpu.memory_space<vmem>>, vector<16xi32>,
          tpu.vector_store %arg8[%swap3A_250], %add3A_247 {strides = array<i32>} : memref<128xi32, #tpu.memory_space<vmem>>, vector<16xi32>,
          %mul3A_252 = arith.constant 16 : i32
          %mul3A_253 = arith.muli %scan3A_236, %mul3A_252 : i32
          %add3A_254 = arith.constant 640 : i32
          %add3A_255 = arith.addi %add3A_254, %mul3A_253 : i32
          %get3A_256 = arith.index_cast %add3A_255 : i32 to index
          %get3A_257 = tpu.vector_load %arg7[%get3A_256] {strides = array<i32>} : memref<1024xi32, #tpu.memory_space<vmem>>, vector<16xi32>,
          %mul3A_258 = arith.constant 16 : i32
          %mul3A_259 = arith.muli %scan3A_236, %mul3A_258 : i32
          %swap3A_260 = arith.index_cast %mul3A_259 : i32 to index
          %swap3A_261 = tpu.vector_load %arg9[%swap3A_260] {strides = array<i32>} : memref<128xi32, #tpu.memory_space<vmem>>, vector<16xi32>,
          tpu.vector_store %arg9[%swap3A_260], %get3A_257 {strides = array<i32>} : memref<128xi32, #tpu.memory_space<vmem>>, vector<16xi32>,
          %scan3A_262 = arith.constant 0 : i32
          scf.yield %scan3A_262 : i32
        }
        %scan3A_228 = arith.constant 8 : i32
        %dma_start3A = arith.constant 0 : i32
        %dma_start3A_229 = arith.constant 0 : i32
        %dma_start3A_230 = tpu.memref_slice %arg2[%dma_start3A, %dma_start3A_229] : memref<40000x128xf32, #tpu.memory_space<hbm>> -> memref<40000x128xf32, #tpu.memory_space<hbm>>
        tpu.enqueue_indirect_dma source(%dma_start3A_230 : memref<40000x128xf32, #tpu.memory_space<hbm>>) target(%arg10 : memref<128x128xf32, #tpu.memory_space<vmem>>) offsets(%arg8 : memref<128xi32, #tpu.memory_space<vmem>>) semaphore(%arg16 : memref<!tpu.dma_semaphore, #tpu.memory_space<semaphore_mem>>)
        %dma_wait3A = arith.constant 0 : i32
        %dma_wait3A_231 = arith.constant 0 : i32
        %dma_wait3A_232 = tpu.memref_slice %arg2[%dma_wait3A, %dma_wait3A_231] : memref<40000x128xf32, #tpu.memory_space<hbm>> -> memref<40000x128xf32, #tpu.memory_space<hbm>>
        tpu.wait_indirect_dma semaphore(%arg16 : memref<!tpu.dma_semaphore, #tpu.memory_space<semaphore_mem>>) src(%dma_wait3A_232 : memref<40000x128xf32, #tpu.memory_space<hbm>>) dst(%arg10 : memref<128x128xf32, #tpu.memory_space<vmem>>)
        "tpu.region"() ({
          %run_scoped3A = tpu.sem_alloc : memref<!tpu.dma_semaphore, #tpu.memory_space<semaphore_mem>>
          %dma_start3A_236 = arith.constant 0 : i32
          %dma_start3A_237 = arith.constant 0 : i32
          %dma_start3A_238 = tpu.memref_slice %arg14[%dma_start3A_236, %dma_start3A_237] : memref<10240x128xf32, #tpu.memory_space<vmem_shared>> -> memref<10240x128xf32, #tpu.memory_space<vmem_shared>>
          tpu.enqueue_indirect_dma source(%arg10 : memref<128x128xf32, #tpu.memory_space<vmem>>) target(%dma_start3A_238 : memref<10240x128xf32, #tpu.memory_space<vmem_shared>>) offsets(%arg9 : memref<128xi32, #tpu.memory_space<vmem>>) semaphore(%run_scoped3A : memref<!tpu.dma_semaphore, #tpu.memory_space<semaphore_mem>>) {add = true}
          %dma_wait3A_239 = arith.constant 0 : i32
          %dma_wait3A_240 = arith.constant 0 : i32
          %dma_wait3A_241 = tpu.memref_slice %arg14[%dma_wait3A_239, %dma_wait3A_240] : memref<10240x128xf32, #tpu.memory_space<vmem_shared>> -> memref<10240x128xf32, #tpu.memory_space<vmem_shared>>
          tpu.wait_indirect_dma semaphore(%run_scoped3A : memref<!tpu.dma_semaphore, #tpu.memory_space<semaphore_mem>>) src(%arg10 : memref<128x128xf32, #tpu.memory_space<vmem>>) dst(%dma_wait3A_241 : memref<10240x128xf32, #tpu.memory_space<vmem_shared>>)
          tpu.yield
        }) : () -> ()
        %convert_element_type3A_233 = arith.extui %and3A_116 : i1 to i32
        %cond3A_234 = arith.constant 0 : i32
        %cond3A_235 = arith.cmpi ne, %convert_element_type3A_233, %cond3A_234 : i32
        scf.if %cond3A_235 {
          "tpu.region"() ({
            %run_scoped3A = tpu.sem_alloc : memref<!tpu.dma_semaphore, #tpu.memory_space<semaphore_mem>>
            %dma_start3A_236 = arith.constant 0 : i32
            %dma_start3A_237 = tpu.memref_slice %arg15[%dma_start3A_236] : memref<10240xf32, #tpu.memory_space<vmem_shared>> -> memref<10240xf32, #tpu.memory_space<vmem_shared>>
            tpu.enqueue_indirect_dma source(%arg11 : memref<128xf32, #tpu.memory_space<vmem>>) target(%dma_start3A_237 : memref<10240xf32, #tpu.memory_space<vmem_shared>>) offsets(%arg9 : memref<128xi32, #tpu.memory_space<vmem>>) semaphore(%run_scoped3A : memref<!tpu.dma_semaphore, #tpu.memory_space<semaphore_mem>>) {add = true}
            %dma_wait3A_238 = arith.constant 0 : i32
            %dma_wait3A_239 = tpu.memref_slice %arg15[%dma_wait3A_238] : memref<10240xf32, #tpu.memory_space<vmem_shared>> -> memref<10240xf32, #tpu.memory_space<vmem_shared>>
            tpu.wait_indirect_dma semaphore(%run_scoped3A : memref<!tpu.dma_semaphore, #tpu.memory_space<semaphore_mem>>) src(%arg11 : memref<128xf32, #tpu.memory_space<vmem>>) dst(%dma_wait3A_239 : memref<10240xf32, #tpu.memory_space<vmem_shared>>)
            tpu.yield
          }) : () -> ()
        } else {
        }
      } else {
      }
      %mul3A_205 = arith.constant 8 : i32
      %mul3A_206 = arith.muli %scan3A_150, %mul3A_205 : i32
      %add3A_207 = arith.constant 6 : i32
      %add3A_208 = arith.addi %mul3A_206, %add3A_207 : i32
      %lt3A_209 = arith.cmpi slt, %add3A_208, %select_n3A : i32
      %convert_element_type3A_210 = arith.extui %lt3A_209 : i1 to i32
      %cond3A_211 = arith.constant 0 : i32
      %cond3A_212 = arith.cmpi ne, %convert_element_type3A_210, %cond3A_211 : i32
      scf.if %cond3A_212 {
        %scan3A_222 = arith.constant 0 : i32
        %scan3A_223 = arith.constant 0 : i32
        %scan3A_224 = arith.constant 8 : i32
        %scan3A_225 = arith.addi %scan3A_223, %scan3A_224 : i32
        %scan3A_226 = arith.constant 1 : i32
        %scan3A_227 = scf.for %scan3A_236 = %scan3A_223 to %scan3A_225 step %scan3A_226 iter_args(%scan3A_237 = %scan3A_222) -> (i32)  : i32 {
          %mul3A_238 = arith.constant 16 : i32
          %mul3A_239 = arith.muli %scan3A_236, %mul3A_238 : i32
          %add3A_240 = arith.constant 768 : i32
          %add3A_241 = arith.addi %add3A_240, %mul3A_239 : i32
          %get3A = arith.index_cast %add3A_241 : i32 to index
          %get3A_242 = tpu.vector_load %arg6[%get3A] {strides = array<i32>} : memref<1024xi32, #tpu.memory_space<vmem>>, vector<16xi32>,
          %mul3A_243 = arith.constant 4 : i32
          %mul3A_244 = vector.broadcast %mul3A_243 : i32 to vector<16xi32>
          %mul3A_245 = arith.muli %get3A_242, %mul3A_244 : vector<16xi32>
          %add3A_246 = vector.broadcast %add3A_112 : i32 to vector<16xi32>
          %add3A_247 = arith.addi %mul3A_245, %add3A_246 : vector<16xi32>
          %mul3A_248 = arith.constant 16 : i32
          %mul3A_249 = arith.muli %scan3A_236, %mul3A_248 : i32
          %swap3A_250 = arith.index_cast %mul3A_249 : i32 to index
          %swap3A_251 = tpu.vector_load %arg8[%swap3A_250] {strides = array<i32>} : memref<128xi32, #tpu.memory_space<vmem>>, vector<16xi32>,
          tpu.vector_store %arg8[%swap3A_250], %add3A_247 {strides = array<i32>} : memref<128xi32, #tpu.memory_space<vmem>>, vector<16xi32>,
          %mul3A_252 = arith.constant 16 : i32
          %mul3A_253 = arith.muli %scan3A_236, %mul3A_252 : i32
          %add3A_254 = arith.constant 768 : i32
          %add3A_255 = arith.addi %add3A_254, %mul3A_253 : i32
          %get3A_256 = arith.index_cast %add3A_255 : i32 to index
          %get3A_257 = tpu.vector_load %arg7[%get3A_256] {strides = array<i32>} : memref<1024xi32, #tpu.memory_space<vmem>>, vector<16xi32>,
          %mul3A_258 = arith.constant 16 : i32
          %mul3A_259 = arith.muli %scan3A_236, %mul3A_258 : i32
          %swap3A_260 = arith.index_cast %mul3A_259 : i32 to index
          %swap3A_261 = tpu.vector_load %arg9[%swap3A_260] {strides = array<i32>} : memref<128xi32, #tpu.memory_space<vmem>>, vector<16xi32>,
          tpu.vector_store %arg9[%swap3A_260], %get3A_257 {strides = array<i32>} : memref<128xi32, #tpu.memory_space<vmem>>, vector<16xi32>,
          %scan3A_262 = arith.constant 0 : i32
          scf.yield %scan3A_262 : i32
        }
        %scan3A_228 = arith.constant 8 : i32
        %dma_start3A = arith.constant 0 : i32
        %dma_start3A_229 = arith.constant 0 : i32
        %dma_start3A_230 = tpu.memref_slice %arg2[%dma_start3A, %dma_start3A_229] : memref<40000x128xf32, #tpu.memory_space<hbm>> -> memref<40000x128xf32, #tpu.memory_space<hbm>>
        tpu.enqueue_indirect_dma source(%dma_start3A_230 : memref<40000x128xf32, #tpu.memory_space<hbm>>) target(%arg10 : memref<128x128xf32, #tpu.memory_space<vmem>>) offsets(%arg8 : memref<128xi32, #tpu.memory_space<vmem>>) semaphore(%arg16 : memref<!tpu.dma_semaphore, #tpu.memory_space<semaphore_mem>>)
        %dma_wait3A = arith.constant 0 : i32
        %dma_wait3A_231 = arith.constant 0 : i32
        %dma_wait3A_232 = tpu.memref_slice %arg2[%dma_wait3A, %dma_wait3A_231] : memref<40000x128xf32, #tpu.memory_space<hbm>> -> memref<40000x128xf32, #tpu.memory_space<hbm>>
        tpu.wait_indirect_dma semaphore(%arg16 : memref<!tpu.dma_semaphore, #tpu.memory_space<semaphore_mem>>) src(%dma_wait3A_232 : memref<40000x128xf32, #tpu.memory_space<hbm>>) dst(%arg10 : memref<128x128xf32, #tpu.memory_space<vmem>>)
        "tpu.region"() ({
          %run_scoped3A = tpu.sem_alloc : memref<!tpu.dma_semaphore, #tpu.memory_space<semaphore_mem>>
          %dma_start3A_236 = arith.constant 0 : i32
          %dma_start3A_237 = arith.constant 0 : i32
          %dma_start3A_238 = tpu.memref_slice %arg14[%dma_start3A_236, %dma_start3A_237] : memref<10240x128xf32, #tpu.memory_space<vmem_shared>> -> memref<10240x128xf32, #tpu.memory_space<vmem_shared>>
          tpu.enqueue_indirect_dma source(%arg10 : memref<128x128xf32, #tpu.memory_space<vmem>>) target(%dma_start3A_238 : memref<10240x128xf32, #tpu.memory_space<vmem_shared>>) offsets(%arg9 : memref<128xi32, #tpu.memory_space<vmem>>) semaphore(%run_scoped3A : memref<!tpu.dma_semaphore, #tpu.memory_space<semaphore_mem>>) {add = true}
          %dma_wait3A_239 = arith.constant 0 : i32
          %dma_wait3A_240 = arith.constant 0 : i32
          %dma_wait3A_241 = tpu.memref_slice %arg14[%dma_wait3A_239, %dma_wait3A_240] : memref<10240x128xf32, #tpu.memory_space<vmem_shared>> -> memref<10240x128xf32, #tpu.memory_space<vmem_shared>>
          tpu.wait_indirect_dma semaphore(%run_scoped3A : memref<!tpu.dma_semaphore, #tpu.memory_space<semaphore_mem>>) src(%arg10 : memref<128x128xf32, #tpu.memory_space<vmem>>) dst(%dma_wait3A_241 : memref<10240x128xf32, #tpu.memory_space<vmem_shared>>)
          tpu.yield
        }) : () -> ()
        %convert_element_type3A_233 = arith.extui %and3A_116 : i1 to i32
        %cond3A_234 = arith.constant 0 : i32
        %cond3A_235 = arith.cmpi ne, %convert_element_type3A_233, %cond3A_234 : i32
        scf.if %cond3A_235 {
          "tpu.region"() ({
            %run_scoped3A = tpu.sem_alloc : memref<!tpu.dma_semaphore, #tpu.memory_space<semaphore_mem>>
            %dma_start3A_236 = arith.constant 0 : i32
            %dma_start3A_237 = tpu.memref_slice %arg15[%dma_start3A_236] : memref<10240xf32, #tpu.memory_space<vmem_shared>> -> memref<10240xf32, #tpu.memory_space<vmem_shared>>
            tpu.enqueue_indirect_dma source(%arg11 : memref<128xf32, #tpu.memory_space<vmem>>) target(%dma_start3A_237 : memref<10240xf32, #tpu.memory_space<vmem_shared>>) offsets(%arg9 : memref<128xi32, #tpu.memory_space<vmem>>) semaphore(%run_scoped3A : memref<!tpu.dma_semaphore, #tpu.memory_space<semaphore_mem>>) {add = true}
            %dma_wait3A_238 = arith.constant 0 : i32
            %dma_wait3A_239 = tpu.memref_slice %arg15[%dma_wait3A_238] : memref<10240xf32, #tpu.memory_space<vmem_shared>> -> memref<10240xf32, #tpu.memory_space<vmem_shared>>
            tpu.wait_indirect_dma semaphore(%run_scoped3A : memref<!tpu.dma_semaphore, #tpu.memory_space<semaphore_mem>>) src(%arg11 : memref<128xf32, #tpu.memory_space<vmem>>) dst(%dma_wait3A_239 : memref<10240xf32, #tpu.memory_space<vmem_shared>>)
            tpu.yield
          }) : () -> ()
        } else {
        }
      } else {
      }
      %mul3A_213 = arith.constant 8 : i32
      %mul3A_214 = arith.muli %scan3A_150, %mul3A_213 : i32
      %add3A_215 = arith.constant 7 : i32
      %add3A_216 = arith.addi %mul3A_214, %add3A_215 : i32
      %lt3A_217 = arith.cmpi slt, %add3A_216, %select_n3A : i32
      %convert_element_type3A_218 = arith.extui %lt3A_217 : i1 to i32
      %cond3A_219 = arith.constant 0 : i32
      %cond3A_220 = arith.cmpi ne, %convert_element_type3A_218, %cond3A_219 : i32
      scf.if %cond3A_220 {
        %scan3A_222 = arith.constant 0 : i32
        %scan3A_223 = arith.constant 0 : i32
        %scan3A_224 = arith.constant 8 : i32
        %scan3A_225 = arith.addi %scan3A_223, %scan3A_224 : i32
        %scan3A_226 = arith.constant 1 : i32
        %scan3A_227 = scf.for %scan3A_236 = %scan3A_223 to %scan3A_225 step %scan3A_226 iter_args(%scan3A_237 = %scan3A_222) -> (i32)  : i32 {
          %mul3A_238 = arith.constant 16 : i32
          %mul3A_239 = arith.muli %scan3A_236, %mul3A_238 : i32
          %add3A_240 = arith.constant 896 : i32
          %add3A_241 = arith.addi %add3A_240, %mul3A_239 : i32
          %get3A = arith.index_cast %add3A_241 : i32 to index
          %get3A_242 = tpu.vector_load %arg6[%get3A] {strides = array<i32>} : memref<1024xi32, #tpu.memory_space<vmem>>, vector<16xi32>,
          %mul3A_243 = arith.constant 4 : i32
          %mul3A_244 = vector.broadcast %mul3A_243 : i32 to vector<16xi32>
          %mul3A_245 = arith.muli %get3A_242, %mul3A_244 : vector<16xi32>
          %add3A_246 = vector.broadcast %add3A_112 : i32 to vector<16xi32>
          %add3A_247 = arith.addi %mul3A_245, %add3A_246 : vector<16xi32>
          %mul3A_248 = arith.constant 16 : i32
          %mul3A_249 = arith.muli %scan3A_236, %mul3A_248 : i32
          %swap3A_250 = arith.index_cast %mul3A_249 : i32 to index
          %swap3A_251 = tpu.vector_load %arg8[%swap3A_250] {strides = array<i32>} : memref<128xi32, #tpu.memory_space<vmem>>, vector<16xi32>,
          tpu.vector_store %arg8[%swap3A_250], %add3A_247 {strides = array<i32>} : memref<128xi32, #tpu.memory_space<vmem>>, vector<16xi32>,
          %mul3A_252 = arith.constant 16 : i32
          %mul3A_253 = arith.muli %scan3A_236, %mul3A_252 : i32
          %add3A_254 = arith.constant 896 : i32
          %add3A_255 = arith.addi %add3A_254, %mul3A_253 : i32
          %get3A_256 = arith.index_cast %add3A_255 : i32 to index
          %get3A_257 = tpu.vector_load %arg7[%get3A_256] {strides = array<i32>} : memref<1024xi32, #tpu.memory_space<vmem>>, vector<16xi32>,
          %mul3A_258 = arith.constant 16 : i32
          %mul3A_259 = arith.muli %scan3A_236, %mul3A_258 : i32
          %swap3A_260 = arith.index_cast %mul3A_259 : i32 to index
          %swap3A_261 = tpu.vector_load %arg9[%swap3A_260] {strides = array<i32>} : memref<128xi32, #tpu.memory_space<vmem>>, vector<16xi32>,
          tpu.vector_store %arg9[%swap3A_260], %get3A_257 {strides = array<i32>} : memref<128xi32, #tpu.memory_space<vmem>>, vector<16xi32>,
          %scan3A_262 = arith.constant 0 : i32
          scf.yield %scan3A_262 : i32
        }
        %scan3A_228 = arith.constant 8 : i32
        %dma_start3A = arith.constant 0 : i32
        %dma_start3A_229 = arith.constant 0 : i32
        %dma_start3A_230 = tpu.memref_slice %arg2[%dma_start3A, %dma_start3A_229] : memref<40000x128xf32, #tpu.memory_space<hbm>> -> memref<40000x128xf32, #tpu.memory_space<hbm>>
        tpu.enqueue_indirect_dma source(%dma_start3A_230 : memref<40000x128xf32, #tpu.memory_space<hbm>>) target(%arg10 : memref<128x128xf32, #tpu.memory_space<vmem>>) offsets(%arg8 : memref<128xi32, #tpu.memory_space<vmem>>) semaphore(%arg16 : memref<!tpu.dma_semaphore, #tpu.memory_space<semaphore_mem>>)
        %dma_wait3A = arith.constant 0 : i32
        %dma_wait3A_231 = arith.constant 0 : i32
        %dma_wait3A_232 = tpu.memref_slice %arg2[%dma_wait3A, %dma_wait3A_231] : memref<40000x128xf32, #tpu.memory_space<hbm>> -> memref<40000x128xf32, #tpu.memory_space<hbm>>
        tpu.wait_indirect_dma semaphore(%arg16 : memref<!tpu.dma_semaphore, #tpu.memory_space<semaphore_mem>>) src(%dma_wait3A_232 : memref<40000x128xf32, #tpu.memory_space<hbm>>) dst(%arg10 : memref<128x128xf32, #tpu.memory_space<vmem>>)
        "tpu.region"() ({
          %run_scoped3A = tpu.sem_alloc : memref<!tpu.dma_semaphore, #tpu.memory_space<semaphore_mem>>
          %dma_start3A_236 = arith.constant 0 : i32
          %dma_start3A_237 = arith.constant 0 : i32
          %dma_start3A_238 = tpu.memref_slice %arg14[%dma_start3A_236, %dma_start3A_237] : memref<10240x128xf32, #tpu.memory_space<vmem_shared>> -> memref<10240x128xf32, #tpu.memory_space<vmem_shared>>
          tpu.enqueue_indirect_dma source(%arg10 : memref<128x128xf32, #tpu.memory_space<vmem>>) target(%dma_start3A_238 : memref<10240x128xf32, #tpu.memory_space<vmem_shared>>) offsets(%arg9 : memref<128xi32, #tpu.memory_space<vmem>>) semaphore(%run_scoped3A : memref<!tpu.dma_semaphore, #tpu.memory_space<semaphore_mem>>) {add = true}
          %dma_wait3A_239 = arith.constant 0 : i32
          %dma_wait3A_240 = arith.constant 0 : i32
          %dma_wait3A_241 = tpu.memref_slice %arg14[%dma_wait3A_239, %dma_wait3A_240] : memref<10240x128xf32, #tpu.memory_space<vmem_shared>> -> memref<10240x128xf32, #tpu.memory_space<vmem_shared>>
          tpu.wait_indirect_dma semaphore(%run_scoped3A : memref<!tpu.dma_semaphore, #tpu.memory_space<semaphore_mem>>) src(%arg10 : memref<128x128xf32, #tpu.memory_space<vmem>>) dst(%dma_wait3A_241 : memref<10240x128xf32, #tpu.memory_space<vmem_shared>>)
          tpu.yield
        }) : () -> ()
        %convert_element_type3A_233 = arith.extui %and3A_116 : i1 to i32
        %cond3A_234 = arith.constant 0 : i32
        %cond3A_235 = arith.cmpi ne, %convert_element_type3A_233, %cond3A_234 : i32
        scf.if %cond3A_235 {
          "tpu.region"() ({
            %run_scoped3A = tpu.sem_alloc : memref<!tpu.dma_semaphore, #tpu.memory_space<semaphore_mem>>
            %dma_start3A_236 = arith.constant 0 : i32
            %dma_start3A_237 = tpu.memref_slice %arg15[%dma_start3A_236] : memref<10240xf32, #tpu.memory_space<vmem_shared>> -> memref<10240xf32, #tpu.memory_space<vmem_shared>>
            tpu.enqueue_indirect_dma source(%arg11 : memref<128xf32, #tpu.memory_space<vmem>>) target(%dma_start3A_237 : memref<10240xf32, #tpu.memory_space<vmem_shared>>) offsets(%arg9 : memref<128xi32, #tpu.memory_space<vmem>>) semaphore(%run_scoped3A : memref<!tpu.dma_semaphore, #tpu.memory_space<semaphore_mem>>) {add = true}
            %dma_wait3A_238 = arith.constant 0 : i32
            %dma_wait3A_239 = tpu.memref_slice %arg15[%dma_wait3A_238] : memref<10240xf32, #tpu.memory_space<vmem_shared>> -> memref<10240xf32, #tpu.memory_space<vmem_shared>>
            tpu.wait_indirect_dma semaphore(%run_scoped3A : memref<!tpu.dma_semaphore, #tpu.memory_space<semaphore_mem>>) src(%arg11 : memref<128xf32, #tpu.memory_space<vmem>>) dst(%dma_wait3A_239 : memref<10240xf32, #tpu.memory_space<vmem_shared>>)
            tpu.yield
          }) : () -> ()
        } else {
        }
      } else {
      }
      %scan3A_221 = arith.constant 0 : i32
      scf.yield %scan3A_221 : i32
    }
    %scan3A_144 = arith.constant 20 : i32
    %barrier3A_145 = arith.constant 0 : index
    tpu.barrier barrier_id(%barrier3A_145)
    %mul3A_146 = arith.constant 128 : i32
    %mul3A_147 = arith.muli %add3A_112, %mul3A_146 : i32
    %multiple_of3A_148 = tpu.assume_multiple %mul3A_147, 128 : i32
    "tpu.region"() ({
      %run_scoped3A = tpu.sem_alloc : memref<!tpu.dma_semaphore, #tpu.memory_space<semaphore_mem>>
      %dma_start3A = tpu.memref_slice %arg4[%multiple_of3A, %multiple_of3A_148] : memref<10240x512xf32, #tpu.memory_space<hbm>> -> memref<640x128xf32, #tpu.memory_space<hbm>>
      %dma_start3A_150 = arith.constant 0 : i32
      %dma_start3A_151 = tpu.memref_slice %arg14[%multiple_of3A, %dma_start3A_150] : memref<10240x128xf32, #tpu.memory_space<vmem_shared>> -> memref<640x128xf32, #tpu.memory_space<vmem_shared>>
      tpu.enqueue_dma source(%dma_start3A_151 : memref<640x128xf32, #tpu.memory_space<vmem_shared>>) target(%dma_start3A : memref<640x128xf32, #tpu.memory_space<hbm>>) target_semaphore(%run_scoped3A : memref<!tpu.dma_semaphore, #tpu.memory_space<semaphore_mem>>)
      %dma_wait3A = tpu.memref_slice %arg4[%multiple_of3A, %multiple_of3A_148] : memref<10240x512xf32, #tpu.memory_space<hbm>> -> memref<640x128xf32, #tpu.memory_space<hbm>>
      %dma_wait3A_152 = arith.constant 0 : i32
      %dma_wait3A_153 = tpu.memref_slice %arg14[%multiple_of3A, %dma_wait3A_152] : memref<10240x128xf32, #tpu.memory_space<vmem_shared>> -> memref<640x128xf32, #tpu.memory_space<vmem_shared>>
      tpu.wait_dma2 semaphore(%run_scoped3A : memref<!tpu.dma_semaphore, #tpu.memory_space<semaphore_mem>>) src(%dma_wait3A_153 : memref<640x128xf32, #tpu.memory_space<vmem_shared>>) dst(%dma_wait3A : memref<640x128xf32, #tpu.memory_space<hbm>>)
      tpu.yield
    }) : () -> ()
    %barrier3A_149 = arith.constant 0 : index
    tpu.barrier barrier_id(%barrier3A_149)
    return
  }
}

#map = affine_map<(d0, d1) -> (0, 0)>
#map1 = affine_map<(d0, d1) -> (0)>
module attributes {stable_mosaic.version = 14 : i64} {
  func.func @segsum(%arg0: i32, %arg1: i32, %arg2: memref<40000x128xf32, #tpu.memory_space<hbm>>, %arg3: memref<642048xi32, #tpu.memory_space<hbm>>, %arg4: memref<10240x512xf32, #tpu.memory_space<hbm>>, %arg5: memref<1024xi32, #tpu.memory_space<vmem>>, %arg6: memref<1024xi32, #tpu.memory_space<vmem>>, %arg7: memref<128xi32, #tpu.memory_space<vmem>>, %arg8: memref<128xi32, #tpu.memory_space<vmem>>, %arg9: memref<128x128xf32, #tpu.memory_space<vmem>>, %arg10: memref<128xf32, #tpu.memory_space<vmem>>, %arg11: memref<64x128xf32, #tpu.memory_space<vmem>>, %arg12: memref<128xf32, #tpu.memory_space<vmem>>, %arg13: memref<10240x128xf32, #tpu.memory_space<vmem_shared>>, %arg14: memref<10240xf32, #tpu.memory_space<vmem_shared>>, %arg15: memref<!tpu.dma_semaphore, #tpu.memory_space<semaphore_mem>>) attributes {dimension_semantics = [#tpu.dimension_semantics<core_parallel>, #tpu.dimension_semantics<subcore_parallel>], iteration_bounds = array<i64: 2, 16>, scalar_prefetch = 0 : i64, scratch_operands = 11 : i64, tpu.core_type = #tpu.core_type<sc_vector_subcore>, window_params = [{transform_indices = #map}, {transform_indices = #map1}, {transform_indices = #map}]} {
    %broadcast_in_dim3A = arith.constant 0.000000e+00 : f32
    %broadcast_in_dim3A_0 = vector.broadcast %broadcast_in_dim3A : f32 to vector<16xf32>
    %mul3A = arith.constant 20096 : i32
    %mul3A_1 = arith.muli %arg1, %mul3A : i32
    %eq3A = arith.constant 15 : i32
    %eq3A_2 = arith.cmpi eq, %arg1, %eq3A : i32
    %jit3A = arith.constant 145 : i32
    %jit3A_3 = arith.constant 157 : i32
    %select_n3A = arith.select %eq3A_2, %jit3A, %jit3A_3 : i32
    %mul3A_4 = arith.constant 640 : i32
    %mul3A_5 = arith.muli %arg1, %mul3A_4 : i32
    %multiple_of3A = tpu.assume_multiple %mul3A_5, 640 : i32
    %scan3A = arith.constant 0 : i32
    %scan3A_6 = arith.constant 0 : i32
    %scan3A_7 = arith.constant 64 : i32
    %scan3A_8 = arith.addi %scan3A_6, %scan3A_7 : i32
    %scan3A_9 = arith.constant 1 : i32
    %scan3A_10 = scf.for %scan3A_142 = %scan3A_6 to %scan3A_8 step %scan3A_9 iter_args(%scan3A_143 = %scan3A) -> (i32)  : i32 {
      %swap3A_144 = arith.index_cast %scan3A_142 : i32 to index
      %swap3A_145 = arith.constant 0 : index
      %swap3A_146 = tpu.vector_load %arg11[%swap3A_144, %swap3A_145] {strides = array<i32>} : memref<64x128xf32, #tpu.memory_space<vmem>>, vector<16xf32>,
      tpu.vector_store %arg11[%swap3A_144, %swap3A_145], %broadcast_in_dim3A_0 {strides = array<i32>} : memref<64x128xf32, #tpu.memory_space<vmem>>, vector<16xf32>,
      %swap3A_147 = arith.index_cast %scan3A_142 : i32 to index
      %swap3A_148 = arith.constant 16 : index
      %swap3A_149 = tpu.vector_load %arg11[%swap3A_147, %swap3A_148] {strides = array<i32>} : memref<64x128xf32, #tpu.memory_space<vmem>>, vector<16xf32>,
      tpu.vector_store %arg11[%swap3A_147, %swap3A_148], %broadcast_in_dim3A_0 {strides = array<i32>} : memref<64x128xf32, #tpu.memory_space<vmem>>, vector<16xf32>,
      %swap3A_150 = arith.index_cast %scan3A_142 : i32 to index
      %swap3A_151 = arith.constant 32 : index
      %swap3A_152 = tpu.vector_load %arg11[%swap3A_150, %swap3A_151] {strides = array<i32>} : memref<64x128xf32, #tpu.memory_space<vmem>>, vector<16xf32>,
      tpu.vector_store %arg11[%swap3A_150, %swap3A_151], %broadcast_in_dim3A_0 {strides = array<i32>} : memref<64x128xf32, #tpu.memory_space<vmem>>, vector<16xf32>,
      %swap3A_153 = arith.index_cast %scan3A_142 : i32 to index
      %swap3A_154 = arith.constant 48 : index
      %swap3A_155 = tpu.vector_load %arg11[%swap3A_153, %swap3A_154] {strides = array<i32>} : memref<64x128xf32, #tpu.memory_space<vmem>>, vector<16xf32>,
      tpu.vector_store %arg11[%swap3A_153, %swap3A_154], %broadcast_in_dim3A_0 {strides = array<i32>} : memref<64x128xf32, #tpu.memory_space<vmem>>, vector<16xf32>,
      %swap3A_156 = arith.index_cast %scan3A_142 : i32 to index
      %swap3A_157 = arith.constant 64 : index
      %swap3A_158 = tpu.vector_load %arg11[%swap3A_156, %swap3A_157] {strides = array<i32>} : memref<64x128xf32, #tpu.memory_space<vmem>>, vector<16xf32>,
      tpu.vector_store %arg11[%swap3A_156, %swap3A_157], %broadcast_in_dim3A_0 {strides = array<i32>} : memref<64x128xf32, #tpu.memory_space<vmem>>, vector<16xf32>,
      %swap3A_159 = arith.index_cast %scan3A_142 : i32 to index
      %swap3A_160 = arith.constant 80 : index
      %swap3A_161 = tpu.vector_load %arg11[%swap3A_159, %swap3A_160] {strides = array<i32>} : memref<64x128xf32, #tpu.memory_space<vmem>>, vector<16xf32>,
      tpu.vector_store %arg11[%swap3A_159, %swap3A_160], %broadcast_in_dim3A_0 {strides = array<i32>} : memref<64x128xf32, #tpu.memory_space<vmem>>, vector<16xf32>,
      %swap3A_162 = arith.index_cast %scan3A_142 : i32 to index
      %swap3A_163 = arith.constant 96 : index
      %swap3A_164 = tpu.vector_load %arg11[%swap3A_162, %swap3A_163] {strides = array<i32>} : memref<64x128xf32, #tpu.memory_space<vmem>>, vector<16xf32>,
      tpu.vector_store %arg11[%swap3A_162, %swap3A_163], %broadcast_in_dim3A_0 {strides = array<i32>} : memref<64x128xf32, #tpu.memory_space<vmem>>, vector<16xf32>,
      %swap3A_165 = arith.index_cast %scan3A_142 : i32 to index
      %swap3A_166 = arith.constant 112 : index
      %swap3A_167 = tpu.vector_load %arg11[%swap3A_165, %swap3A_166] {strides = array<i32>} : memref<64x128xf32, #tpu.memory_space<vmem>>, vector<16xf32>,
      tpu.vector_store %arg11[%swap3A_165, %swap3A_166], %broadcast_in_dim3A_0 {strides = array<i32>} : memref<64x128xf32, #tpu.memory_space<vmem>>, vector<16xf32>,
      %scan3A_168 = arith.constant 0 : i32
      scf.yield %scan3A_168 : i32
    }
    %scan3A_11 = arith.constant 64 : i32
    %add3A = arith.constant 1.000000e+00 : f32
    %add3A_12 = vector.broadcast %add3A : f32 to vector<16xf32>
    %add3A_13 = arith.addf %broadcast_in_dim3A_0, %add3A_12 : vector<16xf32>
    %swap3A = arith.constant 0 : index
    %swap3A_14 = tpu.vector_load %arg10[%swap3A] {strides = array<i32>} : memref<128xf32, #tpu.memory_space<vmem>>, vector<16xf32>,
    tpu.vector_store %arg10[%swap3A], %add3A_13 {strides = array<i32>} : memref<128xf32, #tpu.memory_space<vmem>>, vector<16xf32>,
    %swap3A_15 = arith.constant 0 : index
    %swap3A_16 = tpu.vector_load %arg12[%swap3A_15] {strides = array<i32>} : memref<128xf32, #tpu.memory_space<vmem>>, vector<16xf32>,
    tpu.vector_store %arg12[%swap3A_15], %broadcast_in_dim3A_0 {strides = array<i32>} : memref<128xf32, #tpu.memory_space<vmem>>, vector<16xf32>,
    %add3A_17 = arith.constant 1.000000e+00 : f32
    %add3A_18 = vector.broadcast %add3A_17 : f32 to vector<16xf32>
    %add3A_19 = arith.addf %broadcast_in_dim3A_0, %add3A_18 : vector<16xf32>
    %swap3A_20 = arith.constant 16 : index
    %swap3A_21 = tpu.vector_load %arg10[%swap3A_20] {strides = array<i32>} : memref<128xf32, #tpu.memory_space<vmem>>, vector<16xf32>,
    tpu.vector_store %arg10[%swap3A_20], %add3A_19 {strides = array<i32>} : memref<128xf32, #tpu.memory_space<vmem>>, vector<16xf32>,
    %swap3A_22 = arith.constant 16 : index
    %swap3A_23 = tpu.vector_load %arg12[%swap3A_22] {strides = array<i32>} : memref<128xf32, #tpu.memory_space<vmem>>, vector<16xf32>,
    tpu.vector_store %arg12[%swap3A_22], %broadcast_in_dim3A_0 {strides = array<i32>} : memref<128xf32, #tpu.memory_space<vmem>>, vector<16xf32>,
    %add3A_24 = arith.constant 1.000000e+00 : f32
    %add3A_25 = vector.broadcast %add3A_24 : f32 to vector<16xf32>
    %add3A_26 = arith.addf %broadcast_in_dim3A_0, %add3A_25 : vector<16xf32>
    %swap3A_27 = arith.constant 32 : index
    %swap3A_28 = tpu.vector_load %arg10[%swap3A_27] {strides = array<i32>} : memref<128xf32, #tpu.memory_space<vmem>>, vector<16xf32>,
    tpu.vector_store %arg10[%swap3A_27], %add3A_26 {strides = array<i32>} : memref<128xf32, #tpu.memory_space<vmem>>, vector<16xf32>,
    %swap3A_29 = arith.constant 32 : index
    %swap3A_30 = tpu.vector_load %arg12[%swap3A_29] {strides = array<i32>} : memref<128xf32, #tpu.memory_space<vmem>>, vector<16xf32>,
    tpu.vector_store %arg12[%swap3A_29], %broadcast_in_dim3A_0 {strides = array<i32>} : memref<128xf32, #tpu.memory_space<vmem>>, vector<16xf32>,
    %add3A_31 = arith.constant 1.000000e+00 : f32
    %add3A_32 = vector.broadcast %add3A_31 : f32 to vector<16xf32>
    %add3A_33 = arith.addf %broadcast_in_dim3A_0, %add3A_32 : vector<16xf32>
    %swap3A_34 = arith.constant 48 : index
    %swap3A_35 = tpu.vector_load %arg10[%swap3A_34] {strides = array<i32>} : memref<128xf32, #tpu.memory_space<vmem>>, vector<16xf32>,
    tpu.vector_store %arg10[%swap3A_34], %add3A_33 {strides = array<i32>} : memref<128xf32, #tpu.memory_space<vmem>>, vector<16xf32>,
    %swap3A_36 = arith.constant 48 : index
    %swap3A_37 = tpu.vector_load %arg12[%swap3A_36] {strides = array<i32>} : memref<128xf32, #tpu.memory_space<vmem>>, vector<16xf32>,
    tpu.vector_store %arg12[%swap3A_36], %broadcast_in_dim3A_0 {strides = array<i32>} : memref<128xf32, #tpu.memory_space<vmem>>, vector<16xf32>,
    %add3A_38 = arith.constant 1.000000e+00 : f32
    %add3A_39 = vector.broadcast %add3A_38 : f32 to vector<16xf32>
    %add3A_40 = arith.addf %broadcast_in_dim3A_0, %add3A_39 : vector<16xf32>
    %swap3A_41 = arith.constant 64 : index
    %swap3A_42 = tpu.vector_load %arg10[%swap3A_41] {strides = array<i32>} : memref<128xf32, #tpu.memory_space<vmem>>, vector<16xf32>,
    tpu.vector_store %arg10[%swap3A_41], %add3A_40 {strides = array<i32>} : memref<128xf32, #tpu.memory_space<vmem>>, vector<16xf32>,
    %swap3A_43 = arith.constant 64 : index
    %swap3A_44 = tpu.vector_load %arg12[%swap3A_43] {strides = array<i32>} : memref<128xf32, #tpu.memory_space<vmem>>, vector<16xf32>,
    tpu.vector_store %arg12[%swap3A_43], %broadcast_in_dim3A_0 {strides = array<i32>} : memref<128xf32, #tpu.memory_space<vmem>>, vector<16xf32>,
    %add3A_45 = arith.constant 1.000000e+00 : f32
    %add3A_46 = vector.broadcast %add3A_45 : f32 to vector<16xf32>
    %add3A_47 = arith.addf %broadcast_in_dim3A_0, %add3A_46 : vector<16xf32>
    %swap3A_48 = arith.constant 80 : index
    %swap3A_49 = tpu.vector_load %arg10[%swap3A_48] {strides = array<i32>} : memref<128xf32, #tpu.memory_space<vmem>>, vector<16xf32>,
    tpu.vector_store %arg10[%swap3A_48], %add3A_47 {strides = array<i32>} : memref<128xf32, #tpu.memory_space<vmem>>, vector<16xf32>,
    %swap3A_50 = arith.constant 80 : index
    %swap3A_51 = tpu.vector_load %arg12[%swap3A_50] {strides = array<i32>} : memref<128xf32, #tpu.memory_space<vmem>>, vector<16xf32>,
    tpu.vector_store %arg12[%swap3A_50], %broadcast_in_dim3A_0 {strides = array<i32>} : memref<128xf32, #tpu.memory_space<vmem>>, vector<16xf32>,
    %add3A_52 = arith.constant 1.000000e+00 : f32
    %add3A_53 = vector.broadcast %add3A_52 : f32 to vector<16xf32>
    %add3A_54 = arith.addf %broadcast_in_dim3A_0, %add3A_53 : vector<16xf32>
    %swap3A_55 = arith.constant 96 : index
    %swap3A_56 = tpu.vector_load %arg10[%swap3A_55] {strides = array<i32>} : memref<128xf32, #tpu.memory_space<vmem>>, vector<16xf32>,
    tpu.vector_store %arg10[%swap3A_55], %add3A_54 {strides = array<i32>} : memref<128xf32, #tpu.memory_space<vmem>>, vector<16xf32>,
    %swap3A_57 = arith.constant 96 : index
    %swap3A_58 = tpu.vector_load %arg12[%swap3A_57] {strides = array<i32>} : memref<128xf32, #tpu.memory_space<vmem>>, vector<16xf32>,
    tpu.vector_store %arg12[%swap3A_57], %broadcast_in_dim3A_0 {strides = array<i32>} : memref<128xf32, #tpu.memory_space<vmem>>, vector<16xf32>,
    %add3A_59 = arith.constant 1.000000e+00 : f32
    %add3A_60 = vector.broadcast %add3A_59 : f32 to vector<16xf32>
    %add3A_61 = arith.addf %broadcast_in_dim3A_0, %add3A_60 : vector<16xf32>
    %swap3A_62 = arith.constant 112 : index
    %swap3A_63 = tpu.vector_load %arg10[%swap3A_62] {strides = array<i32>} : memref<128xf32, #tpu.memory_space<vmem>>, vector<16xf32>,
    tpu.vector_store %arg10[%swap3A_62], %add3A_61 {strides = array<i32>} : memref<128xf32, #tpu.memory_space<vmem>>, vector<16xf32>,
    %swap3A_64 = arith.constant 112 : index
    %swap3A_65 = tpu.vector_load %arg12[%swap3A_64] {strides = array<i32>} : memref<128xf32, #tpu.memory_space<vmem>>, vector<16xf32>,
    tpu.vector_store %arg12[%swap3A_64], %broadcast_in_dim3A_0 {strides = array<i32>} : memref<128xf32, #tpu.memory_space<vmem>>, vector<16xf32>,
    %add3A_66 = arith.constant 0 : i32
    %add3A_67 = arith.addi %add3A_66, %arg0 : i32
    %eq3A_68 = arith.constant 0 : i32
    %eq3A_69 = arith.cmpi eq, %arg0, %eq3A_68 : i32
    %and3A = arith.constant true
    %and3A_70 = arith.andi %eq3A_69, %and3A : i1
    %add3A_71 = arith.constant 0 : i32
    %add3A_72 = arith.addi %multiple_of3A, %add3A_71 : i32
    "tpu.region"() ({
      %run_scoped3A = tpu.sem_alloc : memref<!tpu.dma_semaphore, #tpu.memory_space<semaphore_mem>>
      %dma_start3A = arith.constant 0 : i32
      %dma_start3A_142 = tpu.memref_slice %arg13[%add3A_72, %dma_start3A] : memref<10240x128xf32, #tpu.memory_space<vmem_shared>> -> memref<64x128xf32, #tpu.memory_space<vmem_shared>>
      %dma_start3A_143 = arith.constant 0 : i32
      %dma_start3A_144 = tpu.memref_slice %arg13[%add3A_72, %dma_start3A_143] : memref<10240x128xf32, #tpu.memory_space<vmem_shared>> -> memref<64x128xf32, #tpu.memory_space<vmem_shared>>
      tpu.enqueue_dma source(%arg11 : memref<64x128xf32, #tpu.memory_space<vmem>>) target(%dma_start3A_144 : memref<64x128xf32, #tpu.memory_space<vmem_shared>>) target_semaphore(%run_scoped3A : memref<!tpu.dma_semaphore, #tpu.memory_space<semaphore_mem>>)
      %dma_wait3A = arith.constant 0 : i32
      %dma_wait3A_145 = tpu.memref_slice %arg13[%add3A_72, %dma_wait3A] : memref<10240x128xf32, #tpu.memory_space<vmem_shared>> -> memref<64x128xf32, #tpu.memory_space<vmem_shared>>
      %dma_wait3A_146 = arith.constant 0 : i32
      %dma_wait3A_147 = tpu.memref_slice %arg13[%add3A_72, %dma_wait3A_146] : memref<10240x128xf32, #tpu.memory_space<vmem_shared>> -> memref<64x128xf32, #tpu.memory_space<vmem_shared>>
      tpu.wait_dma2 semaphore(%run_scoped3A : memref<!tpu.dma_semaphore, #tpu.memory_space<semaphore_mem>>) src(%arg11 : memref<64x128xf32, #tpu.memory_space<vmem>>) dst(%dma_wait3A_147 : memref<64x128xf32, #tpu.memory_space<vmem_shared>>)
      tpu.yield
    }) : () -> ()
    %add3A_73 = arith.constant 64 : i32
    %add3A_74 = arith.addi %multiple_of3A, %add3A_73 : i32
    "tpu.region"() ({
      %run_scoped3A = tpu.sem_alloc : memref<!tpu.dma_semaphore, #tpu.memory_space<semaphore_mem>>
      %dma_start3A = arith.constant 0 : i32
      %dma_start3A_142 = tpu.memref_slice %arg13[%add3A_74, %dma_start3A] : memref<10240x128xf32, #tpu.memory_space<vmem_shared>> -> memref<64x128xf32, #tpu.memory_space<vmem_shared>>
      %dma_start3A_143 = arith.constant 0 : i32
      %dma_start3A_144 = tpu.memref_slice %arg13[%add3A_74, %dma_start3A_143] : memref<10240x128xf32, #tpu.memory_space<vmem_shared>> -> memref<64x128xf32, #tpu.memory_space<vmem_shared>>
      tpu.enqueue_dma source(%arg11 : memref<64x128xf32, #tpu.memory_space<vmem>>) target(%dma_start3A_144 : memref<64x128xf32, #tpu.memory_space<vmem_shared>>) target_semaphore(%run_scoped3A : memref<!tpu.dma_semaphore, #tpu.memory_space<semaphore_mem>>)
      %dma_wait3A = arith.constant 0 : i32
      %dma_wait3A_145 = tpu.memref_slice %arg13[%add3A_74, %dma_wait3A] : memref<10240x128xf32, #tpu.memory_space<vmem_shared>> -> memref<64x128xf32, #tpu.memory_space<vmem_shared>>
      %dma_wait3A_146 = arith.constant 0 : i32
      %dma_wait3A_147 = tpu.memref_slice %arg13[%add3A_74, %dma_wait3A_146] : memref<10240x128xf32, #tpu.memory_space<vmem_shared>> -> memref<64x128xf32, #tpu.memory_space<vmem_shared>>
      tpu.wait_dma2 semaphore(%run_scoped3A : memref<!tpu.dma_semaphore, #tpu.memory_space<semaphore_mem>>) src(%arg11 : memref<64x128xf32, #tpu.memory_space<vmem>>) dst(%dma_wait3A_147 : memref<64x128xf32, #tpu.memory_space<vmem_shared>>)
      tpu.yield
    }) : () -> ()
    %add3A_75 = arith.constant 128 : i32
    %add3A_76 = arith.addi %multiple_of3A, %add3A_75 : i32
    "tpu.region"() ({
      %run_scoped3A = tpu.sem_alloc : memref<!tpu.dma_semaphore, #tpu.memory_space<semaphore_mem>>
      %dma_start3A = arith.constant 0 : i32
      %dma_start3A_142 = tpu.memref_slice %arg13[%add3A_76, %dma_start3A] : memref<10240x128xf32, #tpu.memory_space<vmem_shared>> -> memref<64x128xf32, #tpu.memory_space<vmem_shared>>
      %dma_start3A_143 = arith.constant 0 : i32
      %dma_start3A_144 = tpu.memref_slice %arg13[%add3A_76, %dma_start3A_143] : memref<10240x128xf32, #tpu.memory_space<vmem_shared>> -> memref<64x128xf32, #tpu.memory_space<vmem_shared>>
      tpu.enqueue_dma source(%arg11 : memref<64x128xf32, #tpu.memory_space<vmem>>) target(%dma_start3A_144 : memref<64x128xf32, #tpu.memory_space<vmem_shared>>) target_semaphore(%run_scoped3A : memref<!tpu.dma_semaphore, #tpu.memory_space<semaphore_mem>>)
      %dma_wait3A = arith.constant 0 : i32
      %dma_wait3A_145 = tpu.memref_slice %arg13[%add3A_76, %dma_wait3A] : memref<10240x128xf32, #tpu.memory_space<vmem_shared>> -> memref<64x128xf32, #tpu.memory_space<vmem_shared>>
      %dma_wait3A_146 = arith.constant 0 : i32
      %dma_wait3A_147 = tpu.memref_slice %arg13[%add3A_76, %dma_wait3A_146] : memref<10240x128xf32, #tpu.memory_space<vmem_shared>> -> memref<64x128xf32, #tpu.memory_space<vmem_shared>>
      tpu.wait_dma2 semaphore(%run_scoped3A : memref<!tpu.dma_semaphore, #tpu.memory_space<semaphore_mem>>) src(%arg11 : memref<64x128xf32, #tpu.memory_space<vmem>>) dst(%dma_wait3A_147 : memref<64x128xf32, #tpu.memory_space<vmem_shared>>)
      tpu.yield
    }) : () -> ()
    %add3A_77 = arith.constant 192 : i32
    %add3A_78 = arith.addi %multiple_of3A, %add3A_77 : i32
    "tpu.region"() ({
      %run_scoped3A = tpu.sem_alloc : memref<!tpu.dma_semaphore, #tpu.memory_space<semaphore_mem>>
      %dma_start3A = arith.constant 0 : i32
      %dma_start3A_142 = tpu.memref_slice %arg13[%add3A_78, %dma_start3A] : memref<10240x128xf32, #tpu.memory_space<vmem_shared>> -> memref<64x128xf32, #tpu.memory_space<vmem_shared>>
      %dma_start3A_143 = arith.constant 0 : i32
      %dma_start3A_144 = tpu.memref_slice %arg13[%add3A_78, %dma_start3A_143] : memref<10240x128xf32, #tpu.memory_space<vmem_shared>> -> memref<64x128xf32, #tpu.memory_space<vmem_shared>>
      tpu.enqueue_dma source(%arg11 : memref<64x128xf32, #tpu.memory_space<vmem>>) target(%dma_start3A_144 : memref<64x128xf32, #tpu.memory_space<vmem_shared>>) target_semaphore(%run_scoped3A : memref<!tpu.dma_semaphore, #tpu.memory_space<semaphore_mem>>)
      %dma_wait3A = arith.constant 0 : i32
      %dma_wait3A_145 = tpu.memref_slice %arg13[%add3A_78, %dma_wait3A] : memref<10240x128xf32, #tpu.memory_space<vmem_shared>> -> memref<64x128xf32, #tpu.memory_space<vmem_shared>>
      %dma_wait3A_146 = arith.constant 0 : i32
      %dma_wait3A_147 = tpu.memref_slice %arg13[%add3A_78, %dma_wait3A_146] : memref<10240x128xf32, #tpu.memory_space<vmem_shared>> -> memref<64x128xf32, #tpu.memory_space<vmem_shared>>
      tpu.wait_dma2 semaphore(%run_scoped3A : memref<!tpu.dma_semaphore, #tpu.memory_space<semaphore_mem>>) src(%arg11 : memref<64x128xf32, #tpu.memory_space<vmem>>) dst(%dma_wait3A_147 : memref<64x128xf32, #tpu.memory_space<vmem_shared>>)
      tpu.yield
    }) : () -> ()
    %add3A_79 = arith.constant 256 : i32
    %add3A_80 = arith.addi %multiple_of3A, %add3A_79 : i32
    "tpu.region"() ({
      %run_scoped3A = tpu.sem_alloc : memref<!tpu.dma_semaphore, #tpu.memory_space<semaphore_mem>>
      %dma_start3A = arith.constant 0 : i32
      %dma_start3A_142 = tpu.memref_slice %arg13[%add3A_80, %dma_start3A] : memref<10240x128xf32, #tpu.memory_space<vmem_shared>> -> memref<64x128xf32, #tpu.memory_space<vmem_shared>>
      %dma_start3A_143 = arith.constant 0 : i32
      %dma_start3A_144 = tpu.memref_slice %arg13[%add3A_80, %dma_start3A_143] : memref<10240x128xf32, #tpu.memory_space<vmem_shared>> -> memref<64x128xf32, #tpu.memory_space<vmem_shared>>
      tpu.enqueue_dma source(%arg11 : memref<64x128xf32, #tpu.memory_space<vmem>>) target(%dma_start3A_144 : memref<64x128xf32, #tpu.memory_space<vmem_shared>>) target_semaphore(%run_scoped3A : memref<!tpu.dma_semaphore, #tpu.memory_space<semaphore_mem>>)
      %dma_wait3A = arith.constant 0 : i32
      %dma_wait3A_145 = tpu.memref_slice %arg13[%add3A_80, %dma_wait3A] : memref<10240x128xf32, #tpu.memory_space<vmem_shared>> -> memref<64x128xf32, #tpu.memory_space<vmem_shared>>
      %dma_wait3A_146 = arith.constant 0 : i32
      %dma_wait3A_147 = tpu.memref_slice %arg13[%add3A_80, %dma_wait3A_146] : memref<10240x128xf32, #tpu.memory_space<vmem_shared>> -> memref<64x128xf32, #tpu.memory_space<vmem_shared>>
      tpu.wait_dma2 semaphore(%run_scoped3A : memref<!tpu.dma_semaphore, #tpu.memory_space<semaphore_mem>>) src(%arg11 : memref<64x128xf32, #tpu.memory_space<vmem>>) dst(%dma_wait3A_147 : memref<64x128xf32, #tpu.memory_space<vmem_shared>>)
      tpu.yield
    }) : () -> ()
    %add3A_81 = arith.constant 320 : i32
    %add3A_82 = arith.addi %multiple_of3A, %add3A_81 : i32
    "tpu.region"() ({
      %run_scoped3A = tpu.sem_alloc : memref<!tpu.dma_semaphore, #tpu.memory_space<semaphore_mem>>
      %dma_start3A = arith.constant 0 : i32
      %dma_start3A_142 = tpu.memref_slice %arg13[%add3A_82, %dma_start3A] : memref<10240x128xf32, #tpu.memory_space<vmem_shared>> -> memref<64x128xf32, #tpu.memory_space<vmem_shared>>
      %dma_start3A_143 = arith.constant 0 : i32
      %dma_start3A_144 = tpu.memref_slice %arg13[%add3A_82, %dma_start3A_143] : memref<10240x128xf32, #tpu.memory_space<vmem_shared>> -> memref<64x128xf32, #tpu.memory_space<vmem_shared>>
      tpu.enqueue_dma source(%arg11 : memref<64x128xf32, #tpu.memory_space<vmem>>) target(%dma_start3A_144 : memref<64x128xf32, #tpu.memory_space<vmem_shared>>) target_semaphore(%run_scoped3A : memref<!tpu.dma_semaphore, #tpu.memory_space<semaphore_mem>>)
      %dma_wait3A = arith.constant 0 : i32
      %dma_wait3A_145 = tpu.memref_slice %arg13[%add3A_82, %dma_wait3A] : memref<10240x128xf32, #tpu.memory_space<vmem_shared>> -> memref<64x128xf32, #tpu.memory_space<vmem_shared>>
      %dma_wait3A_146 = arith.constant 0 : i32
      %dma_wait3A_147 = tpu.memref_slice %arg13[%add3A_82, %dma_wait3A_146] : memref<10240x128xf32, #tpu.memory_space<vmem_shared>> -> memref<64x128xf32, #tpu.memory_space<vmem_shared>>
      tpu.wait_dma2 semaphore(%run_scoped3A : memref<!tpu.dma_semaphore, #tpu.memory_space<semaphore_mem>>) src(%arg11 : memref<64x128xf32, #tpu.memory_space<vmem>>) dst(%dma_wait3A_147 : memref<64x128xf32, #tpu.memory_space<vmem_shared>>)
      tpu.yield
    }) : () -> ()
    %add3A_83 = arith.constant 384 : i32
    %add3A_84 = arith.addi %multiple_of3A, %add3A_83 : i32
    "tpu.region"() ({
      %run_scoped3A = tpu.sem_alloc : memref<!tpu.dma_semaphore, #tpu.memory_space<semaphore_mem>>
      %dma_start3A = arith.constant 0 : i32
      %dma_start3A_142 = tpu.memref_slice %arg13[%add3A_84, %dma_start3A] : memref<10240x128xf32, #tpu.memory_space<vmem_shared>> -> memref<64x128xf32, #tpu.memory_space<vmem_shared>>
      %dma_start3A_143 = arith.constant 0 : i32
      %dma_start3A_144 = tpu.memref_slice %arg13[%add3A_84, %dma_start3A_143] : memref<10240x128xf32, #tpu.memory_space<vmem_shared>> -> memref<64x128xf32, #tpu.memory_space<vmem_shared>>
      tpu.enqueue_dma source(%arg11 : memref<64x128xf32, #tpu.memory_space<vmem>>) target(%dma_start3A_144 : memref<64x128xf32, #tpu.memory_space<vmem_shared>>) target_semaphore(%run_scoped3A : memref<!tpu.dma_semaphore, #tpu.memory_space<semaphore_mem>>)
      %dma_wait3A = arith.constant 0 : i32
      %dma_wait3A_145 = tpu.memref_slice %arg13[%add3A_84, %dma_wait3A] : memref<10240x128xf32, #tpu.memory_space<vmem_shared>> -> memref<64x128xf32, #tpu.memory_space<vmem_shared>>
      %dma_wait3A_146 = arith.constant 0 : i32
      %dma_wait3A_147 = tpu.memref_slice %arg13[%add3A_84, %dma_wait3A_146] : memref<10240x128xf32, #tpu.memory_space<vmem_shared>> -> memref<64x128xf32, #tpu.memory_space<vmem_shared>>
      tpu.wait_dma2 semaphore(%run_scoped3A : memref<!tpu.dma_semaphore, #tpu.memory_space<semaphore_mem>>) src(%arg11 : memref<64x128xf32, #tpu.memory_space<vmem>>) dst(%dma_wait3A_147 : memref<64x128xf32, #tpu.memory_space<vmem_shared>>)
      tpu.yield
    }) : () -> ()
    %add3A_85 = arith.constant 448 : i32
    %add3A_86 = arith.addi %multiple_of3A, %add3A_85 : i32
    "tpu.region"() ({
      %run_scoped3A = tpu.sem_alloc : memref<!tpu.dma_semaphore, #tpu.memory_space<semaphore_mem>>
      %dma_start3A = arith.constant 0 : i32
      %dma_start3A_142 = tpu.memref_slice %arg13[%add3A_86, %dma_start3A] : memref<10240x128xf32, #tpu.memory_space<vmem_shared>> -> memref<64x128xf32, #tpu.memory_space<vmem_shared>>
      %dma_start3A_143 = arith.constant 0 : i32
      %dma_start3A_144 = tpu.memref_slice %arg13[%add3A_86, %dma_start3A_143] : memref<10240x128xf32, #tpu.memory_space<vmem_shared>> -> memref<64x128xf32, #tpu.memory_space<vmem_shared>>
      tpu.enqueue_dma source(%arg11 : memref<64x128xf32, #tpu.memory_space<vmem>>) target(%dma_start3A_144 : memref<64x128xf32, #tpu.memory_space<vmem_shared>>) target_semaphore(%run_scoped3A : memref<!tpu.dma_semaphore, #tpu.memory_space<semaphore_mem>>)
      %dma_wait3A = arith.constant 0 : i32
      %dma_wait3A_145 = tpu.memref_slice %arg13[%add3A_86, %dma_wait3A] : memref<10240x128xf32, #tpu.memory_space<vmem_shared>> -> memref<64x128xf32, #tpu.memory_space<vmem_shared>>
      %dma_wait3A_146 = arith.constant 0 : i32
      %dma_wait3A_147 = tpu.memref_slice %arg13[%add3A_86, %dma_wait3A_146] : memref<10240x128xf32, #tpu.memory_space<vmem_shared>> -> memref<64x128xf32, #tpu.memory_space<vmem_shared>>
      tpu.wait_dma2 semaphore(%run_scoped3A : memref<!tpu.dma_semaphore, #tpu.memory_space<semaphore_mem>>) src(%arg11 : memref<64x128xf32, #tpu.memory_space<vmem>>) dst(%dma_wait3A_147 : memref<64x128xf32, #tpu.memory_space<vmem_shared>>)
      tpu.yield
    }) : () -> ()
    %add3A_87 = arith.constant 512 : i32
    %add3A_88 = arith.addi %multiple_of3A, %add3A_87 : i32
    "tpu.region"() ({
      %run_scoped3A = tpu.sem_alloc : memref<!tpu.dma_semaphore, #tpu.memory_space<semaphore_mem>>
      %dma_start3A = arith.constant 0 : i32
      %dma_start3A_142 = tpu.memref_slice %arg13[%add3A_88, %dma_start3A] : memref<10240x128xf32, #tpu.memory_space<vmem_shared>> -> memref<64x128xf32, #tpu.memory_space<vmem_shared>>
      %dma_start3A_143 = arith.constant 0 : i32
      %dma_start3A_144 = tpu.memref_slice %arg13[%add3A_88, %dma_start3A_143] : memref<10240x128xf32, #tpu.memory_space<vmem_shared>> -> memref<64x128xf32, #tpu.memory_space<vmem_shared>>
      tpu.enqueue_dma source(%arg11 : memref<64x128xf32, #tpu.memory_space<vmem>>) target(%dma_start3A_144 : memref<64x128xf32, #tpu.memory_space<vmem_shared>>) target_semaphore(%run_scoped3A : memref<!tpu.dma_semaphore, #tpu.memory_space<semaphore_mem>>)
      %dma_wait3A = arith.constant 0 : i32
      %dma_wait3A_145 = tpu.memref_slice %arg13[%add3A_88, %dma_wait3A] : memref<10240x128xf32, #tpu.memory_space<vmem_shared>> -> memref<64x128xf32, #tpu.memory_space<vmem_shared>>
      %dma_wait3A_146 = arith.constant 0 : i32
      %dma_wait3A_147 = tpu.memref_slice %arg13[%add3A_88, %dma_wait3A_146] : memref<10240x128xf32, #tpu.memory_space<vmem_shared>> -> memref<64x128xf32, #tpu.memory_space<vmem_shared>>
      tpu.wait_dma2 semaphore(%run_scoped3A : memref<!tpu.dma_semaphore, #tpu.memory_space<semaphore_mem>>) src(%arg11 : memref<64x128xf32, #tpu.memory_space<vmem>>) dst(%dma_wait3A_147 : memref<64x128xf32, #tpu.memory_space<vmem_shared>>)
      tpu.yield
    }) : () -> ()
    %add3A_89 = arith.constant 576 : i32
    %add3A_90 = arith.addi %multiple_of3A, %add3A_89 : i32
    "tpu.region"() ({
      %run_scoped3A = tpu.sem_alloc : memref<!tpu.dma_semaphore, #tpu.memory_space<semaphore_mem>>
      %dma_start3A = arith.constant 0 : i32
      %dma_start3A_142 = tpu.memref_slice %arg13[%add3A_90, %dma_start3A] : memref<10240x128xf32, #tpu.memory_space<vmem_shared>> -> memref<64x128xf32, #tpu.memory_space<vmem_shared>>
      %dma_start3A_143 = arith.constant 0 : i32
      %dma_start3A_144 = tpu.memref_slice %arg13[%add3A_90, %dma_start3A_143] : memref<10240x128xf32, #tpu.memory_space<vmem_shared>> -> memref<64x128xf32, #tpu.memory_space<vmem_shared>>
      tpu.enqueue_dma source(%arg11 : memref<64x128xf32, #tpu.memory_space<vmem>>) target(%dma_start3A_144 : memref<64x128xf32, #tpu.memory_space<vmem_shared>>) target_semaphore(%run_scoped3A : memref<!tpu.dma_semaphore, #tpu.memory_space<semaphore_mem>>)
      %dma_wait3A = arith.constant 0 : i32
      %dma_wait3A_145 = tpu.memref_slice %arg13[%add3A_90, %dma_wait3A] : memref<10240x128xf32, #tpu.memory_space<vmem_shared>> -> memref<64x128xf32, #tpu.memory_space<vmem_shared>>
      %dma_wait3A_146 = arith.constant 0 : i32
      %dma_wait3A_147 = tpu.memref_slice %arg13[%add3A_90, %dma_wait3A_146] : memref<10240x128xf32, #tpu.memory_space<vmem_shared>> -> memref<64x128xf32, #tpu.memory_space<vmem_shared>>
      tpu.wait_dma2 semaphore(%run_scoped3A : memref<!tpu.dma_semaphore, #tpu.memory_space<semaphore_mem>>) src(%arg11 : memref<64x128xf32, #tpu.memory_space<vmem>>) dst(%dma_wait3A_147 : memref<64x128xf32, #tpu.memory_space<vmem_shared>>)
      tpu.yield
    }) : () -> ()
    %barrier3A = arith.constant 0 : index
    tpu.barrier barrier_id(%barrier3A)
    %scan3A_91 = arith.constant 0 : i32
    %scan3A_92 = arith.constant 0 : i32
    %scan3A_93 = arith.constant 20 : i32
    %scan3A_94 = arith.addi %scan3A_92, %scan3A_93 : i32
    %scan3A_95 = arith.constant 1 : i32
    %scan3A_96 = scf.for %scan3A_142 = %scan3A_92 to %scan3A_94 step %scan3A_95 iter_args(%scan3A_143 = %scan3A_91) -> (i32)  : i32 {
      %mul3A_144 = arith.constant 1024 : i32
      %mul3A_145 = arith.muli %scan3A_142, %mul3A_144 : i32
      %add3A_146 = arith.addi %mul3A_1, %mul3A_145 : i32
      %multiple_of3A_147 = tpu.assume_multiple %add3A_146, 1024 : i32
      "tpu.region"() ({
        %run_scoped3A = tpu.sem_alloc : memref<!tpu.dma_semaphore, #tpu.memory_space<semaphore_mem>>
        %dma_start3A = tpu.memref_slice %arg3[%multiple_of3A_147] : memref<642048xi32, #tpu.memory_space<hbm>> -> memref<1024xi32, #tpu.memory_space<hbm>>
        %dma_start3A_212 = tpu.memref_slice %arg3[%multiple_of3A_147] : memref<642048xi32, #tpu.memory_space<hbm>> -> memref<1024xi32, #tpu.memory_space<hbm>>
        tpu.enqueue_dma source(%dma_start3A_212 : memref<1024xi32, #tpu.memory_space<hbm>>) target(%arg5 : memref<1024xi32, #tpu.memory_space<vmem>>) target_semaphore(%run_scoped3A : memref<!tpu.dma_semaphore, #tpu.memory_space<semaphore_mem>>)
        %dma_wait3A = tpu.memref_slice %arg3[%multiple_of3A_147] : memref<642048xi32, #tpu.memory_space<hbm>> -> memref<1024xi32, #tpu.memory_space<hbm>>
        %dma_wait3A_213 = tpu.memref_slice %arg3[%multiple_of3A_147] : memref<642048xi32, #tpu.memory_space<hbm>> -> memref<1024xi32, #tpu.memory_space<hbm>>
        tpu.wait_dma2 semaphore(%run_scoped3A : memref<!tpu.dma_semaphore, #tpu.memory_space<semaphore_mem>>) src(%dma_wait3A_213 : memref<1024xi32, #tpu.memory_space<hbm>>) dst(%arg5 : memref<1024xi32, #tpu.memory_space<vmem>>)
        tpu.yield
      }) : () -> ()
      %add3A_148 = arith.constant 320000 : i32
      %add3A_149 = arith.addi %add3A_148, %multiple_of3A_147 : i32
      "tpu.region"() ({
        %run_scoped3A = tpu.sem_alloc : memref<!tpu.dma_semaphore, #tpu.memory_space<semaphore_mem>>
        %dma_start3A = tpu.memref_slice %arg3[%add3A_149] : memref<642048xi32, #tpu.memory_space<hbm>> -> memref<1024xi32, #tpu.memory_space<hbm>>
        %dma_start3A_212 = tpu.memref_slice %arg3[%add3A_149] : memref<642048xi32, #tpu.memory_space<hbm>> -> memref<1024xi32, #tpu.memory_space<hbm>>
        tpu.enqueue_dma source(%dma_start3A_212 : memref<1024xi32, #tpu.memory_space<hbm>>) target(%arg6 : memref<1024xi32, #tpu.memory_space<vmem>>) target_semaphore(%run_scoped3A : memref<!tpu.dma_semaphore, #tpu.memory_space<semaphore_mem>>)
        %dma_wait3A = tpu.memref_slice %arg3[%add3A_149] : memref<642048xi32, #tpu.memory_space<hbm>> -> memref<1024xi32, #tpu.memory_space<hbm>>
        %dma_wait3A_213 = tpu.memref_slice %arg3[%add3A_149] : memref<642048xi32, #tpu.memory_space<hbm>> -> memref<1024xi32, #tpu.memory_space<hbm>>
        tpu.wait_dma2 semaphore(%run_scoped3A : memref<!tpu.dma_semaphore, #tpu.memory_space<semaphore_mem>>) src(%dma_wait3A_213 : memref<1024xi32, #tpu.memory_space<hbm>>) dst(%arg6 : memref<1024xi32, #tpu.memory_space<vmem>>)
        tpu.yield
      }) : () -> ()
      %mul3A_150 = arith.constant 8 : i32
      %mul3A_151 = arith.muli %scan3A_142, %mul3A_150 : i32
      %add3A_152 = arith.constant 0 : i32
      %add3A_153 = arith.addi %mul3A_151, %add3A_152 : i32
      %lt3A = arith.cmpi slt, %add3A_153, %select_n3A : i32
      %convert_element_type3A = arith.extui %lt3A : i1 to i32
      %cond3A = arith.constant 0 : i32
      %cond3A_154 = arith.cmpi ne, %convert_element_type3A, %cond3A : i32
      scf.if %cond3A_154 {
        %scan3A_212 = arith.constant 0 : i32
        %scan3A_213 = arith.constant 0 : i32
        %scan3A_214 = arith.constant 8 : i32
        %scan3A_215 = arith.addi %scan3A_213, %scan3A_214 : i32
        %scan3A_216 = arith.constant 1 : i32
        %scan3A_217 = scf.for %scan3A_223 = %scan3A_213 to %scan3A_215 step %scan3A_216 iter_args(%scan3A_224 = %scan3A_212) -> (i32)  : i32 {
          %mul3A_225 = arith.constant 16 : i32
          %mul3A_226 = arith.muli %scan3A_223, %mul3A_225 : i32
          %add3A_227 = arith.constant 0 : i32
          %add3A_228 = arith.addi %add3A_227, %mul3A_226 : i32
          %get3A = arith.index_cast %add3A_228 : i32 to index
          %get3A_229 = tpu.vector_load %arg5[%get3A] {strides = array<i32>} : memref<1024xi32, #tpu.memory_space<vmem>>, vector<16xi32>,
          %mul3A_230 = arith.constant 4 : i32
          %mul3A_231 = vector.broadcast %mul3A_230 : i32 to vector<16xi32>
          %mul3A_232 = arith.muli %get3A_229, %mul3A_231 : vector<16xi32>
          %add3A_233 = vector.broadcast %add3A_67 : i32 to vector<16xi32>
          %add3A_234 = arith.addi %mul3A_232, %add3A_233 : vector<16xi32>
          %mul3A_235 = arith.constant 16 : i32
          %mul3A_236 = arith.muli %scan3A_223, %mul3A_235 : i32
          %swap3A_237 = arith.index_cast %mul3A_236 : i32 to index
          %swap3A_238 = tpu.vector_load %arg7[%swap3A_237] {strides = array<i32>} : memref<128xi32, #tpu.memory_space<vmem>>, vector<16xi32>,
          tpu.vector_store %arg7[%swap3A_237], %add3A_234 {strides = array<i32>} : memref<128xi32, #tpu.memory_space<vmem>>, vector<16xi32>,
          %mul3A_239 = arith.constant 16 : i32
          %mul3A_240 = arith.muli %scan3A_223, %mul3A_239 : i32
          %add3A_241 = arith.constant 0 : i32
          %add3A_242 = arith.addi %add3A_241, %mul3A_240 : i32
          %get3A_243 = arith.index_cast %add3A_242 : i32 to index
          %get3A_244 = tpu.vector_load %arg6[%get3A_243] {strides = array<i32>} : memref<1024xi32, #tpu.memory_space<vmem>>, vector<16xi32>,
          %mul3A_245 = arith.constant 16 : i32
          %mul3A_246 = arith.muli %scan3A_223, %mul3A_245 : i32
          %swap3A_247 = arith.index_cast %mul3A_246 : i32 to index
          %swap3A_248 = tpu.vector_load %arg8[%swap3A_247] {strides = array<i32>} : memref<128xi32, #tpu.memory_space<vmem>>, vector<16xi32>,
          tpu.vector_store %arg8[%swap3A_247], %get3A_244 {strides = array<i32>} : memref<128xi32, #tpu.memory_space<vmem>>, vector<16xi32>,
          %scan3A_249 = arith.constant 0 : i32
          scf.yield %scan3A_249 : i32
        }
        %scan3A_218 = arith.constant 8 : i32
        %dma_start3A = arith.constant 0 : i32
        %dma_start3A_219 = arith.constant 0 : i32
        %dma_start3A_220 = tpu.memref_slice %arg2[%dma_start3A, %dma_start3A_219] : memref<40000x128xf32, #tpu.memory_space<hbm>> -> memref<40000x128xf32, #tpu.memory_space<hbm>>
        tpu.enqueue_indirect_dma source(%dma_start3A_220 : memref<40000x128xf32, #tpu.memory_space<hbm>>) target(%arg9 : memref<128x128xf32, #tpu.memory_space<vmem>>) offsets(%arg7 : memref<128xi32, #tpu.memory_space<vmem>>) semaphore(%arg15 : memref<!tpu.dma_semaphore, #tpu.memory_space<semaphore_mem>>)
        %dma_wait3A = arith.constant 0 : i32
        %dma_wait3A_221 = arith.constant 0 : i32
        %dma_wait3A_222 = tpu.memref_slice %arg2[%dma_wait3A, %dma_wait3A_221] : memref<40000x128xf32, #tpu.memory_space<hbm>> -> memref<40000x128xf32, #tpu.memory_space<hbm>>
        tpu.wait_indirect_dma semaphore(%arg15 : memref<!tpu.dma_semaphore, #tpu.memory_space<semaphore_mem>>) src(%dma_wait3A_222 : memref<40000x128xf32, #tpu.memory_space<hbm>>) dst(%arg9 : memref<128x128xf32, #tpu.memory_space<vmem>>)
        "tpu.region"() ({
          %run_scoped3A = tpu.sem_alloc : memref<!tpu.dma_semaphore, #tpu.memory_space<semaphore_mem>>
          %dma_start3A_223 = arith.constant 0 : i32
          %dma_start3A_224 = arith.constant 0 : i32
          %dma_start3A_225 = tpu.memref_slice %arg13[%dma_start3A_223, %dma_start3A_224] : memref<10240x128xf32, #tpu.memory_space<vmem_shared>> -> memref<10240x128xf32, #tpu.memory_space<vmem_shared>>
          tpu.enqueue_indirect_dma source(%arg9 : memref<128x128xf32, #tpu.memory_space<vmem>>) target(%dma_start3A_225 : memref<10240x128xf32, #tpu.memory_space<vmem_shared>>) offsets(%arg8 : memref<128xi32, #tpu.memory_space<vmem>>) semaphore(%run_scoped3A : memref<!tpu.dma_semaphore, #tpu.memory_space<semaphore_mem>>) {add = true}
          %dma_wait3A_226 = arith.constant 0 : i32
          %dma_wait3A_227 = arith.constant 0 : i32
          %dma_wait3A_228 = tpu.memref_slice %arg13[%dma_wait3A_226, %dma_wait3A_227] : memref<10240x128xf32, #tpu.memory_space<vmem_shared>> -> memref<10240x128xf32, #tpu.memory_space<vmem_shared>>
          tpu.wait_indirect_dma semaphore(%run_scoped3A : memref<!tpu.dma_semaphore, #tpu.memory_space<semaphore_mem>>) src(%arg9 : memref<128x128xf32, #tpu.memory_space<vmem>>) dst(%dma_wait3A_228 : memref<10240x128xf32, #tpu.memory_space<vmem_shared>>)
          tpu.yield
        }) : () -> ()
      } else {
      }
      %mul3A_155 = arith.constant 8 : i32
      %mul3A_156 = arith.muli %scan3A_142, %mul3A_155 : i32
      %add3A_157 = arith.constant 1 : i32
      %add3A_158 = arith.addi %mul3A_156, %add3A_157 : i32
      %lt3A_159 = arith.cmpi slt, %add3A_158, %select_n3A : i32
      %convert_element_type3A_160 = arith.extui %lt3A_159 : i1 to i32
      %cond3A_161 = arith.constant 0 : i32
      %cond3A_162 = arith.cmpi ne, %convert_element_type3A_160, %cond3A_161 : i32
      scf.if %cond3A_162 {
        %scan3A_212 = arith.constant 0 : i32
        %scan3A_213 = arith.constant 0 : i32
        %scan3A_214 = arith.constant 8 : i32
        %scan3A_215 = arith.addi %scan3A_213, %scan3A_214 : i32
        %scan3A_216 = arith.constant 1 : i32
        %scan3A_217 = scf.for %scan3A_223 = %scan3A_213 to %scan3A_215 step %scan3A_216 iter_args(%scan3A_224 = %scan3A_212) -> (i32)  : i32 {
          %mul3A_225 = arith.constant 16 : i32
          %mul3A_226 = arith.muli %scan3A_223, %mul3A_225 : i32
          %add3A_227 = arith.constant 128 : i32
          %add3A_228 = arith.addi %add3A_227, %mul3A_226 : i32
          %get3A = arith.index_cast %add3A_228 : i32 to index
          %get3A_229 = tpu.vector_load %arg5[%get3A] {strides = array<i32>} : memref<1024xi32, #tpu.memory_space<vmem>>, vector<16xi32>,
          %mul3A_230 = arith.constant 4 : i32
          %mul3A_231 = vector.broadcast %mul3A_230 : i32 to vector<16xi32>
          %mul3A_232 = arith.muli %get3A_229, %mul3A_231 : vector<16xi32>
          %add3A_233 = vector.broadcast %add3A_67 : i32 to vector<16xi32>
          %add3A_234 = arith.addi %mul3A_232, %add3A_233 : vector<16xi32>
          %mul3A_235 = arith.constant 16 : i32
          %mul3A_236 = arith.muli %scan3A_223, %mul3A_235 : i32
          %swap3A_237 = arith.index_cast %mul3A_236 : i32 to index
          %swap3A_238 = tpu.vector_load %arg7[%swap3A_237] {strides = array<i32>} : memref<128xi32, #tpu.memory_space<vmem>>, vector<16xi32>,
          tpu.vector_store %arg7[%swap3A_237], %add3A_234 {strides = array<i32>} : memref<128xi32, #tpu.memory_space<vmem>>, vector<16xi32>,
          %mul3A_239 = arith.constant 16 : i32
          %mul3A_240 = arith.muli %scan3A_223, %mul3A_239 : i32
          %add3A_241 = arith.constant 128 : i32
          %add3A_242 = arith.addi %add3A_241, %mul3A_240 : i32
          %get3A_243 = arith.index_cast %add3A_242 : i32 to index
          %get3A_244 = tpu.vector_load %arg6[%get3A_243] {strides = array<i32>} : memref<1024xi32, #tpu.memory_space<vmem>>, vector<16xi32>,
          %mul3A_245 = arith.constant 16 : i32
          %mul3A_246 = arith.muli %scan3A_223, %mul3A_245 : i32
          %swap3A_247 = arith.index_cast %mul3A_246 : i32 to index
          %swap3A_248 = tpu.vector_load %arg8[%swap3A_247] {strides = array<i32>} : memref<128xi32, #tpu.memory_space<vmem>>, vector<16xi32>,
          tpu.vector_store %arg8[%swap3A_247], %get3A_244 {strides = array<i32>} : memref<128xi32, #tpu.memory_space<vmem>>, vector<16xi32>,
          %scan3A_249 = arith.constant 0 : i32
          scf.yield %scan3A_249 : i32
        }
        %scan3A_218 = arith.constant 8 : i32
        %dma_start3A = arith.constant 0 : i32
        %dma_start3A_219 = arith.constant 0 : i32
        %dma_start3A_220 = tpu.memref_slice %arg2[%dma_start3A, %dma_start3A_219] : memref<40000x128xf32, #tpu.memory_space<hbm>> -> memref<40000x128xf32, #tpu.memory_space<hbm>>
        tpu.enqueue_indirect_dma source(%dma_start3A_220 : memref<40000x128xf32, #tpu.memory_space<hbm>>) target(%arg9 : memref<128x128xf32, #tpu.memory_space<vmem>>) offsets(%arg7 : memref<128xi32, #tpu.memory_space<vmem>>) semaphore(%arg15 : memref<!tpu.dma_semaphore, #tpu.memory_space<semaphore_mem>>)
        %dma_wait3A = arith.constant 0 : i32
        %dma_wait3A_221 = arith.constant 0 : i32
        %dma_wait3A_222 = tpu.memref_slice %arg2[%dma_wait3A, %dma_wait3A_221] : memref<40000x128xf32, #tpu.memory_space<hbm>> -> memref<40000x128xf32, #tpu.memory_space<hbm>>
        tpu.wait_indirect_dma semaphore(%arg15 : memref<!tpu.dma_semaphore, #tpu.memory_space<semaphore_mem>>) src(%dma_wait3A_222 : memref<40000x128xf32, #tpu.memory_space<hbm>>) dst(%arg9 : memref<128x128xf32, #tpu.memory_space<vmem>>)
        "tpu.region"() ({
          %run_scoped3A = tpu.sem_alloc : memref<!tpu.dma_semaphore, #tpu.memory_space<semaphore_mem>>
          %dma_start3A_223 = arith.constant 0 : i32
          %dma_start3A_224 = arith.constant 0 : i32
          %dma_start3A_225 = tpu.memref_slice %arg13[%dma_start3A_223, %dma_start3A_224] : memref<10240x128xf32, #tpu.memory_space<vmem_shared>> -> memref<10240x128xf32, #tpu.memory_space<vmem_shared>>
          tpu.enqueue_indirect_dma source(%arg9 : memref<128x128xf32, #tpu.memory_space<vmem>>) target(%dma_start3A_225 : memref<10240x128xf32, #tpu.memory_space<vmem_shared>>) offsets(%arg8 : memref<128xi32, #tpu.memory_space<vmem>>) semaphore(%run_scoped3A : memref<!tpu.dma_semaphore, #tpu.memory_space<semaphore_mem>>) {add = true}
          %dma_wait3A_226 = arith.constant 0 : i32
          %dma_wait3A_227 = arith.constant 0 : i32
          %dma_wait3A_228 = tpu.memref_slice %arg13[%dma_wait3A_226, %dma_wait3A_227] : memref<10240x128xf32, #tpu.memory_space<vmem_shared>> -> memref<10240x128xf32, #tpu.memory_space<vmem_shared>>
          tpu.wait_indirect_dma semaphore(%run_scoped3A : memref<!tpu.dma_semaphore, #tpu.memory_space<semaphore_mem>>) src(%arg9 : memref<128x128xf32, #tpu.memory_space<vmem>>) dst(%dma_wait3A_228 : memref<10240x128xf32, #tpu.memory_space<vmem_shared>>)
          tpu.yield
        }) : () -> ()
      } else {
      }
      %mul3A_163 = arith.constant 8 : i32
      %mul3A_164 = arith.muli %scan3A_142, %mul3A_163 : i32
      %add3A_165 = arith.constant 2 : i32
      %add3A_166 = arith.addi %mul3A_164, %add3A_165 : i32
      %lt3A_167 = arith.cmpi slt, %add3A_166, %select_n3A : i32
      %convert_element_type3A_168 = arith.extui %lt3A_167 : i1 to i32
      %cond3A_169 = arith.constant 0 : i32
      %cond3A_170 = arith.cmpi ne, %convert_element_type3A_168, %cond3A_169 : i32
      scf.if %cond3A_170 {
        %scan3A_212 = arith.constant 0 : i32
        %scan3A_213 = arith.constant 0 : i32
        %scan3A_214 = arith.constant 8 : i32
        %scan3A_215 = arith.addi %scan3A_213, %scan3A_214 : i32
        %scan3A_216 = arith.constant 1 : i32
        %scan3A_217 = scf.for %scan3A_223 = %scan3A_213 to %scan3A_215 step %scan3A_216 iter_args(%scan3A_224 = %scan3A_212) -> (i32)  : i32 {
          %mul3A_225 = arith.constant 16 : i32
          %mul3A_226 = arith.muli %scan3A_223, %mul3A_225 : i32
          %add3A_227 = arith.constant 256 : i32
          %add3A_228 = arith.addi %add3A_227, %mul3A_226 : i32
          %get3A = arith.index_cast %add3A_228 : i32 to index
          %get3A_229 = tpu.vector_load %arg5[%get3A] {strides = array<i32>} : memref<1024xi32, #tpu.memory_space<vmem>>, vector<16xi32>,
          %mul3A_230 = arith.constant 4 : i32
          %mul3A_231 = vector.broadcast %mul3A_230 : i32 to vector<16xi32>
          %mul3A_232 = arith.muli %get3A_229, %mul3A_231 : vector<16xi32>
          %add3A_233 = vector.broadcast %add3A_67 : i32 to vector<16xi32>
          %add3A_234 = arith.addi %mul3A_232, %add3A_233 : vector<16xi32>
          %mul3A_235 = arith.constant 16 : i32
          %mul3A_236 = arith.muli %scan3A_223, %mul3A_235 : i32
          %swap3A_237 = arith.index_cast %mul3A_236 : i32 to index
          %swap3A_238 = tpu.vector_load %arg7[%swap3A_237] {strides = array<i32>} : memref<128xi32, #tpu.memory_space<vmem>>, vector<16xi32>,
          tpu.vector_store %arg7[%swap3A_237], %add3A_234 {strides = array<i32>} : memref<128xi32, #tpu.memory_space<vmem>>, vector<16xi32>,
          %mul3A_239 = arith.constant 16 : i32
          %mul3A_240 = arith.muli %scan3A_223, %mul3A_239 : i32
          %add3A_241 = arith.constant 256 : i32
          %add3A_242 = arith.addi %add3A_241, %mul3A_240 : i32
          %get3A_243 = arith.index_cast %add3A_242 : i32 to index
          %get3A_244 = tpu.vector_load %arg6[%get3A_243] {strides = array<i32>} : memref<1024xi32, #tpu.memory_space<vmem>>, vector<16xi32>,
          %mul3A_245 = arith.constant 16 : i32
          %mul3A_246 = arith.muli %scan3A_223, %mul3A_245 : i32
          %swap3A_247 = arith.index_cast %mul3A_246 : i32 to index
          %swap3A_248 = tpu.vector_load %arg8[%swap3A_247] {strides = array<i32>} : memref<128xi32, #tpu.memory_space<vmem>>, vector<16xi32>,
          tpu.vector_store %arg8[%swap3A_247], %get3A_244 {strides = array<i32>} : memref<128xi32, #tpu.memory_space<vmem>>, vector<16xi32>,
          %scan3A_249 = arith.constant 0 : i32
          scf.yield %scan3A_249 : i32
        }
        %scan3A_218 = arith.constant 8 : i32
        %dma_start3A = arith.constant 0 : i32
        %dma_start3A_219 = arith.constant 0 : i32
        %dma_start3A_220 = tpu.memref_slice %arg2[%dma_start3A, %dma_start3A_219] : memref<40000x128xf32, #tpu.memory_space<hbm>> -> memref<40000x128xf32, #tpu.memory_space<hbm>>
        tpu.enqueue_indirect_dma source(%dma_start3A_220 : memref<40000x128xf32, #tpu.memory_space<hbm>>) target(%arg9 : memref<128x128xf32, #tpu.memory_space<vmem>>) offsets(%arg7 : memref<128xi32, #tpu.memory_space<vmem>>) semaphore(%arg15 : memref<!tpu.dma_semaphore, #tpu.memory_space<semaphore_mem>>)
        %dma_wait3A = arith.constant 0 : i32
        %dma_wait3A_221 = arith.constant 0 : i32
        %dma_wait3A_222 = tpu.memref_slice %arg2[%dma_wait3A, %dma_wait3A_221] : memref<40000x128xf32, #tpu.memory_space<hbm>> -> memref<40000x128xf32, #tpu.memory_space<hbm>>
        tpu.wait_indirect_dma semaphore(%arg15 : memref<!tpu.dma_semaphore, #tpu.memory_space<semaphore_mem>>) src(%dma_wait3A_222 : memref<40000x128xf32, #tpu.memory_space<hbm>>) dst(%arg9 : memref<128x128xf32, #tpu.memory_space<vmem>>)
        "tpu.region"() ({
          %run_scoped3A = tpu.sem_alloc : memref<!tpu.dma_semaphore, #tpu.memory_space<semaphore_mem>>
          %dma_start3A_223 = arith.constant 0 : i32
          %dma_start3A_224 = arith.constant 0 : i32
          %dma_start3A_225 = tpu.memref_slice %arg13[%dma_start3A_223, %dma_start3A_224] : memref<10240x128xf32, #tpu.memory_space<vmem_shared>> -> memref<10240x128xf32, #tpu.memory_space<vmem_shared>>
          tpu.enqueue_indirect_dma source(%arg9 : memref<128x128xf32, #tpu.memory_space<vmem>>) target(%dma_start3A_225 : memref<10240x128xf32, #tpu.memory_space<vmem_shared>>) offsets(%arg8 : memref<128xi32, #tpu.memory_space<vmem>>) semaphore(%run_scoped3A : memref<!tpu.dma_semaphore, #tpu.memory_space<semaphore_mem>>) {add = true}
          %dma_wait3A_226 = arith.constant 0 : i32
          %dma_wait3A_227 = arith.constant 0 : i32
          %dma_wait3A_228 = tpu.memref_slice %arg13[%dma_wait3A_226, %dma_wait3A_227] : memref<10240x128xf32, #tpu.memory_space<vmem_shared>> -> memref<10240x128xf32, #tpu.memory_space<vmem_shared>>
          tpu.wait_indirect_dma semaphore(%run_scoped3A : memref<!tpu.dma_semaphore, #tpu.memory_space<semaphore_mem>>) src(%arg9 : memref<128x128xf32, #tpu.memory_space<vmem>>) dst(%dma_wait3A_228 : memref<10240x128xf32, #tpu.memory_space<vmem_shared>>)
          tpu.yield
        }) : () -> ()
      } else {
      }
      %mul3A_171 = arith.constant 8 : i32
      %mul3A_172 = arith.muli %scan3A_142, %mul3A_171 : i32
      %add3A_173 = arith.constant 3 : i32
      %add3A_174 = arith.addi %mul3A_172, %add3A_173 : i32
      %lt3A_175 = arith.cmpi slt, %add3A_174, %select_n3A : i32
      %convert_element_type3A_176 = arith.extui %lt3A_175 : i1 to i32
      %cond3A_177 = arith.constant 0 : i32
      %cond3A_178 = arith.cmpi ne, %convert_element_type3A_176, %cond3A_177 : i32
      scf.if %cond3A_178 {
        %scan3A_212 = arith.constant 0 : i32
        %scan3A_213 = arith.constant 0 : i32
        %scan3A_214 = arith.constant 8 : i32
        %scan3A_215 = arith.addi %scan3A_213, %scan3A_214 : i32
        %scan3A_216 = arith.constant 1 : i32
        %scan3A_217 = scf.for %scan3A_223 = %scan3A_213 to %scan3A_215 step %scan3A_216 iter_args(%scan3A_224 = %scan3A_212) -> (i32)  : i32 {
          %mul3A_225 = arith.constant 16 : i32
          %mul3A_226 = arith.muli %scan3A_223, %mul3A_225 : i32
          %add3A_227 = arith.constant 384 : i32
          %add3A_228 = arith.addi %add3A_227, %mul3A_226 : i32
          %get3A = arith.index_cast %add3A_228 : i32 to index
          %get3A_229 = tpu.vector_load %arg5[%get3A] {strides = array<i32>} : memref<1024xi32, #tpu.memory_space<vmem>>, vector<16xi32>,
          %mul3A_230 = arith.constant 4 : i32
          %mul3A_231 = vector.broadcast %mul3A_230 : i32 to vector<16xi32>
          %mul3A_232 = arith.muli %get3A_229, %mul3A_231 : vector<16xi32>
          %add3A_233 = vector.broadcast %add3A_67 : i32 to vector<16xi32>
          %add3A_234 = arith.addi %mul3A_232, %add3A_233 : vector<16xi32>
          %mul3A_235 = arith.constant 16 : i32
          %mul3A_236 = arith.muli %scan3A_223, %mul3A_235 : i32
          %swap3A_237 = arith.index_cast %mul3A_236 : i32 to index
          %swap3A_238 = tpu.vector_load %arg7[%swap3A_237] {strides = array<i32>} : memref<128xi32, #tpu.memory_space<vmem>>, vector<16xi32>,
          tpu.vector_store %arg7[%swap3A_237], %add3A_234 {strides = array<i32>} : memref<128xi32, #tpu.memory_space<vmem>>, vector<16xi32>,
          %mul3A_239 = arith.constant 16 : i32
          %mul3A_240 = arith.muli %scan3A_223, %mul3A_239 : i32
          %add3A_241 = arith.constant 384 : i32
          %add3A_242 = arith.addi %add3A_241, %mul3A_240 : i32
          %get3A_243 = arith.index_cast %add3A_242 : i32 to index
          %get3A_244 = tpu.vector_load %arg6[%get3A_243] {strides = array<i32>} : memref<1024xi32, #tpu.memory_space<vmem>>, vector<16xi32>,
          %mul3A_245 = arith.constant 16 : i32
          %mul3A_246 = arith.muli %scan3A_223, %mul3A_245 : i32
          %swap3A_247 = arith.index_cast %mul3A_246 : i32 to index
          %swap3A_248 = tpu.vector_load %arg8[%swap3A_247] {strides = array<i32>} : memref<128xi32, #tpu.memory_space<vmem>>, vector<16xi32>,
          tpu.vector_store %arg8[%swap3A_247], %get3A_244 {strides = array<i32>} : memref<128xi32, #tpu.memory_space<vmem>>, vector<16xi32>,
          %scan3A_249 = arith.constant 0 : i32
          scf.yield %scan3A_249 : i32
        }
        %scan3A_218 = arith.constant 8 : i32
        %dma_start3A = arith.constant 0 : i32
        %dma_start3A_219 = arith.constant 0 : i32
        %dma_start3A_220 = tpu.memref_slice %arg2[%dma_start3A, %dma_start3A_219] : memref<40000x128xf32, #tpu.memory_space<hbm>> -> memref<40000x128xf32, #tpu.memory_space<hbm>>
        tpu.enqueue_indirect_dma source(%dma_start3A_220 : memref<40000x128xf32, #tpu.memory_space<hbm>>) target(%arg9 : memref<128x128xf32, #tpu.memory_space<vmem>>) offsets(%arg7 : memref<128xi32, #tpu.memory_space<vmem>>) semaphore(%arg15 : memref<!tpu.dma_semaphore, #tpu.memory_space<semaphore_mem>>)
        %dma_wait3A = arith.constant 0 : i32
        %dma_wait3A_221 = arith.constant 0 : i32
        %dma_wait3A_222 = tpu.memref_slice %arg2[%dma_wait3A, %dma_wait3A_221] : memref<40000x128xf32, #tpu.memory_space<hbm>> -> memref<40000x128xf32, #tpu.memory_space<hbm>>
        tpu.wait_indirect_dma semaphore(%arg15 : memref<!tpu.dma_semaphore, #tpu.memory_space<semaphore_mem>>) src(%dma_wait3A_222 : memref<40000x128xf32, #tpu.memory_space<hbm>>) dst(%arg9 : memref<128x128xf32, #tpu.memory_space<vmem>>)
        "tpu.region"() ({
          %run_scoped3A = tpu.sem_alloc : memref<!tpu.dma_semaphore, #tpu.memory_space<semaphore_mem>>
          %dma_start3A_223 = arith.constant 0 : i32
          %dma_start3A_224 = arith.constant 0 : i32
          %dma_start3A_225 = tpu.memref_slice %arg13[%dma_start3A_223, %dma_start3A_224] : memref<10240x128xf32, #tpu.memory_space<vmem_shared>> -> memref<10240x128xf32, #tpu.memory_space<vmem_shared>>
          tpu.enqueue_indirect_dma source(%arg9 : memref<128x128xf32, #tpu.memory_space<vmem>>) target(%dma_start3A_225 : memref<10240x128xf32, #tpu.memory_space<vmem_shared>>) offsets(%arg8 : memref<128xi32, #tpu.memory_space<vmem>>) semaphore(%run_scoped3A : memref<!tpu.dma_semaphore, #tpu.memory_space<semaphore_mem>>) {add = true}
          %dma_wait3A_226 = arith.constant 0 : i32
          %dma_wait3A_227 = arith.constant 0 : i32
          %dma_wait3A_228 = tpu.memref_slice %arg13[%dma_wait3A_226, %dma_wait3A_227] : memref<10240x128xf32, #tpu.memory_space<vmem_shared>> -> memref<10240x128xf32, #tpu.memory_space<vmem_shared>>
          tpu.wait_indirect_dma semaphore(%run_scoped3A : memref<!tpu.dma_semaphore, #tpu.memory_space<semaphore_mem>>) src(%arg9 : memref<128x128xf32, #tpu.memory_space<vmem>>) dst(%dma_wait3A_228 : memref<10240x128xf32, #tpu.memory_space<vmem_shared>>)
          tpu.yield
        }) : () -> ()
      } else {
      }
      %mul3A_179 = arith.constant 8 : i32
      %mul3A_180 = arith.muli %scan3A_142, %mul3A_179 : i32
      %add3A_181 = arith.constant 4 : i32
      %add3A_182 = arith.addi %mul3A_180, %add3A_181 : i32
      %lt3A_183 = arith.cmpi slt, %add3A_182, %select_n3A : i32
      %convert_element_type3A_184 = arith.extui %lt3A_183 : i1 to i32
      %cond3A_185 = arith.constant 0 : i32
      %cond3A_186 = arith.cmpi ne, %convert_element_type3A_184, %cond3A_185 : i32
      scf.if %cond3A_186 {
        %scan3A_212 = arith.constant 0 : i32
        %scan3A_213 = arith.constant 0 : i32
        %scan3A_214 = arith.constant 8 : i32
        %scan3A_215 = arith.addi %scan3A_213, %scan3A_214 : i32
        %scan3A_216 = arith.constant 1 : i32
        %scan3A_217 = scf.for %scan3A_223 = %scan3A_213 to %scan3A_215 step %scan3A_216 iter_args(%scan3A_224 = %scan3A_212) -> (i32)  : i32 {
          %mul3A_225 = arith.constant 16 : i32
          %mul3A_226 = arith.muli %scan3A_223, %mul3A_225 : i32
          %add3A_227 = arith.constant 512 : i32
          %add3A_228 = arith.addi %add3A_227, %mul3A_226 : i32
          %get3A = arith.index_cast %add3A_228 : i32 to index
          %get3A_229 = tpu.vector_load %arg5[%get3A] {strides = array<i32>} : memref<1024xi32, #tpu.memory_space<vmem>>, vector<16xi32>,
          %mul3A_230 = arith.constant 4 : i32
          %mul3A_231 = vector.broadcast %mul3A_230 : i32 to vector<16xi32>
          %mul3A_232 = arith.muli %get3A_229, %mul3A_231 : vector<16xi32>
          %add3A_233 = vector.broadcast %add3A_67 : i32 to vector<16xi32>
          %add3A_234 = arith.addi %mul3A_232, %add3A_233 : vector<16xi32>
          %mul3A_235 = arith.constant 16 : i32
          %mul3A_236 = arith.muli %scan3A_223, %mul3A_235 : i32
          %swap3A_237 = arith.index_cast %mul3A_236 : i32 to index
          %swap3A_238 = tpu.vector_load %arg7[%swap3A_237] {strides = array<i32>} : memref<128xi32, #tpu.memory_space<vmem>>, vector<16xi32>,
          tpu.vector_store %arg7[%swap3A_237], %add3A_234 {strides = array<i32>} : memref<128xi32, #tpu.memory_space<vmem>>, vector<16xi32>,
          %mul3A_239 = arith.constant 16 : i32
          %mul3A_240 = arith.muli %scan3A_223, %mul3A_239 : i32
          %add3A_241 = arith.constant 512 : i32
          %add3A_242 = arith.addi %add3A_241, %mul3A_240 : i32
          %get3A_243 = arith.index_cast %add3A_242 : i32 to index
          %get3A_244 = tpu.vector_load %arg6[%get3A_243] {strides = array<i32>} : memref<1024xi32, #tpu.memory_space<vmem>>, vector<16xi32>,
          %mul3A_245 = arith.constant 16 : i32
          %mul3A_246 = arith.muli %scan3A_223, %mul3A_245 : i32
          %swap3A_247 = arith.index_cast %mul3A_246 : i32 to index
          %swap3A_248 = tpu.vector_load %arg8[%swap3A_247] {strides = array<i32>} : memref<128xi32, #tpu.memory_space<vmem>>, vector<16xi32>,
          tpu.vector_store %arg8[%swap3A_247], %get3A_244 {strides = array<i32>} : memref<128xi32, #tpu.memory_space<vmem>>, vector<16xi32>,
          %scan3A_249 = arith.constant 0 : i32
          scf.yield %scan3A_249 : i32
        }
        %scan3A_218 = arith.constant 8 : i32
        %dma_start3A = arith.constant 0 : i32
        %dma_start3A_219 = arith.constant 0 : i32
        %dma_start3A_220 = tpu.memref_slice %arg2[%dma_start3A, %dma_start3A_219] : memref<40000x128xf32, #tpu.memory_space<hbm>> -> memref<40000x128xf32, #tpu.memory_space<hbm>>
        tpu.enqueue_indirect_dma source(%dma_start3A_220 : memref<40000x128xf32, #tpu.memory_space<hbm>>) target(%arg9 : memref<128x128xf32, #tpu.memory_space<vmem>>) offsets(%arg7 : memref<128xi32, #tpu.memory_space<vmem>>) semaphore(%arg15 : memref<!tpu.dma_semaphore, #tpu.memory_space<semaphore_mem>>)
        %dma_wait3A = arith.constant 0 : i32
        %dma_wait3A_221 = arith.constant 0 : i32
        %dma_wait3A_222 = tpu.memref_slice %arg2[%dma_wait3A, %dma_wait3A_221] : memref<40000x128xf32, #tpu.memory_space<hbm>> -> memref<40000x128xf32, #tpu.memory_space<hbm>>
        tpu.wait_indirect_dma semaphore(%arg15 : memref<!tpu.dma_semaphore, #tpu.memory_space<semaphore_mem>>) src(%dma_wait3A_222 : memref<40000x128xf32, #tpu.memory_space<hbm>>) dst(%arg9 : memref<128x128xf32, #tpu.memory_space<vmem>>)
        "tpu.region"() ({
          %run_scoped3A = tpu.sem_alloc : memref<!tpu.dma_semaphore, #tpu.memory_space<semaphore_mem>>
          %dma_start3A_223 = arith.constant 0 : i32
          %dma_start3A_224 = arith.constant 0 : i32
          %dma_start3A_225 = tpu.memref_slice %arg13[%dma_start3A_223, %dma_start3A_224] : memref<10240x128xf32, #tpu.memory_space<vmem_shared>> -> memref<10240x128xf32, #tpu.memory_space<vmem_shared>>
          tpu.enqueue_indirect_dma source(%arg9 : memref<128x128xf32, #tpu.memory_space<vmem>>) target(%dma_start3A_225 : memref<10240x128xf32, #tpu.memory_space<vmem_shared>>) offsets(%arg8 : memref<128xi32, #tpu.memory_space<vmem>>) semaphore(%run_scoped3A : memref<!tpu.dma_semaphore, #tpu.memory_space<semaphore_mem>>) {add = true}
          %dma_wait3A_226 = arith.constant 0 : i32
          %dma_wait3A_227 = arith.constant 0 : i32
          %dma_wait3A_228 = tpu.memref_slice %arg13[%dma_wait3A_226, %dma_wait3A_227] : memref<10240x128xf32, #tpu.memory_space<vmem_shared>> -> memref<10240x128xf32, #tpu.memory_space<vmem_shared>>
          tpu.wait_indirect_dma semaphore(%run_scoped3A : memref<!tpu.dma_semaphore, #tpu.memory_space<semaphore_mem>>) src(%arg9 : memref<128x128xf32, #tpu.memory_space<vmem>>) dst(%dma_wait3A_228 : memref<10240x128xf32, #tpu.memory_space<vmem_shared>>)
          tpu.yield
        }) : () -> ()
      } else {
      }
      %mul3A_187 = arith.constant 8 : i32
      %mul3A_188 = arith.muli %scan3A_142, %mul3A_187 : i32
      %add3A_189 = arith.constant 5 : i32
      %add3A_190 = arith.addi %mul3A_188, %add3A_189 : i32
      %lt3A_191 = arith.cmpi slt, %add3A_190, %select_n3A : i32
      %convert_element_type3A_192 = arith.extui %lt3A_191 : i1 to i32
      %cond3A_193 = arith.constant 0 : i32
      %cond3A_194 = arith.cmpi ne, %convert_element_type3A_192, %cond3A_193 : i32
      scf.if %cond3A_194 {
        %scan3A_212 = arith.constant 0 : i32
        %scan3A_213 = arith.constant 0 : i32
        %scan3A_214 = arith.constant 8 : i32
        %scan3A_215 = arith.addi %scan3A_213, %scan3A_214 : i32
        %scan3A_216 = arith.constant 1 : i32
        %scan3A_217 = scf.for %scan3A_223 = %scan3A_213 to %scan3A_215 step %scan3A_216 iter_args(%scan3A_224 = %scan3A_212) -> (i32)  : i32 {
          %mul3A_225 = arith.constant 16 : i32
          %mul3A_226 = arith.muli %scan3A_223, %mul3A_225 : i32
          %add3A_227 = arith.constant 640 : i32
          %add3A_228 = arith.addi %add3A_227, %mul3A_226 : i32
          %get3A = arith.index_cast %add3A_228 : i32 to index
          %get3A_229 = tpu.vector_load %arg5[%get3A] {strides = array<i32>} : memref<1024xi32, #tpu.memory_space<vmem>>, vector<16xi32>,
          %mul3A_230 = arith.constant 4 : i32
          %mul3A_231 = vector.broadcast %mul3A_230 : i32 to vector<16xi32>
          %mul3A_232 = arith.muli %get3A_229, %mul3A_231 : vector<16xi32>
          %add3A_233 = vector.broadcast %add3A_67 : i32 to vector<16xi32>
          %add3A_234 = arith.addi %mul3A_232, %add3A_233 : vector<16xi32>
          %mul3A_235 = arith.constant 16 : i32
          %mul3A_236 = arith.muli %scan3A_223, %mul3A_235 : i32
          %swap3A_237 = arith.index_cast %mul3A_236 : i32 to index
          %swap3A_238 = tpu.vector_load %arg7[%swap3A_237] {strides = array<i32>} : memref<128xi32, #tpu.memory_space<vmem>>, vector<16xi32>,
          tpu.vector_store %arg7[%swap3A_237], %add3A_234 {strides = array<i32>} : memref<128xi32, #tpu.memory_space<vmem>>, vector<16xi32>,
          %mul3A_239 = arith.constant 16 : i32
          %mul3A_240 = arith.muli %scan3A_223, %mul3A_239 : i32
          %add3A_241 = arith.constant 640 : i32
          %add3A_242 = arith.addi %add3A_241, %mul3A_240 : i32
          %get3A_243 = arith.index_cast %add3A_242 : i32 to index
          %get3A_244 = tpu.vector_load %arg6[%get3A_243] {strides = array<i32>} : memref<1024xi32, #tpu.memory_space<vmem>>, vector<16xi32>,
          %mul3A_245 = arith.constant 16 : i32
          %mul3A_246 = arith.muli %scan3A_223, %mul3A_245 : i32
          %swap3A_247 = arith.index_cast %mul3A_246 : i32 to index
          %swap3A_248 = tpu.vector_load %arg8[%swap3A_247] {strides = array<i32>} : memref<128xi32, #tpu.memory_space<vmem>>, vector<16xi32>,
          tpu.vector_store %arg8[%swap3A_247], %get3A_244 {strides = array<i32>} : memref<128xi32, #tpu.memory_space<vmem>>, vector<16xi32>,
          %scan3A_249 = arith.constant 0 : i32
          scf.yield %scan3A_249 : i32
        }
        %scan3A_218 = arith.constant 8 : i32
        %dma_start3A = arith.constant 0 : i32
        %dma_start3A_219 = arith.constant 0 : i32
        %dma_start3A_220 = tpu.memref_slice %arg2[%dma_start3A, %dma_start3A_219] : memref<40000x128xf32, #tpu.memory_space<hbm>> -> memref<40000x128xf32, #tpu.memory_space<hbm>>
        tpu.enqueue_indirect_dma source(%dma_start3A_220 : memref<40000x128xf32, #tpu.memory_space<hbm>>) target(%arg9 : memref<128x128xf32, #tpu.memory_space<vmem>>) offsets(%arg7 : memref<128xi32, #tpu.memory_space<vmem>>) semaphore(%arg15 : memref<!tpu.dma_semaphore, #tpu.memory_space<semaphore_mem>>)
        %dma_wait3A = arith.constant 0 : i32
        %dma_wait3A_221 = arith.constant 0 : i32
        %dma_wait3A_222 = tpu.memref_slice %arg2[%dma_wait3A, %dma_wait3A_221] : memref<40000x128xf32, #tpu.memory_space<hbm>> -> memref<40000x128xf32, #tpu.memory_space<hbm>>
        tpu.wait_indirect_dma semaphore(%arg15 : memref<!tpu.dma_semaphore, #tpu.memory_space<semaphore_mem>>) src(%dma_wait3A_222 : memref<40000x128xf32, #tpu.memory_space<hbm>>) dst(%arg9 : memref<128x128xf32, #tpu.memory_space<vmem>>)
        "tpu.region"() ({
          %run_scoped3A = tpu.sem_alloc : memref<!tpu.dma_semaphore, #tpu.memory_space<semaphore_mem>>
          %dma_start3A_223 = arith.constant 0 : i32
          %dma_start3A_224 = arith.constant 0 : i32
          %dma_start3A_225 = tpu.memref_slice %arg13[%dma_start3A_223, %dma_start3A_224] : memref<10240x128xf32, #tpu.memory_space<vmem_shared>> -> memref<10240x128xf32, #tpu.memory_space<vmem_shared>>
          tpu.enqueue_indirect_dma source(%arg9 : memref<128x128xf32, #tpu.memory_space<vmem>>) target(%dma_start3A_225 : memref<10240x128xf32, #tpu.memory_space<vmem_shared>>) offsets(%arg8 : memref<128xi32, #tpu.memory_space<vmem>>) semaphore(%run_scoped3A : memref<!tpu.dma_semaphore, #tpu.memory_space<semaphore_mem>>) {add = true}
          %dma_wait3A_226 = arith.constant 0 : i32
          %dma_wait3A_227 = arith.constant 0 : i32
          %dma_wait3A_228 = tpu.memref_slice %arg13[%dma_wait3A_226, %dma_wait3A_227] : memref<10240x128xf32, #tpu.memory_space<vmem_shared>> -> memref<10240x128xf32, #tpu.memory_space<vmem_shared>>
          tpu.wait_indirect_dma semaphore(%run_scoped3A : memref<!tpu.dma_semaphore, #tpu.memory_space<semaphore_mem>>) src(%arg9 : memref<128x128xf32, #tpu.memory_space<vmem>>) dst(%dma_wait3A_228 : memref<10240x128xf32, #tpu.memory_space<vmem_shared>>)
          tpu.yield
        }) : () -> ()
      } else {
      }
      %mul3A_195 = arith.constant 8 : i32
      %mul3A_196 = arith.muli %scan3A_142, %mul3A_195 : i32
      %add3A_197 = arith.constant 6 : i32
      %add3A_198 = arith.addi %mul3A_196, %add3A_197 : i32
      %lt3A_199 = arith.cmpi slt, %add3A_198, %select_n3A : i32
      %convert_element_type3A_200 = arith.extui %lt3A_199 : i1 to i32
      %cond3A_201 = arith.constant 0 : i32
      %cond3A_202 = arith.cmpi ne, %convert_element_type3A_200, %cond3A_201 : i32
      scf.if %cond3A_202 {
        %scan3A_212 = arith.constant 0 : i32
        %scan3A_213 = arith.constant 0 : i32
        %scan3A_214 = arith.constant 8 : i32
        %scan3A_215 = arith.addi %scan3A_213, %scan3A_214 : i32
        %scan3A_216 = arith.constant 1 : i32
        %scan3A_217 = scf.for %scan3A_223 = %scan3A_213 to %scan3A_215 step %scan3A_216 iter_args(%scan3A_224 = %scan3A_212) -> (i32)  : i32 {
          %mul3A_225 = arith.constant 16 : i32
          %mul3A_226 = arith.muli %scan3A_223, %mul3A_225 : i32
          %add3A_227 = arith.constant 768 : i32
          %add3A_228 = arith.addi %add3A_227, %mul3A_226 : i32
          %get3A = arith.index_cast %add3A_228 : i32 to index
          %get3A_229 = tpu.vector_load %arg5[%get3A] {strides = array<i32>} : memref<1024xi32, #tpu.memory_space<vmem>>, vector<16xi32>,
          %mul3A_230 = arith.constant 4 : i32
          %mul3A_231 = vector.broadcast %mul3A_230 : i32 to vector<16xi32>
          %mul3A_232 = arith.muli %get3A_229, %mul3A_231 : vector<16xi32>
          %add3A_233 = vector.broadcast %add3A_67 : i32 to vector<16xi32>
          %add3A_234 = arith.addi %mul3A_232, %add3A_233 : vector<16xi32>
          %mul3A_235 = arith.constant 16 : i32
          %mul3A_236 = arith.muli %scan3A_223, %mul3A_235 : i32
          %swap3A_237 = arith.index_cast %mul3A_236 : i32 to index
          %swap3A_238 = tpu.vector_load %arg7[%swap3A_237] {strides = array<i32>} : memref<128xi32, #tpu.memory_space<vmem>>, vector<16xi32>,
          tpu.vector_store %arg7[%swap3A_237], %add3A_234 {strides = array<i32>} : memref<128xi32, #tpu.memory_space<vmem>>, vector<16xi32>,
          %mul3A_239 = arith.constant 16 : i32
          %mul3A_240 = arith.muli %scan3A_223, %mul3A_239 : i32
          %add3A_241 = arith.constant 768 : i32
          %add3A_242 = arith.addi %add3A_241, %mul3A_240 : i32
          %get3A_243 = arith.index_cast %add3A_242 : i32 to index
          %get3A_244 = tpu.vector_load %arg6[%get3A_243] {strides = array<i32>} : memref<1024xi32, #tpu.memory_space<vmem>>, vector<16xi32>,
          %mul3A_245 = arith.constant 16 : i32
          %mul3A_246 = arith.muli %scan3A_223, %mul3A_245 : i32
          %swap3A_247 = arith.index_cast %mul3A_246 : i32 to index
          %swap3A_248 = tpu.vector_load %arg8[%swap3A_247] {strides = array<i32>} : memref<128xi32, #tpu.memory_space<vmem>>, vector<16xi32>,
          tpu.vector_store %arg8[%swap3A_247], %get3A_244 {strides = array<i32>} : memref<128xi32, #tpu.memory_space<vmem>>, vector<16xi32>,
          %scan3A_249 = arith.constant 0 : i32
          scf.yield %scan3A_249 : i32
        }
        %scan3A_218 = arith.constant 8 : i32
        %dma_start3A = arith.constant 0 : i32
        %dma_start3A_219 = arith.constant 0 : i32
        %dma_start3A_220 = tpu.memref_slice %arg2[%dma_start3A, %dma_start3A_219] : memref<40000x128xf32, #tpu.memory_space<hbm>> -> memref<40000x128xf32, #tpu.memory_space<hbm>>
        tpu.enqueue_indirect_dma source(%dma_start3A_220 : memref<40000x128xf32, #tpu.memory_space<hbm>>) target(%arg9 : memref<128x128xf32, #tpu.memory_space<vmem>>) offsets(%arg7 : memref<128xi32, #tpu.memory_space<vmem>>) semaphore(%arg15 : memref<!tpu.dma_semaphore, #tpu.memory_space<semaphore_mem>>)
        %dma_wait3A = arith.constant 0 : i32
        %dma_wait3A_221 = arith.constant 0 : i32
        %dma_wait3A_222 = tpu.memref_slice %arg2[%dma_wait3A, %dma_wait3A_221] : memref<40000x128xf32, #tpu.memory_space<hbm>> -> memref<40000x128xf32, #tpu.memory_space<hbm>>
        tpu.wait_indirect_dma semaphore(%arg15 : memref<!tpu.dma_semaphore, #tpu.memory_space<semaphore_mem>>) src(%dma_wait3A_222 : memref<40000x128xf32, #tpu.memory_space<hbm>>) dst(%arg9 : memref<128x128xf32, #tpu.memory_space<vmem>>)
        "tpu.region"() ({
          %run_scoped3A = tpu.sem_alloc : memref<!tpu.dma_semaphore, #tpu.memory_space<semaphore_mem>>
          %dma_start3A_223 = arith.constant 0 : i32
          %dma_start3A_224 = arith.constant 0 : i32
          %dma_start3A_225 = tpu.memref_slice %arg13[%dma_start3A_223, %dma_start3A_224] : memref<10240x128xf32, #tpu.memory_space<vmem_shared>> -> memref<10240x128xf32, #tpu.memory_space<vmem_shared>>
          tpu.enqueue_indirect_dma source(%arg9 : memref<128x128xf32, #tpu.memory_space<vmem>>) target(%dma_start3A_225 : memref<10240x128xf32, #tpu.memory_space<vmem_shared>>) offsets(%arg8 : memref<128xi32, #tpu.memory_space<vmem>>) semaphore(%run_scoped3A : memref<!tpu.dma_semaphore, #tpu.memory_space<semaphore_mem>>) {add = true}
          %dma_wait3A_226 = arith.constant 0 : i32
          %dma_wait3A_227 = arith.constant 0 : i32
          %dma_wait3A_228 = tpu.memref_slice %arg13[%dma_wait3A_226, %dma_wait3A_227] : memref<10240x128xf32, #tpu.memory_space<vmem_shared>> -> memref<10240x128xf32, #tpu.memory_space<vmem_shared>>
          tpu.wait_indirect_dma semaphore(%run_scoped3A : memref<!tpu.dma_semaphore, #tpu.memory_space<semaphore_mem>>) src(%arg9 : memref<128x128xf32, #tpu.memory_space<vmem>>) dst(%dma_wait3A_228 : memref<10240x128xf32, #tpu.memory_space<vmem_shared>>)
          tpu.yield
        }) : () -> ()
      } else {
      }
      %mul3A_203 = arith.constant 8 : i32
      %mul3A_204 = arith.muli %scan3A_142, %mul3A_203 : i32
      %add3A_205 = arith.constant 7 : i32
      %add3A_206 = arith.addi %mul3A_204, %add3A_205 : i32
      %lt3A_207 = arith.cmpi slt, %add3A_206, %select_n3A : i32
      %convert_element_type3A_208 = arith.extui %lt3A_207 : i1 to i32
      %cond3A_209 = arith.constant 0 : i32
      %cond3A_210 = arith.cmpi ne, %convert_element_type3A_208, %cond3A_209 : i32
      scf.if %cond3A_210 {
        %scan3A_212 = arith.constant 0 : i32
        %scan3A_213 = arith.constant 0 : i32
        %scan3A_214 = arith.constant 8 : i32
        %scan3A_215 = arith.addi %scan3A_213, %scan3A_214 : i32
        %scan3A_216 = arith.constant 1 : i32
        %scan3A_217 = scf.for %scan3A_223 = %scan3A_213 to %scan3A_215 step %scan3A_216 iter_args(%scan3A_224 = %scan3A_212) -> (i32)  : i32 {
          %mul3A_225 = arith.constant 16 : i32
          %mul3A_226 = arith.muli %scan3A_223, %mul3A_225 : i32
          %add3A_227 = arith.constant 896 : i32
          %add3A_228 = arith.addi %add3A_227, %mul3A_226 : i32
          %get3A = arith.index_cast %add3A_228 : i32 to index
          %get3A_229 = tpu.vector_load %arg5[%get3A] {strides = array<i32>} : memref<1024xi32, #tpu.memory_space<vmem>>, vector<16xi32>,
          %mul3A_230 = arith.constant 4 : i32
          %mul3A_231 = vector.broadcast %mul3A_230 : i32 to vector<16xi32>
          %mul3A_232 = arith.muli %get3A_229, %mul3A_231 : vector<16xi32>
          %add3A_233 = vector.broadcast %add3A_67 : i32 to vector<16xi32>
          %add3A_234 = arith.addi %mul3A_232, %add3A_233 : vector<16xi32>
          %mul3A_235 = arith.constant 16 : i32
          %mul3A_236 = arith.muli %scan3A_223, %mul3A_235 : i32
          %swap3A_237 = arith.index_cast %mul3A_236 : i32 to index
          %swap3A_238 = tpu.vector_load %arg7[%swap3A_237] {strides = array<i32>} : memref<128xi32, #tpu.memory_space<vmem>>, vector<16xi32>,
          tpu.vector_store %arg7[%swap3A_237], %add3A_234 {strides = array<i32>} : memref<128xi32, #tpu.memory_space<vmem>>, vector<16xi32>,
          %mul3A_239 = arith.constant 16 : i32
          %mul3A_240 = arith.muli %scan3A_223, %mul3A_239 : i32
          %add3A_241 = arith.constant 896 : i32
          %add3A_242 = arith.addi %add3A_241, %mul3A_240 : i32
          %get3A_243 = arith.index_cast %add3A_242 : i32 to index
          %get3A_244 = tpu.vector_load %arg6[%get3A_243] {strides = array<i32>} : memref<1024xi32, #tpu.memory_space<vmem>>, vector<16xi32>,
          %mul3A_245 = arith.constant 16 : i32
          %mul3A_246 = arith.muli %scan3A_223, %mul3A_245 : i32
          %swap3A_247 = arith.index_cast %mul3A_246 : i32 to index
          %swap3A_248 = tpu.vector_load %arg8[%swap3A_247] {strides = array<i32>} : memref<128xi32, #tpu.memory_space<vmem>>, vector<16xi32>,
          tpu.vector_store %arg8[%swap3A_247], %get3A_244 {strides = array<i32>} : memref<128xi32, #tpu.memory_space<vmem>>, vector<16xi32>,
          %scan3A_249 = arith.constant 0 : i32
          scf.yield %scan3A_249 : i32
        }
        %scan3A_218 = arith.constant 8 : i32
        %dma_start3A = arith.constant 0 : i32
        %dma_start3A_219 = arith.constant 0 : i32
        %dma_start3A_220 = tpu.memref_slice %arg2[%dma_start3A, %dma_start3A_219] : memref<40000x128xf32, #tpu.memory_space<hbm>> -> memref<40000x128xf32, #tpu.memory_space<hbm>>
        tpu.enqueue_indirect_dma source(%dma_start3A_220 : memref<40000x128xf32, #tpu.memory_space<hbm>>) target(%arg9 : memref<128x128xf32, #tpu.memory_space<vmem>>) offsets(%arg7 : memref<128xi32, #tpu.memory_space<vmem>>) semaphore(%arg15 : memref<!tpu.dma_semaphore, #tpu.memory_space<semaphore_mem>>)
        %dma_wait3A = arith.constant 0 : i32
        %dma_wait3A_221 = arith.constant 0 : i32
        %dma_wait3A_222 = tpu.memref_slice %arg2[%dma_wait3A, %dma_wait3A_221] : memref<40000x128xf32, #tpu.memory_space<hbm>> -> memref<40000x128xf32, #tpu.memory_space<hbm>>
        tpu.wait_indirect_dma semaphore(%arg15 : memref<!tpu.dma_semaphore, #tpu.memory_space<semaphore_mem>>) src(%dma_wait3A_222 : memref<40000x128xf32, #tpu.memory_space<hbm>>) dst(%arg9 : memref<128x128xf32, #tpu.memory_space<vmem>>)
        "tpu.region"() ({
          %run_scoped3A = tpu.sem_alloc : memref<!tpu.dma_semaphore, #tpu.memory_space<semaphore_mem>>
          %dma_start3A_223 = arith.constant 0 : i32
          %dma_start3A_224 = arith.constant 0 : i32
          %dma_start3A_225 = tpu.memref_slice %arg13[%dma_start3A_223, %dma_start3A_224] : memref<10240x128xf32, #tpu.memory_space<vmem_shared>> -> memref<10240x128xf32, #tpu.memory_space<vmem_shared>>
          tpu.enqueue_indirect_dma source(%arg9 : memref<128x128xf32, #tpu.memory_space<vmem>>) target(%dma_start3A_225 : memref<10240x128xf32, #tpu.memory_space<vmem_shared>>) offsets(%arg8 : memref<128xi32, #tpu.memory_space<vmem>>) semaphore(%run_scoped3A : memref<!tpu.dma_semaphore, #tpu.memory_space<semaphore_mem>>) {add = true}
          %dma_wait3A_226 = arith.constant 0 : i32
          %dma_wait3A_227 = arith.constant 0 : i32
          %dma_wait3A_228 = tpu.memref_slice %arg13[%dma_wait3A_226, %dma_wait3A_227] : memref<10240x128xf32, #tpu.memory_space<vmem_shared>> -> memref<10240x128xf32, #tpu.memory_space<vmem_shared>>
          tpu.wait_indirect_dma semaphore(%run_scoped3A : memref<!tpu.dma_semaphore, #tpu.memory_space<semaphore_mem>>) src(%arg9 : memref<128x128xf32, #tpu.memory_space<vmem>>) dst(%dma_wait3A_228 : memref<10240x128xf32, #tpu.memory_space<vmem_shared>>)
          tpu.yield
        }) : () -> ()
      } else {
      }
      %scan3A_211 = arith.constant 0 : i32
      scf.yield %scan3A_211 : i32
    }
    %scan3A_97 = arith.constant 20 : i32
    %barrier3A_98 = arith.constant 0 : index
    tpu.barrier barrier_id(%barrier3A_98)
    %mul3A_99 = arith.constant 128 : i32
    %mul3A_100 = arith.muli %add3A_67, %mul3A_99 : i32
    %multiple_of3A_101 = tpu.assume_multiple %mul3A_100, 128 : i32
    "tpu.region"() ({
      %run_scoped3A = tpu.sem_alloc : memref<!tpu.dma_semaphore, #tpu.memory_space<semaphore_mem>>
      %dma_start3A = tpu.memref_slice %arg4[%multiple_of3A, %multiple_of3A_101] : memref<10240x512xf32, #tpu.memory_space<hbm>> -> memref<640x128xf32, #tpu.memory_space<hbm>>
      %dma_start3A_142 = arith.constant 0 : i32
      %dma_start3A_143 = tpu.memref_slice %arg13[%multiple_of3A, %dma_start3A_142] : memref<10240x128xf32, #tpu.memory_space<vmem_shared>> -> memref<640x128xf32, #tpu.memory_space<vmem_shared>>
      tpu.enqueue_dma source(%dma_start3A_143 : memref<640x128xf32, #tpu.memory_space<vmem_shared>>) target(%dma_start3A : memref<640x128xf32, #tpu.memory_space<hbm>>) target_semaphore(%run_scoped3A : memref<!tpu.dma_semaphore, #tpu.memory_space<semaphore_mem>>)
      %dma_wait3A = tpu.memref_slice %arg4[%multiple_of3A, %multiple_of3A_101] : memref<10240x512xf32, #tpu.memory_space<hbm>> -> memref<640x128xf32, #tpu.memory_space<hbm>>
      %dma_wait3A_144 = arith.constant 0 : i32
      %dma_wait3A_145 = tpu.memref_slice %arg13[%multiple_of3A, %dma_wait3A_144] : memref<10240x128xf32, #tpu.memory_space<vmem_shared>> -> memref<640x128xf32, #tpu.memory_space<vmem_shared>>
      tpu.wait_dma2 semaphore(%run_scoped3A : memref<!tpu.dma_semaphore, #tpu.memory_space<semaphore_mem>>) src(%dma_wait3A_145 : memref<640x128xf32, #tpu.memory_space<vmem_shared>>) dst(%dma_wait3A : memref<640x128xf32, #tpu.memory_space<hbm>>)
      tpu.yield
    }) : () -> ()
    %barrier3A_102 = arith.constant 0 : index
    tpu.barrier barrier_id(%barrier3A_102)
    %add3A_103 = arith.constant 2 : i32
    %add3A_104 = arith.addi %add3A_103, %arg0 : i32
    %eq3A_105 = arith.constant 0 : i32
    %eq3A_106 = arith.cmpi eq, %arg0, %eq3A_105 : i32
    %and3A_107 = arith.constant false
    %and3A_108 = arith.andi %eq3A_106, %and3A_107 : i1
    %add3A_109 = arith.constant 0 : i32
    %add3A_110 = arith.addi %multiple_of3A, %add3A_109 : i32
    "tpu.region"() ({
      %run_scoped3A = tpu.sem_alloc : memref<!tpu.dma_semaphore, #tpu.memory_space<semaphore_mem>>
      %dma_start3A = arith.constant 0 : i32
      %dma_start3A_142 = tpu.memref_slice %arg13[%add3A_110, %dma_start3A] : memref<10240x128xf32, #tpu.memory_space<vmem_shared>> -> memref<64x128xf32, #tpu.memory_space<vmem_shared>>
      %dma_start3A_143 = arith.constant 0 : i32
      %dma_start3A_144 = tpu.memref_slice %arg13[%add3A_110, %dma_start3A_143] : memref<10240x128xf32, #tpu.memory_space<vmem_shared>> -> memref<64x128xf32, #tpu.memory_space<vmem_shared>>
      tpu.enqueue_dma source(%arg11 : memref<64x128xf32, #tpu.memory_space<vmem>>) target(%dma_start3A_144 : memref<64x128xf32, #tpu.memory_space<vmem_shared>>) target_semaphore(%run_scoped3A : memref<!tpu.dma_semaphore, #tpu.memory_space<semaphore_mem>>)
      %dma_wait3A = arith.constant 0 : i32
      %dma_wait3A_145 = tpu.memref_slice %arg13[%add3A_110, %dma_wait3A] : memref<10240x128xf32, #tpu.memory_space<vmem_shared>> -> memref<64x128xf32, #tpu.memory_space<vmem_shared>>
      %dma_wait3A_146 = arith.constant 0 : i32
      %dma_wait3A_147 = tpu.memref_slice %arg13[%add3A_110, %dma_wait3A_146] : memref<10240x128xf32, #tpu.memory_space<vmem_shared>> -> memref<64x128xf32, #tpu.memory_space<vmem_shared>>
      tpu.wait_dma2 semaphore(%run_scoped3A : memref<!tpu.dma_semaphore, #tpu.memory_space<semaphore_mem>>) src(%arg11 : memref<64x128xf32, #tpu.memory_space<vmem>>) dst(%dma_wait3A_147 : memref<64x128xf32, #tpu.memory_space<vmem_shared>>)
      tpu.yield
    }) : () -> ()
    %add3A_111 = arith.constant 64 : i32
    %add3A_112 = arith.addi %multiple_of3A, %add3A_111 : i32
    "tpu.region"() ({
      %run_scoped3A = tpu.sem_alloc : memref<!tpu.dma_semaphore, #tpu.memory_space<semaphore_mem>>
      %dma_start3A = arith.constant 0 : i32
      %dma_start3A_142 = tpu.memref_slice %arg13[%add3A_112, %dma_start3A] : memref<10240x128xf32, #tpu.memory_space<vmem_shared>> -> memref<64x128xf32, #tpu.memory_space<vmem_shared>>
      %dma_start3A_143 = arith.constant 0 : i32
      %dma_start3A_144 = tpu.memref_slice %arg13[%add3A_112, %dma_start3A_143] : memref<10240x128xf32, #tpu.memory_space<vmem_shared>> -> memref<64x128xf32, #tpu.memory_space<vmem_shared>>
      tpu.enqueue_dma source(%arg11 : memref<64x128xf32, #tpu.memory_space<vmem>>) target(%dma_start3A_144 : memref<64x128xf32, #tpu.memory_space<vmem_shared>>) target_semaphore(%run_scoped3A : memref<!tpu.dma_semaphore, #tpu.memory_space<semaphore_mem>>)
      %dma_wait3A = arith.constant 0 : i32
      %dma_wait3A_145 = tpu.memref_slice %arg13[%add3A_112, %dma_wait3A] : memref<10240x128xf32, #tpu.memory_space<vmem_shared>> -> memref<64x128xf32, #tpu.memory_space<vmem_shared>>
      %dma_wait3A_146 = arith.constant 0 : i32
      %dma_wait3A_147 = tpu.memref_slice %arg13[%add3A_112, %dma_wait3A_146] : memref<10240x128xf32, #tpu.memory_space<vmem_shared>> -> memref<64x128xf32, #tpu.memory_space<vmem_shared>>
      tpu.wait_dma2 semaphore(%run_scoped3A : memref<!tpu.dma_semaphore, #tpu.memory_space<semaphore_mem>>) src(%arg11 : memref<64x128xf32, #tpu.memory_space<vmem>>) dst(%dma_wait3A_147 : memref<64x128xf32, #tpu.memory_space<vmem_shared>>)
      tpu.yield
    }) : () -> ()
    %add3A_113 = arith.constant 128 : i32
    %add3A_114 = arith.addi %multiple_of3A, %add3A_113 : i32
    "tpu.region"() ({
      %run_scoped3A = tpu.sem_alloc : memref<!tpu.dma_semaphore, #tpu.memory_space<semaphore_mem>>
      %dma_start3A = arith.constant 0 : i32
      %dma_start3A_142 = tpu.memref_slice %arg13[%add3A_114, %dma_start3A] : memref<10240x128xf32, #tpu.memory_space<vmem_shared>> -> memref<64x128xf32, #tpu.memory_space<vmem_shared>>
      %dma_start3A_143 = arith.constant 0 : i32
      %dma_start3A_144 = tpu.memref_slice %arg13[%add3A_114, %dma_start3A_143] : memref<10240x128xf32, #tpu.memory_space<vmem_shared>> -> memref<64x128xf32, #tpu.memory_space<vmem_shared>>
      tpu.enqueue_dma source(%arg11 : memref<64x128xf32, #tpu.memory_space<vmem>>) target(%dma_start3A_144 : memref<64x128xf32, #tpu.memory_space<vmem_shared>>) target_semaphore(%run_scoped3A : memref<!tpu.dma_semaphore, #tpu.memory_space<semaphore_mem>>)
      %dma_wait3A = arith.constant 0 : i32
      %dma_wait3A_145 = tpu.memref_slice %arg13[%add3A_114, %dma_wait3A] : memref<10240x128xf32, #tpu.memory_space<vmem_shared>> -> memref<64x128xf32, #tpu.memory_space<vmem_shared>>
      %dma_wait3A_146 = arith.constant 0 : i32
      %dma_wait3A_147 = tpu.memref_slice %arg13[%add3A_114, %dma_wait3A_146] : memref<10240x128xf32, #tpu.memory_space<vmem_shared>> -> memref<64x128xf32, #tpu.memory_space<vmem_shared>>
      tpu.wait_dma2 semaphore(%run_scoped3A : memref<!tpu.dma_semaphore, #tpu.memory_space<semaphore_mem>>) src(%arg11 : memref<64x128xf32, #tpu.memory_space<vmem>>) dst(%dma_wait3A_147 : memref<64x128xf32, #tpu.memory_space<vmem_shared>>)
      tpu.yield
    }) : () -> ()
    %add3A_115 = arith.constant 192 : i32
    %add3A_116 = arith.addi %multiple_of3A, %add3A_115 : i32
    "tpu.region"() ({
      %run_scoped3A = tpu.sem_alloc : memref<!tpu.dma_semaphore, #tpu.memory_space<semaphore_mem>>
      %dma_start3A = arith.constant 0 : i32
      %dma_start3A_142 = tpu.memref_slice %arg13[%add3A_116, %dma_start3A] : memref<10240x128xf32, #tpu.memory_space<vmem_shared>> -> memref<64x128xf32, #tpu.memory_space<vmem_shared>>
      %dma_start3A_143 = arith.constant 0 : i32
      %dma_start3A_144 = tpu.memref_slice %arg13[%add3A_116, %dma_start3A_143] : memref<10240x128xf32, #tpu.memory_space<vmem_shared>> -> memref<64x128xf32, #tpu.memory_space<vmem_shared>>
      tpu.enqueue_dma source(%arg11 : memref<64x128xf32, #tpu.memory_space<vmem>>) target(%dma_start3A_144 : memref<64x128xf32, #tpu.memory_space<vmem_shared>>) target_semaphore(%run_scoped3A : memref<!tpu.dma_semaphore, #tpu.memory_space<semaphore_mem>>)
      %dma_wait3A = arith.constant 0 : i32
      %dma_wait3A_145 = tpu.memref_slice %arg13[%add3A_116, %dma_wait3A] : memref<10240x128xf32, #tpu.memory_space<vmem_shared>> -> memref<64x128xf32, #tpu.memory_space<vmem_shared>>
      %dma_wait3A_146 = arith.constant 0 : i32
      %dma_wait3A_147 = tpu.memref_slice %arg13[%add3A_116, %dma_wait3A_146] : memref<10240x128xf32, #tpu.memory_space<vmem_shared>> -> memref<64x128xf32, #tpu.memory_space<vmem_shared>>
      tpu.wait_dma2 semaphore(%run_scoped3A : memref<!tpu.dma_semaphore, #tpu.memory_space<semaphore_mem>>) src(%arg11 : memref<64x128xf32, #tpu.memory_space<vmem>>) dst(%dma_wait3A_147 : memref<64x128xf32, #tpu.memory_space<vmem_shared>>)
      tpu.yield
    }) : () -> ()
    %add3A_117 = arith.constant 256 : i32
    %add3A_118 = arith.addi %multiple_of3A, %add3A_117 : i32
    "tpu.region"() ({
      %run_scoped3A = tpu.sem_alloc : memref<!tpu.dma_semaphore, #tpu.memory_space<semaphore_mem>>
      %dma_start3A = arith.constant 0 : i32
      %dma_start3A_142 = tpu.memref_slice %arg13[%add3A_118, %dma_start3A] : memref<10240x128xf32, #tpu.memory_space<vmem_shared>> -> memref<64x128xf32, #tpu.memory_space<vmem_shared>>
      %dma_start3A_143 = arith.constant 0 : i32
      %dma_start3A_144 = tpu.memref_slice %arg13[%add3A_118, %dma_start3A_143] : memref<10240x128xf32, #tpu.memory_space<vmem_shared>> -> memref<64x128xf32, #tpu.memory_space<vmem_shared>>
      tpu.enqueue_dma source(%arg11 : memref<64x128xf32, #tpu.memory_space<vmem>>) target(%dma_start3A_144 : memref<64x128xf32, #tpu.memory_space<vmem_shared>>) target_semaphore(%run_scoped3A : memref<!tpu.dma_semaphore, #tpu.memory_space<semaphore_mem>>)
      %dma_wait3A = arith.constant 0 : i32
      %dma_wait3A_145 = tpu.memref_slice %arg13[%add3A_118, %dma_wait3A] : memref<10240x128xf32, #tpu.memory_space<vmem_shared>> -> memref<64x128xf32, #tpu.memory_space<vmem_shared>>
      %dma_wait3A_146 = arith.constant 0 : i32
      %dma_wait3A_147 = tpu.memref_slice %arg13[%add3A_118, %dma_wait3A_146] : memref<10240x128xf32, #tpu.memory_space<vmem_shared>> -> memref<64x128xf32, #tpu.memory_space<vmem_shared>>
      tpu.wait_dma2 semaphore(%run_scoped3A : memref<!tpu.dma_semaphore, #tpu.memory_space<semaphore_mem>>) src(%arg11 : memref<64x128xf32, #tpu.memory_space<vmem>>) dst(%dma_wait3A_147 : memref<64x128xf32, #tpu.memory_space<vmem_shared>>)
      tpu.yield
    }) : () -> ()
    %add3A_119 = arith.constant 320 : i32
    %add3A_120 = arith.addi %multiple_of3A, %add3A_119 : i32
    "tpu.region"() ({
      %run_scoped3A = tpu.sem_alloc : memref<!tpu.dma_semaphore, #tpu.memory_space<semaphore_mem>>
      %dma_start3A = arith.constant 0 : i32
      %dma_start3A_142 = tpu.memref_slice %arg13[%add3A_120, %dma_start3A] : memref<10240x128xf32, #tpu.memory_space<vmem_shared>> -> memref<64x128xf32, #tpu.memory_space<vmem_shared>>
      %dma_start3A_143 = arith.constant 0 : i32
      %dma_start3A_144 = tpu.memref_slice %arg13[%add3A_120, %dma_start3A_143] : memref<10240x128xf32, #tpu.memory_space<vmem_shared>> -> memref<64x128xf32, #tpu.memory_space<vmem_shared>>
      tpu.enqueue_dma source(%arg11 : memref<64x128xf32, #tpu.memory_space<vmem>>) target(%dma_start3A_144 : memref<64x128xf32, #tpu.memory_space<vmem_shared>>) target_semaphore(%run_scoped3A : memref<!tpu.dma_semaphore, #tpu.memory_space<semaphore_mem>>)
      %dma_wait3A = arith.constant 0 : i32
      %dma_wait3A_145 = tpu.memref_slice %arg13[%add3A_120, %dma_wait3A] : memref<10240x128xf32, #tpu.memory_space<vmem_shared>> -> memref<64x128xf32, #tpu.memory_space<vmem_shared>>
      %dma_wait3A_146 = arith.constant 0 : i32
      %dma_wait3A_147 = tpu.memref_slice %arg13[%add3A_120, %dma_wait3A_146] : memref<10240x128xf32, #tpu.memory_space<vmem_shared>> -> memref<64x128xf32, #tpu.memory_space<vmem_shared>>
      tpu.wait_dma2 semaphore(%run_scoped3A : memref<!tpu.dma_semaphore, #tpu.memory_space<semaphore_mem>>) src(%arg11 : memref<64x128xf32, #tpu.memory_space<vmem>>) dst(%dma_wait3A_147 : memref<64x128xf32, #tpu.memory_space<vmem_shared>>)
      tpu.yield
    }) : () -> ()
    %add3A_121 = arith.constant 384 : i32
    %add3A_122 = arith.addi %multiple_of3A, %add3A_121 : i32
    "tpu.region"() ({
      %run_scoped3A = tpu.sem_alloc : memref<!tpu.dma_semaphore, #tpu.memory_space<semaphore_mem>>
      %dma_start3A = arith.constant 0 : i32
      %dma_start3A_142 = tpu.memref_slice %arg13[%add3A_122, %dma_start3A] : memref<10240x128xf32, #tpu.memory_space<vmem_shared>> -> memref<64x128xf32, #tpu.memory_space<vmem_shared>>
      %dma_start3A_143 = arith.constant 0 : i32
      %dma_start3A_144 = tpu.memref_slice %arg13[%add3A_122, %dma_start3A_143] : memref<10240x128xf32, #tpu.memory_space<vmem_shared>> -> memref<64x128xf32, #tpu.memory_space<vmem_shared>>
      tpu.enqueue_dma source(%arg11 : memref<64x128xf32, #tpu.memory_space<vmem>>) target(%dma_start3A_144 : memref<64x128xf32, #tpu.memory_space<vmem_shared>>) target_semaphore(%run_scoped3A : memref<!tpu.dma_semaphore, #tpu.memory_space<semaphore_mem>>)
      %dma_wait3A = arith.constant 0 : i32
      %dma_wait3A_145 = tpu.memref_slice %arg13[%add3A_122, %dma_wait3A] : memref<10240x128xf32, #tpu.memory_space<vmem_shared>> -> memref<64x128xf32, #tpu.memory_space<vmem_shared>>
      %dma_wait3A_146 = arith.constant 0 : i32
      %dma_wait3A_147 = tpu.memref_slice %arg13[%add3A_122, %dma_wait3A_146] : memref<10240x128xf32, #tpu.memory_space<vmem_shared>> -> memref<64x128xf32, #tpu.memory_space<vmem_shared>>
      tpu.wait_dma2 semaphore(%run_scoped3A : memref<!tpu.dma_semaphore, #tpu.memory_space<semaphore_mem>>) src(%arg11 : memref<64x128xf32, #tpu.memory_space<vmem>>) dst(%dma_wait3A_147 : memref<64x128xf32, #tpu.memory_space<vmem_shared>>)
      tpu.yield
    }) : () -> ()
    %add3A_123 = arith.constant 448 : i32
    %add3A_124 = arith.addi %multiple_of3A, %add3A_123 : i32
    "tpu.region"() ({
      %run_scoped3A = tpu.sem_alloc : memref<!tpu.dma_semaphore, #tpu.memory_space<semaphore_mem>>
      %dma_start3A = arith.constant 0 : i32
      %dma_start3A_142 = tpu.memref_slice %arg13[%add3A_124, %dma_start3A] : memref<10240x128xf32, #tpu.memory_space<vmem_shared>> -> memref<64x128xf32, #tpu.memory_space<vmem_shared>>
      %dma_start3A_143 = arith.constant 0 : i32
      %dma_start3A_144 = tpu.memref_slice %arg13[%add3A_124, %dma_start3A_143] : memref<10240x128xf32, #tpu.memory_space<vmem_shared>> -> memref<64x128xf32, #tpu.memory_space<vmem_shared>>
      tpu.enqueue_dma source(%arg11 : memref<64x128xf32, #tpu.memory_space<vmem>>) target(%dma_start3A_144 : memref<64x128xf32, #tpu.memory_space<vmem_shared>>) target_semaphore(%run_scoped3A : memref<!tpu.dma_semaphore, #tpu.memory_space<semaphore_mem>>)
      %dma_wait3A = arith.constant 0 : i32
      %dma_wait3A_145 = tpu.memref_slice %arg13[%add3A_124, %dma_wait3A] : memref<10240x128xf32, #tpu.memory_space<vmem_shared>> -> memref<64x128xf32, #tpu.memory_space<vmem_shared>>
      %dma_wait3A_146 = arith.constant 0 : i32
      %dma_wait3A_147 = tpu.memref_slice %arg13[%add3A_124, %dma_wait3A_146] : memref<10240x128xf32, #tpu.memory_space<vmem_shared>> -> memref<64x128xf32, #tpu.memory_space<vmem_shared>>
      tpu.wait_dma2 semaphore(%run_scoped3A : memref<!tpu.dma_semaphore, #tpu.memory_space<semaphore_mem>>) src(%arg11 : memref<64x128xf32, #tpu.memory_space<vmem>>) dst(%dma_wait3A_147 : memref<64x128xf32, #tpu.memory_space<vmem_shared>>)
      tpu.yield
    }) : () -> ()
    %add3A_125 = arith.constant 512 : i32
    %add3A_126 = arith.addi %multiple_of3A, %add3A_125 : i32
    "tpu.region"() ({
      %run_scoped3A = tpu.sem_alloc : memref<!tpu.dma_semaphore, #tpu.memory_space<semaphore_mem>>
      %dma_start3A = arith.constant 0 : i32
      %dma_start3A_142 = tpu.memref_slice %arg13[%add3A_126, %dma_start3A] : memref<10240x128xf32, #tpu.memory_space<vmem_shared>> -> memref<64x128xf32, #tpu.memory_space<vmem_shared>>
      %dma_start3A_143 = arith.constant 0 : i32
      %dma_start3A_144 = tpu.memref_slice %arg13[%add3A_126, %dma_start3A_143] : memref<10240x128xf32, #tpu.memory_space<vmem_shared>> -> memref<64x128xf32, #tpu.memory_space<vmem_shared>>
      tpu.enqueue_dma source(%arg11 : memref<64x128xf32, #tpu.memory_space<vmem>>) target(%dma_start3A_144 : memref<64x128xf32, #tpu.memory_space<vmem_shared>>) target_semaphore(%run_scoped3A : memref<!tpu.dma_semaphore, #tpu.memory_space<semaphore_mem>>)
      %dma_wait3A = arith.constant 0 : i32
      %dma_wait3A_145 = tpu.memref_slice %arg13[%add3A_126, %dma_wait3A] : memref<10240x128xf32, #tpu.memory_space<vmem_shared>> -> memref<64x128xf32, #tpu.memory_space<vmem_shared>>
      %dma_wait3A_146 = arith.constant 0 : i32
      %dma_wait3A_147 = tpu.memref_slice %arg13[%add3A_126, %dma_wait3A_146] : memref<10240x128xf32, #tpu.memory_space<vmem_shared>> -> memref<64x128xf32, #tpu.memory_space<vmem_shared>>
      tpu.wait_dma2 semaphore(%run_scoped3A : memref<!tpu.dma_semaphore, #tpu.memory_space<semaphore_mem>>) src(%arg11 : memref<64x128xf32, #tpu.memory_space<vmem>>) dst(%dma_wait3A_147 : memref<64x128xf32, #tpu.memory_space<vmem_shared>>)
      tpu.yield
    }) : () -> ()
    %add3A_127 = arith.constant 576 : i32
    %add3A_128 = arith.addi %multiple_of3A, %add3A_127 : i32
    "tpu.region"() ({
      %run_scoped3A = tpu.sem_alloc : memref<!tpu.dma_semaphore, #tpu.memory_space<semaphore_mem>>
      %dma_start3A = arith.constant 0 : i32
      %dma_start3A_142 = tpu.memref_slice %arg13[%add3A_128, %dma_start3A] : memref<10240x128xf32, #tpu.memory_space<vmem_shared>> -> memref<64x128xf32, #tpu.memory_space<vmem_shared>>
      %dma_start3A_143 = arith.constant 0 : i32
      %dma_start3A_144 = tpu.memref_slice %arg13[%add3A_128, %dma_start3A_143] : memref<10240x128xf32, #tpu.memory_space<vmem_shared>> -> memref<64x128xf32, #tpu.memory_space<vmem_shared>>
      tpu.enqueue_dma source(%arg11 : memref<64x128xf32, #tpu.memory_space<vmem>>) target(%dma_start3A_144 : memref<64x128xf32, #tpu.memory_space<vmem_shared>>) target_semaphore(%run_scoped3A : memref<!tpu.dma_semaphore, #tpu.memory_space<semaphore_mem>>)
      %dma_wait3A = arith.constant 0 : i32
      %dma_wait3A_145 = tpu.memref_slice %arg13[%add3A_128, %dma_wait3A] : memref<10240x128xf32, #tpu.memory_space<vmem_shared>> -> memref<64x128xf32, #tpu.memory_space<vmem_shared>>
      %dma_wait3A_146 = arith.constant 0 : i32
      %dma_wait3A_147 = tpu.memref_slice %arg13[%add3A_128, %dma_wait3A_146] : memref<10240x128xf32, #tpu.memory_space<vmem_shared>> -> memref<64x128xf32, #tpu.memory_space<vmem_shared>>
      tpu.wait_dma2 semaphore(%run_scoped3A : memref<!tpu.dma_semaphore, #tpu.memory_space<semaphore_mem>>) src(%arg11 : memref<64x128xf32, #tpu.memory_space<vmem>>) dst(%dma_wait3A_147 : memref<64x128xf32, #tpu.memory_space<vmem_shared>>)
      tpu.yield
    }) : () -> ()
    %barrier3A_129 = arith.constant 0 : index
    tpu.barrier barrier_id(%barrier3A_129)
    %scan3A_130 = arith.constant 0 : i32
    %scan3A_131 = arith.constant 0 : i32
    %scan3A_132 = arith.constant 20 : i32
    %scan3A_133 = arith.addi %scan3A_131, %scan3A_132 : i32
    %scan3A_134 = arith.constant 1 : i32
    %scan3A_135 = scf.for %scan3A_142 = %scan3A_131 to %scan3A_133 step %scan3A_134 iter_args(%scan3A_143 = %scan3A_130) -> (i32)  : i32 {
      %mul3A_144 = arith.constant 1024 : i32
      %mul3A_145 = arith.muli %scan3A_142, %mul3A_144 : i32
      %add3A_146 = arith.addi %mul3A_1, %mul3A_145 : i32
      %multiple_of3A_147 = tpu.assume_multiple %add3A_146, 1024 : i32
      "tpu.region"() ({
        %run_scoped3A = tpu.sem_alloc : memref<!tpu.dma_semaphore, #tpu.memory_space<semaphore_mem>>
        %dma_start3A = tpu.memref_slice %arg3[%multiple_of3A_147] : memref<642048xi32, #tpu.memory_space<hbm>> -> memref<1024xi32, #tpu.memory_space<hbm>>
        %dma_start3A_212 = tpu.memref_slice %arg3[%multiple_of3A_147] : memref<642048xi32, #tpu.memory_space<hbm>> -> memref<1024xi32, #tpu.memory_space<hbm>>
        tpu.enqueue_dma source(%dma_start3A_212 : memref<1024xi32, #tpu.memory_space<hbm>>) target(%arg5 : memref<1024xi32, #tpu.memory_space<vmem>>) target_semaphore(%run_scoped3A : memref<!tpu.dma_semaphore, #tpu.memory_space<semaphore_mem>>)
        %dma_wait3A = tpu.memref_slice %arg3[%multiple_of3A_147] : memref<642048xi32, #tpu.memory_space<hbm>> -> memref<1024xi32, #tpu.memory_space<hbm>>
        %dma_wait3A_213 = tpu.memref_slice %arg3[%multiple_of3A_147] : memref<642048xi32, #tpu.memory_space<hbm>> -> memref<1024xi32, #tpu.memory_space<hbm>>
        tpu.wait_dma2 semaphore(%run_scoped3A : memref<!tpu.dma_semaphore, #tpu.memory_space<semaphore_mem>>) src(%dma_wait3A_213 : memref<1024xi32, #tpu.memory_space<hbm>>) dst(%arg5 : memref<1024xi32, #tpu.memory_space<vmem>>)
        tpu.yield
      }) : () -> ()
      %add3A_148 = arith.constant 320000 : i32
      %add3A_149 = arith.addi %add3A_148, %multiple_of3A_147 : i32
      "tpu.region"() ({
        %run_scoped3A = tpu.sem_alloc : memref<!tpu.dma_semaphore, #tpu.memory_space<semaphore_mem>>
        %dma_start3A = tpu.memref_slice %arg3[%add3A_149] : memref<642048xi32, #tpu.memory_space<hbm>> -> memref<1024xi32, #tpu.memory_space<hbm>>
        %dma_start3A_212 = tpu.memref_slice %arg3[%add3A_149] : memref<642048xi32, #tpu.memory_space<hbm>> -> memref<1024xi32, #tpu.memory_space<hbm>>
        tpu.enqueue_dma source(%dma_start3A_212 : memref<1024xi32, #tpu.memory_space<hbm>>) target(%arg6 : memref<1024xi32, #tpu.memory_space<vmem>>) target_semaphore(%run_scoped3A : memref<!tpu.dma_semaphore, #tpu.memory_space<semaphore_mem>>)
        %dma_wait3A = tpu.memref_slice %arg3[%add3A_149] : memref<642048xi32, #tpu.memory_space<hbm>> -> memref<1024xi32, #tpu.memory_space<hbm>>
        %dma_wait3A_213 = tpu.memref_slice %arg3[%add3A_149] : memref<642048xi32, #tpu.memory_space<hbm>> -> memref<1024xi32, #tpu.memory_space<hbm>>
        tpu.wait_dma2 semaphore(%run_scoped3A : memref<!tpu.dma_semaphore, #tpu.memory_space<semaphore_mem>>) src(%dma_wait3A_213 : memref<1024xi32, #tpu.memory_space<hbm>>) dst(%arg6 : memref<1024xi32, #tpu.memory_space<vmem>>)
        tpu.yield
      }) : () -> ()
      %mul3A_150 = arith.constant 8 : i32
      %mul3A_151 = arith.muli %scan3A_142, %mul3A_150 : i32
      %add3A_152 = arith.constant 0 : i32
      %add3A_153 = arith.addi %mul3A_151, %add3A_152 : i32
      %lt3A = arith.cmpi slt, %add3A_153, %select_n3A : i32
      %convert_element_type3A = arith.extui %lt3A : i1 to i32
      %cond3A = arith.constant 0 : i32
      %cond3A_154 = arith.cmpi ne, %convert_element_type3A, %cond3A : i32
      scf.if %cond3A_154 {
        %scan3A_212 = arith.constant 0 : i32
        %scan3A_213 = arith.constant 0 : i32
        %scan3A_214 = arith.constant 8 : i32
        %scan3A_215 = arith.addi %scan3A_213, %scan3A_214 : i32
        %scan3A_216 = arith.constant 1 : i32
        %scan3A_217 = scf.for %scan3A_223 = %scan3A_213 to %scan3A_215 step %scan3A_216 iter_args(%scan3A_224 = %scan3A_212) -> (i32)  : i32 {
          %mul3A_225 = arith.constant 16 : i32
          %mul3A_226 = arith.muli %scan3A_223, %mul3A_225 : i32
          %add3A_227 = arith.constant 0 : i32
          %add3A_228 = arith.addi %add3A_227, %mul3A_226 : i32
          %get3A = arith.index_cast %add3A_228 : i32 to index
          %get3A_229 = tpu.vector_load %arg5[%get3A] {strides = array<i32>} : memref<1024xi32, #tpu.memory_space<vmem>>, vector<16xi32>,
          %mul3A_230 = arith.constant 4 : i32
          %mul3A_231 = vector.broadcast %mul3A_230 : i32 to vector<16xi32>
          %mul3A_232 = arith.muli %get3A_229, %mul3A_231 : vector<16xi32>
          %add3A_233 = vector.broadcast %add3A_104 : i32 to vector<16xi32>
          %add3A_234 = arith.addi %mul3A_232, %add3A_233 : vector<16xi32>
          %mul3A_235 = arith.constant 16 : i32
          %mul3A_236 = arith.muli %scan3A_223, %mul3A_235 : i32
          %swap3A_237 = arith.index_cast %mul3A_236 : i32 to index
          %swap3A_238 = tpu.vector_load %arg7[%swap3A_237] {strides = array<i32>} : memref<128xi32, #tpu.memory_space<vmem>>, vector<16xi32>,
          tpu.vector_store %arg7[%swap3A_237], %add3A_234 {strides = array<i32>} : memref<128xi32, #tpu.memory_space<vmem>>, vector<16xi32>,
          %mul3A_239 = arith.constant 16 : i32
          %mul3A_240 = arith.muli %scan3A_223, %mul3A_239 : i32
          %add3A_241 = arith.constant 0 : i32
          %add3A_242 = arith.addi %add3A_241, %mul3A_240 : i32
          %get3A_243 = arith.index_cast %add3A_242 : i32 to index
          %get3A_244 = tpu.vector_load %arg6[%get3A_243] {strides = array<i32>} : memref<1024xi32, #tpu.memory_space<vmem>>, vector<16xi32>,
          %mul3A_245 = arith.constant 16 : i32
          %mul3A_246 = arith.muli %scan3A_223, %mul3A_245 : i32
          %swap3A_247 = arith.index_cast %mul3A_246 : i32 to index
          %swap3A_248 = tpu.vector_load %arg8[%swap3A_247] {strides = array<i32>} : memref<128xi32, #tpu.memory_space<vmem>>, vector<16xi32>,
          tpu.vector_store %arg8[%swap3A_247], %get3A_244 {strides = array<i32>} : memref<128xi32, #tpu.memory_space<vmem>>, vector<16xi32>,
          %scan3A_249 = arith.constant 0 : i32
          scf.yield %scan3A_249 : i32
        }
        %scan3A_218 = arith.constant 8 : i32
        %dma_start3A = arith.constant 0 : i32
        %dma_start3A_219 = arith.constant 0 : i32
        %dma_start3A_220 = tpu.memref_slice %arg2[%dma_start3A, %dma_start3A_219] : memref<40000x128xf32, #tpu.memory_space<hbm>> -> memref<40000x128xf32, #tpu.memory_space<hbm>>
        tpu.enqueue_indirect_dma source(%dma_start3A_220 : memref<40000x128xf32, #tpu.memory_space<hbm>>) target(%arg9 : memref<128x128xf32, #tpu.memory_space<vmem>>) offsets(%arg7 : memref<128xi32, #tpu.memory_space<vmem>>) semaphore(%arg15 : memref<!tpu.dma_semaphore, #tpu.memory_space<semaphore_mem>>)
        %dma_wait3A = arith.constant 0 : i32
        %dma_wait3A_221 = arith.constant 0 : i32
        %dma_wait3A_222 = tpu.memref_slice %arg2[%dma_wait3A, %dma_wait3A_221] : memref<40000x128xf32, #tpu.memory_space<hbm>> -> memref<40000x128xf32, #tpu.memory_space<hbm>>
        tpu.wait_indirect_dma semaphore(%arg15 : memref<!tpu.dma_semaphore, #tpu.memory_space<semaphore_mem>>) src(%dma_wait3A_222 : memref<40000x128xf32, #tpu.memory_space<hbm>>) dst(%arg9 : memref<128x128xf32, #tpu.memory_space<vmem>>)
        "tpu.region"() ({
          %run_scoped3A = tpu.sem_alloc : memref<!tpu.dma_semaphore, #tpu.memory_space<semaphore_mem>>
          %dma_start3A_223 = arith.constant 0 : i32
          %dma_start3A_224 = arith.constant 0 : i32
          %dma_start3A_225 = tpu.memref_slice %arg13[%dma_start3A_223, %dma_start3A_224] : memref<10240x128xf32, #tpu.memory_space<vmem_shared>> -> memref<10240x128xf32, #tpu.memory_space<vmem_shared>>
          tpu.enqueue_indirect_dma source(%arg9 : memref<128x128xf32, #tpu.memory_space<vmem>>) target(%dma_start3A_225 : memref<10240x128xf32, #tpu.memory_space<vmem_shared>>) offsets(%arg8 : memref<128xi32, #tpu.memory_space<vmem>>) semaphore(%run_scoped3A : memref<!tpu.dma_semaphore, #tpu.memory_space<semaphore_mem>>) {add = true}
          %dma_wait3A_226 = arith.constant 0 : i32
          %dma_wait3A_227 = arith.constant 0 : i32
          %dma_wait3A_228 = tpu.memref_slice %arg13[%dma_wait3A_226, %dma_wait3A_227] : memref<10240x128xf32, #tpu.memory_space<vmem_shared>> -> memref<10240x128xf32, #tpu.memory_space<vmem_shared>>
          tpu.wait_indirect_dma semaphore(%run_scoped3A : memref<!tpu.dma_semaphore, #tpu.memory_space<semaphore_mem>>) src(%arg9 : memref<128x128xf32, #tpu.memory_space<vmem>>) dst(%dma_wait3A_228 : memref<10240x128xf32, #tpu.memory_space<vmem_shared>>)
          tpu.yield
        }) : () -> ()
      } else {
      }
      %mul3A_155 = arith.constant 8 : i32
      %mul3A_156 = arith.muli %scan3A_142, %mul3A_155 : i32
      %add3A_157 = arith.constant 1 : i32
      %add3A_158 = arith.addi %mul3A_156, %add3A_157 : i32
      %lt3A_159 = arith.cmpi slt, %add3A_158, %select_n3A : i32
      %convert_element_type3A_160 = arith.extui %lt3A_159 : i1 to i32
      %cond3A_161 = arith.constant 0 : i32
      %cond3A_162 = arith.cmpi ne, %convert_element_type3A_160, %cond3A_161 : i32
      scf.if %cond3A_162 {
        %scan3A_212 = arith.constant 0 : i32
        %scan3A_213 = arith.constant 0 : i32
        %scan3A_214 = arith.constant 8 : i32
        %scan3A_215 = arith.addi %scan3A_213, %scan3A_214 : i32
        %scan3A_216 = arith.constant 1 : i32
        %scan3A_217 = scf.for %scan3A_223 = %scan3A_213 to %scan3A_215 step %scan3A_216 iter_args(%scan3A_224 = %scan3A_212) -> (i32)  : i32 {
          %mul3A_225 = arith.constant 16 : i32
          %mul3A_226 = arith.muli %scan3A_223, %mul3A_225 : i32
          %add3A_227 = arith.constant 128 : i32
          %add3A_228 = arith.addi %add3A_227, %mul3A_226 : i32
          %get3A = arith.index_cast %add3A_228 : i32 to index
          %get3A_229 = tpu.vector_load %arg5[%get3A] {strides = array<i32>} : memref<1024xi32, #tpu.memory_space<vmem>>, vector<16xi32>,
          %mul3A_230 = arith.constant 4 : i32
          %mul3A_231 = vector.broadcast %mul3A_230 : i32 to vector<16xi32>
          %mul3A_232 = arith.muli %get3A_229, %mul3A_231 : vector<16xi32>
          %add3A_233 = vector.broadcast %add3A_104 : i32 to vector<16xi32>
          %add3A_234 = arith.addi %mul3A_232, %add3A_233 : vector<16xi32>
          %mul3A_235 = arith.constant 16 : i32
          %mul3A_236 = arith.muli %scan3A_223, %mul3A_235 : i32
          %swap3A_237 = arith.index_cast %mul3A_236 : i32 to index
          %swap3A_238 = tpu.vector_load %arg7[%swap3A_237] {strides = array<i32>} : memref<128xi32, #tpu.memory_space<vmem>>, vector<16xi32>,
          tpu.vector_store %arg7[%swap3A_237], %add3A_234 {strides = array<i32>} : memref<128xi32, #tpu.memory_space<vmem>>, vector<16xi32>,
          %mul3A_239 = arith.constant 16 : i32
          %mul3A_240 = arith.muli %scan3A_223, %mul3A_239 : i32
          %add3A_241 = arith.constant 128 : i32
          %add3A_242 = arith.addi %add3A_241, %mul3A_240 : i32
          %get3A_243 = arith.index_cast %add3A_242 : i32 to index
          %get3A_244 = tpu.vector_load %arg6[%get3A_243] {strides = array<i32>} : memref<1024xi32, #tpu.memory_space<vmem>>, vector<16xi32>,
          %mul3A_245 = arith.constant 16 : i32
          %mul3A_246 = arith.muli %scan3A_223, %mul3A_245 : i32
          %swap3A_247 = arith.index_cast %mul3A_246 : i32 to index
          %swap3A_248 = tpu.vector_load %arg8[%swap3A_247] {strides = array<i32>} : memref<128xi32, #tpu.memory_space<vmem>>, vector<16xi32>,
          tpu.vector_store %arg8[%swap3A_247], %get3A_244 {strides = array<i32>} : memref<128xi32, #tpu.memory_space<vmem>>, vector<16xi32>,
          %scan3A_249 = arith.constant 0 : i32
          scf.yield %scan3A_249 : i32
        }
        %scan3A_218 = arith.constant 8 : i32
        %dma_start3A = arith.constant 0 : i32
        %dma_start3A_219 = arith.constant 0 : i32
        %dma_start3A_220 = tpu.memref_slice %arg2[%dma_start3A, %dma_start3A_219] : memref<40000x128xf32, #tpu.memory_space<hbm>> -> memref<40000x128xf32, #tpu.memory_space<hbm>>
        tpu.enqueue_indirect_dma source(%dma_start3A_220 : memref<40000x128xf32, #tpu.memory_space<hbm>>) target(%arg9 : memref<128x128xf32, #tpu.memory_space<vmem>>) offsets(%arg7 : memref<128xi32, #tpu.memory_space<vmem>>) semaphore(%arg15 : memref<!tpu.dma_semaphore, #tpu.memory_space<semaphore_mem>>)
        %dma_wait3A = arith.constant 0 : i32
        %dma_wait3A_221 = arith.constant 0 : i32
        %dma_wait3A_222 = tpu.memref_slice %arg2[%dma_wait3A, %dma_wait3A_221] : memref<40000x128xf32, #tpu.memory_space<hbm>> -> memref<40000x128xf32, #tpu.memory_space<hbm>>
        tpu.wait_indirect_dma semaphore(%arg15 : memref<!tpu.dma_semaphore, #tpu.memory_space<semaphore_mem>>) src(%dma_wait3A_222 : memref<40000x128xf32, #tpu.memory_space<hbm>>) dst(%arg9 : memref<128x128xf32, #tpu.memory_space<vmem>>)
        "tpu.region"() ({
          %run_scoped3A = tpu.sem_alloc : memref<!tpu.dma_semaphore, #tpu.memory_space<semaphore_mem>>
          %dma_start3A_223 = arith.constant 0 : i32
          %dma_start3A_224 = arith.constant 0 : i32
          %dma_start3A_225 = tpu.memref_slice %arg13[%dma_start3A_223, %dma_start3A_224] : memref<10240x128xf32, #tpu.memory_space<vmem_shared>> -> memref<10240x128xf32, #tpu.memory_space<vmem_shared>>
          tpu.enqueue_indirect_dma source(%arg9 : memref<128x128xf32, #tpu.memory_space<vmem>>) target(%dma_start3A_225 : memref<10240x128xf32, #tpu.memory_space<vmem_shared>>) offsets(%arg8 : memref<128xi32, #tpu.memory_space<vmem>>) semaphore(%run_scoped3A : memref<!tpu.dma_semaphore, #tpu.memory_space<semaphore_mem>>) {add = true}
          %dma_wait3A_226 = arith.constant 0 : i32
          %dma_wait3A_227 = arith.constant 0 : i32
          %dma_wait3A_228 = tpu.memref_slice %arg13[%dma_wait3A_226, %dma_wait3A_227] : memref<10240x128xf32, #tpu.memory_space<vmem_shared>> -> memref<10240x128xf32, #tpu.memory_space<vmem_shared>>
          tpu.wait_indirect_dma semaphore(%run_scoped3A : memref<!tpu.dma_semaphore, #tpu.memory_space<semaphore_mem>>) src(%arg9 : memref<128x128xf32, #tpu.memory_space<vmem>>) dst(%dma_wait3A_228 : memref<10240x128xf32, #tpu.memory_space<vmem_shared>>)
          tpu.yield
        }) : () -> ()
      } else {
      }
      %mul3A_163 = arith.constant 8 : i32
      %mul3A_164 = arith.muli %scan3A_142, %mul3A_163 : i32
      %add3A_165 = arith.constant 2 : i32
      %add3A_166 = arith.addi %mul3A_164, %add3A_165 : i32
      %lt3A_167 = arith.cmpi slt, %add3A_166, %select_n3A : i32
      %convert_element_type3A_168 = arith.extui %lt3A_167 : i1 to i32
      %cond3A_169 = arith.constant 0 : i32
      %cond3A_170 = arith.cmpi ne, %convert_element_type3A_168, %cond3A_169 : i32
      scf.if %cond3A_170 {
        %scan3A_212 = arith.constant 0 : i32
        %scan3A_213 = arith.constant 0 : i32
        %scan3A_214 = arith.constant 8 : i32
        %scan3A_215 = arith.addi %scan3A_213, %scan3A_214 : i32
        %scan3A_216 = arith.constant 1 : i32
        %scan3A_217 = scf.for %scan3A_223 = %scan3A_213 to %scan3A_215 step %scan3A_216 iter_args(%scan3A_224 = %scan3A_212) -> (i32)  : i32 {
          %mul3A_225 = arith.constant 16 : i32
          %mul3A_226 = arith.muli %scan3A_223, %mul3A_225 : i32
          %add3A_227 = arith.constant 256 : i32
          %add3A_228 = arith.addi %add3A_227, %mul3A_226 : i32
          %get3A = arith.index_cast %add3A_228 : i32 to index
          %get3A_229 = tpu.vector_load %arg5[%get3A] {strides = array<i32>} : memref<1024xi32, #tpu.memory_space<vmem>>, vector<16xi32>,
          %mul3A_230 = arith.constant 4 : i32
          %mul3A_231 = vector.broadcast %mul3A_230 : i32 to vector<16xi32>
          %mul3A_232 = arith.muli %get3A_229, %mul3A_231 : vector<16xi32>
          %add3A_233 = vector.broadcast %add3A_104 : i32 to vector<16xi32>
          %add3A_234 = arith.addi %mul3A_232, %add3A_233 : vector<16xi32>
          %mul3A_235 = arith.constant 16 : i32
          %mul3A_236 = arith.muli %scan3A_223, %mul3A_235 : i32
          %swap3A_237 = arith.index_cast %mul3A_236 : i32 to index
          %swap3A_238 = tpu.vector_load %arg7[%swap3A_237] {strides = array<i32>} : memref<128xi32, #tpu.memory_space<vmem>>, vector<16xi32>,
          tpu.vector_store %arg7[%swap3A_237], %add3A_234 {strides = array<i32>} : memref<128xi32, #tpu.memory_space<vmem>>, vector<16xi32>,
          %mul3A_239 = arith.constant 16 : i32
          %mul3A_240 = arith.muli %scan3A_223, %mul3A_239 : i32
          %add3A_241 = arith.constant 256 : i32
          %add3A_242 = arith.addi %add3A_241, %mul3A_240 : i32
          %get3A_243 = arith.index_cast %add3A_242 : i32 to index
          %get3A_244 = tpu.vector_load %arg6[%get3A_243] {strides = array<i32>} : memref<1024xi32, #tpu.memory_space<vmem>>, vector<16xi32>,
          %mul3A_245 = arith.constant 16 : i32
          %mul3A_246 = arith.muli %scan3A_223, %mul3A_245 : i32
          %swap3A_247 = arith.index_cast %mul3A_246 : i32 to index
          %swap3A_248 = tpu.vector_load %arg8[%swap3A_247] {strides = array<i32>} : memref<128xi32, #tpu.memory_space<vmem>>, vector<16xi32>,
          tpu.vector_store %arg8[%swap3A_247], %get3A_244 {strides = array<i32>} : memref<128xi32, #tpu.memory_space<vmem>>, vector<16xi32>,
          %scan3A_249 = arith.constant 0 : i32
          scf.yield %scan3A_249 : i32
        }
        %scan3A_218 = arith.constant 8 : i32
        %dma_start3A = arith.constant 0 : i32
        %dma_start3A_219 = arith.constant 0 : i32
        %dma_start3A_220 = tpu.memref_slice %arg2[%dma_start3A, %dma_start3A_219] : memref<40000x128xf32, #tpu.memory_space<hbm>> -> memref<40000x128xf32, #tpu.memory_space<hbm>>
        tpu.enqueue_indirect_dma source(%dma_start3A_220 : memref<40000x128xf32, #tpu.memory_space<hbm>>) target(%arg9 : memref<128x128xf32, #tpu.memory_space<vmem>>) offsets(%arg7 : memref<128xi32, #tpu.memory_space<vmem>>) semaphore(%arg15 : memref<!tpu.dma_semaphore, #tpu.memory_space<semaphore_mem>>)
        %dma_wait3A = arith.constant 0 : i32
        %dma_wait3A_221 = arith.constant 0 : i32
        %dma_wait3A_222 = tpu.memref_slice %arg2[%dma_wait3A, %dma_wait3A_221] : memref<40000x128xf32, #tpu.memory_space<hbm>> -> memref<40000x128xf32, #tpu.memory_space<hbm>>
        tpu.wait_indirect_dma semaphore(%arg15 : memref<!tpu.dma_semaphore, #tpu.memory_space<semaphore_mem>>) src(%dma_wait3A_222 : memref<40000x128xf32, #tpu.memory_space<hbm>>) dst(%arg9 : memref<128x128xf32, #tpu.memory_space<vmem>>)
        "tpu.region"() ({
          %run_scoped3A = tpu.sem_alloc : memref<!tpu.dma_semaphore, #tpu.memory_space<semaphore_mem>>
          %dma_start3A_223 = arith.constant 0 : i32
          %dma_start3A_224 = arith.constant 0 : i32
          %dma_start3A_225 = tpu.memref_slice %arg13[%dma_start3A_223, %dma_start3A_224] : memref<10240x128xf32, #tpu.memory_space<vmem_shared>> -> memref<10240x128xf32, #tpu.memory_space<vmem_shared>>
          tpu.enqueue_indirect_dma source(%arg9 : memref<128x128xf32, #tpu.memory_space<vmem>>) target(%dma_start3A_225 : memref<10240x128xf32, #tpu.memory_space<vmem_shared>>) offsets(%arg8 : memref<128xi32, #tpu.memory_space<vmem>>) semaphore(%run_scoped3A : memref<!tpu.dma_semaphore, #tpu.memory_space<semaphore_mem>>) {add = true}
          %dma_wait3A_226 = arith.constant 0 : i32
          %dma_wait3A_227 = arith.constant 0 : i32
          %dma_wait3A_228 = tpu.memref_slice %arg13[%dma_wait3A_226, %dma_wait3A_227] : memref<10240x128xf32, #tpu.memory_space<vmem_shared>> -> memref<10240x128xf32, #tpu.memory_space<vmem_shared>>
          tpu.wait_indirect_dma semaphore(%run_scoped3A : memref<!tpu.dma_semaphore, #tpu.memory_space<semaphore_mem>>) src(%arg9 : memref<128x128xf32, #tpu.memory_space<vmem>>) dst(%dma_wait3A_228 : memref<10240x128xf32, #tpu.memory_space<vmem_shared>>)
          tpu.yield
        }) : () -> ()
      } else {
      }
      %mul3A_171 = arith.constant 8 : i32
      %mul3A_172 = arith.muli %scan3A_142, %mul3A_171 : i32
      %add3A_173 = arith.constant 3 : i32
      %add3A_174 = arith.addi %mul3A_172, %add3A_173 : i32
      %lt3A_175 = arith.cmpi slt, %add3A_174, %select_n3A : i32
      %convert_element_type3A_176 = arith.extui %lt3A_175 : i1 to i32
      %cond3A_177 = arith.constant 0 : i32
      %cond3A_178 = arith.cmpi ne, %convert_element_type3A_176, %cond3A_177 : i32
      scf.if %cond3A_178 {
        %scan3A_212 = arith.constant 0 : i32
        %scan3A_213 = arith.constant 0 : i32
        %scan3A_214 = arith.constant 8 : i32
        %scan3A_215 = arith.addi %scan3A_213, %scan3A_214 : i32
        %scan3A_216 = arith.constant 1 : i32
        %scan3A_217 = scf.for %scan3A_223 = %scan3A_213 to %scan3A_215 step %scan3A_216 iter_args(%scan3A_224 = %scan3A_212) -> (i32)  : i32 {
          %mul3A_225 = arith.constant 16 : i32
          %mul3A_226 = arith.muli %scan3A_223, %mul3A_225 : i32
          %add3A_227 = arith.constant 384 : i32
          %add3A_228 = arith.addi %add3A_227, %mul3A_226 : i32
          %get3A = arith.index_cast %add3A_228 : i32 to index
          %get3A_229 = tpu.vector_load %arg5[%get3A] {strides = array<i32>} : memref<1024xi32, #tpu.memory_space<vmem>>, vector<16xi32>,
          %mul3A_230 = arith.constant 4 : i32
          %mul3A_231 = vector.broadcast %mul3A_230 : i32 to vector<16xi32>
          %mul3A_232 = arith.muli %get3A_229, %mul3A_231 : vector<16xi32>
          %add3A_233 = vector.broadcast %add3A_104 : i32 to vector<16xi32>
          %add3A_234 = arith.addi %mul3A_232, %add3A_233 : vector<16xi32>
          %mul3A_235 = arith.constant 16 : i32
          %mul3A_236 = arith.muli %scan3A_223, %mul3A_235 : i32
          %swap3A_237 = arith.index_cast %mul3A_236 : i32 to index
          %swap3A_238 = tpu.vector_load %arg7[%swap3A_237] {strides = array<i32>} : memref<128xi32, #tpu.memory_space<vmem>>, vector<16xi32>,
          tpu.vector_store %arg7[%swap3A_237], %add3A_234 {strides = array<i32>} : memref<128xi32, #tpu.memory_space<vmem>>, vector<16xi32>,
          %mul3A_239 = arith.constant 16 : i32
          %mul3A_240 = arith.muli %scan3A_223, %mul3A_239 : i32
          %add3A_241 = arith.constant 384 : i32
          %add3A_242 = arith.addi %add3A_241, %mul3A_240 : i32
          %get3A_243 = arith.index_cast %add3A_242 : i32 to index
          %get3A_244 = tpu.vector_load %arg6[%get3A_243] {strides = array<i32>} : memref<1024xi32, #tpu.memory_space<vmem>>, vector<16xi32>,
          %mul3A_245 = arith.constant 16 : i32
          %mul3A_246 = arith.muli %scan3A_223, %mul3A_245 : i32
          %swap3A_247 = arith.index_cast %mul3A_246 : i32 to index
          %swap3A_248 = tpu.vector_load %arg8[%swap3A_247] {strides = array<i32>} : memref<128xi32, #tpu.memory_space<vmem>>, vector<16xi32>,
          tpu.vector_store %arg8[%swap3A_247], %get3A_244 {strides = array<i32>} : memref<128xi32, #tpu.memory_space<vmem>>, vector<16xi32>,
          %scan3A_249 = arith.constant 0 : i32
          scf.yield %scan3A_249 : i32
        }
        %scan3A_218 = arith.constant 8 : i32
        %dma_start3A = arith.constant 0 : i32
        %dma_start3A_219 = arith.constant 0 : i32
        %dma_start3A_220 = tpu.memref_slice %arg2[%dma_start3A, %dma_start3A_219] : memref<40000x128xf32, #tpu.memory_space<hbm>> -> memref<40000x128xf32, #tpu.memory_space<hbm>>
        tpu.enqueue_indirect_dma source(%dma_start3A_220 : memref<40000x128xf32, #tpu.memory_space<hbm>>) target(%arg9 : memref<128x128xf32, #tpu.memory_space<vmem>>) offsets(%arg7 : memref<128xi32, #tpu.memory_space<vmem>>) semaphore(%arg15 : memref<!tpu.dma_semaphore, #tpu.memory_space<semaphore_mem>>)
        %dma_wait3A = arith.constant 0 : i32
        %dma_wait3A_221 = arith.constant 0 : i32
        %dma_wait3A_222 = tpu.memref_slice %arg2[%dma_wait3A, %dma_wait3A_221] : memref<40000x128xf32, #tpu.memory_space<hbm>> -> memref<40000x128xf32, #tpu.memory_space<hbm>>
        tpu.wait_indirect_dma semaphore(%arg15 : memref<!tpu.dma_semaphore, #tpu.memory_space<semaphore_mem>>) src(%dma_wait3A_222 : memref<40000x128xf32, #tpu.memory_space<hbm>>) dst(%arg9 : memref<128x128xf32, #tpu.memory_space<vmem>>)
        "tpu.region"() ({
          %run_scoped3A = tpu.sem_alloc : memref<!tpu.dma_semaphore, #tpu.memory_space<semaphore_mem>>
          %dma_start3A_223 = arith.constant 0 : i32
          %dma_start3A_224 = arith.constant 0 : i32
          %dma_start3A_225 = tpu.memref_slice %arg13[%dma_start3A_223, %dma_start3A_224] : memref<10240x128xf32, #tpu.memory_space<vmem_shared>> -> memref<10240x128xf32, #tpu.memory_space<vmem_shared>>
          tpu.enqueue_indirect_dma source(%arg9 : memref<128x128xf32, #tpu.memory_space<vmem>>) target(%dma_start3A_225 : memref<10240x128xf32, #tpu.memory_space<vmem_shared>>) offsets(%arg8 : memref<128xi32, #tpu.memory_space<vmem>>) semaphore(%run_scoped3A : memref<!tpu.dma_semaphore, #tpu.memory_space<semaphore_mem>>) {add = true}
          %dma_wait3A_226 = arith.constant 0 : i32
          %dma_wait3A_227 = arith.constant 0 : i32
          %dma_wait3A_228 = tpu.memref_slice %arg13[%dma_wait3A_226, %dma_wait3A_227] : memref<10240x128xf32, #tpu.memory_space<vmem_shared>> -> memref<10240x128xf32, #tpu.memory_space<vmem_shared>>
          tpu.wait_indirect_dma semaphore(%run_scoped3A : memref<!tpu.dma_semaphore, #tpu.memory_space<semaphore_mem>>) src(%arg9 : memref<128x128xf32, #tpu.memory_space<vmem>>) dst(%dma_wait3A_228 : memref<10240x128xf32, #tpu.memory_space<vmem_shared>>)
          tpu.yield
        }) : () -> ()
      } else {
      }
      %mul3A_179 = arith.constant 8 : i32
      %mul3A_180 = arith.muli %scan3A_142, %mul3A_179 : i32
      %add3A_181 = arith.constant 4 : i32
      %add3A_182 = arith.addi %mul3A_180, %add3A_181 : i32
      %lt3A_183 = arith.cmpi slt, %add3A_182, %select_n3A : i32
      %convert_element_type3A_184 = arith.extui %lt3A_183 : i1 to i32
      %cond3A_185 = arith.constant 0 : i32
      %cond3A_186 = arith.cmpi ne, %convert_element_type3A_184, %cond3A_185 : i32
      scf.if %cond3A_186 {
        %scan3A_212 = arith.constant 0 : i32
        %scan3A_213 = arith.constant 0 : i32
        %scan3A_214 = arith.constant 8 : i32
        %scan3A_215 = arith.addi %scan3A_213, %scan3A_214 : i32
        %scan3A_216 = arith.constant 1 : i32
        %scan3A_217 = scf.for %scan3A_223 = %scan3A_213 to %scan3A_215 step %scan3A_216 iter_args(%scan3A_224 = %scan3A_212) -> (i32)  : i32 {
          %mul3A_225 = arith.constant 16 : i32
          %mul3A_226 = arith.muli %scan3A_223, %mul3A_225 : i32
          %add3A_227 = arith.constant 512 : i32
          %add3A_228 = arith.addi %add3A_227, %mul3A_226 : i32
          %get3A = arith.index_cast %add3A_228 : i32 to index
          %get3A_229 = tpu.vector_load %arg5[%get3A] {strides = array<i32>} : memref<1024xi32, #tpu.memory_space<vmem>>, vector<16xi32>,
          %mul3A_230 = arith.constant 4 : i32
          %mul3A_231 = vector.broadcast %mul3A_230 : i32 to vector<16xi32>
          %mul3A_232 = arith.muli %get3A_229, %mul3A_231 : vector<16xi32>
          %add3A_233 = vector.broadcast %add3A_104 : i32 to vector<16xi32>
          %add3A_234 = arith.addi %mul3A_232, %add3A_233 : vector<16xi32>
          %mul3A_235 = arith.constant 16 : i32
          %mul3A_236 = arith.muli %scan3A_223, %mul3A_235 : i32
          %swap3A_237 = arith.index_cast %mul3A_236 : i32 to index
          %swap3A_238 = tpu.vector_load %arg7[%swap3A_237] {strides = array<i32>} : memref<128xi32, #tpu.memory_space<vmem>>, vector<16xi32>,
          tpu.vector_store %arg7[%swap3A_237], %add3A_234 {strides = array<i32>} : memref<128xi32, #tpu.memory_space<vmem>>, vector<16xi32>,
          %mul3A_239 = arith.constant 16 : i32
          %mul3A_240 = arith.muli %scan3A_223, %mul3A_239 : i32
          %add3A_241 = arith.constant 512 : i32
          %add3A_242 = arith.addi %add3A_241, %mul3A_240 : i32
          %get3A_243 = arith.index_cast %add3A_242 : i32 to index
          %get3A_244 = tpu.vector_load %arg6[%get3A_243] {strides = array<i32>} : memref<1024xi32, #tpu.memory_space<vmem>>, vector<16xi32>,
          %mul3A_245 = arith.constant 16 : i32
          %mul3A_246 = arith.muli %scan3A_223, %mul3A_245 : i32
          %swap3A_247 = arith.index_cast %mul3A_246 : i32 to index
          %swap3A_248 = tpu.vector_load %arg8[%swap3A_247] {strides = array<i32>} : memref<128xi32, #tpu.memory_space<vmem>>, vector<16xi32>,
          tpu.vector_store %arg8[%swap3A_247], %get3A_244 {strides = array<i32>} : memref<128xi32, #tpu.memory_space<vmem>>, vector<16xi32>,
          %scan3A_249 = arith.constant 0 : i32
          scf.yield %scan3A_249 : i32
        }
        %scan3A_218 = arith.constant 8 : i32
        %dma_start3A = arith.constant 0 : i32
        %dma_start3A_219 = arith.constant 0 : i32
        %dma_start3A_220 = tpu.memref_slice %arg2[%dma_start3A, %dma_start3A_219] : memref<40000x128xf32, #tpu.memory_space<hbm>> -> memref<40000x128xf32, #tpu.memory_space<hbm>>
        tpu.enqueue_indirect_dma source(%dma_start3A_220 : memref<40000x128xf32, #tpu.memory_space<hbm>>) target(%arg9 : memref<128x128xf32, #tpu.memory_space<vmem>>) offsets(%arg7 : memref<128xi32, #tpu.memory_space<vmem>>) semaphore(%arg15 : memref<!tpu.dma_semaphore, #tpu.memory_space<semaphore_mem>>)
        %dma_wait3A = arith.constant 0 : i32
        %dma_wait3A_221 = arith.constant 0 : i32
        %dma_wait3A_222 = tpu.memref_slice %arg2[%dma_wait3A, %dma_wait3A_221] : memref<40000x128xf32, #tpu.memory_space<hbm>> -> memref<40000x128xf32, #tpu.memory_space<hbm>>
        tpu.wait_indirect_dma semaphore(%arg15 : memref<!tpu.dma_semaphore, #tpu.memory_space<semaphore_mem>>) src(%dma_wait3A_222 : memref<40000x128xf32, #tpu.memory_space<hbm>>) dst(%arg9 : memref<128x128xf32, #tpu.memory_space<vmem>>)
        "tpu.region"() ({
          %run_scoped3A = tpu.sem_alloc : memref<!tpu.dma_semaphore, #tpu.memory_space<semaphore_mem>>
          %dma_start3A_223 = arith.constant 0 : i32
          %dma_start3A_224 = arith.constant 0 : i32
          %dma_start3A_225 = tpu.memref_slice %arg13[%dma_start3A_223, %dma_start3A_224] : memref<10240x128xf32, #tpu.memory_space<vmem_shared>> -> memref<10240x128xf32, #tpu.memory_space<vmem_shared>>
          tpu.enqueue_indirect_dma source(%arg9 : memref<128x128xf32, #tpu.memory_space<vmem>>) target(%dma_start3A_225 : memref<10240x128xf32, #tpu.memory_space<vmem_shared>>) offsets(%arg8 : memref<128xi32, #tpu.memory_space<vmem>>) semaphore(%run_scoped3A : memref<!tpu.dma_semaphore, #tpu.memory_space<semaphore_mem>>) {add = true}
          %dma_wait3A_226 = arith.constant 0 : i32
          %dma_wait3A_227 = arith.constant 0 : i32
          %dma_wait3A_228 = tpu.memref_slice %arg13[%dma_wait3A_226, %dma_wait3A_227] : memref<10240x128xf32, #tpu.memory_space<vmem_shared>> -> memref<10240x128xf32, #tpu.memory_space<vmem_shared>>
          tpu.wait_indirect_dma semaphore(%run_scoped3A : memref<!tpu.dma_semaphore, #tpu.memory_space<semaphore_mem>>) src(%arg9 : memref<128x128xf32, #tpu.memory_space<vmem>>) dst(%dma_wait3A_228 : memref<10240x128xf32, #tpu.memory_space<vmem_shared>>)
          tpu.yield
        }) : () -> ()
      } else {
      }
      %mul3A_187 = arith.constant 8 : i32
      %mul3A_188 = arith.muli %scan3A_142, %mul3A_187 : i32
      %add3A_189 = arith.constant 5 : i32
      %add3A_190 = arith.addi %mul3A_188, %add3A_189 : i32
      %lt3A_191 = arith.cmpi slt, %add3A_190, %select_n3A : i32
      %convert_element_type3A_192 = arith.extui %lt3A_191 : i1 to i32
      %cond3A_193 = arith.constant 0 : i32
      %cond3A_194 = arith.cmpi ne, %convert_element_type3A_192, %cond3A_193 : i32
      scf.if %cond3A_194 {
        %scan3A_212 = arith.constant 0 : i32
        %scan3A_213 = arith.constant 0 : i32
        %scan3A_214 = arith.constant 8 : i32
        %scan3A_215 = arith.addi %scan3A_213, %scan3A_214 : i32
        %scan3A_216 = arith.constant 1 : i32
        %scan3A_217 = scf.for %scan3A_223 = %scan3A_213 to %scan3A_215 step %scan3A_216 iter_args(%scan3A_224 = %scan3A_212) -> (i32)  : i32 {
          %mul3A_225 = arith.constant 16 : i32
          %mul3A_226 = arith.muli %scan3A_223, %mul3A_225 : i32
          %add3A_227 = arith.constant 640 : i32
          %add3A_228 = arith.addi %add3A_227, %mul3A_226 : i32
          %get3A = arith.index_cast %add3A_228 : i32 to index
          %get3A_229 = tpu.vector_load %arg5[%get3A] {strides = array<i32>} : memref<1024xi32, #tpu.memory_space<vmem>>, vector<16xi32>,
          %mul3A_230 = arith.constant 4 : i32
          %mul3A_231 = vector.broadcast %mul3A_230 : i32 to vector<16xi32>
          %mul3A_232 = arith.muli %get3A_229, %mul3A_231 : vector<16xi32>
          %add3A_233 = vector.broadcast %add3A_104 : i32 to vector<16xi32>
          %add3A_234 = arith.addi %mul3A_232, %add3A_233 : vector<16xi32>
          %mul3A_235 = arith.constant 16 : i32
          %mul3A_236 = arith.muli %scan3A_223, %mul3A_235 : i32
          %swap3A_237 = arith.index_cast %mul3A_236 : i32 to index
          %swap3A_238 = tpu.vector_load %arg7[%swap3A_237] {strides = array<i32>} : memref<128xi32, #tpu.memory_space<vmem>>, vector<16xi32>,
          tpu.vector_store %arg7[%swap3A_237], %add3A_234 {strides = array<i32>} : memref<128xi32, #tpu.memory_space<vmem>>, vector<16xi32>,
          %mul3A_239 = arith.constant 16 : i32
          %mul3A_240 = arith.muli %scan3A_223, %mul3A_239 : i32
          %add3A_241 = arith.constant 640 : i32
          %add3A_242 = arith.addi %add3A_241, %mul3A_240 : i32
          %get3A_243 = arith.index_cast %add3A_242 : i32 to index
          %get3A_244 = tpu.vector_load %arg6[%get3A_243] {strides = array<i32>} : memref<1024xi32, #tpu.memory_space<vmem>>, vector<16xi32>,
          %mul3A_245 = arith.constant 16 : i32
          %mul3A_246 = arith.muli %scan3A_223, %mul3A_245 : i32
          %swap3A_247 = arith.index_cast %mul3A_246 : i32 to index
          %swap3A_248 = tpu.vector_load %arg8[%swap3A_247] {strides = array<i32>} : memref<128xi32, #tpu.memory_space<vmem>>, vector<16xi32>,
          tpu.vector_store %arg8[%swap3A_247], %get3A_244 {strides = array<i32>} : memref<128xi32, #tpu.memory_space<vmem>>, vector<16xi32>,
          %scan3A_249 = arith.constant 0 : i32
          scf.yield %scan3A_249 : i32
        }
        %scan3A_218 = arith.constant 8 : i32
        %dma_start3A = arith.constant 0 : i32
        %dma_start3A_219 = arith.constant 0 : i32
        %dma_start3A_220 = tpu.memref_slice %arg2[%dma_start3A, %dma_start3A_219] : memref<40000x128xf32, #tpu.memory_space<hbm>> -> memref<40000x128xf32, #tpu.memory_space<hbm>>
        tpu.enqueue_indirect_dma source(%dma_start3A_220 : memref<40000x128xf32, #tpu.memory_space<hbm>>) target(%arg9 : memref<128x128xf32, #tpu.memory_space<vmem>>) offsets(%arg7 : memref<128xi32, #tpu.memory_space<vmem>>) semaphore(%arg15 : memref<!tpu.dma_semaphore, #tpu.memory_space<semaphore_mem>>)
        %dma_wait3A = arith.constant 0 : i32
        %dma_wait3A_221 = arith.constant 0 : i32
        %dma_wait3A_222 = tpu.memref_slice %arg2[%dma_wait3A, %dma_wait3A_221] : memref<40000x128xf32, #tpu.memory_space<hbm>> -> memref<40000x128xf32, #tpu.memory_space<hbm>>
        tpu.wait_indirect_dma semaphore(%arg15 : memref<!tpu.dma_semaphore, #tpu.memory_space<semaphore_mem>>) src(%dma_wait3A_222 : memref<40000x128xf32, #tpu.memory_space<hbm>>) dst(%arg9 : memref<128x128xf32, #tpu.memory_space<vmem>>)
        "tpu.region"() ({
          %run_scoped3A = tpu.sem_alloc : memref<!tpu.dma_semaphore, #tpu.memory_space<semaphore_mem>>
          %dma_start3A_223 = arith.constant 0 : i32
          %dma_start3A_224 = arith.constant 0 : i32
          %dma_start3A_225 = tpu.memref_slice %arg13[%dma_start3A_223, %dma_start3A_224] : memref<10240x128xf32, #tpu.memory_space<vmem_shared>> -> memref<10240x128xf32, #tpu.memory_space<vmem_shared>>
          tpu.enqueue_indirect_dma source(%arg9 : memref<128x128xf32, #tpu.memory_space<vmem>>) target(%dma_start3A_225 : memref<10240x128xf32, #tpu.memory_space<vmem_shared>>) offsets(%arg8 : memref<128xi32, #tpu.memory_space<vmem>>) semaphore(%run_scoped3A : memref<!tpu.dma_semaphore, #tpu.memory_space<semaphore_mem>>) {add = true}
          %dma_wait3A_226 = arith.constant 0 : i32
          %dma_wait3A_227 = arith.constant 0 : i32
          %dma_wait3A_228 = tpu.memref_slice %arg13[%dma_wait3A_226, %dma_wait3A_227] : memref<10240x128xf32, #tpu.memory_space<vmem_shared>> -> memref<10240x128xf32, #tpu.memory_space<vmem_shared>>
          tpu.wait_indirect_dma semaphore(%run_scoped3A : memref<!tpu.dma_semaphore, #tpu.memory_space<semaphore_mem>>) src(%arg9 : memref<128x128xf32, #tpu.memory_space<vmem>>) dst(%dma_wait3A_228 : memref<10240x128xf32, #tpu.memory_space<vmem_shared>>)
          tpu.yield
        }) : () -> ()
      } else {
      }
      %mul3A_195 = arith.constant 8 : i32
      %mul3A_196 = arith.muli %scan3A_142, %mul3A_195 : i32
      %add3A_197 = arith.constant 6 : i32
      %add3A_198 = arith.addi %mul3A_196, %add3A_197 : i32
      %lt3A_199 = arith.cmpi slt, %add3A_198, %select_n3A : i32
      %convert_element_type3A_200 = arith.extui %lt3A_199 : i1 to i32
      %cond3A_201 = arith.constant 0 : i32
      %cond3A_202 = arith.cmpi ne, %convert_element_type3A_200, %cond3A_201 : i32
      scf.if %cond3A_202 {
        %scan3A_212 = arith.constant 0 : i32
        %scan3A_213 = arith.constant 0 : i32
        %scan3A_214 = arith.constant 8 : i32
        %scan3A_215 = arith.addi %scan3A_213, %scan3A_214 : i32
        %scan3A_216 = arith.constant 1 : i32
        %scan3A_217 = scf.for %scan3A_223 = %scan3A_213 to %scan3A_215 step %scan3A_216 iter_args(%scan3A_224 = %scan3A_212) -> (i32)  : i32 {
          %mul3A_225 = arith.constant 16 : i32
          %mul3A_226 = arith.muli %scan3A_223, %mul3A_225 : i32
          %add3A_227 = arith.constant 768 : i32
          %add3A_228 = arith.addi %add3A_227, %mul3A_226 : i32
          %get3A = arith.index_cast %add3A_228 : i32 to index
          %get3A_229 = tpu.vector_load %arg5[%get3A] {strides = array<i32>} : memref<1024xi32, #tpu.memory_space<vmem>>, vector<16xi32>,
          %mul3A_230 = arith.constant 4 : i32
          %mul3A_231 = vector.broadcast %mul3A_230 : i32 to vector<16xi32>
          %mul3A_232 = arith.muli %get3A_229, %mul3A_231 : vector<16xi32>
          %add3A_233 = vector.broadcast %add3A_104 : i32 to vector<16xi32>
          %add3A_234 = arith.addi %mul3A_232, %add3A_233 : vector<16xi32>
          %mul3A_235 = arith.constant 16 : i32
          %mul3A_236 = arith.muli %scan3A_223, %mul3A_235 : i32
          %swap3A_237 = arith.index_cast %mul3A_236 : i32 to index
          %swap3A_238 = tpu.vector_load %arg7[%swap3A_237] {strides = array<i32>} : memref<128xi32, #tpu.memory_space<vmem>>, vector<16xi32>,
          tpu.vector_store %arg7[%swap3A_237], %add3A_234 {strides = array<i32>} : memref<128xi32, #tpu.memory_space<vmem>>, vector<16xi32>,
          %mul3A_239 = arith.constant 16 : i32
          %mul3A_240 = arith.muli %scan3A_223, %mul3A_239 : i32
          %add3A_241 = arith.constant 768 : i32
          %add3A_242 = arith.addi %add3A_241, %mul3A_240 : i32
          %get3A_243 = arith.index_cast %add3A_242 : i32 to index
          %get3A_244 = tpu.vector_load %arg6[%get3A_243] {strides = array<i32>} : memref<1024xi32, #tpu.memory_space<vmem>>, vector<16xi32>,
          %mul3A_245 = arith.constant 16 : i32
          %mul3A_246 = arith.muli %scan3A_223, %mul3A_245 : i32
          %swap3A_247 = arith.index_cast %mul3A_246 : i32 to index
          %swap3A_248 = tpu.vector_load %arg8[%swap3A_247] {strides = array<i32>} : memref<128xi32, #tpu.memory_space<vmem>>, vector<16xi32>,
          tpu.vector_store %arg8[%swap3A_247], %get3A_244 {strides = array<i32>} : memref<128xi32, #tpu.memory_space<vmem>>, vector<16xi32>,
          %scan3A_249 = arith.constant 0 : i32
          scf.yield %scan3A_249 : i32
        }
        %scan3A_218 = arith.constant 8 : i32
        %dma_start3A = arith.constant 0 : i32
        %dma_start3A_219 = arith.constant 0 : i32
        %dma_start3A_220 = tpu.memref_slice %arg2[%dma_start3A, %dma_start3A_219] : memref<40000x128xf32, #tpu.memory_space<hbm>> -> memref<40000x128xf32, #tpu.memory_space<hbm>>
        tpu.enqueue_indirect_dma source(%dma_start3A_220 : memref<40000x128xf32, #tpu.memory_space<hbm>>) target(%arg9 : memref<128x128xf32, #tpu.memory_space<vmem>>) offsets(%arg7 : memref<128xi32, #tpu.memory_space<vmem>>) semaphore(%arg15 : memref<!tpu.dma_semaphore, #tpu.memory_space<semaphore_mem>>)
        %dma_wait3A = arith.constant 0 : i32
        %dma_wait3A_221 = arith.constant 0 : i32
        %dma_wait3A_222 = tpu.memref_slice %arg2[%dma_wait3A, %dma_wait3A_221] : memref<40000x128xf32, #tpu.memory_space<hbm>> -> memref<40000x128xf32, #tpu.memory_space<hbm>>
        tpu.wait_indirect_dma semaphore(%arg15 : memref<!tpu.dma_semaphore, #tpu.memory_space<semaphore_mem>>) src(%dma_wait3A_222 : memref<40000x128xf32, #tpu.memory_space<hbm>>) dst(%arg9 : memref<128x128xf32, #tpu.memory_space<vmem>>)
        "tpu.region"() ({
          %run_scoped3A = tpu.sem_alloc : memref<!tpu.dma_semaphore, #tpu.memory_space<semaphore_mem>>
          %dma_start3A_223 = arith.constant 0 : i32
          %dma_start3A_224 = arith.constant 0 : i32
          %dma_start3A_225 = tpu.memref_slice %arg13[%dma_start3A_223, %dma_start3A_224] : memref<10240x128xf32, #tpu.memory_space<vmem_shared>> -> memref<10240x128xf32, #tpu.memory_space<vmem_shared>>
          tpu.enqueue_indirect_dma source(%arg9 : memref<128x128xf32, #tpu.memory_space<vmem>>) target(%dma_start3A_225 : memref<10240x128xf32, #tpu.memory_space<vmem_shared>>) offsets(%arg8 : memref<128xi32, #tpu.memory_space<vmem>>) semaphore(%run_scoped3A : memref<!tpu.dma_semaphore, #tpu.memory_space<semaphore_mem>>) {add = true}
          %dma_wait3A_226 = arith.constant 0 : i32
          %dma_wait3A_227 = arith.constant 0 : i32
          %dma_wait3A_228 = tpu.memref_slice %arg13[%dma_wait3A_226, %dma_wait3A_227] : memref<10240x128xf32, #tpu.memory_space<vmem_shared>> -> memref<10240x128xf32, #tpu.memory_space<vmem_shared>>
          tpu.wait_indirect_dma semaphore(%run_scoped3A : memref<!tpu.dma_semaphore, #tpu.memory_space<semaphore_mem>>) src(%arg9 : memref<128x128xf32, #tpu.memory_space<vmem>>) dst(%dma_wait3A_228 : memref<10240x128xf32, #tpu.memory_space<vmem_shared>>)
          tpu.yield
        }) : () -> ()
      } else {
      }
      %mul3A_203 = arith.constant 8 : i32
      %mul3A_204 = arith.muli %scan3A_142, %mul3A_203 : i32
      %add3A_205 = arith.constant 7 : i32
      %add3A_206 = arith.addi %mul3A_204, %add3A_205 : i32
      %lt3A_207 = arith.cmpi slt, %add3A_206, %select_n3A : i32
      %convert_element_type3A_208 = arith.extui %lt3A_207 : i1 to i32
      %cond3A_209 = arith.constant 0 : i32
      %cond3A_210 = arith.cmpi ne, %convert_element_type3A_208, %cond3A_209 : i32
      scf.if %cond3A_210 {
        %scan3A_212 = arith.constant 0 : i32
        %scan3A_213 = arith.constant 0 : i32
        %scan3A_214 = arith.constant 8 : i32
        %scan3A_215 = arith.addi %scan3A_213, %scan3A_214 : i32
        %scan3A_216 = arith.constant 1 : i32
        %scan3A_217 = scf.for %scan3A_223 = %scan3A_213 to %scan3A_215 step %scan3A_216 iter_args(%scan3A_224 = %scan3A_212) -> (i32)  : i32 {
          %mul3A_225 = arith.constant 16 : i32
          %mul3A_226 = arith.muli %scan3A_223, %mul3A_225 : i32
          %add3A_227 = arith.constant 896 : i32
          %add3A_228 = arith.addi %add3A_227, %mul3A_226 : i32
          %get3A = arith.index_cast %add3A_228 : i32 to index
          %get3A_229 = tpu.vector_load %arg5[%get3A] {strides = array<i32>} : memref<1024xi32, #tpu.memory_space<vmem>>, vector<16xi32>,
          %mul3A_230 = arith.constant 4 : i32
          %mul3A_231 = vector.broadcast %mul3A_230 : i32 to vector<16xi32>
          %mul3A_232 = arith.muli %get3A_229, %mul3A_231 : vector<16xi32>
          %add3A_233 = vector.broadcast %add3A_104 : i32 to vector<16xi32>
          %add3A_234 = arith.addi %mul3A_232, %add3A_233 : vector<16xi32>
          %mul3A_235 = arith.constant 16 : i32
          %mul3A_236 = arith.muli %scan3A_223, %mul3A_235 : i32
          %swap3A_237 = arith.index_cast %mul3A_236 : i32 to index
          %swap3A_238 = tpu.vector_load %arg7[%swap3A_237] {strides = array<i32>} : memref<128xi32, #tpu.memory_space<vmem>>, vector<16xi32>,
          tpu.vector_store %arg7[%swap3A_237], %add3A_234 {strides = array<i32>} : memref<128xi32, #tpu.memory_space<vmem>>, vector<16xi32>,
          %mul3A_239 = arith.constant 16 : i32
          %mul3A_240 = arith.muli %scan3A_223, %mul3A_239 : i32
          %add3A_241 = arith.constant 896 : i32
          %add3A_242 = arith.addi %add3A_241, %mul3A_240 : i32
          %get3A_243 = arith.index_cast %add3A_242 : i32 to index
          %get3A_244 = tpu.vector_load %arg6[%get3A_243] {strides = array<i32>} : memref<1024xi32, #tpu.memory_space<vmem>>, vector<16xi32>,
          %mul3A_245 = arith.constant 16 : i32
          %mul3A_246 = arith.muli %scan3A_223, %mul3A_245 : i32
          %swap3A_247 = arith.index_cast %mul3A_246 : i32 to index
          %swap3A_248 = tpu.vector_load %arg8[%swap3A_247] {strides = array<i32>} : memref<128xi32, #tpu.memory_space<vmem>>, vector<16xi32>,
          tpu.vector_store %arg8[%swap3A_247], %get3A_244 {strides = array<i32>} : memref<128xi32, #tpu.memory_space<vmem>>, vector<16xi32>,
          %scan3A_249 = arith.constant 0 : i32
          scf.yield %scan3A_249 : i32
        }
        %scan3A_218 = arith.constant 8 : i32
        %dma_start3A = arith.constant 0 : i32
        %dma_start3A_219 = arith.constant 0 : i32
        %dma_start3A_220 = tpu.memref_slice %arg2[%dma_start3A, %dma_start3A_219] : memref<40000x128xf32, #tpu.memory_space<hbm>> -> memref<40000x128xf32, #tpu.memory_space<hbm>>
        tpu.enqueue_indirect_dma source(%dma_start3A_220 : memref<40000x128xf32, #tpu.memory_space<hbm>>) target(%arg9 : memref<128x128xf32, #tpu.memory_space<vmem>>) offsets(%arg7 : memref<128xi32, #tpu.memory_space<vmem>>) semaphore(%arg15 : memref<!tpu.dma_semaphore, #tpu.memory_space<semaphore_mem>>)
        %dma_wait3A = arith.constant 0 : i32
        %dma_wait3A_221 = arith.constant 0 : i32
        %dma_wait3A_222 = tpu.memref_slice %arg2[%dma_wait3A, %dma_wait3A_221] : memref<40000x128xf32, #tpu.memory_space<hbm>> -> memref<40000x128xf32, #tpu.memory_space<hbm>>
        tpu.wait_indirect_dma semaphore(%arg15 : memref<!tpu.dma_semaphore, #tpu.memory_space<semaphore_mem>>) src(%dma_wait3A_222 : memref<40000x128xf32, #tpu.memory_space<hbm>>) dst(%arg9 : memref<128x128xf32, #tpu.memory_space<vmem>>)
        "tpu.region"() ({
          %run_scoped3A = tpu.sem_alloc : memref<!tpu.dma_semaphore, #tpu.memory_space<semaphore_mem>>
          %dma_start3A_223 = arith.constant 0 : i32
          %dma_start3A_224 = arith.constant 0 : i32
          %dma_start3A_225 = tpu.memref_slice %arg13[%dma_start3A_223, %dma_start3A_224] : memref<10240x128xf32, #tpu.memory_space<vmem_shared>> -> memref<10240x128xf32, #tpu.memory_space<vmem_shared>>
          tpu.enqueue_indirect_dma source(%arg9 : memref<128x128xf32, #tpu.memory_space<vmem>>) target(%dma_start3A_225 : memref<10240x128xf32, #tpu.memory_space<vmem_shared>>) offsets(%arg8 : memref<128xi32, #tpu.memory_space<vmem>>) semaphore(%run_scoped3A : memref<!tpu.dma_semaphore, #tpu.memory_space<semaphore_mem>>) {add = true}
          %dma_wait3A_226 = arith.constant 0 : i32
          %dma_wait3A_227 = arith.constant 0 : i32
          %dma_wait3A_228 = tpu.memref_slice %arg13[%dma_wait3A_226, %dma_wait3A_227] : memref<10240x128xf32, #tpu.memory_space<vmem_shared>> -> memref<10240x128xf32, #tpu.memory_space<vmem_shared>>
          tpu.wait_indirect_dma semaphore(%run_scoped3A : memref<!tpu.dma_semaphore, #tpu.memory_space<semaphore_mem>>) src(%arg9 : memref<128x128xf32, #tpu.memory_space<vmem>>) dst(%dma_wait3A_228 : memref<10240x128xf32, #tpu.memory_space<vmem_shared>>)
          tpu.yield
        }) : () -> ()
      } else {
      }
      %scan3A_211 = arith.constant 0 : i32
      scf.yield %scan3A_211 : i32
    }
    %scan3A_136 = arith.constant 20 : i32
    %barrier3A_137 = arith.constant 0 : index
    tpu.barrier barrier_id(%barrier3A_137)
    %mul3A_138 = arith.constant 128 : i32
    %mul3A_139 = arith.muli %add3A_104, %mul3A_138 : i32
    %multiple_of3A_140 = tpu.assume_multiple %mul3A_139, 128 : i32
    "tpu.region"() ({
      %run_scoped3A = tpu.sem_alloc : memref<!tpu.dma_semaphore, #tpu.memory_space<semaphore_mem>>
      %dma_start3A = tpu.memref_slice %arg4[%multiple_of3A, %multiple_of3A_140] : memref<10240x512xf32, #tpu.memory_space<hbm>> -> memref<640x128xf32, #tpu.memory_space<hbm>>
      %dma_start3A_142 = arith.constant 0 : i32
      %dma_start3A_143 = tpu.memref_slice %arg13[%multiple_of3A, %dma_start3A_142] : memref<10240x128xf32, #tpu.memory_space<vmem_shared>> -> memref<640x128xf32, #tpu.memory_space<vmem_shared>>
      tpu.enqueue_dma source(%dma_start3A_143 : memref<640x128xf32, #tpu.memory_space<vmem_shared>>) target(%dma_start3A : memref<640x128xf32, #tpu.memory_space<hbm>>) target_semaphore(%run_scoped3A : memref<!tpu.dma_semaphore, #tpu.memory_space<semaphore_mem>>)
      %dma_wait3A = tpu.memref_slice %arg4[%multiple_of3A, %multiple_of3A_140] : memref<10240x512xf32, #tpu.memory_space<hbm>> -> memref<640x128xf32, #tpu.memory_space<hbm>>
      %dma_wait3A_144 = arith.constant 0 : i32
      %dma_wait3A_145 = tpu.memref_slice %arg13[%multiple_of3A, %dma_wait3A_144] : memref<10240x128xf32, #tpu.memory_space<vmem_shared>> -> memref<640x128xf32, #tpu.memory_space<vmem_shared>>
      tpu.wait_dma2 semaphore(%run_scoped3A : memref<!tpu.dma_semaphore, #tpu.memory_space<semaphore_mem>>) src(%dma_wait3A_145 : memref<640x128xf32, #tpu.memory_space<vmem_shared>>) dst(%dma_wait3A : memref<640x128xf32, #tpu.memory_space<hbm>>)
      tpu.yield
    }) : () -> ()
    %barrier3A_141 = arith.constant 0 : index
    tpu.barrier barrier_id(%barrier3A_141)
    return
  }
}

module attributes {stable_mosaic.version = 14 : i64} {
  func.func @_mm_body(%arg0: i32, %arg1: memref<2000x128xf32, #tpu.memory_space<vmem>>, %arg2: memref<128x512xf32, #tpu.memory_space<vmem>>, %arg3: memref<2000x512xf32, #tpu.memory_space<vmem>>) attributes {dimension_semantics = [#tpu.dimension_semantics<arbitrary>], iteration_bounds = array<i64: 5>, scalar_prefetch = 0 : i64, scratch_operands = 0 : i64, tpu.core_type = #tpu.core_type<tc>, window_params = [{transform_indices = @transform_0, window_bounds = array<i64: 2000, 128>}, {pipeline_mode = #tpu.pipeline_mode<synchronous>, transform_indices = @transform_1, window_bounds = array<i64: 128, 512>}, {transform_indices = @transform_2, window_bounds = array<i64: 2000, 512>}]} {
    %get3A = arith.constant 0 : index
    %get3A_0 = arith.constant 0 : index
    %get3A_1 = vector.load %arg1[%get3A, %get3A_0] : memref<2000x128xf32, #tpu.memory_space<vmem>>, vector<2000x128xf32>
    %get3A_2 = arith.constant 0 : index
    %get3A_3 = arith.constant 0 : index
    %get3A_4 = vector.load %arg2[%get3A_2, %get3A_3] : memref<128x512xf32, #tpu.memory_space<vmem>>, vector<128x512xf32>
    %dot_general3A = arith.constant dense<0.000000e+00> : vector<2000x512xf32>
    %dot_general3A_5 = tpu.matmul %get3A_1, %get3A_4, %dot_general3A {dimension_numbers = #tpu.dot_dimension_numbers<[1], [0], [0], [1], [0, 0, 1, 1], [], []>, transpose_lhs_hint = false} : vector<2000x128xf32>, vector<128x512xf32>, vector<2000x512xf32> -> vector<2000x512xf32>
    %swap3A = arith.constant 0 : index
    %swap3A_6 = arith.constant 0 : index
    %swap3A_7 = vector.load %arg3[%swap3A, %swap3A_6] : memref<2000x512xf32, #tpu.memory_space<vmem>>, vector<2000x512xf32>
    tpu.vector_store %arg3[%swap3A, %swap3A_6], %dot_general3A_5 {strides = array<i32>} : memref<2000x512xf32, #tpu.memory_space<vmem>>, vector<2000x512xf32>,
    return
  }
  func.func @transform_0(%arg0: i32) -> (i32, i32) {
    %c0_i32 = arith.constant 0 : i32
    %c0_i32_0 = arith.constant 0 : i32
    return %arg0, %c0_i32 : i32, i32
  }
  func.func @transform_1(%arg0: i32) -> (i32, i32) {
    %c0_i32 = arith.constant 0 : i32
    %c0_i32_0 = arith.constant 0 : i32
    %c0_i32_1 = arith.constant 0 : i32
    return %c0_i32, %c0_i32_0 : i32, i32
  }
  func.func @transform_2(%arg0: i32) -> (i32, i32) {
    %c0_i32 = arith.constant 0 : i32
    %c0_i32_0 = arith.constant 0 : i32
    return %arg0, %c0_i32 : i32, i32
  }
}

module attributes {stable_mosaic.version = 14 : i64} {
  func.func @_layer_body(%arg0: i32, %arg1: memref<2000x512xf32, #tpu.memory_space<vmem>>, %arg2: memref<2000x1xf32, #tpu.memory_space<vmem>>, %arg3: memref<2000x512xf32, #tpu.memory_space<vmem>>, %arg4: memref<512x512xf32, #tpu.memory_space<vmem>>, %arg5: memref<2000x512xf32, #tpu.memory_space<vmem>>) attributes {dimension_semantics = [#tpu.dimension_semantics<arbitrary>], iteration_bounds = array<i64: 5>, scalar_prefetch = 0 : i64, scratch_operands = 0 : i64, tpu.core_type = #tpu.core_type<tc>, window_params = [{transform_indices = @transform_0, window_bounds = array<i64: 2000, 512>}, {transform_indices = @transform_1, window_bounds = array<i64: 2000, 1>}, {transform_indices = @transform_2, window_bounds = array<i64: 2000, 512>}, {pipeline_mode = #tpu.pipeline_mode<synchronous>, transform_indices = @transform_3, window_bounds = array<i64: 512, 512>}, {transform_indices = @transform_4, window_bounds = array<i64: 2000, 512>}]} {
    %get3A = arith.constant 0 : index
    %get3A_0 = arith.constant 0 : index
    %get3A_1 = vector.load %arg1[%get3A, %get3A_0] : memref<2000x512xf32, #tpu.memory_space<vmem>>, vector<2000x512xf32>
    %get3A_2 = arith.constant 0 : index
    %get3A_3 = arith.constant 0 : index
    %get3A_4 = vector.load %arg2[%get3A_2, %get3A_3] : memref<2000x1xf32, #tpu.memory_space<vmem>>, vector<2000x1xf32>
    %max3A = arith.constant 1.000000e+00 : f32
    %max3A_5 = vector.broadcast %max3A : f32 to vector<2000x1xf32>
    %max3A_6 = arith.maximumf %get3A_4, %max3A_5 : vector<2000x1xf32>
    %div3A = vector.broadcast %max3A_6 : vector<2000x1xf32> to vector<2000x512xf32>
    %div3A_7 = arith.divf %get3A_1, %div3A : vector<2000x512xf32>
    %get3A_8 = arith.constant 0 : index
    %get3A_9 = arith.constant 0 : index
    %get3A_10 = vector.load %arg4[%get3A_8, %get3A_9] : memref<512x512xf32, #tpu.memory_space<vmem>>, vector<512x512xf32>
    %dot_general3A = arith.constant dense<0.000000e+00> : vector<2000x512xf32>
    %dot_general3A_11 = tpu.matmul %div3A_7, %get3A_10, %dot_general3A {dimension_numbers = #tpu.dot_dimension_numbers<[1], [0], [0], [1], [0, 0, 1, 1], [], []>, transpose_lhs_hint = false} : vector<2000x512xf32>, vector<512x512xf32>, vector<2000x512xf32> -> vector<2000x512xf32>
    %max3A_12 = arith.constant 0.000000e+00 : f32
    %max3A_13 = vector.broadcast %max3A_12 : f32 to vector<2000x512xf32>
    %max3A_14 = arith.maximumf %dot_general3A_11, %max3A_13 : vector<2000x512xf32>
    %get3A_15 = arith.constant 0 : index
    %get3A_16 = arith.constant 0 : index
    %get3A_17 = vector.load %arg3[%get3A_15, %get3A_16] : memref<2000x512xf32, #tpu.memory_space<vmem>>, vector<2000x512xf32>
    %add3A = arith.addf %max3A_14, %get3A_17 : vector<2000x512xf32>
    %swap3A = arith.constant 0 : index
    %swap3A_18 = arith.constant 0 : index
    %swap3A_19 = vector.load %arg5[%swap3A, %swap3A_18] : memref<2000x512xf32, #tpu.memory_space<vmem>>, vector<2000x512xf32>
    tpu.vector_store %arg5[%swap3A, %swap3A_18], %add3A {strides = array<i32>} : memref<2000x512xf32, #tpu.memory_space<vmem>>, vector<2000x512xf32>,
    return
  }
  func.func @transform_0(%arg0: i32) -> (i32, i32) {
    %c0_i32 = arith.constant 0 : i32
    %c0_i32_0 = arith.constant 0 : i32
    return %arg0, %c0_i32 : i32, i32
  }
  func.func @transform_1(%arg0: i32) -> (i32, i32) {
    %c0_i32 = arith.constant 0 : i32
    %c0_i32_0 = arith.constant 0 : i32
    return %arg0, %c0_i32 : i32, i32
  }
  func.func @transform_2(%arg0: i32) -> (i32, i32) {
    %c0_i32 = arith.constant 0 : i32
    %c0_i32_0 = arith.constant 0 : i32
    return %arg0, %c0_i32 : i32, i32
  }
  func.func @transform_3(%arg0: i32) -> (i32, i32) {
    %c0_i32 = arith.constant 0 : i32
    %c0_i32_0 = arith.constant 0 : i32
    %c0_i32_1 = arith.constant 0 : i32
    return %c0_i32, %c0_i32_0 : i32, i32
  }
  func.func @transform_4(%arg0: i32) -> (i32, i32) {
    %c0_i32 = arith.constant 0 : i32
    %c0_i32_0 = arith.constant 0 : i32
    return %arg0, %c0_i32 : i32, i32
  }
}

module attributes {stable_mosaic.version = 14 : i64} {
  func.func @_head_body(%arg0: memref<10000x512xf32, #tpu.memory_space<vmem>>, %arg1: memref<512x256xf32, #tpu.memory_space<vmem>>, %arg2: memref<1x256xf32, #tpu.memory_space<vmem>>, %arg3: memref<256x8xf32, #tpu.memory_space<vmem>>, %arg4: memref<1x8xf32, #tpu.memory_space<vmem>>, %arg5: memref<10000x8xf32, #tpu.memory_space<vmem>>) attributes {dimension_semantics = [], scalar_prefetch = 0 : i64, scratch_operands = 0 : i64, tpu.core_type = #tpu.core_type<tc>} {
    %get3A = arith.constant 0 : index
    %get3A_0 = arith.constant 0 : index
    %get3A_1 = vector.load %arg0[%get3A, %get3A_0] : memref<10000x512xf32, #tpu.memory_space<vmem>>, vector<10000x512xf32>
    %get3A_2 = arith.constant 0 : index
    %get3A_3 = arith.constant 0 : index
    %get3A_4 = vector.load %arg1[%get3A_2, %get3A_3] : memref<512x256xf32, #tpu.memory_space<vmem>>, vector<512x256xf32>
    %dot_general3A = arith.constant dense<0.000000e+00> : vector<10000x256xf32>
    %dot_general3A_5 = tpu.matmul %get3A_1, %get3A_4, %dot_general3A {dimension_numbers = #tpu.dot_dimension_numbers<[1], [0], [0], [1], [0, 0, 1, 1], [], []>, transpose_lhs_hint = false} : vector<10000x512xf32>, vector<512x256xf32>, vector<10000x256xf32> -> vector<10000x256xf32>
    %get3A_6 = arith.constant 0 : index
    %get3A_7 = arith.constant 0 : index
    %get3A_8 = vector.load %arg2[%get3A_6, %get3A_7] : memref<1x256xf32, #tpu.memory_space<vmem>>, vector<1x256xf32>
    %add3A = vector.broadcast %get3A_8 : vector<1x256xf32> to vector<10000x256xf32>
    %add3A_9 = arith.addf %dot_general3A_5, %add3A : vector<10000x256xf32>
    %max3A = arith.constant 0.000000e+00 : f32
    %max3A_10 = vector.broadcast %max3A : f32 to vector<10000x256xf32>
    %max3A_11 = arith.maximumf %add3A_9, %max3A_10 : vector<10000x256xf32>
    %get3A_12 = arith.constant 0 : index
    %get3A_13 = arith.constant 0 : index
    %get3A_14 = vector.load %arg3[%get3A_12, %get3A_13] : memref<256x8xf32, #tpu.memory_space<vmem>>, vector<256x8xf32>
    %dot_general3A_15 = arith.constant dense<0.000000e+00> : vector<10000x8xf32>
    %dot_general3A_16 = tpu.matmul %max3A_11, %get3A_14, %dot_general3A_15 {dimension_numbers = #tpu.dot_dimension_numbers<[1], [0], [0], [1], [0, 0, 1, 1], [], []>, transpose_lhs_hint = false} : vector<10000x256xf32>, vector<256x8xf32>, vector<10000x8xf32> -> vector<10000x8xf32>
    %get3A_17 = arith.constant 0 : index
    %get3A_18 = arith.constant 0 : index
    %get3A_19 = vector.load %arg4[%get3A_17, %get3A_18] : memref<1x8xf32, #tpu.memory_space<vmem>>, vector<1x8xf32>
    %add3A_20 = vector.broadcast %get3A_19 : vector<1x8xf32> to vector<10000x8xf32>
    %add3A_21 = arith.addf %dot_general3A_16, %add3A_20 : vector<10000x8xf32>
    %reduce_max3A = arith.constant dense<0xFF800000> : vector<8xf32>
    %reduce_max3A_22 = vector.multi_reduction <maximumf>, %add3A_21, %reduce_max3A [0] : vector<10000x8xf32> to vector<8xf32>
    %broadcast_in_dim3A = vector.shape_cast %reduce_max3A_22 : vector<8xf32> to vector<1x8xf32>
    %sub3A = vector.broadcast %broadcast_in_dim3A : vector<1x8xf32> to vector<10000x8xf32>
    %sub3A_23 = arith.subf %add3A_21, %sub3A : vector<10000x8xf32>
    %exp3A = math.exp %sub3A_23 : vector<10000x8xf32>
    %reduce_sum3A = arith.constant dense<0.000000e+00> : vector<8xf32>
    %reduce_sum3A_24 = vector.multi_reduction <add>, %exp3A, %reduce_sum3A [0] : vector<10000x8xf32> to vector<8xf32>
    %broadcast_in_dim3A_25 = vector.shape_cast %reduce_sum3A_24 : vector<8xf32> to vector<1x8xf32>
    %div3A = vector.broadcast %broadcast_in_dim3A_25 : vector<1x8xf32> to vector<10000x8xf32>
    %div3A_26 = arith.divf %exp3A, %div3A : vector<10000x8xf32>
    %swap3A = arith.constant 0 : index
    %swap3A_27 = arith.constant 0 : index
    %swap3A_28 = vector.load %arg5[%swap3A, %swap3A_27] : memref<10000x8xf32, #tpu.memory_space<vmem>>, vector<10000x8xf32>
    tpu.vector_store %arg5[%swap3A, %swap3A_27], %div3A_26 {strides = array<i32>} : memref<10000x8xf32, #tpu.memory_space<vmem>>, vector<10000x8xf32>,
    return
  }
}

</mosaic_0001>

<sc_bundles>
// kernel: kernel.11.cloned.1.call-start
scs
__scs_entry_jumppad:
0x0: {  	(pc) =	sbr.rel $0x88, $3  }
0x1: {  	(tag) =	ssettag $0x0;
	lr =	simm.s32 $0x1  }
0x2: {  	[smem:$0x3F98] =	sst lr;
	_ =	strace $0xD0000000  }
0x3: {  	_ = 	snop  }
0x4: {  	_ = 	snop  }
0x5: {  	_ = 	snop  }
0x6: {  	_ = 	snop  }
0x7: {  	_ = 	snop  }
__scs_overlays_trampoline_lowered:
0x8: {  	[smem:$0x3FA7] =	sst s0  }
0x9: {  	[smem:$0x3FA8] =	sst s1  }
0xa: {  	[smem:$0x3FA9] =	sst s2  }
0xb: {  	[smem:$0x3FAA] =	sst s3  }
0xc: {  	[smem:$0x3FAB] =	sst s4  }
0xd: {  	[smem:$0x3FAC] =	sst s5  }
0xe: {  	[smem:$0x3FAD] =	sst s6  }
0xf: {  	[smem:$0x3FAE] =	sst s7  }
0x10: {  	[smem:$0x3FAF] =	sst s8  }
0x11: {  	[smem:$0x3FB0] =	sst s9;
	s0 =	simm.s32 @!p0 $0x0  }
0x12: {  	s1 =	sld [smem:$0x3F96];
	s0 =	simm.s32 @p0 $0x1  }
0x13: {  	[smem:$0x3FB1] =	sst s0;
	s0 =	simm.s32 @!p1 $0x0  }
0x14: {  	s2 =	sld [smem:$0x3F95];
	s0 =	simm.s32 @p1 $0x1  }
0x15: {  	[smem:$0x3FB2] =	sst s0;
	s0 =	simm.s32 @!p2 $0x0  }
0x16: {  	s3 =	sld [smem:$0x3FDB];
	s0 =	simm.s32 @p2 $0x1  }
0x17: {  	s4 =	simm.s32 $0x1BF5;
	[smem:$0x3FB4] =	sst s0  }
0x18: {  	s0 =	sld [smem:$0x3F97];
	_ =	swait.ge [sflag:s4], $0x0  }
0x19: {  	s7 =	sld [smem:$0x3F98]  }
0x1a: {  	s8 =	sadd.s32 $0xFFFFE003, lr  }
0x1b: {  	s9 =	sadd.s32 $0xFFFFFEF7, lr;
	s5 =	simm.s32 $0xFFFFFFFF;
	p2 =	slt.u32 s8, $0xFFFFF086  }
0x1c: {  	p1 =	slt.u32 s9, $0xF7A;
	s5 =	simm.s32 @!p2 $0x0  }
0x1d: {  	s5 =	simm.s32 @p1 $0x1;
	p0 =	seq.s32 s7, s2  }
0x1e: {  	s7 =	smul.u32 @!p0 $0xF7A, s2;
	p2 =	seq.s32 @!p0 s5, $0x0  }
0x1f: {  	s9 =	smul.u32 $0xF7A, s1;
	s8 =	simm.s32 @!p0 $0x1BF5;
	p2 =	por !p2, p0  }
0x20: {  	[sflag:s8] =	ssyncset.s32 @!p0 $0xFFFFF086;
	s6 =	sadd.s32 @!p0 s3, s7;
	s7 =	simm.s32 @!p0 $0x108  }
0x21: {  	s3 =	sadd.s32 s3, s9;
	s6 =	sadd.s32 @!p0 $0x88, s6;
	s7 =	simm.s32 @p2 $0x1082  }
0x22: {  	[simem:s7], [sflag:s8] =	dma.local @!p0 [hbm:s6], $0xF7A  }
0x23: {  	s9 =	sor.u32 $0xD0000000, s2;
	s6 =	simm.s32 $0x108;
	_ =	swait.ge @!p0 [sflag:s8], $0x0  }
0x24: {  	s3 =	sadd.s32 $0x88, s3;
	s6 =	simm.s32 @!p1 $0x1082;
	[sflag:s4] =	ssyncset.s32 $0xFFFFF086  }
0x25: {  	[simem:s6], [sflag:s4] =	dma.local [hbm:s3], $0xF7A  }
0x26: {  	[smem:$0x3F98] =	sst s1;
	(tag) =	ssettag s2;
	_ =	strace s9  }
0x27: {  	s1 =	sld [smem:$0x3FA8]  }
0x28: {  	s2 =	sld [smem:$0x3FA9]  }
0x29: {  	s4 =	sld [smem:$0x3FAB]  }
0x2a: {  	p0 =	seq.s32 s5, $0x0;
	s5 =	sld [smem:$0x3FAC]  }
0x2b: {  	s6 =	sld [smem:$0x3FAD]  }
0x2c: {  	s7 =	sld [smem:$0x3FAE]  }
0x2d: {  	s3 =	simm.s32 $0x108;
	s8 =	sld [smem:$0x3FAF]  }
0x2e: {  	s3 =	simm.s32 @!p0 $0x1082;
	s9 =	sld [smem:$0x3FB0]  }
0x2f: {  	lr =	sadd.s32 s0, s3;
	s0 =	sld [smem:$0x3FA7]  }
0x30: {  	s3 =	sld [smem:$0x3FAA]  }
0x31: {  	[smem:$0x3FB3] =	sst s10  }
0x32: {  	s10 =	sld [smem:$0x3FB1];
	_ =	sdelay $0x3  }
0x33: {  	p0 =	seq.s32 s10, $0x1;
	s10 =	sld [smem:$0x3FB3];
	_ =	sdelay $0x3  }
0x34: {  	[smem:$0x3FB3] =	sst s10  }
0x35: {  	s10 =	sld [smem:$0x3FB2];
	_ =	sdelay $0x3  }
0x36: {  	p1 =	seq.s32 s10, $0x1;
	s10 =	sld [smem:$0x3FB3];
	_ =	sdelay $0x3  }
0x37: {  	[smem:$0x3FB3] =	sst s10  }
0x38: {  	s10 =	sld [smem:$0x3FB4]  }
0x39: {  	_ = 	snop;
	(pc) =	sbr.ind lr, $3  }
0x3a: {  	_ = 	snop  }
0x3b: {  	_ = 	snop  }
0x3c: {  	p2 =	seq.s32 s10, $0x1;
	s10 =	sld [smem:$0x3FB3]  }
0x3d: {  	_ =	shalt  }
0x3e: {  	_ =	shalt  }
0x3f: {  	_ =	shalt  }
0x40: {  	_ =	shalt  }
0x41: {  	_ =	shalt  }
0x42: {  	_ =	shalt  }
0x43: {  	_ =	shalt  }
0x44: {  	_ =	shalt  }
0x45: {  	_ =	shalt  }
0x46: {  	_ =	shalt  }
0x47: {  	_ =	shalt  }
0x48: {  	_ =	shalt  }
0x49: {  	_ =	shalt  }
0x4a: {  	_ =	shalt  }
0x4b: {  	_ =	shalt  }
0x4c: {  	_ =	shalt  }
0x4d: {  	_ =	shalt  }
0x4e: {  	_ =	shalt  }
0x4f: {  	_ =	shalt  }
0x50: {  	_ =	shalt  }
0x51: {  	_ =	shalt  }
0x52: {  	_ =	shalt  }
0x53: {  	_ =	shalt  }
0x54: {  	_ =	shalt  }
0x55: {  	_ =	shalt  }
0x56: {  	_ =	shalt  }
0x57: {  	_ =	shalt  }
0x58: {  	_ =	shalt  }
0x59: {  	_ =	shalt  }
0x5a: {  	_ =	shalt  }
0x5b: {  	_ =	shalt  }
0x5c: {  	_ =	shalt  }
0x5d: {  	_ =	shalt  }
0x5e: {  	_ =	shalt  }
0x5f: {  	_ =	shalt  }
0x60: {  	_ =	shalt  }
0x61: {  	_ =	shalt  }
0x62: {  	_ =	shalt  }
0x63: {  	_ =	shalt  }
0x64: {  	_ =	shalt  }
0x65: {  	_ =	shalt  }
0x66: {  	_ =	shalt  }
0x67: {  	_ =	shalt  }
0x68: {  	_ =	shalt  }
0x69: {  	_ =	shalt  }
0x6a: {  	_ =	shalt  }
0x6b: {  	_ =	shalt  }
0x6c: {  	_ =	shalt  }
0x6d: {  	_ =	shalt  }
0x6e: {  	_ =	shalt  }
0x6f: {  	_ =	shalt  }
0x70: {  	_ =	shalt  }
0x71: {  	_ =	shalt  }
0x72: {  	_ =	shalt  }
0x73: {  	_ =	shalt  }
0x74: {  	_ =	shalt  }
0x75: {  	_ =	shalt  }
0x76: {  	_ =	shalt  }
0x77: {  	_ =	shalt  }
0x78: {  	_ =	shalt  }
0x79: {  	_ =	shalt  }
0x7a: {  	_ =	shalt  }
0x7b: {  	_ =	shalt  }
0x7c: {  	_ =	shalt  }
0x7d: {  	_ =	shalt  }
0x7e: {  	_ =	shalt  }
0x7f: {  	_ =	shalt  }
0x80: {  	_ =	shalt  }
0x81: {  	_ =	shalt  }
0x82: {  	_ =	shalt  }
0x83: {  	_ =	shalt  }
0x84: {  	_ =	shalt  }
0x85: {  	_ =	shalt  }
0x86: {  	_ =	shalt  }
0x87: {  	_ =	shalt  }
.Lfunc_end0:
.L_simem_size_0:
called_computation.1_lowered:
.L_overlay_start_0:
0x88: {  	s2 =	sld [smem:$0x3FD9]  }
0x89: {  	s3 =	sld [smem:$0x3FFE];
	_ =	sdelay $0x1  }
0x8a: {  	s1 =	srdreg.scid  }
0x8b: {  	s0 =	sand.u32 $0x1, s1  }
0x8c: {  	s16 =	sshll.u32 s0, $0xA;
	s2 =	sadd.s32 s3, s2  }
0x8d: {  	s2 =	sadd.s32 s2, s16  }
0x8e: {  	[smem:$0x3FBF] =	sst s2  }
0x8f: {  	_ = 	snop  }
0x90: {  	(tm) =	ssettm $0x1  }
0x91: {  	s17 =	sld [smem:$0x3FFB];
	_ =	sdelay $0x3  }
0x92: {  	_ =	strace s17  }
0x93: {  	s2 =	sld [smem:$0x3FFC];
	_ =	sdelay $0x3  }
0x94: {  	_ =	strace s2  }
0x95: {  	s2 =	sld [smem:$0x3FFD];
	_ =	sdelay $0x3  }
0x96: {  	_ =	strace s2  }
0x97: {  	_ =	strace $0x8FFFFFFF  }
0x98: {  	s18 =	sld [smem:$0x3FDB];
	_ =	sdelay $0x1  }
0x99: {  	s19 =	simm.s32 $_scs_section_size  }
0x9a: {  	s4 =	simm.s32 $_size__tile_overlayer_lowered;
	s5 =	simm.s32 $_tile_overlayer_lowered  }
0x9b: {  	s22 =	simm.s32 $0x1BFF;
	s21 =	sshll.u32 s5, $0x1;
	s2 =	sadd.s32 s19, s18  }
0x9c: {  	s6 =	simm.s32 $0x0;
	s20 =	sshll.u32 s4, $0x1;
	s4 =	sadd.s32 s21, s2  }
0x9d: {  	[timem:s6], [sflag:s22] =	dma.local [hbm:s4], s20  }
0x9e: {  	_ =	swait.ge [sflag:s22], s20  }
0x9f: {  	s3 =	ssub.s32 $0x0, s20;
	[sflag:s22] =	ssyncset.done $0x0  }
0xa0: {  	[sflag:s22] =	ssyncadd.s32 s3;
	_ =	sdelay $0x1  }
0xa1: {  	s23 =	simm.s32 $0x1B8B  }
0xa2: {  	_ =	swait.ge [sflag:s23], $0x1  }
0xa3: {  	[sflag:s23] =	ssyncset.done $0x0  }
0xa4: {  	s25 =	simm.s32 $0x1B8E;
	s24 =	sld [smem:$0x3FFE];
	[sflag:s23] =	ssyncadd.s32 $0xFFFFFFFF  }
0xa5: {  	s26 =	simm.s32 $execute0_lowered;
	[smem:$0x3FD2] =	sst s25  }
0xa6: {  	s4 =	sshll.u32 s26, $0x1;
	_ =	strace $0x80000049;
	[dreg:$0x1] =	wrdreg $0xFFFFFFFF  }
0xa7: {  	s28 =	simm.s32 $_size_execute0_lowered;
	s2 =	sadd.s32 s2, s4;
	[dreg:$0x0] =	wrdreg $0x0  }
0xa8: {  	s4 =	sshll.u32 s28, $0x1;
	[dreg:$0x2] =	wrdreg s2  }
0xa9: {  	[dreg:$0x3] =	wrdreg s4  }
0xaa: {  	[dreg:$0x4] =	wrdreg $0xC0  }
0xab: {  	_ =	task [dreg:s6], $0x5FFFF  }
0xac: {  	[dreg:$0x1] =	wrdreg $0xFFFFFFFF  }
0xad: {  	[dreg:$0x0] =	wrdreg $0x60  }
0xae: {  	[dreg:$0x2] =	wrdreg s24  }
0xaf: {  	[dreg:$0x3] =	wrdreg $0x6A000  }
0xb0: {  	[dreg:$0x4] =	wrdreg $0x9  }
0xb1: {  	_ =	task.clear_ibuf [dreg:s6], $0x5FFFF;
	_ =	strace $0x90000049  }
0xb2: {  	s29 =	simm.s32 $0x9;
	_ =	strace $0x8000004B  }
0xb3: {  	_ =	swait.ge [sflag:s29], $0x1  }
0xb4: {  	[sflag:s29] =	ssyncadd.s32 $0xFFFFFFFF  }
0xb5: {  	_ =	strace $0x9000004B  }
0xb6: {  	_ =	sfence  }
0xb7: {  	s30 =	sld [smem:$0x0];
	_ =	sdelay $0x2  }
0xb8: {  	s31 =	sshll.u32 s1, $0xD;
	s1 =	sshrl.u32 s1, $0x2  }
0xb9: {  	s3 =	sand.u32 $0x4000, s31;
	s1 =	sadd.s32 s1, s30  }
0xba: {  	s0 =	sor.u32 s3, s0;
	s1 =	sshll.u32 s1, $0x11  }
0xbb: {  	s0 =	sor.u32 s1, s0  }
0xbc: {  	s0 =	sadd.s32 $0x8F2B, s0  }
0xbd: {  	[sflag:s0] =	ssyncadd.remote.s32 $0x1  }
0xbe: {  	_ =	sfence.sel $0xFFFF  }
0xbf: {  	[dreg:$0x0] =	wrdreg $0xFFFFFFFF;
	(pc) =	sbr.abs _section_cstart, $3  }
0xc0: {  	[dreg:$0x1] =	wrdreg $0xFFFFFFFF  }
0xc1: {  	_ =	task.clear_ibuf [dreg:s6], $0x2FFFF;
	_ =	strace $0x9FFFFFFF  }
0xc2: {  	(tm) =	ssettm $0x7FFFFFFF  }
0xc3: {  	_ =	shalt  }
tec
execute0_lowered:
.L_overlay_start_1:
0x0: {  	(tag) =	ssettag $0x1  }
0x1: {  	s0 =	rddreg [dreg:$0x0]  }
0x2: {  	s2 =	rddreg [dreg:$0x1]  }
0x3: {  	s3 =	simm.s32 $0x0;
	s7 =	stileid.u32;
	s1 =	srdreg.scid  }
0x4: {  	s28 =	simm.s32 $0x4980;
	s29 =	simm.s32 $0x2;
	s30 =	simm.s32 $0x3  }
0x5: {  	s31 =	simm.s32 $0x400;
	[smem:$0x7FF] =	sst s3;
	s5 =	smul.u32 $0x9D0, s7  }
0x6: {  	s1 =	sand.u32 $0x1, s1;
	s18 =	smul.u32 $0x50000, s7;
	s4 =	sadd.s32 $0x1E00, s0  }
0x7: {  	p0 =	seq.s32 s7, $0xF;
	_ =	strace $0x8000004A;
	s6 =	ssub.s32 $0x2, s1  }
0x8: {  	s19 =	sadd.s32 s5, s0;
	s16 =	sshrl.u32 s6, $0x1;
	s0 =	sadd.s32 $0x14E000, s0  }
0x9: {  	s17 =	sshrl.u32 s18, $0x2;
	s5 =	simm.s32 $0x91;
	s20 =	ssub.s32 s6, s16  }
0xa: {  	s6 =	sadd.s32 s17, s2;
	s5 =	simm.s32 @!p0 $0x9D;
	s17 =	sshll.u32 s1, $0xA  }
0xb: {  	s8 =	sadd.s32 $0x2000, s6;
	s9 =	sadd.s32 $0x4000, s6;
	s21 =	sadd.s32 $0x6000, s6  }
0xc: {  	s22 =	sadd.s32 $0x8000, s6;
	s23 =	sadd.s32 $0xA000, s6;
	s12 =	sadd.s32 $0xC000, s6  }
0xd: {  	s13 =	sadd.s32 $0xE000, s6;
	s14 =	sadd.s32 $0x10000, s6;
	[dreg:$0x3] =	wrdreg s21  }
0xe: {  	s15 =	sadd.s32 $0x12000, s6;
	s16 =	sadd.s32 $0xFFFFFFFF, s5;
	[dreg:$0x4] =	wrdreg s22  }
0xf: {  	s26 =	smax.u32 s20, $0x1;
	[dreg:$0x5] =	wrdreg s23;
	s23 =	sor.u32 $0x2, s1  }
0x10: {  	s21 =	sor.u32 s17, s18;
	s17 =	sadd.s32 $0xFFFFFFFE, s5;
	[dreg:$0x8] =	wrdreg s26  }
0x11: {  	v0 =	vmov s1;
	s26 =	sadd.s32 $0xFFFFFFF9, s5;
	s1 =	simm.s32 $0x0;
	s22 =	sshll.u32 s23, $0xA  }
0x12: {  	s21 =	sshrl.u32 s21, $0x3;
	s22 =	sor.u32 s18, s22;
	s18 =	sadd.s32 $0xFFFFFFFD, s5  }
0x13: {  	s24 =	sadd.s32 s0, s21;
	s21 =	sadd.s32 $0xFFFFFFFC, s5;
	s25 =	sshrl.u32 s22, $0x3  }
0x14: {  	[dreg:$0x6] =	wrdreg s24;
	s22 =	sadd.s32 $0x13A600, s19;
	s0 =	sadd.s32 s0, s25  }
0x15: {  	v2 =	vimm.f32 $0.0e+00;
	v3 =	vimm.f32 $1.000000000e+00;
	v1 =	vmov s23;
	s24 =	sadd.s32 $0xFFFFFFFB, s5;
	s25 =	sadd.s32 $0xFFFFFFFA, s5;
	[dreg:$0x7] =	wrdreg s0  }
.LBB2_1:
0x16: {  	s0 =	simm.s32 $0x0;
	s19 =	simm.s32 $0x200  }
.LBB2_2:
0x17: {  	p0 =	sne.s32 s19, $0x7E00;
	[tilespmem:s0+$0x49F0] =	vst v2  }
0x18: {  	[tilespmem:s0+$0x4980] =	vst v2  }
0x19: {  	[tilespmem:s0+$0x4990] =	vst v2  }
.Ltmp0:
0x1a: {  	[tilespmem:s0+$0x49A0] =	vst v2;
	(pc) =	sbr.rel @p0 .LBB2_2-.Ltmp0, $4  }
0x1b: {  	[tilespmem:s0+$0x49B0] =	vst v2  }
0x1c: {  	[tilespmem:s0+$0x49C0] =	vst v2  }
0x1d: {  	[tilespmem:s0+$0x49D0] =	vst v2  }
0x1e: {  	[tilespmem:s0+$0x49E0] =	vst v2;
	s0 =	sshra.s32 s19, $0x2;
	s19 =	sadd.s32 $0x200, s19  }
0x1f: {  	[tilespmem:s0+$0x49F0] =	vst v2  }
0x20: {  	[tilespmem:s0+$0x4980] =	vst v2  }
0x21: {  	[tilespmem:s0+$0x4990] =	vst v2  }
0x22: {  	[tilespmem:s0+$0x49A0] =	vst v2  }
0x23: {  	[tilespmem:s0+$0x49B0] =	vst v2  }
0x24: {  	[tilespmem:s0+$0x49C0] =	vst v2  }
0x25: {  	[tilespmem:s0+$0x49D0] =	vst v2  }
0x26: {  	[tilespmem:s0+$0x49E0] =	vst v2  }
0x27: {  	[tilespmem:$0x4900] =	vst v3  }
0x28: {  	[tilespmem:$0x6980] =	vst v2  }
0x29: {  	[tilespmem:$0x4910] =	vst v3  }
0x2a: {  	[tilespmem:$0x6990] =	vst v2  }
0x2b: {  	[tilespmem:$0x4920] =	vst v3  }
0x2c: {  	[tilespmem:$0x69A0] =	vst v2  }
0x2d: {  	[tilespmem:$0x4930] =	vst v3  }
0x2e: {  	[tilespmem:$0x69B0] =	vst v2  }
0x2f: {  	[tilespmem:$0x4940] =	vst v3  }
0x30: {  	[tilespmem:$0x69C0] =	vst v2  }
0x31: {  	[tilespmem:$0x4950] =	vst v3  }
0x32: {  	[tilespmem:$0x69D0] =	vst v2  }
0x33: {  	[tilespmem:$0x4960] =	vst v3  }
0x34: {  	[tilespmem:$0x69E0] =	vst v2  }
0x35: {  	[tilespmem:$0x4970] =	vst v3  }
0x36: {  	[tilespmem:$0x69F0] =	vst v2  }
0x37: {  	[spmem:s6] =	stream.linear.scatter [tilespmem:s28], [sflag:$0x2], $0x2000, $0x38;
	[tilespmem:$0x1AA00] =	vst v63  }
0x38: {  	_ =	swait.ge [sflag:s29], $0x2000  }
0x39: {  	[sflag:s29] =	ssyncset.done $0x0  }
0x3a: {  	[sflag:s29] =	ssyncadd.s32 $0xFFFFE000  }
0x3b: {  	[spmem:s8] =	stream.linear.scatter [tilespmem:s28], [sflag:$0x2], $0x2000, $0x38;
	[tilespmem:$0x1AA00] =	vst v63  }
0x3c: {  	_ =	swait.ge [sflag:s29], $0x2000  }
0x3d: {  	[sflag:s29] =	ssyncset.done $0x0  }
0x3e: {  	[sflag:s29] =	ssyncadd.s32 $0xFFFFE000  }
0x3f: {  	[spmem:s9] =	stream.linear.scatter [tilespmem:s28], [sflag:$0x2], $0x2000, $0x38;
	[tilespmem:$0x1AA00] =	vst v63  }
0x40: {  	_ =	swait.ge [sflag:s29], $0x2000  }
0x41: {  	[sflag:s29] =	ssyncset.done $0x0  }
0x42: {  	s19 =	rddreg [dreg:$0x3];
	[sflag:s29] =	ssyncadd.s32 $0xFFFFE000  }
0x43: {  	[spmem:s19] =	stream.linear.scatter [tilespmem:s28], [sflag:$0x2], $0x2000, $0x38;
	[tilespmem:$0x1AA00] =	vst v63  }
0x44: {  	_ =	swait.ge [sflag:s29], $0x2000  }
0x45: {  	[sflag:s29] =	ssyncset.done $0x0  }
0x46: {  	s20 =	rddreg [dreg:$0x4];
	[sflag:s29] =	ssyncadd.s32 $0xFFFFE000  }
0x47: {  	[spmem:s20] =	stream.linear.scatter [tilespmem:s28], [sflag:$0x2], $0x2000, $0x38;
	[tilespmem:$0x1AA00] =	vst v63  }
0x48: {  	_ =	swait.ge [sflag:s29], $0x2000  }
0x49: {  	[sflag:s29] =	ssyncset.done $0x0  }
0x4a: {  	s23 =	rddreg [dreg:$0x5];
	[sflag:s29] =	ssyncadd.s32 $0xFFFFE000  }
0x4b: {  	[spmem:s23] =	stream.linear.scatter [tilespmem:s28], [sflag:$0x2], $0x2000, $0x38;
	[tilespmem:$0x1AA00] =	vst v63  }
0x4c: {  	_ =	swait.ge [sflag:s29], $0x2000  }
0x4d: {  	[sflag:s29] =	ssyncset.done $0x0  }
0x4e: {  	[sflag:s29] =	ssyncadd.s32 $0xFFFFE000  }
0x4f: {  	[spmem:s12] =	stream.linear.scatter [tilespmem:s28], [sflag:$0x2], $0x2000, $0x38;
	[tilespmem:$0x1AA00] =	vst v63  }
0x50: {  	_ =	swait.ge [sflag:s29], $0x2000  }
0x51: {  	[sflag:s29] =	ssyncset.done $0x0  }
0x52: {  	[sflag:s29] =	ssyncadd.s32 $0xFFFFE000  }
0x53: {  	[spmem:s13] =	stream.linear.scatter [tilespmem:s28], [sflag:$0x2], $0x2000, $0x38;
	[tilespmem:$0x1AA00] =	vst v63  }
0x54: {  	_ =	swait.ge [sflag:s29], $0x2000  }
0x55: {  	[sflag:s29] =	ssyncset.done $0x0  }
0x56: {  	[sflag:s29] =	ssyncadd.s32 $0xFFFFE000  }
0x57: {  	[spmem:s14] =	stream.linear.scatter [tilespmem:s28], [sflag:$0x2], $0x2000, $0x38;
	[tilespmem:$0x1AA00] =	vst v63  }
0x58: {  	_ =	swait.ge [sflag:s29], $0x2000  }
0x59: {  	[sflag:s29] =	ssyncset.done $0x0  }
0x5a: {  	[sflag:s29] =	ssyncadd.s32 $0xFFFFE000  }
0x5b: {  	[spmem:s15] =	stream.linear.scatter [tilespmem:s28], [sflag:$0x2], $0x2000, $0x38;
	[tilespmem:$0x1AA00] =	vst v63  }
0x5c: {  	_ =	swait.ge [sflag:s29], $0x2000  }
0x5d: {  	[sflag:s29] =	ssyncset.done $0x0  }
0x5e: {  	[sflag:s29] =	ssyncadd.s32 $0xFFFFE000  }
0x5f: {  	s0 =	simm.s32 $0x0;
	s19 =	smov.u32 s22;
	[bflag:$0x0] =	sbarrier.arrive $0xFFFF  }
.LBB2_4:
0x60: {  	[tilespmem:s3], [sflag:$0x3] =	stream.linear.gather [hbm4b:s19+s3], $0x400, $0x38;
	[tilespmem:$0x1AA00] =	vst v63  }
0x61: {  	_ =	swait.ge [sflag:s30], $0x400  }
0x62: {  	[sflag:s30] =	ssyncset.done $0x0  }
0x63: {  	s20 =	sadd.s32 $0x9C40, s19;
	[sflag:s30] =	ssyncadd.s32 $0xFFFFFC00  }
0x64: {  	[tilespmem:s31], [sflag:$0x3] =	stream.linear.gather [hbm4b:s20+s3], $0x400, $0x38;
	[tilespmem:$0x1AA00] =	vst v63  }
0x65: {  	_ =	swait.ge [sflag:s30], $0x400  }
0x66: {  	[sflag:s30] =	ssyncset.done $0x0  }
0x67: {  	p0 =	sge.u32 s0, s5;
	[sflag:s30] =	ssyncadd.s32 $0xFFFFFC00  }
0x68: {  	v4 =	vld @!p0 [tilespmem:$0x0];
	_ =	sdelay $0x1  }
0x69: {  	v5 =	vld @!p0 [tilespmem:$0x10]  }
0x6a: {  	v6 =	vld @!p0 [tilespmem:$0x400]  }
0x6b: {  	v7 =	vld @!p0 [tilespmem:$0x20]  }
0x6c: {  	v8 =	vld @!p0 [tilespmem:$0x410];
	v4 =	vshll.u32 @!p0 v4, $0x2  }
0x6d: {  	v9 =	vld @!p0 [tilespmem:$0x30];
	v4 =	vor.u32 @!p0 v0, v4  }
0x6e: {  	[tilespmem:$0x800] =	vst @!p0 v4;
	v4 =	vshll.u32 @!p0 v5, $0x2;
	v5 =	vld @!p0 [tilespmem:$0x420]  }
0x6f: {  	[tilespmem:$0x880] =	vst @!p0 v6;
	v6 =	vld @!p0 [tilespmem:$0x40];
	v4 =	vor.u32 @!p0 v0, v4  }
0x70: {  	[tilespmem:$0x810] =	vst @!p0 v4;
	v4 =	vshll.u32 @!p0 v7, $0x2;
	v7 =	vld @!p0 [tilespmem:$0x430]  }
0x71: {  	[tilespmem:$0x890] =	vst @!p0 v8;
	v8 =	vld @!p0 [tilespmem:$0x50];
	v4 =	vor.u32 @!p0 v0, v4  }
0x72: {  	[tilespmem:$0x820] =	vst @!p0 v4;
	v4 =	vshll.u32 @!p0 v9, $0x2;
	v9 =	vld @!p0 [tilespmem:$0x440]  }
0x73: {  	[tilespmem:$0x8A0] =	vst @!p0 v5;
	v4 =	vor.u32 @!p0 v0, v4;
	v5 =	vld @!p0 [tilespmem:$0x60]  }
0x74: {  	[tilespmem:$0x830] =	vst @!p0 v4;
	v4 =	vshll.u32 @!p0 v6, $0x2;
	v6 =	vld @!p0 [tilespmem:$0x450]  }
0x75: {  	[tilespmem:$0x8B0] =	vst @!p0 v7;
	v4 =	vor.u32 @!p0 v0, v4;
	v7 =	vld @!p0 [tilespmem:$0x70]  }
0x76: {  	[tilespmem:$0x840] =	vst @!p0 v4;
	v4 =	vshll.u32 @!p0 v8, $0x2;
	v8 =	vld @!p0 [tilespmem:$0x460]  }
0x77: {  	[tilespmem:$0x8C0] =	vst @!p0 v9;
	v4 =	vor.u32 @!p0 v0, v4  }
0x78: {  	[tilespmem:$0x850] =	vst @!p0 v4;
	v4 =	vshll.u32 @!p0 v5, $0x2;
	v5 =	vld @!p0 [tilespmem:$0x470]  }
0x79: {  	[tilespmem:$0x8D0] =	vst @!p0 v6;
	v4 =	vor.u32 @!p0 v0, v4  }
0x7a: {  	[tilespmem:$0x860] =	vst @!p0 v4;
	v4 =	vshll.u32 @!p0 v7, $0x2  }
0x7b: {  	[tilespmem:$0x8E0] =	vst @!p0 v8;
	v4 =	vor.u32 @!p0 v0, v4  }
0x7c: {  	[tilespmem:$0x870] =	vst @!p0 v4  }
0x7d: {  	s23 =	simm.s32 @!p0 $0x800;
	s7 =	simm.s32 @!p0 $0x900;
	s20 =	simm.s32 @!p0 $0x80;
	[tilespmem:$0x8F0] =	vst @!p0 v5  }
0x7e: {  	[tilespmem:s7], [sflag:$0x1] =	stream.indirect.gather @!p0 [hbm4b:s4+s20], $0x80, s23, s20, $0xb8;
	[tilespmem:$0x1AA00] =	vst v63  }
0x7f: {  	s23 =	simm.s32 @!p0 $0x1  }
0x80: {  	_ =	swait.ge @!p0 [sflag:s23], $0x4000  }
0x81: {  	[sflag:s23] =	ssyncset.done @!p0 $0x0  }
0x82: {  	[sflag:s23] =	ssyncadd.s32 @!p0 $0xFFFFC000;
	s23 =	simm.s32 @!p0 $0x880  }
0x83: {  	[spmem:s2] =	stream.indirect.scatter.add.f32 @!p0 [tilespmem:s7], [sflag:$0x3], $0x80, s23, s20, $0xb8;
	[tilespmem:$0x1AA00] =	vst v63  }
0x84: {  	s7 =	simm.s32 @!p0 $0x3  }
0x85: {  	_ =	swait.ge @!p0 [sflag:s7], $0x4000  }
0x86: {  	[sflag:s7] =	ssyncset.done @!p0 $0x0  }
0x87: {  	[sflag:s7] =	ssyncadd.s32 @!p0 $0xFFFFC000;
	p0 =	sge.u32 s0, s16  }
0x88: {  	v4 =	vld @!p0 [tilespmem:$0x80];
	_ =	sdelay $0x1  }
0x89: {  	v5 =	vld @!p0 [tilespmem:$0x90]  }
0x8a: {  	v6 =	vld @!p0 [tilespmem:$0x480]  }
0x8b: {  	v7 =	vld @!p0 [tilespmem:$0xA0]  }
0x8c: {  	v8 =	vld @!p0 [tilespmem:$0x490];
	v4 =	vshll.u32 @!p0 v4, $0x2  }
0x8d: {  	v9 =	vld @!p0 [tilespmem:$0xB0];
	v4 =	vor.u32 @!p0 v0, v4  }
0x8e: {  	[tilespmem:$0x800] =	vst @!p0 v4;
	v4 =	vshll.u32 @!p0 v5, $0x2;
	v5 =	vld @!p0 [tilespmem:$0x4A0]  }
0x8f: {  	[tilespmem:$0x880] =	vst @!p0 v6;
	v6 =	vld @!p0 [tilespmem:$0xC0];
	v4 =	vor.u32 @!p0 v0, v4  }
0x90: {  	[tilespmem:$0x810] =	vst @!p0 v4;
	v4 =	vshll.u32 @!p0 v7, $0x2;
	v7 =	vld @!p0 [tilespmem:$0x4B0]  }
0x91: {  	[tilespmem:$0x890] =	vst @!p0 v8;
	v8 =	vld @!p0 [tilespmem:$0xD0];
	v4 =	vor.u32 @!p0 v0, v4  }
0x92: {  	[tilespmem:$0x820] =	vst @!p0 v4;
	v4 =	vshll.u32 @!p0 v9, $0x2;
	v9 =	vld @!p0 [tilespmem:$0x4C0]  }
0x93: {  	[tilespmem:$0x8A0] =	vst @!p0 v5;
	v4 =	vor.u32 @!p0 v0, v4;
	v5 =	vld @!p0 [tilespmem:$0xE0]  }
0x94: {  	[tilespmem:$0x830] =	vst @!p0 v4;
	v4 =	vshll.u32 @!p0 v6, $0x2;
	v6 =	vld @!p0 [tilespmem:$0x4D0]  }
0x95: {  	[tilespmem:$0x8B0] =	vst @!p0 v7;
	v4 =	vor.u32 @!p0 v0, v4;
	v7 =	vld @!p0 [tilespmem:$0xF0]  }
0x96: {  	[tilespmem:$0x840] =	vst @!p0 v4;
	v4 =	vshll.u32 @!p0 v8, $0x2;
	v8 =	vld @!p0 [tilespmem:$0x4E0]  }
0x97: {  	[tilespmem:$0x8C0] =	vst @!p0 v9;
	v4 =	vor.u32 @!p0 v0, v4  }
0x98: {  	[tilespmem:$0x850] =	vst @!p0 v4;
	v4 =	vshll.u32 @!p0 v5, $0x2;
	v5 =	vld @!p0 [tilespmem:$0x4F0]  }
0x99: {  	[tilespmem:$0x8D0] =	vst @!p0 v6;
	v4 =	vor.u32 @!p0 v0, v4  }
0x9a: {  	[tilespmem:$0x860] =	vst @!p0 v4;
	v4 =	vshll.u32 @!p0 v7, $0x2  }
0x9b: {  	[tilespmem:$0x8E0] =	vst @!p0 v8;
	v4 =	vor.u32 @!p0 v0, v4  }
0x9c: {  	[tilespmem:$0x870] =	vst @!p0 v4  }
0x9d: {  	s7 =	simm.s32 @!p0 $0x80;
	s20 =	simm.s32 @!p0 $0x800;
	s23 =	simm.s32 @!p0 $0x900;
	[tilespmem:$0x8F0] =	vst @!p0 v5  }
0x9e: {  	[tilespmem:s23], [sflag:$0x1] =	stream.indirect.gather @!p0 [hbm4b:s4+s7], $0x80, s20, s7, $0xb8;
	[tilespmem:$0x1AA00] =	vst v63  }
0x9f: {  	s20 =	simm.s32 @!p0 $0x1  }
0xa0: {  	_ =	swait.ge @!p0 [sflag:s20], $0x4000  }
0xa1: {  	[sflag:s20] =	ssyncset.done @!p0 $0x0  }
0xa2: {  	[sflag:s20] =	ssyncadd.s32 @!p0 $0xFFFFC000;
	s20 =	simm.s32 @!p0 $0x880  }
0xa3: {  	[spmem:s2] =	stream.indirect.scatter.add.f32 @!p0 [tilespmem:s23], [sflag:$0x3], $0x80, s20, s7, $0xb8;
	[tilespmem:$0x1AA00] =	vst v63  }
0xa4: {  	s7 =	simm.s32 @!p0 $0x3  }
0xa5: {  	_ =	swait.ge @!p0 [sflag:s7], $0x4000  }
0xa6: {  	[sflag:s7] =	ssyncset.done @!p0 $0x0  }
0xa7: {  	[sflag:s7] =	ssyncadd.s32 @!p0 $0xFFFFC000;
	p0 =	sge.u32 s0, s17  }
0xa8: {  	v4 =	vld @!p0 [tilespmem:$0x100];
	_ =	sdelay $0x1  }
0xa9: {  	v5 =	vld @!p0 [tilespmem:$0x110]  }
0xaa: {  	v6 =	vld @!p0 [tilespmem:$0x500]  }
0xab: {  	v7 =	vld @!p0 [tilespmem:$0x120]  }
0xac: {  	v8 =	vld @!p0 [tilespmem:$0x510];
	v4 =	vshll.u32 @!p0 v4, $0x2  }
0xad: {  	v9 =	vld @!p0 [tilespmem:$0x130];
	v4 =	vor.u32 @!p0 v0, v4  }
0xae: {  	[tilespmem:$0x800] =	vst @!p0 v4;
	v4 =	vshll.u32 @!p0 v5, $0x2;
	v5 =	vld @!p0 [tilespmem:$0x520]  }
0xaf: {  	[tilespmem:$0x880] =	vst @!p0 v6;
	v6 =	vld @!p0 [tilespmem:$0x140];
	v4 =	vor.u32 @!p0 v0, v4  }
0xb0: {  	[tilespmem:$0x810] =	vst @!p0 v4;
	v4 =	vshll.u32 @!p0 v7, $0x2;
	v7 =	vld @!p0 [tilespmem:$0x530]  }
0xb1: {  	[tilespmem:$0x890] =	vst @!p0 v8;
	v8 =	vld @!p0 [tilespmem:$0x150];
	v4 =	vor.u32 @!p0 v0, v4  }
0xb2: {  	[tilespmem:$0x820] =	vst @!p0 v4;
	v4 =	vshll.u32 @!p0 v9, $0x2;
	v9 =	vld @!p0 [tilespmem:$0x540]  }
0xb3: {  	[tilespmem:$0x8A0] =	vst @!p0 v5;
	v4 =	vor.u32 @!p0 v0, v4;
	v5 =	vld @!p0 [tilespmem:$0x160]  }
0xb4: {  	[tilespmem:$0x830] =	vst @!p0 v4;
	v4 =	vshll.u32 @!p0 v6, $0x2;
	v6 =	vld @!p0 [tilespmem:$0x550]  }
0xb5: {  	[tilespmem:$0x8B0] =	vst @!p0 v7;
	v4 =	vor.u32 @!p0 v0, v4;
	v7 =	vld @!p0 [tilespmem:$0x170]  }
0xb6: {  	[tilespmem:$0x840] =	vst @!p0 v4;
	v4 =	vshll.u32 @!p0 v8, $0x2;
	v8 =	vld @!p0 [tilespmem:$0x560]  }
0xb7: {  	[tilespmem:$0x8C0] =	vst @!p0 v9;
	v4 =	vor.u32 @!p0 v0, v4  }
0xb8: {  	[tilespmem:$0x850] =	vst @!p0 v4;
	v4 =	vshll.u32 @!p0 v5, $0x2;
	v5 =	vld @!p0 [tilespmem:$0x570]  }
0xb9: {  	[tilespmem:$0x8D0] =	vst @!p0 v6;
	v4 =	vor.u32 @!p0 v0, v4  }
0xba: {  	[tilespmem:$0x860] =	vst @!p0 v4;
	v4 =	vshll.u32 @!p0 v7, $0x2  }
0xbb: {  	[tilespmem:$0x8E0] =	vst @!p0 v8;
	v4 =	vor.u32 @!p0 v0, v4  }
0xbc: {  	[tilespmem:$0x870] =	vst @!p0 v4  }
0xbd: {  	s7 =	simm.s32 @!p0 $0x80;
	s20 =	simm.s32 @!p0 $0x800;
	s23 =	simm.s32 @!p0 $0x900;
	[tilespmem:$0x8F0] =	vst @!p0 v5  }
0xbe: {  	[tilespmem:s23], [sflag:$0x1] =	stream.indirect.gather @!p0 [hbm4b:s4+s7], $0x80, s20, s7, $0xb8;
	[tilespmem:$0x1AA00] =	vst v63  }
0xbf: {  	s20 =	simm.s32 @!p0 $0x1  }
0xc0: {  	_ =	swait.ge @!p0 [sflag:s20], $0x4000  }
0xc1: {  	[sflag:s20] =	ssyncset.done @!p0 $0x0  }
0xc2: {  	[sflag:s20] =	ssyncadd.s32 @!p0 $0xFFFFC000;
	s20 =	simm.s32 @!p0 $0x880  }
0xc3: {  	[spmem:s2] =	stream.indirect.scatter.add.f32 @!p0 [tilespmem:s23], [sflag:$0x3], $0x80, s20, s7, $0xb8;
	[tilespmem:$0x1AA00] =	vst v63  }
0xc4: {  	s7 =	simm.s32 @!p0 $0x3  }
0xc5: {  	_ =	swait.ge @!p0 [sflag:s7], $0x4000  }
0xc6: {  	[sflag:s7] =	ssyncset.done @!p0 $0x0  }
0xc7: {  	[sflag:s7] =	ssyncadd.s32 @!p0 $0xFFFFC000;
	p0 =	sge.u32 s0, s18  }
0xc8: {  	v4 =	vld @!p0 [tilespmem:$0x180];
	_ =	sdelay $0x1  }
0xc9: {  	v5 =	vld @!p0 [tilespmem:$0x190]  }
0xca: {  	v6 =	vld @!p0 [tilespmem:$0x580]  }
0xcb: {  	v7 =	vld @!p0 [tilespmem:$0x1A0]  }
0xcc: {  	v8 =	vld @!p0 [tilespmem:$0x590];
	v4 =	vshll.u32 @!p0 v4, $0x2  }
0xcd: {  	v9 =	vld @!p0 [tilespmem:$0x1B0];
	v4 =	vor.u32 @!p0 v0, v4  }
0xce: {  	[tilespmem:$0x800] =	vst @!p0 v4;
	v4 =	vshll.u32 @!p0 v5, $0x2;
	v5 =	vld @!p0 [tilespmem:$0x5A0]  }
0xcf: {  	[tilespmem:$0x880] =	vst @!p0 v6;
	v6 =	vld @!p0 [tilespmem:$0x1C0];
	v4 =	vor.u32 @!p0 v0, v4  }
0xd0: {  	[tilespmem:$0x810] =	vst @!p0 v4;
	v4 =	vshll.u32 @!p0 v7, $0x2;
	v7 =	vld @!p0 [tilespmem:$0x5B0]  }
0xd1: {  	[tilespmem:$0x890] =	vst @!p0 v8;
	v8 =	vld @!p0 [tilespmem:$0x1D0];
	v4 =	vor.u32 @!p0 v0, v4  }
0xd2: {  	[tilespmem:$0x820] =	vst @!p0 v4;
	v4 =	vshll.u32 @!p0 v9, $0x2;
	v9 =	vld @!p0 [tilespmem:$0x5C0]  }
0xd3: {  	[tilespmem:$0x8A0] =	vst @!p0 v5;
	v4 =	vor.u32 @!p0 v0, v4;
	v5 =	vld @!p0 [tilespmem:$0x1E0]  }
0xd4: {  	[tilespmem:$0x830] =	vst @!p0 v4;
	v4 =	vshll.u32 @!p0 v6, $0x2;
	v6 =	vld @!p0 [tilespmem:$0x5D0]  }
0xd5: {  	[tilespmem:$0x8B0] =	vst @!p0 v7;
	v4 =	vor.u32 @!p0 v0, v4;
	v7 =	vld @!p0 [tilespmem:$0x1F0]  }
0xd6: {  	[tilespmem:$0x840] =	vst @!p0 v4;
	v4 =	vshll.u32 @!p0 v8, $0x2;
	v8 =	vld @!p0 [tilespmem:$0x5E0]  }
0xd7: {  	[tilespmem:$0x8C0] =	vst @!p0 v9;
	v4 =	vor.u32 @!p0 v0, v4  }
0xd8: {  	[tilespmem:$0x850] =	vst @!p0 v4;
	v4 =	vshll.u32 @!p0 v5, $0x2;
	v5 =	vld @!p0 [tilespmem:$0x5F0]  }
0xd9: {  	[tilespmem:$0x8D0] =	vst @!p0 v6;
	v4 =	vor.u32 @!p0 v0, v4  }
0xda: {  	[tilespmem:$0x860] =	vst @!p0 v4;
	v4 =	vshll.u32 @!p0 v7, $0x2  }
0xdb: {  	[tilespmem:$0x8E0] =	vst @!p0 v8;
	v4 =	vor.u32 @!p0 v0, v4  }
0xdc: {  	[tilespmem:$0x870] =	vst @!p0 v4  }
0xdd: {  	s7 =	simm.s32 @!p0 $0x80;
	s20 =	simm.s32 @!p0 $0x800;
	s23 =	simm.s32 @!p0 $0x900;
	[tilespmem:$0x8F0] =	vst @!p0 v5  }
0xde: {  	[tilespmem:s23], [sflag:$0x1] =	stream.indirect.gather @!p0 [hbm4b:s4+s7], $0x80, s20, s7, $0xb8;
	[tilespmem:$0x1AA00] =	vst v63  }
0xdf: {  	s20 =	simm.s32 @!p0 $0x1  }
0xe0: {  	_ =	swait.ge @!p0 [sflag:s20], $0x4000  }
0xe1: {  	[sflag:s20] =	ssyncset.done @!p0 $0x0  }
0xe2: {  	[sflag:s20] =	ssyncadd.s32 @!p0 $0xFFFFC000;
	s20 =	simm.s32 @!p0 $0x880  }
0xe3: {  	[spmem:s2] =	stream.indirect.scatter.add.f32 @!p0 [tilespmem:s23], [sflag:$0x3], $0x80, s20, s7, $0xb8;
	[tilespmem:$0x1AA00] =	vst v63  }
0xe4: {  	s7 =	simm.s32 @!p0 $0x3  }
0xe5: {  	_ =	swait.ge @!p0 [sflag:s7], $0x4000  }
0xe6: {  	[sflag:s7] =	ssyncset.done @!p0 $0x0  }
0xe7: {  	[sflag:s7] =	ssyncadd.s32 @!p0 $0xFFFFC000;
	p0 =	sge.u32 s0, s21  }
0xe8: {  	v4 =	vld @!p0 [tilespmem:$0x200];
	_ =	sdelay $0x1  }
0xe9: {  	v5 =	vld @!p0 [tilespmem:$0x210]  }
0xea: {  	v6 =	vld @!p0 [tilespmem:$0x600]  }
0xeb: {  	v7 =	vld @!p0 [tilespmem:$0x220]  }
0xec: {  	v8 =	vld @!p0 [tilespmem:$0x610];
	v4 =	vshll.u32 @!p0 v4, $0x2  }
0xed: {  	v9 =	vld @!p0 [tilespmem:$0x230];
	v4 =	vor.u32 @!p0 v0, v4  }
0xee: {  	[tilespmem:$0x800] =	vst @!p0 v4;
	v4 =	vshll.u32 @!p0 v5, $0x2;
	v5 =	vld @!p0 [tilespmem:$0x620]  }
0xef: {  	[tilespmem:$0x880] =	vst @!p0 v6;
	v6 =	vld @!p0 [tilespmem:$0x240];
	v4 =	vor.u32 @!p0 v0, v4  }
0xf0: {  	[tilespmem:$0x810] =	vst @!p0 v4;
	v4 =	vshll.u32 @!p0 v7, $0x2;
	v7 =	vld @!p0 [tilespmem:$0x630]  }
0xf1: {  	[tilespmem:$0x890] =	vst @!p0 v8;
	v8 =	vld @!p0 [tilespmem:$0x250];
	v4 =	vor.u32 @!p0 v0, v4  }
0xf2: {  	[tilespmem:$0x820] =	vst @!p0 v4;
	v4 =	vshll.u32 @!p0 v9, $0x2;
	v9 =	vld @!p0 [tilespmem:$0x640]  }
0xf3: {  	[tilespmem:$0x8A0] =	vst @!p0 v5;
	v4 =	vor.u32 @!p0 v0, v4;
	v5 =	vld @!p0 [tilespmem:$0x260]  }
0xf4: {  	[tilespmem:$0x830] =	vst @!p0 v4;
	v4 =	vshll.u32 @!p0 v6, $0x2;
	v6 =	vld @!p0 [tilespmem:$0x650]  }
0xf5: {  	[tilespmem:$0x8B0] =	vst @!p0 v7;
	v4 =	vor.u32 @!p0 v0, v4;
	v7 =	vld @!p0 [tilespmem:$0x270]  }
0xf6: {  	[tilespmem:$0x840] =	vst @!p0 v4;
	v4 =	vshll.u32 @!p0 v8, $0x2;
	v8 =	vld @!p0 [tilespmem:$0x660]  }
0xf7: {  	[tilespmem:$0x8C0] =	vst @!p0 v9;
	v4 =	vor.u32 @!p0 v0, v4  }
0xf8: {  	[tilespmem:$0x850] =	vst @!p0 v4;
	v4 =	vshll.u32 @!p0 v5, $0x2;
	v5 =	vld @!p0 [tilespmem:$0x670]  }
0xf9: {  	[tilespmem:$0x8D0] =	vst @!p0 v6;
	v4 =	vor.u32 @!p0 v0, v4  }
0xfa: {  	[tilespmem:$0x860] =	vst @!p0 v4;
	v4 =	vshll.u32 @!p0 v7, $0x2  }
0xfb: {  	[tilespmem:$0x8E0] =	vst @!p0 v8;
	v4 =	vor.u32 @!p0 v0, v4  }
0xfc: {  	[tilespmem:$0x870] =	vst @!p0 v4  }
0xfd: {  	s7 =	simm.s32 @!p0 $0x80;
	s20 =	simm.s32 @!p0 $0x800;
	s23 =	simm.s32 @!p0 $0x900;
	[tilespmem:$0x8F0] =	vst @!p0 v5  }
0xfe: {  	[tilespmem:s23], [sflag:$0x1] =	stream.indirect.gather @!p0 [hbm4b:s4+s7], $0x80, s20, s7, $0xb8;
	[tilespmem:$0x1AA00] =	vst v63  }
0xff: {  	s20 =	simm.s32 @!p0 $0x1  }
0x100: {  	_ =	swait.ge @!p0 [sflag:s20], $0x4000  }
0x101: {  	[sflag:s20] =	ssyncset.done @!p0 $0x0  }
0x102: {  	[sflag:s20] =	ssyncadd.s32 @!p0 $0xFFFFC000;
	s20 =	simm.s32 @!p0 $0x880  }
0x103: {  	[spmem:s2] =	stream.indirect.scatter.add.f32 @!p0 [tilespmem:s23], [sflag:$0x3], $0x80, s20, s7, $0xb8;
	[tilespmem:$0x1AA00] =	vst v63  }
0x104: {  	s7 =	simm.s32 @!p0 $0x3  }
0x105: {  	_ =	swait.ge @!p0 [sflag:s7], $0x4000  }
0x106: {  	[sflag:s7] =	ssyncset.done @!p0 $0x0  }
0x107: {  	[sflag:s7] =	ssyncadd.s32 @!p0 $0xFFFFC000;
	p0 =	sge.u32 s0, s24  }
0x108: {  	v4 =	vld @!p0 [tilespmem:$0x280];
	_ =	sdelay $0x1  }
0x109: {  	v5 =	vld @!p0 [tilespmem:$0x290]  }
0x10a: {  	v6 =	vld @!p0 [tilespmem:$0x680]  }
0x10b: {  	v7 =	vld @!p0 [tilespmem:$0x2A0]  }
0x10c: {  	v8 =	vld @!p0 [tilespmem:$0x690];
	v4 =	vshll.u32 @!p0 v4, $0x2  }
0x10d: {  	v9 =	vld @!p0 [tilespmem:$0x2B0];
	v4 =	vor.u32 @!p0 v0, v4  }
0x10e: {  	[tilespmem:$0x800] =	vst @!p0 v4;
	v4 =	vshll.u32 @!p0 v5, $0x2;
	v5 =	vld @!p0 [tilespmem:$0x6A0]  }
0x10f: {  	[tilespmem:$0x880] =	vst @!p0 v6;
	v6 =	vld @!p0 [tilespmem:$0x2C0];
	v4 =	vor.u32 @!p0 v0, v4  }
0x110: {  	[tilespmem:$0x810] =	vst @!p0 v4;
	v4 =	vshll.u32 @!p0 v7, $0x2;
	v7 =	vld @!p0 [tilespmem:$0x6B0]  }
0x111: {  	[tilespmem:$0x890] =	vst @!p0 v8;
	v8 =	vld @!p0 [tilespmem:$0x2D0];
	v4 =	vor.u32 @!p0 v0, v4  }
0x112: {  	[tilespmem:$0x820] =	vst @!p0 v4;
	v4 =	vshll.u32 @!p0 v9, $0x2;
	v9 =	vld @!p0 [tilespmem:$0x6C0]  }
0x113: {  	[tilespmem:$0x8A0] =	vst @!p0 v5;
	v4 =	vor.u32 @!p0 v0, v4;
	v5 =	vld @!p0 [tilespmem:$0x2E0]  }
0x114: {  	[tilespmem:$0x830] =	vst @!p0 v4;
	v4 =	vshll.u32 @!p0 v6, $0x2;
	v6 =	vld @!p0 [tilespmem:$0x6D0]  }
0x115: {  	[tilespmem:$0x8B0] =	vst @!p0 v7;
	v4 =	vor.u32 @!p0 v0, v4;
	v7 =	vld @!p0 [tilespmem:$0x2F0]  }
0x116: {  	[tilespmem:$0x840] =	vst @!p0 v4;
	v4 =	vshll.u32 @!p0 v8, $0x2;
	v8 =	vld @!p0 [tilespmem:$0x6E0]  }
0x117: {  	[tilespmem:$0x8C0] =	vst @!p0 v9;
	v4 =	vor.u32 @!p0 v0, v4  }
0x118: {  	[tilespmem:$0x850] =	vst @!p0 v4;
	v4 =	vshll.u32 @!p0 v5, $0x2;
	v5 =	vld @!p0 [tilespmem:$0x6F0]  }
0x119: {  	[tilespmem:$0x8D0] =	vst @!p0 v6;
	v4 =	vor.u32 @!p0 v0, v4  }
0x11a: {  	[tilespmem:$0x860] =	vst @!p0 v4;
	v4 =	vshll.u32 @!p0 v7, $0x2  }
0x11b: {  	[tilespmem:$0x8E0] =	vst @!p0 v8;
	v4 =	vor.u32 @!p0 v0, v4  }
0x11c: {  	[tilespmem:$0x870] =	vst @!p0 v4  }
0x11d: {  	s7 =	simm.s32 @!p0 $0x80;
	s20 =	simm.s32 @!p0 $0x800;
	s23 =	simm.s32 @!p0 $0x900;
	[tilespmem:$0x8F0] =	vst @!p0 v5  }
0x11e: {  	[tilespmem:s23], [sflag:$0x1] =	stream.indirect.gather @!p0 [hbm4b:s4+s7], $0x80, s20, s7, $0xb8;
	[tilespmem:$0x1AA00] =	vst v63  }
0x11f: {  	s20 =	simm.s32 @!p0 $0x1  }
0x120: {  	_ =	swait.ge @!p0 [sflag:s20], $0x4000  }
0x121: {  	[sflag:s20] =	ssyncset.done @!p0 $0x0  }
0x122: {  	[sflag:s20] =	ssyncadd.s32 @!p0 $0xFFFFC000;
	s20 =	simm.s32 @!p0 $0x880  }
0x123: {  	[spmem:s2] =	stream.indirect.scatter.add.f32 @!p0 [tilespmem:s23], [sflag:$0x3], $0x80, s20, s7, $0xb8;
	[tilespmem:$0x1AA00] =	vst v63  }
0x124: {  	s7 =	simm.s32 @!p0 $0x3  }
0x125: {  	_ =	swait.ge @!p0 [sflag:s7], $0x4000  }
0x126: {  	[sflag:s7] =	ssyncset.done @!p0 $0x0  }
0x127: {  	[sflag:s7] =	ssyncadd.s32 @!p0 $0xFFFFC000;
	p0 =	sge.u32 s0, s25  }
0x128: {  	v4 =	vld @!p0 [tilespmem:$0x300];
	_ =	sdelay $0x1  }
0x129: {  	v5 =	vld @!p0 [tilespmem:$0x310]  }
0x12a: {  	v6 =	vld @!p0 [tilespmem:$0x700]  }
0x12b: {  	v7 =	vld @!p0 [tilespmem:$0x320]  }
0x12c: {  	v8 =	vld @!p0 [tilespmem:$0x710];
	v4 =	vshll.u32 @!p0 v4, $0x2  }
0x12d: {  	v9 =	vld @!p0 [tilespmem:$0x330];
	v4 =	vor.u32 @!p0 v0, v4  }
0x12e: {  	[tilespmem:$0x800] =	vst @!p0 v4;
	v4 =	vshll.u32 @!p0 v5, $0x2;
	v5 =	vld @!p0 [tilespmem:$0x720]  }
0x12f: {  	[tilespmem:$0x880] =	vst @!p0 v6;
	v6 =	vld @!p0 [tilespmem:$0x340];
	v4 =	vor.u32 @!p0 v0, v4  }
0x130: {  	[tilespmem:$0x810] =	vst @!p0 v4;
	v4 =	vshll.u32 @!p0 v7, $0x2;
	v7 =	vld @!p0 [tilespmem:$0x730]  }
0x131: {  	[tilespmem:$0x890] =	vst @!p0 v8;
	v8 =	vld @!p0 [tilespmem:$0x350];
	v4 =	vor.u32 @!p0 v0, v4  }
0x132: {  	[tilespmem:$0x820] =	vst @!p0 v4;
	v4 =	vshll.u32 @!p0 v9, $0x2;
	v9 =	vld @!p0 [tilespmem:$0x740]  }
0x133: {  	[tilespmem:$0x8A0] =	vst @!p0 v5;
	v4 =	vor.u32 @!p0 v0, v4;
	v5 =	vld @!p0 [tilespmem:$0x360]  }
0x134: {  	[tilespmem:$0x830] =	vst @!p0 v4;
	v4 =	vshll.u32 @!p0 v6, $0x2;
	v6 =	vld @!p0 [tilespmem:$0x750]  }
0x135: {  	[tilespmem:$0x8B0] =	vst @!p0 v7;
	v4 =	vor.u32 @!p0 v0, v4;
	v7 =	vld @!p0 [tilespmem:$0x370]  }
0x136: {  	[tilespmem:$0x840] =	vst @!p0 v4;
	v4 =	vshll.u32 @!p0 v8, $0x2;
	v8 =	vld @!p0 [tilespmem:$0x760]  }
0x137: {  	[tilespmem:$0x8C0] =	vst @!p0 v9;
	v4 =	vor.u32 @!p0 v0, v4  }
0x138: {  	[tilespmem:$0x850] =	vst @!p0 v4;
	v4 =	vshll.u32 @!p0 v5, $0x2;
	v5 =	vld @!p0 [tilespmem:$0x770]  }
0x139: {  	[tilespmem:$0x8D0] =	vst @!p0 v6;
	v4 =	vor.u32 @!p0 v0, v4  }
0x13a: {  	[tilespmem:$0x860] =	vst @!p0 v4;
	v4 =	vshll.u32 @!p0 v7, $0x2  }
0x13b: {  	[tilespmem:$0x8E0] =	vst @!p0 v8;
	v4 =	vor.u32 @!p0 v0, v4  }
0x13c: {  	[tilespmem:$0x870] =	vst @!p0 v4  }
0x13d: {  	s7 =	simm.s32 @!p0 $0x80;
	s20 =	simm.s32 @!p0 $0x800;
	s23 =	simm.s32 @!p0 $0x900;
	[tilespmem:$0x8F0] =	vst @!p0 v5  }
0x13e: {  	[tilespmem:s23], [sflag:$0x1] =	stream.indirect.gather @!p0 [hbm4b:s4+s7], $0x80, s20, s7, $0xb8;
	[tilespmem:$0x1AA00] =	vst v63  }
0x13f: {  	s20 =	simm.s32 @!p0 $0x1  }
0x140: {  	_ =	swait.ge @!p0 [sflag:s20], $0x4000  }
0x141: {  	[sflag:s20] =	ssyncset.done @!p0 $0x0  }
0x142: {  	[sflag:s20] =	ssyncadd.s32 @!p0 $0xFFFFC000;
	s20 =	simm.s32 @!p0 $0x880  }
0x143: {  	[spmem:s2] =	stream.indirect.scatter.add.f32 @!p0 [tilespmem:s23], [sflag:$0x3], $0x80, s20, s7, $0xb8;
	[tilespmem:$0x1AA00] =	vst v63  }
0x144: {  	s7 =	simm.s32 @!p0 $0x3  }
0x145: {  	_ =	swait.ge @!p0 [sflag:s7], $0x4000  }
0x146: {  	[sflag:s7] =	ssyncset.done @!p0 $0x0  }
0x147: {  	[sflag:s7] =	ssyncadd.s32 @!p0 $0xFFFFC000;
	p0 =	sge.u32 s0, s26  }
0x148: {  	v4 =	vld @!p0 [tilespmem:$0x380];
	_ =	sdelay $0x1  }
0x149: {  	v5 =	vld @!p0 [tilespmem:$0x390]  }
0x14a: {  	v6 =	vld @!p0 [tilespmem:$0x780]  }
0x14b: {  	v7 =	vld @!p0 [tilespmem:$0x3A0]  }
0x14c: {  	v8 =	vld @!p0 [tilespmem:$0x790];
	v4 =	vshll.u32 @!p0 v4, $0x2  }
0x14d: {  	v9 =	vld @!p0 [tilespmem:$0x3B0];
	v4 =	vor.u32 @!p0 v0, v4  }
0x14e: {  	[tilespmem:$0x800] =	vst @!p0 v4;
	v4 =	vshll.u32 @!p0 v5, $0x2;
	v5 =	vld @!p0 [tilespmem:$0x7A0]  }
0x14f: {  	[tilespmem:$0x880] =	vst @!p0 v6;
	v6 =	vld @!p0 [tilespmem:$0x3C0];
	v4 =	vor.u32 @!p0 v0, v4  }
0x150: {  	[tilespmem:$0x810] =	vst @!p0 v4;
	v4 =	vshll.u32 @!p0 v7, $0x2;
	v7 =	vld @!p0 [tilespmem:$0x7B0]  }
0x151: {  	[tilespmem:$0x890] =	vst @!p0 v8;
	v8 =	vld @!p0 [tilespmem:$0x3D0];
	v4 =	vor.u32 @!p0 v0, v4  }
0x152: {  	[tilespmem:$0x820] =	vst @!p0 v4;
	v4 =	vshll.u32 @!p0 v9, $0x2;
	v9 =	vld @!p0 [tilespmem:$0x7C0]  }
0x153: {  	[tilespmem:$0x8A0] =	vst @!p0 v5;
	v4 =	vor.u32 @!p0 v0, v4;
	v5 =	vld @!p0 [tilespmem:$0x3E0]  }
0x154: {  	[tilespmem:$0x830] =	vst @!p0 v4;
	v4 =	vshll.u32 @!p0 v6, $0x2;
	v6 =	vld @!p0 [tilespmem:$0x7D0]  }
0x155: {  	[tilespmem:$0x8B0] =	vst @!p0 v7;
	v4 =	vor.u32 @!p0 v0, v4;
	v7 =	vld @!p0 [tilespmem:$0x3F0]  }
0x156: {  	[tilespmem:$0x840] =	vst @!p0 v4;
	v4 =	vshll.u32 @!p0 v8, $0x2;
	v8 =	vld @!p0 [tilespmem:$0x7E0]  }
0x157: {  	[tilespmem:$0x8C0] =	vst @!p0 v9;
	v4 =	vor.u32 @!p0 v0, v4  }
0x158: {  	[tilespmem:$0x850] =	vst @!p0 v4;
	v4 =	vshll.u32 @!p0 v5, $0x2;
	v5 =	vld @!p0 [tilespmem:$0x7F0]  }
0x159: {  	[tilespmem:$0x8D0] =	vst @!p0 v6;
	v4 =	vor.u32 @!p0 v0, v4  }
0x15a: {  	[tilespmem:$0x860] =	vst @!p0 v4;
	v4 =	vshll.u32 @!p0 v7, $0x2  }
0x15b: {  	[tilespmem:$0x8E0] =	vst @!p0 v8;
	v4 =	vor.u32 @!p0 v0, v4  }
0x15c: {  	[tilespmem:$0x870] =	vst @!p0 v4  }
0x15d: {  	s7 =	simm.s32 @!p0 $0x80;
	s20 =	simm.s32 @!p0 $0x800;
	s23 =	simm.s32 @!p0 $0x900;
	[tilespmem:$0x8F0] =	vst @!p0 v5  }
0x15e: {  	[tilespmem:s23], [sflag:$0x1] =	stream.indirect.gather @!p0 [hbm4b:s4+s7], $0x80, s20, s7, $0xb8;
	[tilespmem:$0x1AA00] =	vst v63  }
0x15f: {  	s20 =	simm.s32 @!p0 $0x1  }
0x160: {  	_ =	swait.ge @!p0 [sflag:s20], $0x4000  }
0x161: {  	s0 =	sadd.s32 $0x8, s0;
	[sflag:s20] =	ssyncset.done @!p0 $0x0  }
0x162: {  	p1 =	sne.s32 s0, $0xA0;
	[sflag:s20] =	ssyncadd.s32 @!p0 $0xFFFFC000;
	s20 =	simm.s32 @!p0 $0x880  }
0x163: {  	[spmem:s2] =	stream.indirect.scatter.add.f32 @!p0 [tilespmem:s23], [sflag:$0x2], $0x80, s20, s7, $0xb8;
	[tilespmem:$0x1AA00] =	vst v63  }
.Ltmp1:
0x164: {  	_ = 	snop;
	(pc) =	sbr.rel @p1 .LBB2_4-.Ltmp1, $4  }
0x165: {  	s7 =	simm.s32 @!p0 $0x2  }
0x166: {  	_ =	swait.ge @!p0 [sflag:s7], $0x4000  }
0x167: {  	[sflag:s7] =	ssyncset.done @!p0 $0x0  }
0x168: {  	s19 =	sadd.s32 $0x80, s19;
	[sflag:s7] =	ssyncadd.s32 @!p0 $0xFFFFC000  }
0x169: {  	s0 =	stileid.u32;
	[bflag:$0x0] =	sbarrier.arrive $0xFFFF;
	s10 =	simm.s32 $0x8  }
0x16a: {  	s11 =	simm.s32 $0x200;
	s20 =	simm.s32 $0x80;
	s0 =	sshll.u32 s0, $0x6  }
0x16b: {  	s7 =	rddreg [dreg:$0x6];
	s19 =	sor.u32 $0x1C02, s0;
	s0 =	sshrl.u32 s6, $0x3  }
0x16c: {  	[hbm:s7@s11], [sflag:s19] =	dma.strided [spmem:s0@s20], $0x2800, s10, $0x10   }
0x16d: {  	_ =	swait.ge [sflag:s29], $0x2800  }
0x16e: {  	[sflag:s29] =	ssyncset.done $0x0  }
0x16f: {  	[sflag:s29] =	ssyncadd.s32 $0xFFFFD800  }
0x170: {  	[bflag:$0x0] =	sbarrier.arrive $0xFFFF  }
0x171: {  	[spmem:s6] =	stream.linear.scatter [tilespmem:s28], [sflag:$0x2], $0x2000, $0x38;
	[tilespmem:$0x1AA00] =	vst v63  }
0x172: {  	_ =	swait.ge [sflag:s29], $0x2000  }
0x173: {  	[sflag:s29] =	ssyncset.done $0x0  }
0x174: {  	[sflag:s29] =	ssyncadd.s32 $0xFFFFE000  }
0x175: {  	[spmem:s8] =	stream.linear.scatter [tilespmem:s28], [sflag:$0x2], $0x2000, $0x38;
	[tilespmem:$0x1AA00] =	vst v63  }
0x176: {  	_ =	swait.ge [sflag:s29], $0x2000  }
0x177: {  	[sflag:s29] =	ssyncset.done $0x0  }
0x178: {  	[sflag:s29] =	ssyncadd.s32 $0xFFFFE000  }
0x179: {  	[spmem:s9] =	stream.linear.scatter [tilespmem:s28], [sflag:$0x2], $0x2000, $0x38;
	[tilespmem:$0x1AA00] =	vst v63  }
0x17a: {  	_ =	swait.ge [sflag:s29], $0x2000  }
0x17b: {  	[sflag:s29] =	ssyncset.done $0x0  }
0x17c: {  	s11 =	smov.u32 s9;
	s9 =	rddreg [dreg:$0x3];
	[sflag:s29] =	ssyncadd.s32 $0xFFFFE000  }
0x17d: {  	[spmem:s9] =	stream.linear.scatter [tilespmem:s28], [sflag:$0x2], $0x2000, $0x38;
	[tilespmem:$0x1AA00] =	vst v63  }
0x17e: {  	_ =	swait.ge [sflag:s29], $0x2000  }
0x17f: {  	[sflag:s29] =	ssyncset.done $0x0  }
0x180: {  	s20 =	rddreg [dreg:$0x4];
	[sflag:s29] =	ssyncadd.s32 $0xFFFFE000  }
0x181: {  	[spmem:s20] =	stream.linear.scatter [tilespmem:s28], [sflag:$0x2], $0x2000, $0x38;
	[tilespmem:$0x1AA00] =	vst v63  }
0x182: {  	_ =	swait.ge [sflag:s29], $0x2000  }
0x183: {  	[sflag:s29] =	ssyncset.done $0x0  }
0x184: {  	s23 =	rddreg [dreg:$0x5];
	[sflag:s29] =	ssyncadd.s32 $0xFFFFE000  }
0x185: {  	[spmem:s23] =	stream.linear.scatter [tilespmem:s28], [sflag:$0x2], $0x2000, $0x38;
	[tilespmem:$0x1AA00] =	vst v63  }
0x186: {  	_ =	swait.ge [sflag:s29], $0x2000  }
0x187: {  	[sflag:s29] =	ssyncset.done $0x0  }
0x188: {  	[sflag:s29] =	ssyncadd.s32 $0xFFFFE000  }
0x189: {  	[spmem:s12] =	stream.linear.scatter [tilespmem:s28], [sflag:$0x2], $0x2000, $0x38;
	[tilespmem:$0x1AA00] =	vst v63  }
0x18a: {  	_ =	swait.ge [sflag:s29], $0x2000  }
0x18b: {  	[sflag:s29] =	ssyncset.done $0x0  }
0x18c: {  	[sflag:s29] =	ssyncadd.s32 $0xFFFFE000  }
0x18d: {  	[spmem:s13] =	stream.linear.scatter [tilespmem:s28], [sflag:$0x2], $0x2000, $0x38;
	[tilespmem:$0x1AA00] =	vst v63  }
0x18e: {  	_ =	swait.ge [sflag:s29], $0x2000  }
0x18f: {  	[sflag:s29] =	ssyncset.done $0x0  }
0x190: {  	[sflag:s29] =	ssyncadd.s32 $0xFFFFE000  }
0x191: {  	[spmem:s14] =	stream.linear.scatter [tilespmem:s28], [sflag:$0x2], $0x2000, $0x38;
	[tilespmem:$0x1AA00] =	vst v63  }
0x192: {  	_ =	swait.ge [sflag:s29], $0x2000  }
0x193: {  	[sflag:s29] =	ssyncset.done $0x0  }
0x194: {  	[sflag:s29] =	ssyncadd.s32 $0xFFFFE000  }
0x195: {  	[spmem:s15] =	stream.linear.scatter [tilespmem:s28], [sflag:$0x2], $0x2000, $0x38;
	[tilespmem:$0x1AA00] =	vst v63  }
0x196: {  	_ =	swait.ge [sflag:s29], $0x2000  }
0x197: {  	[sflag:s29] =	ssyncset.done $0x0  }
0x198: {  	s10 =	smov.u32 s8;
	[sflag:s29] =	ssyncadd.s32 $0xFFFFE000  }
0x199: {  	s20 =	simm.s32 $0x0;
	s23 =	smov.u32 s22;
	[bflag:$0x0] =	sbarrier.arrive $0xFFFF  }
.LBB2_6:
0x19a: {  	[tilespmem:s3], [sflag:$0x3] =	stream.linear.gather [hbm4b:s23+s3], $0x400, $0x38;
	[tilespmem:$0x1AA00] =	vst v63  }
0x19b: {  	_ =	swait.ge [sflag:s30], $0x400  }
0x19c: {  	[sflag:s30] =	ssyncset.done $0x0  }
0x19d: {  	s7 =	sadd.s32 $0x9C40, s23;
	[sflag:s30] =	ssyncadd.s32 $0xFFFFFC00  }
0x19e: {  	[tilespmem:s31], [sflag:$0x3] =	stream.linear.gather [hbm4b:s7+s3], $0x400, $0x38;
	[tilespmem:$0x1AA00] =	vst v63  }
0x19f: {  	_ =	swait.ge [sflag:s30], $0x400  }
0x1a0: {  	[sflag:s30] =	ssyncset.done $0x0  }
0x1a1: {  	p0 =	sge.u32 s20, s5;
	[sflag:s30] =	ssyncadd.s32 $0xFFFFFC00  }
0x1a2: {  	v4 =	vld @!p0 [tilespmem:$0x0];
	_ =	sdelay $0x1  }
0x1a3: {  	v5 =	vld @!p0 [tilespmem:$0x10]  }
0x1a4: {  	v6 =	vld @!p0 [tilespmem:$0x400]  }
0x1a5: {  	v7 =	vld @!p0 [tilespmem:$0x20]  }
0x1a6: {  	v8 =	vld @!p0 [tilespmem:$0x410];
	v4 =	vshll.u32 @!p0 v4, $0x2  }
0x1a7: {  	v9 =	vld @!p0 [tilespmem:$0x30];
	v4 =	vor.u32 @!p0 v1, v4  }
0x1a8: {  	[tilespmem:$0x800] =	vst @!p0 v4;
	v4 =	vshll.u32 @!p0 v5, $0x2;
	v5 =	vld @!p0 [tilespmem:$0x420]  }
0x1a9: {  	[tilespmem:$0x880] =	vst @!p0 v6;
	v6 =	vld @!p0 [tilespmem:$0x40];
	v4 =	vor.u32 @!p0 v1, v4  }
0x1aa: {  	[tilespmem:$0x810] =	vst @!p0 v4;
	v4 =	vshll.u32 @!p0 v7, $0x2;
	v7 =	vld @!p0 [tilespmem:$0x430]  }
0x1ab: {  	[tilespmem:$0x890] =	vst @!p0 v8;
	v8 =	vld @!p0 [tilespmem:$0x50];
	v4 =	vor.u32 @!p0 v1, v4  }
0x1ac: {  	[tilespmem:$0x820] =	vst @!p0 v4;
	v4 =	vshll.u32 @!p0 v9, $0x2;
	v9 =	vld @!p0 [tilespmem:$0x440]  }
0x1ad: {  	[tilespmem:$0x8A0] =	vst @!p0 v5;
	v4 =	vor.u32 @!p0 v1, v4;
	v5 =	vld @!p0 [tilespmem:$0x60]  }
0x1ae: {  	[tilespmem:$0x830] =	vst @!p0 v4;
	v4 =	vshll.u32 @!p0 v6, $0x2;
	v6 =	vld @!p0 [tilespmem:$0x450]  }
0x1af: {  	[tilespmem:$0x8B0] =	vst @!p0 v7;
	v4 =	vor.u32 @!p0 v1, v4;
	v7 =	vld @!p0 [tilespmem:$0x70]  }
0x1b0: {  	[tilespmem:$0x840] =	vst @!p0 v4;
	v4 =	vshll.u32 @!p0 v8, $0x2;
	v8 =	vld @!p0 [tilespmem:$0x460]  }
0x1b1: {  	[tilespmem:$0x8C0] =	vst @!p0 v9;
	v4 =	vor.u32 @!p0 v1, v4  }
0x1b2: {  	[tilespmem:$0x850] =	vst @!p0 v4;
	v4 =	vshll.u32 @!p0 v5, $0x2;
	v5 =	vld @!p0 [tilespmem:$0x470]  }
0x1b3: {  	[tilespmem:$0x8D0] =	vst @!p0 v6;
	v4 =	vor.u32 @!p0 v1, v4  }
0x1b4: {  	[tilespmem:$0x860] =	vst @!p0 v4;
	v4 =	vshll.u32 @!p0 v7, $0x2  }
0x1b5: {  	[tilespmem:$0x8E0] =	vst @!p0 v8;
	v4 =	vor.u32 @!p0 v1, v4  }
0x1b6: {  	[tilespmem:$0x870] =	vst @!p0 v4  }
0x1b7: {  	s8 =	simm.s32 @!p0 $0x800;
	s9 =	simm.s32 @!p0 $0x900;
	s7 =	simm.s32 @!p0 $0x80;
	[tilespmem:$0x8F0] =	vst @!p0 v5  }
0x1b8: {  	[tilespmem:s9], [sflag:$0x1] =	stream.indirect.gather @!p0 [hbm4b:s4+s7], $0x80, s8, s7, $0xb8;
	[tilespmem:$0x1AA00] =	vst v63  }
0x1b9: {  	s8 =	simm.s32 @!p0 $0x1  }
0x1ba: {  	_ =	swait.ge @!p0 [sflag:s8], $0x4000  }
0x1bb: {  	[sflag:s8] =	ssyncset.done @!p0 $0x0  }
0x1bc: {  	[sflag:s8] =	ssyncadd.s32 @!p0 $0xFFFFC000;
	s8 =	simm.s32 @!p0 $0x880  }
0x1bd: {  	[spmem:s2] =	stream.indirect.scatter.add.f32 @!p0 [tilespmem:s9], [sflag:$0x3], $0x80, s8, s7, $0xb8;
	[tilespmem:$0x1AA00] =	vst v63  }
0x1be: {  	s7 =	simm.s32 @!p0 $0x3  }
0x1bf: {  	_ =	swait.ge @!p0 [sflag:s7], $0x4000  }
0x1c0: {  	[sflag:s7] =	ssyncset.done @!p0 $0x0  }
0x1c1: {  	[sflag:s7] =	ssyncadd.s32 @!p0 $0xFFFFC000;
	p0 =	sge.u32 s20, s16  }
0x1c2: {  	v4 =	vld @!p0 [tilespmem:$0x80];
	_ =	sdelay $0x1  }
0x1c3: {  	v5 =	vld @!p0 [tilespmem:$0x90]  }
0x1c4: {  	v6 =	vld @!p0 [tilespmem:$0x480]  }
0x1c5: {  	v7 =	vld @!p0 [tilespmem:$0xA0]  }
0x1c6: {  	v8 =	vld @!p0 [tilespmem:$0x490];
	v4 =	vshll.u32 @!p0 v4, $0x2  }
0x1c7: {  	v9 =	vld @!p0 [tilespmem:$0xB0];
	v4 =	vor.u32 @!p0 v1, v4  }
0x1c8: {  	[tilespmem:$0x800] =	vst @!p0 v4;
	v4 =	vshll.u32 @!p0 v5, $0x2;
	v5 =	vld @!p0 [tilespmem:$0x4A0]  }
0x1c9: {  	[tilespmem:$0x880] =	vst @!p0 v6;
	v6 =	vld @!p0 [tilespmem:$0xC0];
	v4 =	vor.u32 @!p0 v1, v4  }
0x1ca: {  	[tilespmem:$0x810] =	vst @!p0 v4;
	v4 =	vshll.u32 @!p0 v7, $0x2;
	v7 =	vld @!p0 [tilespmem:$0x4B0]  }
0x1cb: {  	[tilespmem:$0x890] =	vst @!p0 v8;
	v8 =	vld @!p0 [tilespmem:$0xD0];
	v4 =	vor.u32 @!p0 v1, v4  }
0x1cc: {  	[tilespmem:$0x820] =	vst @!p0 v4;
	v4 =	vshll.u32 @!p0 v9, $0x2;
	v9 =	vld @!p0 [tilespmem:$0x4C0]  }
0x1cd: {  	[tilespmem:$0x8A0] =	vst @!p0 v5;
	v4 =	vor.u32 @!p0 v1, v4;
	v5 =	vld @!p0 [tilespmem:$0xE0]  }
0x1ce: {  	[tilespmem:$0x830] =	vst @!p0 v4;
	v4 =	vshll.u32 @!p0 v6, $0x2;
	v6 =	vld @!p0 [tilespmem:$0x4D0]  }
0x1cf: {  	[tilespmem:$0x8B0] =	vst @!p0 v7;
	v4 =	vor.u32 @!p0 v1, v4;
	v7 =	vld @!p0 [tilespmem:$0xF0]  }
0x1d0: {  	[tilespmem:$0x840] =	vst @!p0 v4;
	v4 =	vshll.u32 @!p0 v8, $0x2;
	v8 =	vld @!p0 [tilespmem:$0x4E0]  }
0x1d1: {  	[tilespmem:$0x8C0] =	vst @!p0 v9;
	v4 =	vor.u32 @!p0 v1, v4  }
0x1d2: {  	[tilespmem:$0x850] =	vst @!p0 v4;
	v4 =	vshll.u32 @!p0 v5, $0x2;
	v5 =	vld @!p0 [tilespmem:$0x4F0]  }
0x1d3: {  	[tilespmem:$0x8D0] =	vst @!p0 v6;
	v4 =	vor.u32 @!p0 v1, v4  }
0x1d4: {  	[tilespmem:$0x860] =	vst @!p0 v4;
	v4 =	vshll.u32 @!p0 v7, $0x2  }
0x1d5: {  	[tilespmem:$0x8E0] =	vst @!p0 v8;
	v4 =	vor.u32 @!p0 v1, v4  }
0x1d6: {  	[tilespmem:$0x870] =	vst @!p0 v4  }
0x1d7: {  	s7 =	simm.s32 @!p0 $0x80;
	s8 =	simm.s32 @!p0 $0x800;
	s9 =	simm.s32 @!p0 $0x900;
	[tilespmem:$0x8F0] =	vst @!p0 v5  }
0x1d8: {  	[tilespmem:s9], [sflag:$0x1] =	stream.indirect.gather @!p0 [hbm4b:s4+s7], $0x80, s8, s7, $0xb8;
	[tilespmem:$0x1AA00] =	vst v63  }
0x1d9: {  	s8 =	simm.s32 @!p0 $0x1  }
0x1da: {  	_ =	swait.ge @!p0 [sflag:s8], $0x4000  }
0x1db: {  	[sflag:s8] =	ssyncset.done @!p0 $0x0  }
0x1dc: {  	[sflag:s8] =	ssyncadd.s32 @!p0 $0xFFFFC000;
	s8 =	simm.s32 @!p0 $0x880  }
0x1dd: {  	[spmem:s2] =	stream.indirect.scatter.add.f32 @!p0 [tilespmem:s9], [sflag:$0x3], $0x80, s8, s7, $0xb8;
	[tilespmem:$0x1AA00] =	vst v63  }
0x1de: {  	s7 =	simm.s32 @!p0 $0x3  }
0x1df: {  	_ =	swait.ge @!p0 [sflag:s7], $0x4000  }
0x1e0: {  	[sflag:s7] =	ssyncset.done @!p0 $0x0  }
0x1e1: {  	[sflag:s7] =	ssyncadd.s32 @!p0 $0xFFFFC000;
	p0 =	sge.u32 s20, s17  }
0x1e2: {  	v4 =	vld @!p0 [tilespmem:$0x100];
	_ =	sdelay $0x1  }
0x1e3: {  	v5 =	vld @!p0 [tilespmem:$0x110]  }
0x1e4: {  	v6 =	vld @!p0 [tilespmem:$0x500]  }
0x1e5: {  	v7 =	vld @!p0 [tilespmem:$0x120]  }
0x1e6: {  	v8 =	vld @!p0 [tilespmem:$0x510];
	v4 =	vshll.u32 @!p0 v4, $0x2  }
0x1e7: {  	v9 =	vld @!p0 [tilespmem:$0x130];
	v4 =	vor.u32 @!p0 v1, v4  }
0x1e8: {  	[tilespmem:$0x800] =	vst @!p0 v4;
	v4 =	vshll.u32 @!p0 v5, $0x2;
	v5 =	vld @!p0 [tilespmem:$0x520]  }
0x1e9: {  	[tilespmem:$0x880] =	vst @!p0 v6;
	v6 =	vld @!p0 [tilespmem:$0x140];
	v4 =	vor.u32 @!p0 v1, v4  }
0x1ea: {  	[tilespmem:$0x810] =	vst @!p0 v4;
	v4 =	vshll.u32 @!p0 v7, $0x2;
	v7 =	vld @!p0 [tilespmem:$0x530]  }
0x1eb: {  	[tilespmem:$0x890] =	vst @!p0 v8;
	v8 =	vld @!p0 [tilespmem:$0x150];
	v4 =	vor.u32 @!p0 v1, v4  }
0x1ec: {  	[tilespmem:$0x820] =	vst @!p0 v4;
	v4 =	vshll.u32 @!p0 v9, $0x2;
	v9 =	vld @!p0 [tilespmem:$0x540]  }
0x1ed: {  	[tilespmem:$0x8A0] =	vst @!p0 v5;
	v4 =	vor.u32 @!p0 v1, v4;
	v5 =	vld @!p0 [tilespmem:$0x160]  }
0x1ee: {  	[tilespmem:$0x830] =	vst @!p0 v4;
	v4 =	vshll.u32 @!p0 v6, $0x2;
	v6 =	vld @!p0 [tilespmem:$0x550]  }
0x1ef: {  	[tilespmem:$0x8B0] =	vst @!p0 v7;
	v4 =	vor.u32 @!p0 v1, v4;
	v7 =	vld @!p0 [tilespmem:$0x170]  }
0x1f0: {  	[tilespmem:$0x840] =	vst @!p0 v4;
	v4 =	vshll.u32 @!p0 v8, $0x2;
	v8 =	vld @!p0 [tilespmem:$0x560]  }
0x1f1: {  	[tilespmem:$0x8C0] =	vst @!p0 v9;
	v4 =	vor.u32 @!p0 v1, v4  }
0x1f2: {  	[tilespmem:$0x850] =	vst @!p0 v4;
	v4 =	vshll.u32 @!p0 v5, $0x2;
	v5 =	vld @!p0 [tilespmem:$0x570]  }
0x1f3: {  	[tilespmem:$0x8D0] =	vst @!p0 v6;
	v4 =	vor.u32 @!p0 v1, v4  }
0x1f4: {  	[tilespmem:$0x860] =	vst @!p0 v4;
	v4 =	vshll.u32 @!p0 v7, $0x2  }
0x1f5: {  	[tilespmem:$0x8E0] =	vst @!p0 v8;
	v4 =	vor.u32 @!p0 v1, v4  }
0x1f6: {  	[tilespmem:$0x870] =	vst @!p0 v4  }
0x1f7: {  	s7 =	simm.s32 @!p0 $0x80;
	s8 =	simm.s32 @!p0 $0x800;
	s9 =	simm.s32 @!p0 $0x900;
	[tilespmem:$0x8F0] =	vst @!p0 v5  }
0x1f8: {  	[tilespmem:s9], [sflag:$0x1] =	stream.indirect.gather @!p0 [hbm4b:s4+s7], $0x80, s8, s7, $0xb8;
	[tilespmem:$0x1AA00] =	vst v63  }
0x1f9: {  	s8 =	simm.s32 @!p0 $0x1  }
0x1fa: {  	_ =	swait.ge @!p0 [sflag:s8], $0x4000  }
0x1fb: {  	[sflag:s8] =	ssyncset.done @!p0 $0x0  }
0x1fc: {  	[sflag:s8] =	ssyncadd.s32 @!p0 $0xFFFFC000;
	s8 =	simm.s32 @!p0 $0x880  }
0x1fd: {  	[spmem:s2] =	stream.indirect.scatter.add.f32 @!p0 [tilespmem:s9], [sflag:$0x3], $0x80, s8, s7, $0xb8;
	[tilespmem:$0x1AA00] =	vst v63  }
0x1fe: {  	s7 =	simm.s32 @!p0 $0x3  }
0x1ff: {  	_ =	swait.ge @!p0 [sflag:s7], $0x4000  }
0x200: {  	[sflag:s7] =	ssyncset.done @!p0 $0x0  }
0x201: {  	[sflag:s7] =	ssyncadd.s32 @!p0 $0xFFFFC000;
	p0 =	sge.u32 s20, s18  }
0x202: {  	v4 =	vld @!p0 [tilespmem:$0x180];
	_ =	sdelay $0x1  }
0x203: {  	v5 =	vld @!p0 [tilespmem:$0x190]  }
0x204: {  	v6 =	vld @!p0 [tilespmem:$0x580]  }
0x205: {  	v7 =	vld @!p0 [tilespmem:$0x1A0]  }
0x206: {  	v8 =	vld @!p0 [tilespmem:$0x590];
	v4 =	vshll.u32 @!p0 v4, $0x2  }
0x207: {  	v9 =	vld @!p0 [tilespmem:$0x1B0];
	v4 =	vor.u32 @!p0 v1, v4  }
0x208: {  	[tilespmem:$0x800] =	vst @!p0 v4;
	v4 =	vshll.u32 @!p0 v5, $0x2;
	v5 =	vld @!p0 [tilespmem:$0x5A0]  }
0x209: {  	[tilespmem:$0x880] =	vst @!p0 v6;
	v6 =	vld @!p0 [tilespmem:$0x1C0];
	v4 =	vor.u32 @!p0 v1, v4  }
0x20a: {  	[tilespmem:$0x810] =	vst @!p0 v4;
	v4 =	vshll.u32 @!p0 v7, $0x2;
	v7 =	vld @!p0 [tilespmem:$0x5B0]  }
0x20b: {  	[tilespmem:$0x890] =	vst @!p0 v8;
	v8 =	vld @!p0 [tilespmem:$0x1D0];
	v4 =	vor.u32 @!p0 v1, v4  }
0x20c: {  	[tilespmem:$0x820] =	vst @!p0 v4;
	v4 =	vshll.u32 @!p0 v9, $0x2;
	v9 =	vld @!p0 [tilespmem:$0x5C0]  }
0x20d: {  	[tilespmem:$0x8A0] =	vst @!p0 v5;
	v4 =	vor.u32 @!p0 v1, v4;
	v5 =	vld @!p0 [tilespmem:$0x1E0]  }
0x20e: {  	[tilespmem:$0x830] =	vst @!p0 v4;
	v4 =	vshll.u32 @!p0 v6, $0x2;
	v6 =	vld @!p0 [tilespmem:$0x5D0]  }
0x20f: {  	[tilespmem:$0x8B0] =	vst @!p0 v7;
	v4 =	vor.u32 @!p0 v1, v4;
	v7 =	vld @!p0 [tilespmem:$0x1F0]  }
0x210: {  	[tilespmem:$0x840] =	vst @!p0 v4;
	v4 =	vshll.u32 @!p0 v8, $0x2;
	v8 =	vld @!p0 [tilespmem:$0x5E0]  }
0x211: {  	[tilespmem:$0x8C0] =	vst @!p0 v9;
	v4 =	vor.u32 @!p0 v1, v4  }
0x212: {  	[tilespmem:$0x850] =	vst @!p0 v4;
	v4 =	vshll.u32 @!p0 v5, $0x2;
	v5 =	vld @!p0 [tilespmem:$0x5F0]  }
0x213: {  	[tilespmem:$0x8D0] =	vst @!p0 v6;
	v4 =	vor.u32 @!p0 v1, v4  }
0x214: {  	[tilespmem:$0x860] =	vst @!p0 v4;
	v4 =	vshll.u32 @!p0 v7, $0x2  }
0x215: {  	[tilespmem:$0x8E0] =	vst @!p0 v8;
	v4 =	vor.u32 @!p0 v1, v4  }
0x216: {  	[tilespmem:$0x870] =	vst @!p0 v4  }
0x217: {  	s7 =	simm.s32 @!p0 $0x80;
	s8 =	simm.s32 @!p0 $0x800;
	s9 =	simm.s32 @!p0 $0x900;
	[tilespmem:$0x8F0] =	vst @!p0 v5  }
0x218: {  	[tilespmem:s9], [sflag:$0x1] =	stream.indirect.gather @!p0 [hbm4b:s4+s7], $0x80, s8, s7, $0xb8;
	[tilespmem:$0x1AA00] =	vst v63  }
0x219: {  	s8 =	simm.s32 @!p0 $0x1  }
0x21a: {  	_ =	swait.ge @!p0 [sflag:s8], $0x4000  }
0x21b: {  	[sflag:s8] =	ssyncset.done @!p0 $0x0  }
0x21c: {  	[sflag:s8] =	ssyncadd.s32 @!p0 $0xFFFFC000;
	s8 =	simm.s32 @!p0 $0x880  }
0x21d: {  	[spmem:s2] =	stream.indirect.scatter.add.f32 @!p0 [tilespmem:s9], [sflag:$0x3], $0x80, s8, s7, $0xb8;
	[tilespmem:$0x1AA00] =	vst v63  }
0x21e: {  	s7 =	simm.s32 @!p0 $0x3  }
0x21f: {  	_ =	swait.ge @!p0 [sflag:s7], $0x4000  }
0x220: {  	[sflag:s7] =	ssyncset.done @!p0 $0x0  }
0x221: {  	[sflag:s7] =	ssyncadd.s32 @!p0 $0xFFFFC000;
	p0 =	sge.u32 s20, s21  }
0x222: {  	v4 =	vld @!p0 [tilespmem:$0x200];
	_ =	sdelay $0x1  }
0x223: {  	v5 =	vld @!p0 [tilespmem:$0x210]  }
0x224: {  	v6 =	vld @!p0 [tilespmem:$0x600]  }
0x225: {  	v7 =	vld @!p0 [tilespmem:$0x220]  }
0x226: {  	v8 =	vld @!p0 [tilespmem:$0x610];
	v4 =	vshll.u32 @!p0 v4, $0x2  }
0x227: {  	v9 =	vld @!p0 [tilespmem:$0x230];
	v4 =	vor.u32 @!p0 v1, v4  }
0x228: {  	[tilespmem:$0x800] =	vst @!p0 v4;
	v4 =	vshll.u32 @!p0 v5, $0x2;
	v5 =	vld @!p0 [tilespmem:$0x620]  }
0x229: {  	[tilespmem:$0x880] =	vst @!p0 v6;
	v6 =	vld @!p0 [tilespmem:$0x240];
	v4 =	vor.u32 @!p0 v1, v4  }
0x22a: {  	[tilespmem:$0x810] =	vst @!p0 v4;
	v4 =	vshll.u32 @!p0 v7, $0x2;
	v7 =	vld @!p0 [tilespmem:$0x630]  }
0x22b: {  	[tilespmem:$0x890] =	vst @!p0 v8;
	v8 =	vld @!p0 [tilespmem:$0x250];
	v4 =	vor.u32 @!p0 v1, v4  }
0x22c: {  	[tilespmem:$0x820] =	vst @!p0 v4;
	v4 =	vshll.u32 @!p0 v9, $0x2;
	v9 =	vld @!p0 [tilespmem:$0x640]  }
0x22d: {  	[tilespmem:$0x8A0] =	vst @!p0 v5;
	v4 =	vor.u32 @!p0 v1, v4;
	v5 =	vld @!p0 [tilespmem:$0x260]  }
0x22e: {  	[tilespmem:$0x830] =	vst @!p0 v4;
	v4 =	vshll.u32 @!p0 v6, $0x2;
	v6 =	vld @!p0 [tilespmem:$0x650]  }
0x22f: {  	[tilespmem:$0x8B0] =	vst @!p0 v7;
	v4 =	vor.u32 @!p0 v1, v4;
	v7 =	vld @!p0 [tilespmem:$0x270]  }
0x230: {  	[tilespmem:$0x840] =	vst @!p0 v4;
	v4 =	vshll.u32 @!p0 v8, $0x2;
	v8 =	vld @!p0 [tilespmem:$0x660]  }
0x231: {  	[tilespmem:$0x8C0] =	vst @!p0 v9;
	v4 =	vor.u32 @!p0 v1, v4  }
0x232: {  	[tilespmem:$0x850] =	vst @!p0 v4;
	v4 =	vshll.u32 @!p0 v5, $0x2;
	v5 =	vld @!p0 [tilespmem:$0x670]  }
0x233: {  	[tilespmem:$0x8D0] =	vst @!p0 v6;
	v4 =	vor.u32 @!p0 v1, v4  }
0x234: {  	[tilespmem:$0x860] =	vst @!p0 v4;
	v4 =	vshll.u32 @!p0 v7, $0x2  }
0x235: {  	[tilespmem:$0x8E0] =	vst @!p0 v8;
	v4 =	vor.u32 @!p0 v1, v4  }
0x236: {  	[tilespmem:$0x870] =	vst @!p0 v4  }
0x237: {  	s7 =	simm.s32 @!p0 $0x80;
	s8 =	simm.s32 @!p0 $0x800;
	s9 =	simm.s32 @!p0 $0x900;
	[tilespmem:$0x8F0] =	vst @!p0 v5  }
0x238: {  	[tilespmem:s9], [sflag:$0x1] =	stream.indirect.gather @!p0 [hbm4b:s4+s7], $0x80, s8, s7, $0xb8;
	[tilespmem:$0x1AA00] =	vst v63  }
0x239: {  	s8 =	simm.s32 @!p0 $0x1  }
0x23a: {  	_ =	swait.ge @!p0 [sflag:s8], $0x4000  }
0x23b: {  	[sflag:s8] =	ssyncset.done @!p0 $0x0  }
0x23c: {  	[sflag:s8] =	ssyncadd.s32 @!p0 $0xFFFFC000;
	s8 =	simm.s32 @!p0 $0x880  }
0x23d: {  	[spmem:s2] =	stream.indirect.scatter.add.f32 @!p0 [tilespmem:s9], [sflag:$0x3], $0x80, s8, s7, $0xb8;
	[tilespmem:$0x1AA00] =	vst v63  }
0x23e: {  	s7 =	simm.s32 @!p0 $0x3  }
0x23f: {  	_ =	swait.ge @!p0 [sflag:s7], $0x4000  }
0x240: {  	[sflag:s7] =	ssyncset.done @!p0 $0x0  }
0x241: {  	[sflag:s7] =	ssyncadd.s32 @!p0 $0xFFFFC000;
	p0 =	sge.u32 s20, s24  }
0x242: {  	v4 =	vld @!p0 [tilespmem:$0x280];
	_ =	sdelay $0x1  }
0x243: {  	v5 =	vld @!p0 [tilespmem:$0x290]  }
0x244: {  	v6 =	vld @!p0 [tilespmem:$0x680]  }
0x245: {  	v7 =	vld @!p0 [tilespmem:$0x2A0]  }
0x246: {  	v8 =	vld @!p0 [tilespmem:$0x690];
	v4 =	vshll.u32 @!p0 v4, $0x2  }
0x247: {  	v9 =	vld @!p0 [tilespmem:$0x2B0];
	v4 =	vor.u32 @!p0 v1, v4  }
0x248: {  	[tilespmem:$0x800] =	vst @!p0 v4;
	v4 =	vshll.u32 @!p0 v5, $0x2;
	v5 =	vld @!p0 [tilespmem:$0x6A0]  }
0x249: {  	[tilespmem:$0x880] =	vst @!p0 v6;
	v6 =	vld @!p0 [tilespmem:$0x2C0];
	v4 =	vor.u32 @!p0 v1, v4  }
0x24a: {  	[tilespmem:$0x810] =	vst @!p0 v4;
	v4 =	vshll.u32 @!p0 v7, $0x2;
	v7 =	vld @!p0 [tilespmem:$0x6B0]  }
0x24b: {  	[tilespmem:$0x890] =	vst @!p0 v8;
	v8 =	vld @!p0 [tilespmem:$0x2D0];
	v4 =	vor.u32 @!p0 v1, v4  }
0x24c: {  	[tilespmem:$0x820] =	vst @!p0 v4;
	v4 =	vshll.u32 @!p0 v9, $0x2;
	v9 =	vld @!p0 [tilespmem:$0x6C0]  }
0x24d: {  	[tilespmem:$0x8A0] =	vst @!p0 v5;
	v4 =	vor.u32 @!p0 v1, v4;
	v5 =	vld @!p0 [tilespmem:$0x2E0]  }
0x24e: {  	[tilespmem:$0x830] =	vst @!p0 v4;
	v4 =	vshll.u32 @!p0 v6, $0x2;
	v6 =	vld @!p0 [tilespmem:$0x6D0]  }
0x24f: {  	[tilespmem:$0x8B0] =	vst @!p0 v7;
	v4 =	vor.u32 @!p0 v1, v4;
	v7 =	vld @!p0 [tilespmem:$0x2F0]  }
0x250: {  	[tilespmem:$0x840] =	vst @!p0 v4;
	v4 =	vshll.u32 @!p0 v8, $0x2;
	v8 =	vld @!p0 [tilespmem:$0x6E0]  }
0x251: {  	[tilespmem:$0x8C0] =	vst @!p0 v9;
	v4 =	vor.u32 @!p0 v1, v4  }
0x252: {  	[tilespmem:$0x850] =	vst @!p0 v4;
	v4 =	vshll.u32 @!p0 v5, $0x2;
	v5 =	vld @!p0 [tilespmem:$0x6F0]  }
0x253: {  	[tilespmem:$0x8D0] =	vst @!p0 v6;
	v4 =	vor.u32 @!p0 v1, v4  }
0x254: {  	[tilespmem:$0x860] =	vst @!p0 v4;
	v4 =	vshll.u32 @!p0 v7, $0x2  }
0x255: {  	[tilespmem:$0x8E0] =	vst @!p0 v8;
	v4 =	vor.u32 @!p0 v1, v4  }
0x256: {  	[tilespmem:$0x870] =	vst @!p0 v4  }
0x257: {  	s7 =	simm.s32 @!p0 $0x80;
	s8 =	simm.s32 @!p0 $0x800;
	s9 =	simm.s32 @!p0 $0x900;
	[tilespmem:$0x8F0] =	vst @!p0 v5  }
0x258: {  	[tilespmem:s9], [sflag:$0x1] =	stream.indirect.gather @!p0 [hbm4b:s4+s7], $0x80, s8, s7, $0xb8;
	[tilespmem:$0x1AA00] =	vst v63  }
0x259: {  	s8 =	simm.s32 @!p0 $0x1  }
0x25a: {  	_ =	swait.ge @!p0 [sflag:s8], $0x4000  }
0x25b: {  	[sflag:s8] =	ssyncset.done @!p0 $0x0  }
0x25c: {  	[sflag:s8] =	ssyncadd.s32 @!p0 $0xFFFFC000;
	s8 =	simm.s32 @!p0 $0x880  }
0x25d: {  	[spmem:s2] =	stream.indirect.scatter.add.f32 @!p0 [tilespmem:s9], [sflag:$0x3], $0x80, s8, s7, $0xb8;
	[tilespmem:$0x1AA00] =	vst v63  }
0x25e: {  	s7 =	simm.s32 @!p0 $0x3  }
0x25f: {  	_ =	swait.ge @!p0 [sflag:s7], $0x4000  }
0x260: {  	[sflag:s7] =	ssyncset.done @!p0 $0x0  }
0x261: {  	[sflag:s7] =	ssyncadd.s32 @!p0 $0xFFFFC000;
	p0 =	sge.u32 s20, s25  }
0x262: {  	v4 =	vld @!p0 [tilespmem:$0x300];
	_ =	sdelay $0x1  }
0x263: {  	v5 =	vld @!p0 [tilespmem:$0x310]  }
0x264: {  	v6 =	vld @!p0 [tilespmem:$0x700]  }
0x265: {  	v7 =	vld @!p0 [tilespmem:$0x320]  }
0x266: {  	v8 =	vld @!p0 [tilespmem:$0x710];
	v4 =	vshll.u32 @!p0 v4, $0x2  }
0x267: {  	v9 =	vld @!p0 [tilespmem:$0x330];
	v4 =	vor.u32 @!p0 v1, v4  }
0x268: {  	[tilespmem:$0x800] =	vst @!p0 v4;
	v4 =	vshll.u32 @!p0 v5, $0x2;
	v5 =	vld @!p0 [tilespmem:$0x720]  }
0x269: {  	[tilespmem:$0x880] =	vst @!p0 v6;
	v6 =	vld @!p0 [tilespmem:$0x340];
	v4 =	vor.u32 @!p0 v1, v4  }
0x26a: {  	[tilespmem:$0x810] =	vst @!p0 v4;
	v4 =	vshll.u32 @!p0 v7, $0x2;
	v7 =	vld @!p0 [tilespmem:$0x730]  }
0x26b: {  	[tilespmem:$0x890] =	vst @!p0 v8;
	v8 =	vld @!p0 [tilespmem:$0x350];
	v4 =	vor.u32 @!p0 v1, v4  }
0x26c: {  	[tilespmem:$0x820] =	vst @!p0 v4;
	v4 =	vshll.u32 @!p0 v9, $0x2;
	v9 =	vld @!p0 [tilespmem:$0x740]  }
0x26d: {  	[tilespmem:$0x8A0] =	vst @!p0 v5;
	v4 =	vor.u32 @!p0 v1, v4;
	v5 =	vld @!p0 [tilespmem:$0x360]  }
0x26e: {  	[tilespmem:$0x830] =	vst @!p0 v4;
	v4 =	vshll.u32 @!p0 v6, $0x2;
	v6 =	vld @!p0 [tilespmem:$0x750]  }
0x26f: {  	[tilespmem:$0x8B0] =	vst @!p0 v7;
	v4 =	vor.u32 @!p0 v1, v4;
	v7 =	vld @!p0 [tilespmem:$0x370]  }
0x270: {  	[tilespmem:$0x840] =	vst @!p0 v4;
	v4 =	vshll.u32 @!p0 v8, $0x2;
	v8 =	vld @!p0 [tilespmem:$0x760]  }
0x271: {  	[tilespmem:$0x8C0] =	vst @!p0 v9;
	v4 =	vor.u32 @!p0 v1, v4  }
0x272: {  	[tilespmem:$0x850] =	vst @!p0 v4;
	v4 =	vshll.u32 @!p0 v5, $0x2;
	v5 =	vld @!p0 [tilespmem:$0x770]  }
0x273: {  	[tilespmem:$0x8D0] =	vst @!p0 v6;
	v4 =	vor.u32 @!p0 v1, v4  }
0x274: {  	[tilespmem:$0x860] =	vst @!p0 v4;
	v4 =	vshll.u32 @!p0 v7, $0x2  }
0x275: {  	[tilespmem:$0x8E0] =	vst @!p0 v8;
	v4 =	vor.u32 @!p0 v1, v4  }
0x276: {  	[tilespmem:$0x870] =	vst @!p0 v4  }
0x277: {  	s7 =	simm.s32 @!p0 $0x80;
	s8 =	simm.s32 @!p0 $0x800;
	s9 =	simm.s32 @!p0 $0x900;
	[tilespmem:$0x8F0] =	vst @!p0 v5  }
0x278: {  	[tilespmem:s9], [sflag:$0x1] =	stream.indirect.gather @!p0 [hbm4b:s4+s7], $0x80, s8, s7, $0xb8;
	[tilespmem:$0x1AA00] =	vst v63  }
0x279: {  	s8 =	simm.s32 @!p0 $0x1  }
0x27a: {  	_ =	swait.ge @!p0 [sflag:s8], $0x4000  }
0x27b: {  	[sflag:s8] =	ssyncset.done @!p0 $0x0  }
0x27c: {  	[sflag:s8] =	ssyncadd.s32 @!p0 $0xFFFFC000;
	s8 =	simm.s32 @!p0 $0x880  }
0x27d: {  	[spmem:s2] =	stream.indirect.scatter.add.f32 @!p0 [tilespmem:s9], [sflag:$0x3], $0x80, s8, s7, $0xb8;
	[tilespmem:$0x1AA00] =	vst v63  }
0x27e: {  	s7 =	simm.s32 @!p0 $0x3  }
0x27f: {  	_ =	swait.ge @!p0 [sflag:s7], $0x4000  }
0x280: {  	[sflag:s7] =	ssyncset.done @!p0 $0x0  }
0x281: {  	[sflag:s7] =	ssyncadd.s32 @!p0 $0xFFFFC000;
	p0 =	sge.u32 s20, s26  }
0x282: {  	v4 =	vld @!p0 [tilespmem:$0x380];
	_ =	sdelay $0x1  }
0x283: {  	v5 =	vld @!p0 [tilespmem:$0x390]  }
0x284: {  	v6 =	vld @!p0 [tilespmem:$0x780]  }
0x285: {  	v7 =	vld @!p0 [tilespmem:$0x3A0]  }
0x286: {  	v8 =	vld @!p0 [tilespmem:$0x790];
	v4 =	vshll.u32 @!p0 v4, $0x2  }
0x287: {  	v9 =	vld @!p0 [tilespmem:$0x3B0];
	v4 =	vor.u32 @!p0 v1, v4  }
0x288: {  	[tilespmem:$0x800] =	vst @!p0 v4;
	v4 =	vshll.u32 @!p0 v5, $0x2;
	v5 =	vld @!p0 [tilespmem:$0x7A0]  }
0x289: {  	[tilespmem:$0x880] =	vst @!p0 v6;
	v6 =	vld @!p0 [tilespmem:$0x3C0];
	v4 =	vor.u32 @!p0 v1, v4  }
0x28a: {  	[tilespmem:$0x810] =	vst @!p0 v4;
	v4 =	vshll.u32 @!p0 v7, $0x2;
	v7 =	vld @!p0 [tilespmem:$0x7B0]  }
0x28b: {  	[tilespmem:$0x890] =	vst @!p0 v8;
	v8 =	vld @!p0 [tilespmem:$0x3D0];
	v4 =	vor.u32 @!p0 v1, v4  }
0x28c: {  	[tilespmem:$0x820] =	vst @!p0 v4;
	v4 =	vshll.u32 @!p0 v9, $0x2;
	v9 =	vld @!p0 [tilespmem:$0x7C0]  }
0x28d: {  	[tilespmem:$0x8A0] =	vst @!p0 v5;
	v4 =	vor.u32 @!p0 v1, v4;
	v5 =	vld @!p0 [tilespmem:$0x3E0]  }
0x28e: {  	[tilespmem:$0x830] =	vst @!p0 v4;
	v4 =	vshll.u32 @!p0 v6, $0x2;
	v6 =	vld @!p0 [tilespmem:$0x7D0]  }
0x28f: {  	[tilespmem:$0x8B0] =	vst @!p0 v7;
	v4 =	vor.u32 @!p0 v1, v4;
	v7 =	vld @!p0 [tilespmem:$0x3F0]  }
0x290: {  	[tilespmem:$0x840] =	vst @!p0 v4;
	v4 =	vshll.u32 @!p0 v8, $0x2;
	v8 =	vld @!p0 [tilespmem:$0x7E0]  }
0x291: {  	[tilespmem:$0x8C0] =	vst @!p0 v9;
	v4 =	vor.u32 @!p0 v1, v4  }
0x292: {  	[tilespmem:$0x850] =	vst @!p0 v4;
	v4 =	vshll.u32 @!p0 v5, $0x2;
	v5 =	vld @!p0 [tilespmem:$0x7F0]  }
0x293: {  	[tilespmem:$0x8D0] =	vst @!p0 v6;
	v4 =	vor.u32 @!p0 v1, v4  }
0x294: {  	[tilespmem:$0x860] =	vst @!p0 v4;
	v4 =	vshll.u32 @!p0 v7, $0x2  }
0x295: {  	[tilespmem:$0x8E0] =	vst @!p0 v8;
	v4 =	vor.u32 @!p0 v1, v4  }
0x296: {  	[tilespmem:$0x870] =	vst @!p0 v4  }
0x297: {  	s7 =	simm.s32 @!p0 $0x80;
	s8 =	simm.s32 @!p0 $0x800;
	s9 =	simm.s32 @!p0 $0x900;
	[tilespmem:$0x8F0] =	vst @!p0 v5  }
0x298: {  	[tilespmem:s9], [sflag:$0x1] =	stream.indirect.gather @!p0 [hbm4b:s4+s7], $0x80, s8, s7, $0xb8;
	[tilespmem:$0x1AA00] =	vst v63  }
0x299: {  	s8 =	simm.s32 @!p0 $0x1  }
0x29a: {  	_ =	swait.ge @!p0 [sflag:s8], $0x4000  }
0x29b: {  	s20 =	sadd.s32 $0x8, s20;
	[sflag:s8] =	ssyncset.done @!p0 $0x0  }
0x29c: {  	p1 =	sne.s32 s20, $0xA0;
	[sflag:s8] =	ssyncadd.s32 @!p0 $0xFFFFC000;
	s8 =	simm.s32 @!p0 $0x880  }
0x29d: {  	[spmem:s2] =	stream.indirect.scatter.add.f32 @!p0 [tilespmem:s9], [sflag:$0x2], $0x80, s8, s7, $0xb8;
	[tilespmem:$0x1AA00] =	vst v63  }
.Ltmp2:
0x29e: {  	_ = 	snop;
	(pc) =	sbr.rel @p1 .LBB2_6-.Ltmp2, $4  }
0x29f: {  	s7 =	simm.s32 @!p0 $0x2  }
0x2a0: {  	_ =	swait.ge @!p0 [sflag:s7], $0x4000  }
0x2a1: {  	[sflag:s7] =	ssyncset.done @!p0 $0x0  }
0x2a2: {  	s23 =	sadd.s32 $0x80, s23;
	[sflag:s7] =	ssyncadd.s32 @!p0 $0xFFFFC000  }
0x2a3: {  	[bflag:$0x0] =	sbarrier.arrive $0xFFFF;
	s8 =	simm.s32 $0x8  }
0x2a4: {  	s9 =	simm.s32 $0x200;
	s20 =	simm.s32 $0x80;
	s7 =	rddreg [dreg:$0x7]  }
0x2a5: {  	[hbm:s7@s9], [sflag:s19] =	dma.strided [spmem:s0@s20], $0x2800, s8, $0x10   }
0x2a6: {  	_ =	swait.ge [sflag:s29], $0x2800  }
0x2a7: {  	s1 =	sadd.s32 $0x1, s1;
	s23 =	rddreg [dreg:$0x8]  }
0x2a8: {  	p0 =	sne.s32 s1, s23  }
.Ltmp3:
0x2a9: {  	_ = 	snop;
	(pc) =	sbr.rel @p0 .LBB2_1-.Ltmp3, $4  }
0x2aa: {  	[sflag:s29] =	ssyncset.done $0x0  }
0x2ab: {  	[sflag:s29] =	ssyncadd.s32 $0xFFFFD800  }
0x2ac: {  	[bflag:$0x0] =	sbarrier.arrive $0xFFFF  }
0x2ad: {  	s8 =	smov.u32 s10;
	s9 =	smov.u32 s11  }
0x2ae: {  	_ =	sfence.sel $0x180000  }
0x2af: {  	[bflag:$0x0] =	sbarrier.arrive $0xFFFF  }
0x2b0: {  	_ =	strace $0x9000004A  }
0x2b1: {  	s0 =	stileid.u32;
	[bflag:$0x2] =	sbarrier.arrive $0xFFFF  }
0x2b2: {  	p0 =	sne.s32 s0, $0x0;
	s0 =	rddreg [dreg:$0x2]  }
0x2b3: {  	s0 =	sadd.s32 @!p0 $0x100000, s0  }
0x2b4: {  	[sflag:s0] =	ssyncadd.tile.s32 @!p0 $0x1;
	_ =	shalt  }
.Lfunc_end2:
_tile_overlayer_lowered:
.L_overlay_start_2:
0x2b5: {  	(tag) =	ssettag $0x2  }
0x2b6: {  	s0 =	rddreg [dreg:$0x0];
	s2 =	stileid.u32  }
0x2b7: {  	s1 =	rddreg [dreg:$0x1];
	p0 =	sne.s32 s2, $0x0  }
0x2b8: {  	s3 =	rddreg [dreg:$0x2];
	[bflag:$0x3] =	sbarrier.arrive $0xFFFF;
	s2 =	simm.s32 @!p0 $0x1C02  }
0x2b9: {  	[timem:s3], [sflag:s2] =	dma.local @!p0 [hbm:s0], s1  }
0x2ba: {  	s0 =	simm.s32 @!p0 $0x2  }
0x2bb: {  	_ =	swait.ge @!p0 [sflag:s0], s1  }
0x2bc: {  	s1 =	ssub.s32 @!p0 $0x0, s1;
	[sflag:s0] =	ssyncset.done @!p0 $0x0  }
0x2bd: {  	[sflag:s0] =	ssyncadd.s32 @!p0 s1  }
0x2be: {  	[bflag:$0x3] =	sbarrier.arrive $0xFFFF  }
0x2bf: {  	_ =	shalt  }

// kernel: kernel.8.cloned.1.call-start
scs
__scs_entry_jumppad:
0x0: {  	(pc) =	sbr.rel $0x88, $3  }
0x1: {  	(tag) =	ssettag $0x0;
	lr =	simm.s32 $0x1  }
0x2: {  	[smem:$0x3F98] =	sst lr;
	_ =	strace $0xD0000000  }
0x3: {  	_ = 	snop  }
0x4: {  	_ = 	snop  }
0x5: {  	_ = 	snop  }
0x6: {  	_ = 	snop  }
0x7: {  	_ = 	snop  }
__scs_overlays_trampoline_lowered:
0x8: {  	[smem:$0x3FA7] =	sst s0  }
0x9: {  	[smem:$0x3FA8] =	sst s1  }
0xa: {  	[smem:$0x3FA9] =	sst s2  }
0xb: {  	[smem:$0x3FAA] =	sst s3  }
0xc: {  	[smem:$0x3FAB] =	sst s4  }
0xd: {  	[smem:$0x3FAC] =	sst s5  }
0xe: {  	[smem:$0x3FAD] =	sst s6  }
0xf: {  	[smem:$0x3FAE] =	sst s7  }
0x10: {  	[smem:$0x3FAF] =	sst s8  }
0x11: {  	[smem:$0x3FB0] =	sst s9;
	s0 =	simm.s32 @!p0 $0x0  }
0x12: {  	s1 =	sld [smem:$0x3F96];
	s0 =	simm.s32 @p0 $0x1  }
0x13: {  	[smem:$0x3FB1] =	sst s0;
	s0 =	simm.s32 @!p1 $0x0  }
0x14: {  	s2 =	sld [smem:$0x3F95];
	s0 =	simm.s32 @p1 $0x1  }
0x15: {  	[smem:$0x3FB2] =	sst s0;
	s0 =	simm.s32 @!p2 $0x0  }
0x16: {  	s3 =	sld [smem:$0x3FDB];
	s0 =	simm.s32 @p2 $0x1  }
0x17: {  	s4 =	simm.s32 $0x1BF5;
	[smem:$0x3FB4] =	sst s0  }
0x18: {  	s0 =	sld [smem:$0x3F97];
	_ =	swait.ge [sflag:s4], $0x0  }
0x19: {  	s7 =	sld [smem:$0x3F98]  }
0x1a: {  	s8 =	sadd.s32 $0xFFFFE003, lr  }
0x1b: {  	s9 =	sadd.s32 $0xFFFFFEF7, lr;
	s5 =	simm.s32 $0xFFFFFFFF;
	p2 =	slt.u32 s8, $0xFFFFF086  }
0x1c: {  	p1 =	slt.u32 s9, $0xF7A;
	s5 =	simm.s32 @!p2 $0x0  }
0x1d: {  	s5 =	simm.s32 @p1 $0x1;
	p0 =	seq.s32 s7, s2  }
0x1e: {  	s7 =	smul.u32 @!p0 $0xF7A, s2;
	p2 =	seq.s32 @!p0 s5, $0x0  }
0x1f: {  	s9 =	smul.u32 $0xF7A, s1;
	s8 =	simm.s32 @!p0 $0x1BF5;
	p2 =	por !p2, p0  }
0x20: {  	[sflag:s8] =	ssyncset.s32 @!p0 $0xFFFFF086;
	s6 =	sadd.s32 @!p0 s3, s7;
	s7 =	simm.s32 @!p0 $0x108  }
0x21: {  	s3 =	sadd.s32 s3, s9;
	s6 =	sadd.s32 @!p0 $0x88, s6;
	s7 =	simm.s32 @p2 $0x1082  }
0x22: {  	[simem:s7], [sflag:s8] =	dma.local @!p0 [hbm:s6], $0xF7A  }
0x23: {  	s9 =	sor.u32 $0xD0000000, s2;
	s6 =	simm.s32 $0x108;
	_ =	swait.ge @!p0 [sflag:s8], $0x0  }
0x24: {  	s3 =	sadd.s32 $0x88, s3;
	s6 =	simm.s32 @!p1 $0x1082;
	[sflag:s4] =	ssyncset.s32 $0xFFFFF086  }
0x25: {  	[simem:s6], [sflag:s4] =	dma.local [hbm:s3], $0xF7A  }
0x26: {  	[smem:$0x3F98] =	sst s1;
	(tag) =	ssettag s2;
	_ =	strace s9  }
0x27: {  	s1 =	sld [smem:$0x3FA8]  }
0x28: {  	s2 =	sld [smem:$0x3FA9]  }
0x29: {  	s4 =	sld [smem:$0x3FAB]  }
0x2a: {  	p0 =	seq.s32 s5, $0x0;
	s5 =	sld [smem:$0x3FAC]  }
0x2b: {  	s6 =	sld [smem:$0x3FAD]  }
0x2c: {  	s7 =	sld [smem:$0x3FAE]  }
0x2d: {  	s3 =	simm.s32 $0x108;
	s8 =	sld [smem:$0x3FAF]  }
0x2e: {  	s3 =	simm.s32 @!p0 $0x1082;
	s9 =	sld [smem:$0x3FB0]  }
0x2f: {  	lr =	sadd.s32 s0, s3;
	s0 =	sld [smem:$0x3FA7]  }
0x30: {  	s3 =	sld [smem:$0x3FAA]  }
0x31: {  	[smem:$0x3FB3] =	sst s10  }
0x32: {  	s10 =	sld [smem:$0x3FB1];
	_ =	sdelay $0x3  }
0x33: {  	p0 =	seq.s32 s10, $0x1;
	s10 =	sld [smem:$0x3FB3];
	_ =	sdelay $0x3  }
0x34: {  	[smem:$0x3FB3] =	sst s10  }
0x35: {  	s10 =	sld [smem:$0x3FB2];
	_ =	sdelay $0x3  }
0x36: {  	p1 =	seq.s32 s10, $0x1;
	s10 =	sld [smem:$0x3FB3];
	_ =	sdelay $0x3  }
0x37: {  	[smem:$0x3FB3] =	sst s10  }
0x38: {  	s10 =	sld [smem:$0x3FB4]  }
0x39: {  	_ = 	snop;
	(pc) =	sbr.ind lr, $3  }
0x3a: {  	_ = 	snop  }
0x3b: {  	_ = 	snop  }
0x3c: {  	p2 =	seq.s32 s10, $0x1;
	s10 =	sld [smem:$0x3FB3]  }
0x3d: {  	_ =	shalt  }
0x3e: {  	_ =	shalt  }
0x3f: {  	_ =	shalt  }
0x40: {  	_ =	shalt  }
0x41: {  	_ =	shalt  }
0x42: {  	_ =	shalt  }
0x43: {  	_ =	shalt  }
0x44: {  	_ =	shalt  }
0x45: {  	_ =	shalt  }
0x46: {  	_ =	shalt  }
0x47: {  	_ =	shalt  }
0x48: {  	_ =	shalt  }
0x49: {  	_ =	shalt  }
0x4a: {  	_ =	shalt  }
0x4b: {  	_ =	shalt  }
0x4c: {  	_ =	shalt  }
0x4d: {  	_ =	shalt  }
0x4e: {  	_ =	shalt  }
0x4f: {  	_ =	shalt  }
0x50: {  	_ =	shalt  }
0x51: {  	_ =	shalt  }
0x52: {  	_ =	shalt  }
0x53: {  	_ =	shalt  }
0x54: {  	_ =	shalt  }
0x55: {  	_ =	shalt  }
0x56: {  	_ =	shalt  }
0x57: {  	_ =	shalt  }
0x58: {  	_ =	shalt  }
0x59: {  	_ =	shalt  }
0x5a: {  	_ =	shalt  }
0x5b: {  	_ =	shalt  }
0x5c: {  	_ =	shalt  }
0x5d: {  	_ =	shalt  }
0x5e: {  	_ =	shalt  }
0x5f: {  	_ =	shalt  }
0x60: {  	_ =	shalt  }
0x61: {  	_ =	shalt  }
0x62: {  	_ =	shalt  }
0x63: {  	_ =	shalt  }
0x64: {  	_ =	shalt  }
0x65: {  	_ =	shalt  }
0x66: {  	_ =	shalt  }
0x67: {  	_ =	shalt  }
0x68: {  	_ =	shalt  }
0x69: {  	_ =	shalt  }
0x6a: {  	_ =	shalt  }
0x6b: {  	_ =	shalt  }
0x6c: {  	_ =	shalt  }
0x6d: {  	_ =	shalt  }
0x6e: {  	_ =	shalt  }
0x6f: {  	_ =	shalt  }
0x70: {  	_ =	shalt  }
0x71: {  	_ =	shalt  }
0x72: {  	_ =	shalt  }
0x73: {  	_ =	shalt  }
0x74: {  	_ =	shalt  }
0x75: {  	_ =	shalt  }
0x76: {  	_ =	shalt  }
0x77: {  	_ =	shalt  }
0x78: {  	_ =	shalt  }
0x79: {  	_ =	shalt  }
0x7a: {  	_ =	shalt  }
0x7b: {  	_ =	shalt  }
0x7c: {  	_ =	shalt  }
0x7d: {  	_ =	shalt  }
0x7e: {  	_ =	shalt  }
0x7f: {  	_ =	shalt  }
0x80: {  	_ =	shalt  }
0x81: {  	_ =	shalt  }
0x82: {  	_ =	shalt  }
0x83: {  	_ =	shalt  }
0x84: {  	_ =	shalt  }
0x85: {  	_ =	shalt  }
0x86: {  	_ =	shalt  }
0x87: {  	_ =	shalt  }
.Lfunc_end0:
.L_simem_size_0:
called_computation_lowered:
.L_overlay_start_0:
0x88: {  	s2 =	sld [smem:$0x3FD9]  }
0x89: {  	s3 =	sld [smem:$0x3FFE];
	_ =	sdelay $0x1  }
0x8a: {  	s1 =	srdreg.scid  }
0x8b: {  	s0 =	sand.u32 $0x1, s1  }
0x8c: {  	s17 =	sshll.u32 s0, $0xA;
	s2 =	sadd.s32 s3, s2  }
0x8d: {  	s2 =	sadd.s32 s2, s17  }
0x8e: {  	[smem:$0x3FBF] =	sst s2  }
0x8f: {  	_ = 	snop  }
0x90: {  	s2 =	sld [smem:$0x3FD0];
	(tm) =	ssettm $0x1  }
0x91: {  	s18 =	sld [smem:$0x3FFB];
	_ =	sdelay $0x3  }
0x92: {  	_ =	strace s18  }
0x93: {  	s3 =	sld [smem:$0x3FFC];
	_ =	sdelay $0x3  }
0x94: {  	_ =	strace s3  }
0x95: {  	s3 =	sld [smem:$0x3FFD];
	_ =	sdelay $0x3  }
0x96: {  	_ =	strace s3  }
0x97: {  	_ =	strace $0x8FFFFFFF  }
0x98: {  	s19 =	sld [smem:$0x3FDB];
	_ =	sdelay $0x1  }
0x99: {  	s4 =	simm.s32 $_scs_section_size  }
0x9a: {  	s5 =	simm.s32 $_size__tile_overlayer_lowered;
	s6 =	simm.s32 $_tile_overlayer_lowered  }
0x9b: {  	s22 =	simm.s32 $0x1BFF;
	s21 =	sshll.u32 s6, $0x1;
	s3 =	sadd.s32 s4, s19  }
0x9c: {  	s7 =	simm.s32 $0x0;
	s20 =	sshll.u32 s5, $0x1;
	s5 =	sadd.s32 s21, s3  }
0x9d: {  	[timem:s7], [sflag:s22] =	dma.local [hbm:s5], s20  }
0x9e: {  	_ =	swait.ge [sflag:s22], s20  }
0x9f: {  	s4 =	ssub.s32 $0x0, s20;
	[sflag:s22] =	ssyncset.done $0x0  }
0xa0: {  	[sflag:s22] =	ssyncadd.s32 s4;
	_ =	sdelay $0x1  }
0xa1: {  	s23 =	simm.s32 $0x1B8B  }
0xa2: {  	_ =	swait.ge [sflag:s23], $0x1  }
0xa3: {  	[sflag:s23] =	ssyncset.done $0x0  }
0xa4: {  	s25 =	simm.s32 $0x1B8E;
	s24 =	sld [smem:$0x3FFE];
	[sflag:s23] =	ssyncadd.s32 $0xFFFFFFFF  }
0xa5: {  	s26 =	simm.s32 $execute0_lowered;
	[smem:$0x3FD2] =	sst s25  }
0xa6: {  	s5 =	sshll.u32 s26, $0x1;
	_ =	strace $0x80000046;
	[dreg:$0x1] =	wrdreg $0xFFFFFFFF  }
0xa7: {  	s28 =	simm.s32 $_size_execute0_lowered;
	s3 =	sadd.s32 s3, s5;
	[dreg:$0x0] =	wrdreg $0x0  }
0xa8: {  	s5 =	sshll.u32 s28, $0x1;
	[dreg:$0x2] =	wrdreg s3  }
0xa9: {  	[dreg:$0x3] =	wrdreg s5  }
0xaa: {  	[dreg:$0x4] =	wrdreg $0xC0  }
0xab: {  	_ =	task [dreg:s7], $0x5FFFF  }
0xac: {  	[dreg:$0x1] =	wrdreg $0xFFFFFFFF  }
0xad: {  	[dreg:$0x0] =	wrdreg $0x60  }
0xae: {  	[dreg:$0x2] =	wrdreg s24  }
0xaf: {  	[dreg:$0x3] =	wrdreg s2  }
0xb0: {  	[dreg:$0x4] =	wrdreg $0x6A000  }
0xb1: {  	[dreg:$0x5] =	wrdreg $0x1AA000  }
0xb2: {  	[dreg:$0x6] =	wrdreg $0x9  }
0xb3: {  	_ =	task.clear_ibuf [dreg:s7], $0x7FFFF;
	_ =	strace $0x90000046  }
0xb4: {  	s29 =	simm.s32 $0x9;
	_ =	strace $0x80000048  }
0xb5: {  	_ =	swait.ge [sflag:s29], $0x1  }
0xb6: {  	[sflag:s29] =	ssyncadd.s32 $0xFFFFFFFF  }
0xb7: {  	_ =	strace $0x90000048  }
0xb8: {  	_ =	sfence  }
0xb9: {  	s30 =	sld [smem:$0x0];
	_ =	sdelay $0x2  }
0xba: {  	s31 =	sshll.u32 s1, $0xD;
	s1 =	sshrl.u32 s1, $0x2  }
0xbb: {  	s3 =	sand.u32 $0x4000, s31;
	s1 =	sadd.s32 s1, s30  }
0xbc: {  	s0 =	sor.u32 s3, s0;
	s1 =	sshll.u32 s1, $0x11  }
0xbd: {  	s0 =	sor.u32 s1, s0  }
0xbe: {  	s0 =	sadd.s32 $0x8F2B, s0  }
0xbf: {  	[sflag:s0] =	ssyncadd.remote.s32 $0x1  }
0xc0: {  	_ =	sfence.sel $0xFFFF  }
0xc1: {  	[dreg:$0x0] =	wrdreg $0xFFFFFFFF;
	(pc) =	sbr.abs _section_cstart, $3  }
0xc2: {  	[dreg:$0x1] =	wrdreg $0xFFFFFFFF  }
0xc3: {  	_ =	task.clear_ibuf [dreg:s7], $0x2FFFF;
	_ =	strace $0x9FFFFFFF  }
0xc4: {  	(tm) =	ssettm $0x7FFFFFFF  }
0xc5: {  	_ =	shalt  }
tec
execute0_lowered:
.L_overlay_start_1:
0x0: {  	(tag) =	ssettag $0x1  }
0x1: {  	s0 =	rddreg [dreg:$0x0]  }
0x2: {  	s1 =	rddreg [dreg:$0x1]  }
0x3: {  	s2 =	rddreg [dreg:$0x2]  }
0x4: {  	s3 =	rddreg [dreg:$0x3];
	s13 =	stileid.u32  }
0x5: {  	s4 =	simm.s32 $0x0;
	s5 =	srdreg.scid;
	s6 =	smul.u32 $0x9D0, s13  }
0x6: {  	[smem:$0x7FF] =	sst s4;
	s8 =	sand.u32 $0x1, s5;
	s10 =	smul.u32 $0x50000, s13  }
0x7: {  	s5 =	sadd.s32 $0x9E200, s0;
	s12 =	smul.u32 $0x280, s13;
	p0 =	seq.s32 s13, $0xF  }
0x8: {  	_ =	strace $0x80000047;
	s7 =	ssub.s32 $0x2, s8;
	s18 =	sshll.u32 s8, $0xA  }
0x9: {  	s9 =	sadd.s32 s6, s0;
	s21 =	sshrl.u32 s7, $0x1;
	s0 =	sadd.s32 $0x14E000, s0  }
0xa: {  	s6 =	simm.s32 $0x91;
	s22 =	sshrl.u32 s10, $0x2;
	s13 =	sadd.s32 $0x80, s12  }
0xb: {  	s15 =	sadd.s32 $0x100, s12;
	s16 =	sadd.s32 $0x180, s12;
	s17 =	sshrl.u32 s12, $0x3  }
0xc: {  	s18 =	sor.u32 s18, s10;
	s20 =	sadd.s32 $0x200, s12;
	s11 =	ssub.s32 s7, s21  }
0xd: {  	s6 =	simm.s32 @!p0 $0x9D;
	s7 =	sadd.s32 s22, s2;
	s14 =	sshll.u32 s13, $0x7  }
0xe: {  	s24 =	sshll.u32 s15, $0x7;
	s1 =	sadd.s32 s1, s17;
	s19 =	sshll.u32 s16, $0x7  }
0xf: {  	s18 =	sshrl.u32 s18, $0x3;
	s15 =	sadd.s32 s15, s3;
	[dreg:$0x7] =	wrdreg s1  }
0x10: {  	s21 =	sshll.u32 s20, $0x7;
	s16 =	sadd.s32 s16, s3;
	[dreg:$0xf] =	wrdreg s15  }
0x11: {  	p0 =	sne.s32 s8, $0x0;
	s25 =	sadd.s32 $0x2000, s7;
	[dreg:$0x10] =	wrdreg s16  }
0x12: {  	s26 =	sadd.s32 s14, s2;
	s23 =	sadd.s32 $0x6000, s7;
	[dreg:$0x5] =	wrdreg s7  }
0x13: {  	s18 =	sadd.s32 s0, s18;
	s22 =	sadd.s32 s24, s2;
	[dreg:$0x6] =	wrdreg s23  }
0x14: {  	s24 =	sadd.s32 s19, s2;
	s14 =	sadd.s32 s13, s3;
	[dreg:$0x8] =	wrdreg s18  }
0x15: {  	s19 =	smax.u32 s11, $0x1;
	s28 =	sadd.s32 $0xFFFFFFFF, s6;
	[dreg:$0xa] =	wrdreg s22  }
0x16: {  	s29 =	sadd.s32 $0xFFFFFFFE, s6;
	s30 =	sadd.s32 $0xFFFFFFFD, s6;
	[dreg:$0xb] =	wrdreg s24  }
0x17: {  	s31 =	sadd.s32 $0xFFFFFFFC, s6;
	s11 =	sadd.s32 $0xFFFFFFF9, s6;
	[dreg:$0xe] =	wrdreg s14  }
0x18: {  	s13 =	simm.s32 $0x2;
	s18 =	sadd.s32 s20, s3;
	[dreg:$0x12] =	wrdreg s19  }
0x19: {  	s23 =	sor.u32 $0x2, s8;
	s20 =	sadd.s32 $0x13A600, s9;
	[dreg:$0x11] =	wrdreg s18  }
0x1a: {  	s22 =	sadd.s32 $0xE000, s7;
	s24 =	sadd.s32 $0x12000, s7;
	[dreg:$0x13] =	wrdreg s20  }
0x1b: {  	v0 =	vmov s8;
	s19 =	simm.s32 $0x400;
	s8 =	simm.s32 $0x1;
	[dreg:$0x15] =	wrdreg s22  }
0x1c: {  	s9 =	simm.s32 $0x880;
	s17 =	sshll.u32 s23, $0xA;
	[dreg:$0x16] =	wrdreg s24  }
0x1d: {  	s18 =	simm.s32 $0x3;
	s20 =	simm.s32 $0x80;
	s1 =	sor.u32 s10, s17  }
0x1e: {  	s22 =	simm.s32 $0x900;
	s17 =	sadd.s32 s12, s3;
	s1 =	sshrl.u32 s1, $0x3  }
0x1f: {  	s12 =	simm.s32 $0x4980;
	[dreg:$0xd] =	wrdreg s17;
	s0 =	sadd.s32 s0, s1  }
0x20: {  	s10 =	simm.s32 $0x0;
	[dreg:$0x9] =	wrdreg s0;
	s0 =	sadd.s32 s21, s2  }
0x21: {  	s1 =	sadd.s32 $0xFFFFFFFA, s6;
	s21 =	sadd.s32 $0xA000, s7;
	[dreg:$0xc] =	wrdreg s0  }
0x22: {  	v2 =	vimm.f32 $0.0e+00;
	v3 =	vimm.f32 $1.000000000e+00;
	v1 =	vmov s23;
	[dreg:$0x14] =	wrdreg s21;
	s0 =	sadd.s32 $0xFFFFFFFB, s6;
	s21 =	simm.s32 $0x800  }
.LBB2_1:
0x23: {  	s14 =	simm.s32 $0x0;
	s15 =	simm.s32 $0x200  }
.LBB2_2:
0x24: {  	p1 =	sne.s32 s15, $0x7E00;
	[tilespmem:s14+$0x49F0] =	vst v2  }
0x25: {  	[tilespmem:s14+$0x4980] =	vst v2  }
0x26: {  	[tilespmem:s14+$0x4990] =	vst v2  }
.Ltmp0:
0x27: {  	[tilespmem:s14+$0x49A0] =	vst v2;
	(pc) =	sbr.rel @p1 .LBB2_2-.Ltmp0, $4  }
0x28: {  	[tilespmem:s14+$0x49B0] =	vst v2  }
0x29: {  	[tilespmem:s14+$0x49C0] =	vst v2  }
0x2a: {  	[tilespmem:s14+$0x49D0] =	vst v2  }
0x2b: {  	[tilespmem:s14+$0x49E0] =	vst v2;
	s14 =	sshra.s32 s15, $0x2;
	s15 =	sadd.s32 $0x200, s15  }
0x2c: {  	[tilespmem:s14+$0x49F0] =	vst v2  }
0x2d: {  	[tilespmem:s14+$0x4980] =	vst v2  }
0x2e: {  	[tilespmem:s14+$0x4990] =	vst v2  }
0x2f: {  	[tilespmem:s14+$0x49A0] =	vst v2  }
0x30: {  	[tilespmem:s14+$0x49B0] =	vst v2  }
0x31: {  	[tilespmem:s14+$0x49C0] =	vst v2  }
0x32: {  	[tilespmem:s14+$0x49D0] =	vst v2  }
0x33: {  	[tilespmem:s14+$0x49E0] =	vst v2  }
0x34: {  	[tilespmem:$0x4900] =	vst v3  }
0x35: {  	[tilespmem:$0x6980] =	vst v2  }
0x36: {  	[tilespmem:$0x4910] =	vst v3  }
0x37: {  	[tilespmem:$0x6990] =	vst v2  }
0x38: {  	[tilespmem:$0x4920] =	vst v3  }
0x39: {  	[tilespmem:$0x69A0] =	vst v2  }
0x3a: {  	[tilespmem:$0x4930] =	vst v3  }
0x3b: {  	[tilespmem:$0x69B0] =	vst v2  }
0x3c: {  	[tilespmem:$0x4940] =	vst v3  }
0x3d: {  	[tilespmem:$0x69C0] =	vst v2  }
0x3e: {  	[tilespmem:$0x4950] =	vst v3  }
0x3f: {  	[tilespmem:$0x69D0] =	vst v2  }
0x40: {  	[tilespmem:$0x4960] =	vst v3  }
0x41: {  	[tilespmem:$0x69E0] =	vst v2  }
0x42: {  	[tilespmem:$0x4970] =	vst v3  }
0x43: {  	[tilespmem:$0x69F0] =	vst v2  }
0x44: {  	[spmem:s7] =	stream.linear.scatter [tilespmem:s12], [sflag:$0x2], $0x2000, $0x38;
	[tilespmem:$0x1AC80] =	vst v63  }
0x45: {  	_ =	swait.ge [sflag:s13], $0x2000  }
0x46: {  	[sflag:s13] =	ssyncset.done $0x0  }
0x47: {  	[sflag:s13] =	ssyncadd.s32 $0xFFFFE000  }
0x48: {  	[spmem:s25] =	stream.linear.scatter [tilespmem:s12], [sflag:$0x2], $0x2000, $0x38;
	[tilespmem:$0x1AC80] =	vst v63  }
0x49: {  	_ =	swait.ge [sflag:s13], $0x2000  }
0x4a: {  	[sflag:s13] =	ssyncset.done $0x0  }
0x4b: {  	[sflag:s13] =	ssyncadd.s32 $0xFFFFE000  }
0x4c: {  	[spmem:s26] =	stream.linear.scatter [tilespmem:s12], [sflag:$0x2], $0x2000, $0x38;
	[tilespmem:$0x1AC80] =	vst v63  }
0x4d: {  	_ =	swait.ge [sflag:s13], $0x2000  }
0x4e: {  	[sflag:s13] =	ssyncset.done $0x0  }
0x4f: {  	s16 =	rddreg [dreg:$0x6];
	[sflag:s13] =	ssyncadd.s32 $0xFFFFE000  }
0x50: {  	[spmem:s16] =	stream.linear.scatter [tilespmem:s12], [sflag:$0x2], $0x2000, $0x38;
	[tilespmem:$0x1AC80] =	vst v63  }
0x51: {  	_ =	swait.ge [sflag:s13], $0x2000  }
0x52: {  	[sflag:s13] =	ssyncset.done $0x0  }
0x53: {  	s23 =	rddreg [dreg:$0xa];
	[sflag:s13] =	ssyncadd.s32 $0xFFFFE000  }
0x54: {  	[spmem:s23] =	stream.linear.scatter [tilespmem:s12], [sflag:$0x2], $0x2000, $0x38;
	[tilespmem:$0x1AC80] =	vst v63  }
0x55: {  	_ =	swait.ge [sflag:s13], $0x2000  }
0x56: {  	[sflag:s13] =	ssyncset.done $0x0  }
0x57: {  	s24 =	rddreg [dreg:$0x14];
	[sflag:s13] =	ssyncadd.s32 $0xFFFFE000  }
0x58: {  	[spmem:s24] =	stream.linear.scatter [tilespmem:s12], [sflag:$0x2], $0x2000, $0x38;
	[tilespmem:$0x1AC80] =	vst v63  }
0x59: {  	_ =	swait.ge [sflag:s13], $0x2000  }
0x5a: {  	[sflag:s13] =	ssyncset.done $0x0  }
0x5b: {  	s15 =	rddreg [dreg:$0xb];
	[sflag:s13] =	ssyncadd.s32 $0xFFFFE000  }
0x5c: {  	[spmem:s15] =	stream.linear.scatter [tilespmem:s12], [sflag:$0x2], $0x2000, $0x38;
	[tilespmem:$0x1AC80] =	vst v63  }
0x5d: {  	_ =	swait.ge [sflag:s13], $0x2000  }
0x5e: {  	[sflag:s13] =	ssyncset.done $0x0  }
0x5f: {  	s16 =	rddreg [dreg:$0x15];
	[sflag:s13] =	ssyncadd.s32 $0xFFFFE000  }
0x60: {  	[spmem:s16] =	stream.linear.scatter [tilespmem:s12], [sflag:$0x2], $0x2000, $0x38;
	[tilespmem:$0x1AC80] =	vst v63  }
0x61: {  	_ =	swait.ge [sflag:s13], $0x2000  }
0x62: {  	[sflag:s13] =	ssyncset.done $0x0  }
0x63: {  	s23 =	rddreg [dreg:$0xc];
	[sflag:s13] =	ssyncadd.s32 $0xFFFFE000  }
0x64: {  	[spmem:s23] =	stream.linear.scatter [tilespmem:s12], [sflag:$0x2], $0x2000, $0x38;
	[tilespmem:$0x1AC80] =	vst v63  }
0x65: {  	_ =	swait.ge [sflag:s13], $0x2000  }
0x66: {  	[sflag:s13] =	ssyncset.done $0x0  }
0x67: {  	s24 =	rddreg [dreg:$0x16];
	[sflag:s13] =	ssyncadd.s32 $0xFFFFE000  }
0x68: {  	[spmem:s24] =	stream.linear.scatter [tilespmem:s12], [sflag:$0x2], $0x2000, $0x38;
	[tilespmem:$0x1AC80] =	vst v63  }
0x69: {  	_ =	swait.ge [sflag:s13], $0x2000  }
0x6a: {  	[sflag:s13] =	ssyncset.done $0x0  }
0x6b: {  	s14 =	simm.s32 @!p0 $0x6980;
	s15 =	simm.s32 @!p0 $0x2;
	[sflag:s13] =	ssyncadd.s32 $0xFFFFE000  }
0x6c: {  	[spmem:s17] =	stream.linear.scatter @!p0 [tilespmem:s14], [sflag:$0x2], $0x80, $0x38;
	[tilespmem:$0x1AC80] =	vst v63  }
0x6d: {  	_ =	swait.ge @!p0 [sflag:s15], $0x80  }
0x6e: {  	[sflag:s15] =	ssyncset.done @!p0 $0x0  }
0x6f: {  	s16 =	rddreg [dreg:$0xe];
	[sflag:s15] =	ssyncadd.s32 @!p0 $0xFFFFFF80  }
0x70: {  	[spmem:s16] =	stream.linear.scatter @!p0 [tilespmem:s14], [sflag:$0x2], $0x80, $0x38;
	[tilespmem:$0x1AC80] =	vst v63  }
0x71: {  	_ =	swait.ge @!p0 [sflag:s15], $0x80  }
0x72: {  	[sflag:s15] =	ssyncset.done @!p0 $0x0  }
0x73: {  	s16 =	rddreg [dreg:$0xf];
	[sflag:s15] =	ssyncadd.s32 @!p0 $0xFFFFFF80  }
0x74: {  	[spmem:s16] =	stream.linear.scatter @!p0 [tilespmem:s14], [sflag:$0x2], $0x80, $0x38;
	[tilespmem:$0x1AC80] =	vst v63  }
0x75: {  	_ =	swait.ge @!p0 [sflag:s15], $0x80  }
0x76: {  	[sflag:s15] =	ssyncset.done @!p0 $0x0  }
0x77: {  	s16 =	rddreg [dreg:$0x10];
	[sflag:s15] =	ssyncadd.s32 @!p0 $0xFFFFFF80  }
0x78: {  	[spmem:s16] =	stream.linear.scatter @!p0 [tilespmem:s14], [sflag:$0x2], $0x80, $0x38;
	[tilespmem:$0x1AC80] =	vst v63  }
0x79: {  	_ =	swait.ge @!p0 [sflag:s15], $0x80  }
0x7a: {  	[sflag:s15] =	ssyncset.done @!p0 $0x0  }
0x7b: {  	s16 =	rddreg [dreg:$0x11];
	[sflag:s15] =	ssyncadd.s32 @!p0 $0xFFFFFF80  }
0x7c: {  	[spmem:s16] =	stream.linear.scatter @!p0 [tilespmem:s14], [sflag:$0x2], $0x80, $0x38;
	[tilespmem:$0x1AC80] =	vst v63  }
.Ltmp1:
0x7d: {  	_ =	swait.ge @!p0 [sflag:s15], $0x80;
	(pc) =	sbr.rel .LBB2_4-.Ltmp1, $4  }
0x7e: {  	[sflag:s15] =	ssyncset.done @!p0 $0x0  }
0x7f: {  	[sflag:s15] =	ssyncadd.s32 @!p0 $0xFFFFFF80  }
0x80: {  	[bflag:$0x0] =	sbarrier.arrive $0xFFFF  }
0x81: {  	s14 =	simm.s32 $0x0;
	s15 =	rddreg [dreg:$0x13]  }
.LBB2_20:
0x82: {  	s14 =	sadd.s32 $0x8, s14  }
0x83: {  	p1 =	sne.s32 s14, $0xA0  }
.Ltmp2:
0x84: {  	_ = 	snop;
	(pc) =	sbr.rel @!p1 .LBB2_21-.Ltmp2, $2  }
0x85: {  	_ =	sdelay $0x2  }
0x86: {  	s15 =	sadd.s32 $0x80, s15  }
.LBB2_4:
0x87: {  	[tilespmem:s4], [sflag:$0x3] =	stream.linear.gather [hbm4b:s15+s4], $0x400, $0x38;
	[tilespmem:$0x1AC80] =	vst v63  }
0x88: {  	_ =	swait.ge [sflag:s18], $0x400  }
0x89: {  	p1 =	sge.u32 s14, s6;
	[sflag:s18] =	ssyncset.done $0x0  }
.Ltmp3:
0x8a: {  	s16 =	sadd.s32 $0x9C40, s15;
	[sflag:s18] =	ssyncadd.s32 $0xFFFFFC00;
	(pc) =	sbr.rel @p1 .LBB2_6-.Ltmp3, $4  }
0x8b: {  	[tilespmem:s19], [sflag:$0x3] =	stream.linear.gather [hbm4b:s16+s4], $0x400, $0x38;
	[tilespmem:$0x1AC80] =	vst v63  }
0x8c: {  	_ =	swait.ge [sflag:s18], $0x400  }
0x8d: {  	[sflag:s18] =	ssyncset.done $0x0  }
0x8e: {  	[sflag:s18] =	ssyncadd.s32 $0xFFFFFC00  }
0x8f: {  	v4 =	vld [tilespmem:$0x0];
	_ =	sdelay $0x1  }
0x90: {  	v5 =	vld [tilespmem:$0x10]  }
0x91: {  	v6 =	vld [tilespmem:$0x400]  }
0x92: {  	v7 =	vld [tilespmem:$0x20]  }
0x93: {  	v8 =	vld [tilespmem:$0x410];
	v4 =	vshll.u32 v4, $0x2  }
0x94: {  	v9 =	vld [tilespmem:$0x30];
	v4 =	vor.u32 v0, v4  }
0x95: {  	[tilespmem:$0x800] =	vst v4;
	v4 =	vshll.u32 v5, $0x2;
	v5 =	vld [tilespmem:$0x420]  }
0x96: {  	v57 =	vld [tilespmem:$0x40];
	[tilespmem:$0x880] =	vst v6;
	v4 =	vor.u32 v0, v4  }
0x97: {  	v58 =	vld [tilespmem:$0x430];
	[tilespmem:$0x810] =	vst v4;
	v4 =	vshll.u32 v7, $0x2  }
0x98: {  	v59 =	vld [tilespmem:$0x50];
	[tilespmem:$0x890] =	vst v8;
	v4 =	vor.u32 v0, v4  }
0x99: {  	v60 =	vld [tilespmem:$0x440];
	[tilespmem:$0x820] =	vst v4;
	v4 =	vshll.u32 v9, $0x2  }
0x9a: {  	[tilespmem:$0x8A0] =	vst v5;
	v4 =	vor.u32 v0, v4;
	v5 =	vld [tilespmem:$0x60]  }
0x9b: {  	v61 =	vld [tilespmem:$0x450];
	[tilespmem:$0x830] =	vst v4;
	v4 =	vshll.u32 v57, $0x2  }
0x9c: {  	v62 =	vld [tilespmem:$0x70];
	[tilespmem:$0x8B0] =	vst v58;
	v4 =	vor.u32 v0, v4  }
0x9d: {  	v63 =	vld [tilespmem:$0x460];
	[tilespmem:$0x840] =	vst v4;
	v4 =	vshll.u32 v59, $0x2  }
0x9e: {  	[tilespmem:$0x8C0] =	vst v60;
	v4 =	vor.u32 v0, v4  }
0x9f: {  	[tilespmem:$0x850] =	vst v4;
	v4 =	vshll.u32 v5, $0x2;
	v5 =	vld [tilespmem:$0x470]  }
0xa0: {  	[tilespmem:$0x8D0] =	vst v61;
	v4 =	vor.u32 v0, v4  }
0xa1: {  	[tilespmem:$0x860] =	vst v4;
	v4 =	vshll.u32 v62, $0x2  }
0xa2: {  	[tilespmem:$0x8E0] =	vst v63;
	v4 =	vor.u32 v0, v4  }
0xa3: {  	[tilespmem:$0x870] =	vst v4  }
0xa4: {  	[tilespmem:$0x8F0] =	vst v5  }
0xa5: {  	[tilespmem:s22], [sflag:$0x1] =	stream.indirect.gather [hbm4b:s5+s20], $0x80, s21, s20, $0xb8;
	[tilespmem:$0x1AC80] =	vst v63  }
0xa6: {  	_ =	swait.ge [sflag:s8], $0x4000  }
0xa7: {  	[sflag:s8] =	ssyncset.done $0x0  }
0xa8: {  	[sflag:s8] =	ssyncadd.s32 $0xFFFFC000  }
0xa9: {  	[spmem:s2] =	stream.indirect.scatter.add.f32 [tilespmem:s22], [sflag:$0x3], $0x80, s9, s20, $0xb8;
	[tilespmem:$0x1AC80] =	vst v63  }
0xaa: {  	_ =	swait.ge [sflag:s18], $0x4000  }
0xab: {  	s16 =	simm.s32 @!p0 $0x80;
	[sflag:s18] =	ssyncset.done $0x0  }
0xac: {  	s23 =	simm.s32 @!p0 $0x880;
	s24 =	simm.s32 @!p0 $0x4900;
	[sflag:s18] =	ssyncadd.s32 $0xFFFFC000  }
0xad: {  	[spmem:s3] =	stream.indirect.scatter.add.f32 @!p0 [tilespmem:s24], [sflag:$0x3], $0x1, s23, s16, $0xb8;
	[tilespmem:$0x1AC80] =	vst v63  }
0xae: {  	s16 =	simm.s32 @!p0 $0x3  }
0xaf: {  	_ =	swait.ge @!p0 [sflag:s16], $0x80  }
0xb0: {  	[sflag:s16] =	ssyncset.done @!p0 $0x0  }
0xb1: {  	[sflag:s16] =	ssyncadd.s32 @!p0 $0xFFFFFF80  }
.LBB2_6:
0xb2: {  	p1 =	sge.u32 s14, s28  }
.Ltmp4:
0xb3: {  	_ = 	snop;
	(pc) =	sbr.rel @p1 .LBB2_8-.Ltmp4, $1  }
0xb4: {  	_ =	sdelay $0x3  }
0xb5: {  	v4 =	vld [tilespmem:$0x80];
	_ =	sdelay $0x1  }
0xb6: {  	v5 =	vld [tilespmem:$0x90]  }
0xb7: {  	v6 =	vld [tilespmem:$0x480]  }
0xb8: {  	v7 =	vld [tilespmem:$0xA0]  }
0xb9: {  	v8 =	vld [tilespmem:$0x490];
	v4 =	vshll.u32 v4, $0x2  }
0xba: {  	v9 =	vld [tilespmem:$0xB0];
	v4 =	vor.u32 v0, v4  }
0xbb: {  	[tilespmem:$0x800] =	vst v4;
	v4 =	vshll.u32 v5, $0x2;
	v5 =	vld [tilespmem:$0x4A0]  }
0xbc: {  	v57 =	vld [tilespmem:$0xC0];
	[tilespmem:$0x880] =	vst v6;
	v4 =	vor.u32 v0, v4  }
0xbd: {  	v58 =	vld [tilespmem:$0x4B0];
	[tilespmem:$0x810] =	vst v4;
	v4 =	vshll.u32 v7, $0x2  }
0xbe: {  	v59 =	vld [tilespmem:$0xD0];
	[tilespmem:$0x890] =	vst v8;
	v4 =	vor.u32 v0, v4  }
0xbf: {  	v60 =	vld [tilespmem:$0x4C0];
	[tilespmem:$0x820] =	vst v4;
	v4 =	vshll.u32 v9, $0x2  }
0xc0: {  	[tilespmem:$0x8A0] =	vst v5;
	v4 =	vor.u32 v0, v4;
	v5 =	vld [tilespmem:$0xE0]  }
0xc1: {  	v61 =	vld [tilespmem:$0x4D0];
	[tilespmem:$0x830] =	vst v4;
	v4 =	vshll.u32 v57, $0x2  }
0xc2: {  	v62 =	vld [tilespmem:$0xF0];
	[tilespmem:$0x8B0] =	vst v58;
	v4 =	vor.u32 v0, v4  }
0xc3: {  	v63 =	vld [tilespmem:$0x4E0];
	[tilespmem:$0x840] =	vst v4;
	v4 =	vshll.u32 v59, $0x2  }
0xc4: {  	[tilespmem:$0x8C0] =	vst v60;
	v4 =	vor.u32 v0, v4  }
0xc5: {  	[tilespmem:$0x850] =	vst v4;
	v4 =	vshll.u32 v5, $0x2;
	v5 =	vld [tilespmem:$0x4F0]  }
0xc6: {  	[tilespmem:$0x8D0] =	vst v61;
	v4 =	vor.u32 v0, v4  }
0xc7: {  	[tilespmem:$0x860] =	vst v4;
	v4 =	vshll.u32 v62, $0x2  }
0xc8: {  	[tilespmem:$0x8E0] =	vst v63;
	v4 =	vor.u32 v0, v4  }
0xc9: {  	[tilespmem:$0x870] =	vst v4  }
0xca: {  	[tilespmem:$0x8F0] =	vst v5  }
0xcb: {  	[tilespmem:s22], [sflag:$0x1] =	stream.indirect.gather [hbm4b:s5+s20], $0x80, s21, s20, $0xb8;
	[tilespmem:$0x1AC80] =	vst v63  }
0xcc: {  	_ =	swait.ge [sflag:s8], $0x4000  }
0xcd: {  	[sflag:s8] =	ssyncset.done $0x0  }
0xce: {  	[sflag:s8] =	ssyncadd.s32 $0xFFFFC000  }
0xcf: {  	[spmem:s2] =	stream.indirect.scatter.add.f32 [tilespmem:s22], [sflag:$0x3], $0x80, s9, s20, $0xb8;
	[tilespmem:$0x1AC80] =	vst v63  }
0xd0: {  	_ =	swait.ge [sflag:s18], $0x4000  }
0xd1: {  	s16 =	simm.s32 @!p0 $0x80;
	[sflag:s18] =	ssyncset.done $0x0  }
0xd2: {  	s23 =	simm.s32 @!p0 $0x880;
	s24 =	simm.s32 @!p0 $0x4900;
	[sflag:s18] =	ssyncadd.s32 $0xFFFFC000  }
0xd3: {  	[spmem:s3] =	stream.indirect.scatter.add.f32 @!p0 [tilespmem:s24], [sflag:$0x3], $0x1, s23, s16, $0xb8;
	[tilespmem:$0x1AC80] =	vst v63  }
0xd4: {  	s16 =	simm.s32 @!p0 $0x3  }
0xd5: {  	_ =	swait.ge @!p0 [sflag:s16], $0x80  }
0xd6: {  	[sflag:s16] =	ssyncset.done @!p0 $0x0  }
0xd7: {  	[sflag:s16] =	ssyncadd.s32 @!p0 $0xFFFFFF80  }
.LBB2_8:
0xd8: {  	p1 =	sge.u32 s14, s29  }
.Ltmp5:
0xd9: {  	_ = 	snop;
	(pc) =	sbr.rel @p1 .LBB2_10-.Ltmp5, $1  }
0xda: {  	_ =	sdelay $0x3  }
0xdb: {  	v4 =	vld [tilespmem:$0x100];
	_ =	sdelay $0x1  }
0xdc: {  	v5 =	vld [tilespmem:$0x110]  }
0xdd: {  	v6 =	vld [tilespmem:$0x500]  }
0xde: {  	v7 =	vld [tilespmem:$0x120]  }
0xdf: {  	v8 =	vld [tilespmem:$0x510];
	v4 =	vshll.u32 v4, $0x2  }
0xe0: {  	v9 =	vld [tilespmem:$0x130];
	v4 =	vor.u32 v0, v4  }
0xe1: {  	[tilespmem:$0x800] =	vst v4;
	v4 =	vshll.u32 v5, $0x2;
	v5 =	vld [tilespmem:$0x520]  }
0xe2: {  	v57 =	vld [tilespmem:$0x140];
	[tilespmem:$0x880] =	vst v6;
	v4 =	vor.u32 v0, v4  }
0xe3: {  	v58 =	vld [tilespmem:$0x530];
	[tilespmem:$0x810] =	vst v4;
	v4 =	vshll.u32 v7, $0x2  }
0xe4: {  	v59 =	vld [tilespmem:$0x150];
	[tilespmem:$0x890] =	vst v8;
	v4 =	vor.u32 v0, v4  }
0xe5: {  	v60 =	vld [tilespmem:$0x540];
	[tilespmem:$0x820] =	vst v4;
	v4 =	vshll.u32 v9, $0x2  }
0xe6: {  	[tilespmem:$0x8A0] =	vst v5;
	v4 =	vor.u32 v0, v4;
	v5 =	vld [tilespmem:$0x160]  }
0xe7: {  	v61 =	vld [tilespmem:$0x550];
	[tilespmem:$0x830] =	vst v4;
	v4 =	vshll.u32 v57, $0x2  }
0xe8: {  	v62 =	vld [tilespmem:$0x170];
	[tilespmem:$0x8B0] =	vst v58;
	v4 =	vor.u32 v0, v4  }
0xe9: {  	v63 =	vld [tilespmem:$0x560];
	[tilespmem:$0x840] =	vst v4;
	v4 =	vshll.u32 v59, $0x2  }
0xea: {  	[tilespmem:$0x8C0] =	vst v60;
	v4 =	vor.u32 v0, v4  }
0xeb: {  	[tilespmem:$0x850] =	vst v4;
	v4 =	vshll.u32 v5, $0x2;
	v5 =	vld [tilespmem:$0x570]  }
0xec: {  	[tilespmem:$0x8D0] =	vst v61;
	v4 =	vor.u32 v0, v4  }
0xed: {  	[tilespmem:$0x860] =	vst v4;
	v4 =	vshll.u32 v62, $0x2  }
0xee: {  	[tilespmem:$0x8E0] =	vst v63;
	v4 =	vor.u32 v0, v4  }
0xef: {  	[tilespmem:$0x870] =	vst v4  }
0xf0: {  	[tilespmem:$0x8F0] =	vst v5  }
0xf1: {  	[tilespmem:s22], [sflag:$0x1] =	stream.indirect.gather [hbm4b:s5+s20], $0x80, s21, s20, $0xb8;
	[tilespmem:$0x1AC80] =	vst v63  }
0xf2: {  	_ =	swait.ge [sflag:s8], $0x4000  }
0xf3: {  	[sflag:s8] =	ssyncset.done $0x0  }
0xf4: {  	[sflag:s8] =	ssyncadd.s32 $0xFFFFC000  }
0xf5: {  	[spmem:s2] =	stream.indirect.scatter.add.f32 [tilespmem:s22], [sflag:$0x3], $0x80, s9, s20, $0xb8;
	[tilespmem:$0x1AC80] =	vst v63  }
0xf6: {  	_ =	swait.ge [sflag:s18], $0x4000  }
0xf7: {  	s16 =	simm.s32 @!p0 $0x80;
	[sflag:s18] =	ssyncset.done $0x0  }
0xf8: {  	s23 =	simm.s32 @!p0 $0x880;
	s24 =	simm.s32 @!p0 $0x4900;
	[sflag:s18] =	ssyncadd.s32 $0xFFFFC000  }
0xf9: {  	[spmem:s3] =	stream.indirect.scatter.add.f32 @!p0 [tilespmem:s24], [sflag:$0x3], $0x1, s23, s16, $0xb8;
	[tilespmem:$0x1AC80] =	vst v63  }
0xfa: {  	s16 =	simm.s32 @!p0 $0x3  }
0xfb: {  	_ =	swait.ge @!p0 [sflag:s16], $0x80  }
0xfc: {  	[sflag:s16] =	ssyncset.done @!p0 $0x0  }
0xfd: {  	[sflag:s16] =	ssyncadd.s32 @!p0 $0xFFFFFF80  }
.LBB2_10:
0xfe: {  	p1 =	sge.u32 s14, s30  }
.Ltmp6:
0xff: {  	_ = 	snop;
	(pc) =	sbr.rel @p1 .LBB2_12-.Ltmp6, $1  }
0x100: {  	_ =	sdelay $0x3  }
0x101: {  	v4 =	vld [tilespmem:$0x180];
	_ =	sdelay $0x1  }
0x102: {  	v5 =	vld [tilespmem:$0x190]  }
0x103: {  	v6 =	vld [tilespmem:$0x580]  }
0x104: {  	v7 =	vld [tilespmem:$0x1A0]  }
0x105: {  	v8 =	vld [tilespmem:$0x590];
	v4 =	vshll.u32 v4, $0x2  }
0x106: {  	v9 =	vld [tilespmem:$0x1B0];
	v4 =	vor.u32 v0, v4  }
0x107: {  	[tilespmem:$0x800] =	vst v4;
	v4 =	vshll.u32 v5, $0x2;
	v5 =	vld [tilespmem:$0x5A0]  }
0x108: {  	v57 =	vld [tilespmem:$0x1C0];
	[tilespmem:$0x880] =	vst v6;
	v4 =	vor.u32 v0, v4  }
0x109: {  	v58 =	vld [tilespmem:$0x5B0];
	[tilespmem:$0x810] =	vst v4;
	v4 =	vshll.u32 v7, $0x2  }
0x10a: {  	v59 =	vld [tilespmem:$0x1D0];
	[tilespmem:$0x890] =	vst v8;
	v4 =	vor.u32 v0, v4  }
0x10b: {  	v60 =	vld [tilespmem:$0x5C0];
	[tilespmem:$0x820] =	vst v4;
	v4 =	vshll.u32 v9, $0x2  }
0x10c: {  	[tilespmem:$0x8A0] =	vst v5;
	v4 =	vor.u32 v0, v4;
	v5 =	vld [tilespmem:$0x1E0]  }
0x10d: {  	v61 =	vld [tilespmem:$0x5D0];
	[tilespmem:$0x830] =	vst v4;
	v4 =	vshll.u32 v57, $0x2  }
0x10e: {  	v62 =	vld [tilespmem:$0x1F0];
	[tilespmem:$0x8B0] =	vst v58;
	v4 =	vor.u32 v0, v4  }
0x10f: {  	v63 =	vld [tilespmem:$0x5E0];
	[tilespmem:$0x840] =	vst v4;
	v4 =	vshll.u32 v59, $0x2  }
0x110: {  	[tilespmem:$0x8C0] =	vst v60;
	v4 =	vor.u32 v0, v4  }
0x111: {  	[tilespmem:$0x850] =	vst v4;
	v4 =	vshll.u32 v5, $0x2;
	v5 =	vld [tilespmem:$0x5F0]  }
0x112: {  	[tilespmem:$0x8D0] =	vst v61;
	v4 =	vor.u32 v0, v4  }
0x113: {  	[tilespmem:$0x860] =	vst v4;
	v4 =	vshll.u32 v62, $0x2  }
0x114: {  	[tilespmem:$0x8E0] =	vst v63;
	v4 =	vor.u32 v0, v4  }
0x115: {  	[tilespmem:$0x870] =	vst v4  }
0x116: {  	[tilespmem:$0x8F0] =	vst v5  }
0x117: {  	[tilespmem:s22], [sflag:$0x1] =	stream.indirect.gather [hbm4b:s5+s20], $0x80, s21, s20, $0xb8;
	[tilespmem:$0x1AC80] =	vst v63  }
0x118: {  	_ =	swait.ge [sflag:s8], $0x4000  }
0x119: {  	[sflag:s8] =	ssyncset.done $0x0  }
0x11a: {  	[sflag:s8] =	ssyncadd.s32 $0xFFFFC000  }
0x11b: {  	[spmem:s2] =	stream.indirect.scatter.add.f32 [tilespmem:s22], [sflag:$0x3], $0x80, s9, s20, $0xb8;
	[tilespmem:$0x1AC80] =	vst v63  }
0x11c: {  	_ =	swait.ge [sflag:s18], $0x4000  }
0x11d: {  	s16 =	simm.s32 @!p0 $0x80;
	[sflag:s18] =	ssyncset.done $0x0  }
0x11e: {  	s23 =	simm.s32 @!p0 $0x880;
	s24 =	simm.s32 @!p0 $0x4900;
	[sflag:s18] =	ssyncadd.s32 $0xFFFFC000  }
0x11f: {  	[spmem:s3] =	stream.indirect.scatter.add.f32 @!p0 [tilespmem:s24], [sflag:$0x3], $0x1, s23, s16, $0xb8;
	[tilespmem:$0x1AC80] =	vst v63  }
0x120: {  	s16 =	simm.s32 @!p0 $0x3  }
0x121: {  	_ =	swait.ge @!p0 [sflag:s16], $0x80  }
0x122: {  	[sflag:s16] =	ssyncset.done @!p0 $0x0  }
0x123: {  	[sflag:s16] =	ssyncadd.s32 @!p0 $0xFFFFFF80  }
.LBB2_12:
0x124: {  	p1 =	sge.u32 s14, s31  }
.Ltmp7:
0x125: {  	_ = 	snop;
	(pc) =	sbr.rel @p1 .LBB2_14-.Ltmp7, $1  }
0x126: {  	_ =	sdelay $0x3  }
0x127: {  	v4 =	vld [tilespmem:$0x200];
	_ =	sdelay $0x1  }
0x128: {  	v5 =	vld [tilespmem:$0x210]  }
0x129: {  	v6 =	vld [tilespmem:$0x600]  }
0x12a: {  	v7 =	vld [tilespmem:$0x220]  }
0x12b: {  	v8 =	vld [tilespmem:$0x610];
	v4 =	vshll.u32 v4, $0x2  }
0x12c: {  	v9 =	vld [tilespmem:$0x230];
	v4 =	vor.u32 v0, v4  }
0x12d: {  	[tilespmem:$0x800] =	vst v4;
	v4 =	vshll.u32 v5, $0x2;
	v5 =	vld [tilespmem:$0x620]  }
0x12e: {  	v57 =	vld [tilespmem:$0x240];
	[tilespmem:$0x880] =	vst v6;
	v4 =	vor.u32 v0, v4  }
0x12f: {  	v58 =	vld [tilespmem:$0x630];
	[tilespmem:$0x810] =	vst v4;
	v4 =	vshll.u32 v7, $0x2  }
0x130: {  	v59 =	vld [tilespmem:$0x250];
	[tilespmem:$0x890] =	vst v8;
	v4 =	vor.u32 v0, v4  }
0x131: {  	v60 =	vld [tilespmem:$0x640];
	[tilespmem:$0x820] =	vst v4;
	v4 =	vshll.u32 v9, $0x2  }
0x132: {  	[tilespmem:$0x8A0] =	vst v5;
	v4 =	vor.u32 v0, v4;
	v5 =	vld [tilespmem:$0x260]  }
0x133: {  	v61 =	vld [tilespmem:$0x650];
	[tilespmem:$0x830] =	vst v4;
	v4 =	vshll.u32 v57, $0x2  }
0x134: {  	v62 =	vld [tilespmem:$0x270];
	[tilespmem:$0x8B0] =	vst v58;
	v4 =	vor.u32 v0, v4  }
0x135: {  	v63 =	vld [tilespmem:$0x660];
	[tilespmem:$0x840] =	vst v4;
	v4 =	vshll.u32 v59, $0x2  }
0x136: {  	[tilespmem:$0x8C0] =	vst v60;
	v4 =	vor.u32 v0, v4  }
0x137: {  	[tilespmem:$0x850] =	vst v4;
	v4 =	vshll.u32 v5, $0x2;
	v5 =	vld [tilespmem:$0x670]  }
0x138: {  	[tilespmem:$0x8D0] =	vst v61;
	v4 =	vor.u32 v0, v4  }
0x139: {  	[tilespmem:$0x860] =	vst v4;
	v4 =	vshll.u32 v62, $0x2  }
0x13a: {  	[tilespmem:$0x8E0] =	vst v63;
	v4 =	vor.u32 v0, v4  }
0x13b: {  	[tilespmem:$0x870] =	vst v4  }
0x13c: {  	[tilespmem:$0x8F0] =	vst v5  }
0x13d: {  	[tilespmem:s22], [sflag:$0x1] =	stream.indirect.gather [hbm4b:s5+s20], $0x80, s21, s20, $0xb8;
	[tilespmem:$0x1AC80] =	vst v63  }
0x13e: {  	_ =	swait.ge [sflag:s8], $0x4000  }
0x13f: {  	[sflag:s8] =	ssyncset.done $0x0  }
0x140: {  	[sflag:s8] =	ssyncadd.s32 $0xFFFFC000  }
0x141: {  	[spmem:s2] =	stream.indirect.scatter.add.f32 [tilespmem:s22], [sflag:$0x3], $0x80, s9, s20, $0xb8;
	[tilespmem:$0x1AC80] =	vst v63  }
0x142: {  	_ =	swait.ge [sflag:s18], $0x4000  }
0x143: {  	s16 =	simm.s32 @!p0 $0x80;
	[sflag:s18] =	ssyncset.done $0x0  }
0x144: {  	s23 =	simm.s32 @!p0 $0x880;
	s24 =	simm.s32 @!p0 $0x4900;
	[sflag:s18] =	ssyncadd.s32 $0xFFFFC000  }
0x145: {  	[spmem:s3] =	stream.indirect.scatter.add.f32 @!p0 [tilespmem:s24], [sflag:$0x3], $0x1, s23, s16, $0xb8;
	[tilespmem:$0x1AC80] =	vst v63  }
0x146: {  	s16 =	simm.s32 @!p0 $0x3  }
0x147: {  	_ =	swait.ge @!p0 [sflag:s16], $0x80  }
0x148: {  	[sflag:s16] =	ssyncset.done @!p0 $0x0  }
0x149: {  	[sflag:s16] =	ssyncadd.s32 @!p0 $0xFFFFFF80  }
.LBB2_14:
0x14a: {  	p1 =	sge.u32 s14, s0  }
.Ltmp8:
0x14b: {  	_ = 	snop;
	(pc) =	sbr.rel @p1 .LBB2_16-.Ltmp8, $1  }
0x14c: {  	_ =	sdelay $0x3  }
0x14d: {  	v4 =	vld [tilespmem:$0x280];
	_ =	sdelay $0x1  }
0x14e: {  	v5 =	vld [tilespmem:$0x290]  }
0x14f: {  	v6 =	vld [tilespmem:$0x680]  }
0x150: {  	v7 =	vld [tilespmem:$0x2A0]  }
0x151: {  	v8 =	vld [tilespmem:$0x690];
	v4 =	vshll.u32 v4, $0x2  }
0x152: {  	v9 =	vld [tilespmem:$0x2B0];
	v4 =	vor.u32 v0, v4  }
0x153: {  	[tilespmem:$0x800] =	vst v4;
	v4 =	vshll.u32 v5, $0x2;
	v5 =	vld [tilespmem:$0x6A0]  }
0x154: {  	v57 =	vld [tilespmem:$0x2C0];
	[tilespmem:$0x880] =	vst v6;
	v4 =	vor.u32 v0, v4  }
0x155: {  	v58 =	vld [tilespmem:$0x6B0];
	[tilespmem:$0x810] =	vst v4;
	v4 =	vshll.u32 v7, $0x2  }
0x156: {  	v59 =	vld [tilespmem:$0x2D0];
	[tilespmem:$0x890] =	vst v8;
	v4 =	vor.u32 v0, v4  }
0x157: {  	v60 =	vld [tilespmem:$0x6C0];
	[tilespmem:$0x820] =	vst v4;
	v4 =	vshll.u32 v9, $0x2  }
0x158: {  	[tilespmem:$0x8A0] =	vst v5;
	v4 =	vor.u32 v0, v4;
	v5 =	vld [tilespmem:$0x2E0]  }
0x159: {  	v61 =	vld [tilespmem:$0x6D0];
	[tilespmem:$0x830] =	vst v4;
	v4 =	vshll.u32 v57, $0x2  }
0x15a: {  	v62 =	vld [tilespmem:$0x2F0];
	[tilespmem:$0x8B0] =	vst v58;
	v4 =	vor.u32 v0, v4  }
0x15b: {  	v63 =	vld [tilespmem:$0x6E0];
	[tilespmem:$0x840] =	vst v4;
	v4 =	vshll.u32 v59, $0x2  }
0x15c: {  	[tilespmem:$0x8C0] =	vst v60;
	v4 =	vor.u32 v0, v4  }
0x15d: {  	[tilespmem:$0x850] =	vst v4;
	v4 =	vshll.u32 v5, $0x2;
	v5 =	vld [tilespmem:$0x6F0]  }
0x15e: {  	[tilespmem:$0x8D0] =	vst v61;
	v4 =	vor.u32 v0, v4  }
0x15f: {  	[tilespmem:$0x860] =	vst v4;
	v4 =	vshll.u32 v62, $0x2  }
0x160: {  	[tilespmem:$0x8E0] =	vst v63;
	v4 =	vor.u32 v0, v4  }
0x161: {  	[tilespmem:$0x870] =	vst v4  }
0x162: {  	[tilespmem:$0x8F0] =	vst v5  }
0x163: {  	[tilespmem:s22], [sflag:$0x1] =	stream.indirect.gather [hbm4b:s5+s20], $0x80, s21, s20, $0xb8;
	[tilespmem:$0x1AC80] =	vst v63  }
0x164: {  	_ =	swait.ge [sflag:s8], $0x4000  }
0x165: {  	[sflag:s8] =	ssyncset.done $0x0  }
0x166: {  	[sflag:s8] =	ssyncadd.s32 $0xFFFFC000  }
0x167: {  	[spmem:s2] =	stream.indirect.scatter.add.f32 [tilespmem:s22], [sflag:$0x3], $0x80, s9, s20, $0xb8;
	[tilespmem:$0x1AC80] =	vst v63  }
0x168: {  	_ =	swait.ge [sflag:s18], $0x4000  }
0x169: {  	s16 =	simm.s32 @!p0 $0x80;
	[sflag:s18] =	ssyncset.done $0x0  }
0x16a: {  	s23 =	simm.s32 @!p0 $0x880;
	s24 =	simm.s32 @!p0 $0x4900;
	[sflag:s18] =	ssyncadd.s32 $0xFFFFC000  }
0x16b: {  	[spmem:s3] =	stream.indirect.scatter.add.f32 @!p0 [tilespmem:s24], [sflag:$0x3], $0x1, s23, s16, $0xb8;
	[tilespmem:$0x1AC80] =	vst v63  }
0x16c: {  	s16 =	simm.s32 @!p0 $0x3  }
0x16d: {  	_ =	swait.ge @!p0 [sflag:s16], $0x80  }
0x16e: {  	[sflag:s16] =	ssyncset.done @!p0 $0x0  }
0x16f: {  	[sflag:s16] =	ssyncadd.s32 @!p0 $0xFFFFFF80  }
.LBB2_16:
0x170: {  	p1 =	sge.u32 s14, s1  }
.Ltmp9:
0x171: {  	_ = 	snop;
	(pc) =	sbr.rel @p1 .LBB2_18-.Ltmp9, $1  }
0x172: {  	_ =	sdelay $0x3  }
0x173: {  	v4 =	vld [tilespmem:$0x300];
	_ =	sdelay $0x1  }
0x174: {  	v5 =	vld [tilespmem:$0x310]  }
0x175: {  	v6 =	vld [tilespmem:$0x700]  }
0x176: {  	v7 =	vld [tilespmem:$0x320]  }
0x177: {  	v8 =	vld [tilespmem:$0x710];
	v4 =	vshll.u32 v4, $0x2  }
0x178: {  	v9 =	vld [tilespmem:$0x330];
	v4 =	vor.u32 v0, v4  }
0x179: {  	[tilespmem:$0x800] =	vst v4;
	v4 =	vshll.u32 v5, $0x2;
	v5 =	vld [tilespmem:$0x720]  }
0x17a: {  	v57 =	vld [tilespmem:$0x340];
	[tilespmem:$0x880] =	vst v6;
	v4 =	vor.u32 v0, v4  }
0x17b: {  	v58 =	vld [tilespmem:$0x730];
	[tilespmem:$0x810] =	vst v4;
	v4 =	vshll.u32 v7, $0x2  }
0x17c: {  	v59 =	vld [tilespmem:$0x350];
	[tilespmem:$0x890] =	vst v8;
	v4 =	vor.u32 v0, v4  }
0x17d: {  	v60 =	vld [tilespmem:$0x740];
	[tilespmem:$0x820] =	vst v4;
	v4 =	vshll.u32 v9, $0x2  }
0x17e: {  	[tilespmem:$0x8A0] =	vst v5;
	v4 =	vor.u32 v0, v4;
	v5 =	vld [tilespmem:$0x360]  }
0x17f: {  	v61 =	vld [tilespmem:$0x750];
	[tilespmem:$0x830] =	vst v4;
	v4 =	vshll.u32 v57, $0x2  }
0x180: {  	v62 =	vld [tilespmem:$0x370];
	[tilespmem:$0x8B0] =	vst v58;
	v4 =	vor.u32 v0, v4  }
0x181: {  	v63 =	vld [tilespmem:$0x760];
	[tilespmem:$0x840] =	vst v4;
	v4 =	vshll.u32 v59, $0x2  }
0x182: {  	[tilespmem:$0x8C0] =	vst v60;
	v4 =	vor.u32 v0, v4  }
0x183: {  	[tilespmem:$0x850] =	vst v4;
	v4 =	vshll.u32 v5, $0x2;
	v5 =	vld [tilespmem:$0x770]  }
0x184: {  	[tilespmem:$0x8D0] =	vst v61;
	v4 =	vor.u32 v0, v4  }
0x185: {  	[tilespmem:$0x860] =	vst v4;
	v4 =	vshll.u32 v62, $0x2  }
0x186: {  	[tilespmem:$0x8E0] =	vst v63;
	v4 =	vor.u32 v0, v4  }
0x187: {  	[tilespmem:$0x870] =	vst v4  }
0x188: {  	[tilespmem:$0x8F0] =	vst v5  }
0x189: {  	[tilespmem:s22], [sflag:$0x1] =	stream.indirect.gather [hbm4b:s5+s20], $0x80, s21, s20, $0xb8;
	[tilespmem:$0x1AC80] =	vst v63  }
0x18a: {  	_ =	swait.ge [sflag:s8], $0x4000  }
0x18b: {  	[sflag:s8] =	ssyncset.done $0x0  }
0x18c: {  	[sflag:s8] =	ssyncadd.s32 $0xFFFFC000  }
0x18d: {  	[spmem:s2] =	stream.indirect.scatter.add.f32 [tilespmem:s22], [sflag:$0x3], $0x80, s9, s20, $0xb8;
	[tilespmem:$0x1AC80] =	vst v63  }
0x18e: {  	_ =	swait.ge [sflag:s18], $0x4000  }
0x18f: {  	s16 =	simm.s32 @!p0 $0x80;
	[sflag:s18] =	ssyncset.done $0x0  }
0x190: {  	s23 =	simm.s32 @!p0 $0x880;
	s24 =	simm.s32 @!p0 $0x4900;
	[sflag:s18] =	ssyncadd.s32 $0xFFFFC000  }
0x191: {  	[spmem:s3] =	stream.indirect.scatter.add.f32 @!p0 [tilespmem:s24], [sflag:$0x3], $0x1, s23, s16, $0xb8;
	[tilespmem:$0x1AC80] =	vst v63  }
0x192: {  	s16 =	simm.s32 @!p0 $0x3  }
0x193: {  	_ =	swait.ge @!p0 [sflag:s16], $0x80  }
0x194: {  	[sflag:s16] =	ssyncset.done @!p0 $0x0  }
0x195: {  	[sflag:s16] =	ssyncadd.s32 @!p0 $0xFFFFFF80  }
.LBB2_18:
0x196: {  	p1 =	sge.u32 s14, s11  }
.Ltmp10:
0x197: {  	_ = 	snop;
	(pc) =	sbr.rel @p1 .LBB2_20-.Ltmp10, $1  }
0x198: {  	_ =	sdelay $0x3  }
0x199: {  	v4 =	vld [tilespmem:$0x380];
	_ =	sdelay $0x1  }
0x19a: {  	v5 =	vld [tilespmem:$0x390]  }
0x19b: {  	v6 =	vld [tilespmem:$0x780]  }
0x19c: {  	v7 =	vld [tilespmem:$0x3A0]  }
0x19d: {  	v8 =	vld [tilespmem:$0x790];
	v4 =	vshll.u32 v4, $0x2  }
0x19e: {  	v9 =	vld [tilespmem:$0x3B0];
	v4 =	vor.u32 v0, v4  }
0x19f: {  	[tilespmem:$0x800] =	vst v4;
	v4 =	vshll.u32 v5, $0x2;
	v5 =	vld [tilespmem:$0x7A0]  }
0x1a0: {  	v57 =	vld [tilespmem:$0x3C0];
	[tilespmem:$0x880] =	vst v6;
	v4 =	vor.u32 v0, v4  }
0x1a1: {  	v58 =	vld [tilespmem:$0x7B0];
	[tilespmem:$0x810] =	vst v4;
	v4 =	vshll.u32 v7, $0x2  }
0x1a2: {  	v59 =	vld [tilespmem:$0x3D0];
	[tilespmem:$0x890] =	vst v8;
	v4 =	vor.u32 v0, v4  }
0x1a3: {  	v60 =	vld [tilespmem:$0x7C0];
	[tilespmem:$0x820] =	vst v4;
	v4 =	vshll.u32 v9, $0x2  }
0x1a4: {  	[tilespmem:$0x8A0] =	vst v5;
	v4 =	vor.u32 v0, v4;
	v5 =	vld [tilespmem:$0x3E0]  }
0x1a5: {  	v61 =	vld [tilespmem:$0x7D0];
	[tilespmem:$0x830] =	vst v4;
	v4 =	vshll.u32 v57, $0x2  }
0x1a6: {  	v62 =	vld [tilespmem:$0x3F0];
	[tilespmem:$0x8B0] =	vst v58;
	v4 =	vor.u32 v0, v4  }
0x1a7: {  	v63 =	vld [tilespmem:$0x7E0];
	[tilespmem:$0x840] =	vst v4;
	v4 =	vshll.u32 v59, $0x2  }
0x1a8: {  	[tilespmem:$0x8C0] =	vst v60;
	v4 =	vor.u32 v0, v4  }
0x1a9: {  	[tilespmem:$0x850] =	vst v4;
	v4 =	vshll.u32 v5, $0x2;
	v5 =	vld [tilespmem:$0x7F0]  }
0x1aa: {  	[tilespmem:$0x8D0] =	vst v61;
	v4 =	vor.u32 v0, v4  }
0x1ab: {  	[tilespmem:$0x860] =	vst v4;
	v4 =	vshll.u32 v62, $0x2  }
0x1ac: {  	[tilespmem:$0x8E0] =	vst v63;
	v4 =	vor.u32 v0, v4  }
0x1ad: {  	[tilespmem:$0x870] =	vst v4  }
0x1ae: {  	[tilespmem:$0x8F0] =	vst v5  }
0x1af: {  	[tilespmem:s22], [sflag:$0x1] =	stream.indirect.gather [hbm4b:s5+s20], $0x80, s21, s20, $0xb8;
	[tilespmem:$0x1AC80] =	vst v63  }
0x1b0: {  	_ =	swait.ge [sflag:s8], $0x4000  }
0x1b1: {  	[sflag:s8] =	ssyncset.done $0x0  }
0x1b2: {  	[sflag:s8] =	ssyncadd.s32 $0xFFFFC000  }
0x1b3: {  	[spmem:s2] =	stream.indirect.scatter.add.f32 [tilespmem:s22], [sflag:$0x3], $0x80, s9, s20, $0xb8;
	[tilespmem:$0x1AC80] =	vst v63  }
0x1b4: {  	_ =	swait.ge [sflag:s18], $0x4000  }
0x1b5: {  	s16 =	simm.s32 @!p0 $0x80;
	[sflag:s18] =	ssyncset.done $0x0  }
0x1b6: {  	s23 =	simm.s32 @!p0 $0x880;
	s24 =	simm.s32 @!p0 $0x4900;
	[sflag:s18] =	ssyncadd.s32 $0xFFFFC000  }
0x1b7: {  	[spmem:s3] =	stream.indirect.scatter.add.f32 @!p0 [tilespmem:s24], [sflag:$0x2], $0x1, s23, s16, $0xb8;
	[tilespmem:$0x1AC80] =	vst v63  }
.Ltmp11:
0x1b8: {  	_ = 	snop;
	(pc) =	sbr.rel .LBB2_20-.Ltmp11, $4  }
0x1b9: {  	s16 =	simm.s32 @!p0 $0x2  }
0x1ba: {  	_ =	swait.ge @!p0 [sflag:s16], $0x80  }
0x1bb: {  	[sflag:s16] =	ssyncset.done @!p0 $0x0  }
0x1bc: {  	[sflag:s16] =	ssyncadd.s32 @!p0 $0xFFFFFF80  }
.LBB2_21:
0x1bd: {  	s14 =	stileid.u32;
	[bflag:$0x0] =	sbarrier.arrive $0xFFFF  }
0x1be: {  	s15 =	sshrl.u32 s7, $0x3;
	s23 =	simm.s32 $0x8;
	s14 =	sshll.u32 s14, $0x6  }
0x1bf: {  	s24 =	simm.s32 $0x200;
	s16 =	rddreg [dreg:$0x8];
	s14 =	sor.u32 $0x1C02, s14  }
0x1c0: {  	[hbm:s16@s24], [sflag:s14] =	dma.strided [spmem:s15@s20], $0x2800, s23, $0x10   }
0x1c1: {  	_ =	swait.ge [sflag:s13], $0x2800  }
0x1c2: {  	[sflag:s13] =	ssyncset.done $0x0  }
0x1c3: {  	s16 =	sshrl.u32 @!p0 s17, $0x3;
	s17 =	rddreg [dreg:$0x7];
	[sflag:s13] =	ssyncadd.s32 $0xFFFFD800  }
0x1c4: {  	[hbm:s17], [sflag:s14] =	dma.local @!p0 [spmem:s16], $0x50  }
0x1c5: {  	s16 =	simm.s32 @!p0 $0x2  }
0x1c6: {  	_ =	swait.ge @!p0 [sflag:s16], $0x50  }
0x1c7: {  	[sflag:s16] =	ssyncset.done @!p0 $0x0  }
0x1c8: {  	[sflag:s16] =	ssyncadd.s32 @!p0 $0xFFFFFFB0  }
0x1c9: {  	[bflag:$0x0] =	sbarrier.arrive $0xFFFF  }
0x1ca: {  	[spmem:s7] =	stream.linear.scatter [tilespmem:s12], [sflag:$0x2], $0x2000, $0x38;
	[tilespmem:$0x1AC80] =	vst v63  }
0x1cb: {  	_ =	swait.ge [sflag:s13], $0x2000  }
0x1cc: {  	[sflag:s13] =	ssyncset.done $0x0  }
0x1cd: {  	[sflag:s13] =	ssyncadd.s32 $0xFFFFE000  }
0x1ce: {  	[spmem:s25] =	stream.linear.scatter [tilespmem:s12], [sflag:$0x2], $0x2000, $0x38;
	[tilespmem:$0x1AC80] =	vst v63  }
0x1cf: {  	_ =	swait.ge [sflag:s13], $0x2000  }
0x1d0: {  	[sflag:s13] =	ssyncset.done $0x0  }
0x1d1: {  	[sflag:s13] =	ssyncadd.s32 $0xFFFFE000  }
0x1d2: {  	[spmem:s26] =	stream.linear.scatter [tilespmem:s12], [sflag:$0x2], $0x2000, $0x38;
	[tilespmem:$0x1AC80] =	vst v63  }
0x1d3: {  	_ =	swait.ge [sflag:s13], $0x2000  }
0x1d4: {  	[sflag:s13] =	ssyncset.done $0x0  }
0x1d5: {  	s24 =	rddreg [dreg:$0x6];
	[sflag:s13] =	ssyncadd.s32 $0xFFFFE000  }
0x1d6: {  	[spmem:s24] =	stream.linear.scatter [tilespmem:s12], [sflag:$0x2], $0x2000, $0x38;
	[tilespmem:$0x1AC80] =	vst v63  }
0x1d7: {  	_ =	swait.ge [sflag:s13], $0x2000  }
0x1d8: {  	[sflag:s13] =	ssyncset.done $0x0  }
0x1d9: {  	s17 =	smov.u32 s25;
	s25 =	rddreg [dreg:$0xa];
	[sflag:s13] =	ssyncadd.s32 $0xFFFFE000  }
0x1da: {  	[spmem:s25] =	stream.linear.scatter [tilespmem:s12], [sflag:$0x2], $0x2000, $0x38;
	[tilespmem:$0x1AC80] =	vst v63  }
0x1db: {  	_ =	swait.ge [sflag:s13], $0x2000  }
0x1dc: {  	[sflag:s13] =	ssyncset.done $0x0  }
0x1dd: {  	s7 =	smov.u32 s26;
	s26 =	rddreg [dreg:$0x14];
	[sflag:s13] =	ssyncadd.s32 $0xFFFFE000  }
0x1de: {  	[spmem:s26] =	stream.linear.scatter [tilespmem:s12], [sflag:$0x2], $0x2000, $0x38;
	[tilespmem:$0x1AC80] =	vst v63  }
0x1df: {  	_ =	swait.ge [sflag:s13], $0x2000  }
0x1e0: {  	[sflag:s13] =	ssyncset.done $0x0  }
0x1e1: {  	s23 =	rddreg [dreg:$0xb];
	[sflag:s13] =	ssyncadd.s32 $0xFFFFE000  }
0x1e2: {  	[spmem:s23] =	stream.linear.scatter [tilespmem:s12], [sflag:$0x2], $0x2000, $0x38;
	[tilespmem:$0x1AC80] =	vst v63  }
0x1e3: {  	_ =	swait.ge [sflag:s13], $0x2000  }
0x1e4: {  	[sflag:s13] =	ssyncset.done $0x0  }
0x1e5: {  	s24 =	rddreg [dreg:$0x15];
	[sflag:s13] =	ssyncadd.s32 $0xFFFFE000  }
0x1e6: {  	[spmem:s24] =	stream.linear.scatter [tilespmem:s12], [sflag:$0x2], $0x2000, $0x38;
	[tilespmem:$0x1AC80] =	vst v63  }
0x1e7: {  	_ =	swait.ge [sflag:s13], $0x2000  }
0x1e8: {  	[sflag:s13] =	ssyncset.done $0x0  }
0x1e9: {  	s25 =	rddreg [dreg:$0xc];
	[sflag:s13] =	ssyncadd.s32 $0xFFFFE000  }
0x1ea: {  	[spmem:s25] =	stream.linear.scatter [tilespmem:s12], [sflag:$0x2], $0x2000, $0x38;
	[tilespmem:$0x1AC80] =	vst v63  }
0x1eb: {  	_ =	swait.ge [sflag:s13], $0x2000  }
0x1ec: {  	[sflag:s13] =	ssyncset.done $0x0  }
0x1ed: {  	s26 =	rddreg [dreg:$0x16];
	[sflag:s13] =	ssyncadd.s32 $0xFFFFE000  }
0x1ee: {  	[spmem:s26] =	stream.linear.scatter [tilespmem:s12], [sflag:$0x2], $0x2000, $0x38;
	[tilespmem:$0x1AC80] =	vst v63  }
0x1ef: {  	_ =	swait.ge [sflag:s13], $0x2000  }
0x1f0: {  	[sflag:s13] =	ssyncset.done $0x0  }
0x1f1: {  	[sflag:s13] =	ssyncadd.s32 $0xFFFFE000  }
0x1f2: {  	[bflag:$0x0] =	sbarrier.arrive $0xFFFF  }
0x1f3: {  	s16 =	simm.s32 $0x0;
	s23 =	rddreg [dreg:$0x13]  }
.LBB2_22:
0x1f4: {  	[tilespmem:s4], [sflag:$0x3] =	stream.linear.gather [hbm4b:s23+s4], $0x400, $0x38;
	[tilespmem:$0x1AC80] =	vst v63  }
0x1f5: {  	_ =	swait.ge [sflag:s18], $0x400  }
0x1f6: {  	[sflag:s18] =	ssyncset.done $0x0  }
0x1f7: {  	s24 =	sadd.s32 $0x9C40, s23;
	[sflag:s18] =	ssyncadd.s32 $0xFFFFFC00  }
0x1f8: {  	[tilespmem:s19], [sflag:$0x3] =	stream.linear.gather [hbm4b:s24+s4], $0x400, $0x38;
	[tilespmem:$0x1AC80] =	vst v63  }
0x1f9: {  	_ =	swait.ge [sflag:s18], $0x400  }
0x1fa: {  	[sflag:s18] =	ssyncset.done $0x0  }
0x1fb: {  	p1 =	sge.u32 s16, s6;
	[sflag:s18] =	ssyncadd.s32 $0xFFFFFC00  }
0x1fc: {  	v4 =	vld @!p1 [tilespmem:$0x0];
	_ =	sdelay $0x1  }
0x1fd: {  	v5 =	vld @!p1 [tilespmem:$0x10]  }
0x1fe: {  	v6 =	vld @!p1 [tilespmem:$0x400]  }
0x1ff: {  	v7 =	vld @!p1 [tilespmem:$0x20]  }
0x200: {  	v8 =	vld @!p1 [tilespmem:$0x410];
	v4 =	vshll.u32 @!p1 v4, $0x2  }
0x201: {  	v9 =	vld @!p1 [tilespmem:$0x30];
	v4 =	vor.u32 @!p1 v1, v4  }
0x202: {  	[tilespmem:$0x800] =	vst @!p1 v4;
	v4 =	vshll.u32 @!p1 v5, $0x2;
	v5 =	vld @!p1 [tilespmem:$0x420]  }
0x203: {  	[tilespmem:$0x880] =	vst @!p1 v6;
	v6 =	vld @!p1 [tilespmem:$0x40];
	v4 =	vor.u32 @!p1 v1, v4  }
0x204: {  	[tilespmem:$0x810] =	vst @!p1 v4;
	v4 =	vshll.u32 @!p1 v7, $0x2;
	v7 =	vld @!p1 [tilespmem:$0x430]  }
0x205: {  	[tilespmem:$0x890] =	vst @!p1 v8;
	v8 =	vld @!p1 [tilespmem:$0x50];
	v4 =	vor.u32 @!p1 v1, v4  }
0x206: {  	[tilespmem:$0x820] =	vst @!p1 v4;
	v4 =	vshll.u32 @!p1 v9, $0x2;
	v9 =	vld @!p1 [tilespmem:$0x440]  }
0x207: {  	[tilespmem:$0x8A0] =	vst @!p1 v5;
	v4 =	vor.u32 @!p1 v1, v4;
	v5 =	vld @!p1 [tilespmem:$0x60]  }
0x208: {  	[tilespmem:$0x830] =	vst @!p1 v4;
	v4 =	vshll.u32 @!p1 v6, $0x2;
	v6 =	vld @!p1 [tilespmem:$0x450]  }
0x209: {  	[tilespmem:$0x8B0] =	vst @!p1 v7;
	v4 =	vor.u32 @!p1 v1, v4;
	v7 =	vld @!p1 [tilespmem:$0x70]  }
0x20a: {  	[tilespmem:$0x840] =	vst @!p1 v4;
	v4 =	vshll.u32 @!p1 v8, $0x2;
	v8 =	vld @!p1 [tilespmem:$0x460]  }
0x20b: {  	[tilespmem:$0x8C0] =	vst @!p1 v9;
	v4 =	vor.u32 @!p1 v1, v4  }
0x20c: {  	[tilespmem:$0x850] =	vst @!p1 v4;
	v4 =	vshll.u32 @!p1 v5, $0x2;
	v5 =	vld @!p1 [tilespmem:$0x470]  }
0x20d: {  	[tilespmem:$0x8D0] =	vst @!p1 v6;
	v4 =	vor.u32 @!p1 v1, v4  }
0x20e: {  	[tilespmem:$0x860] =	vst @!p1 v4;
	v4 =	vshll.u32 @!p1 v7, $0x2  }
0x20f: {  	[tilespmem:$0x8E0] =	vst @!p1 v8;
	v4 =	vor.u32 @!p1 v1, v4  }
0x210: {  	[tilespmem:$0x870] =	vst @!p1 v4  }
0x211: {  	s25 =	simm.s32 @!p1 $0x800;
	s26 =	simm.s32 @!p1 $0x900;
	s24 =	simm.s32 @!p1 $0x80;
	[tilespmem:$0x8F0] =	vst @!p1 v5  }
0x212: {  	[tilespmem:s26], [sflag:$0x1] =	stream.indirect.gather @!p1 [hbm4b:s5+s24], $0x80, s25, s24, $0xb8;
	[tilespmem:$0x1AC80] =	vst v63  }
0x213: {  	s25 =	simm.s32 @!p1 $0x1  }
0x214: {  	_ =	swait.ge @!p1 [sflag:s25], $0x4000  }
0x215: {  	[sflag:s25] =	ssyncset.done @!p1 $0x0  }
0x216: {  	[sflag:s25] =	ssyncadd.s32 @!p1 $0xFFFFC000;
	s25 =	simm.s32 @!p1 $0x880  }
0x217: {  	[spmem:s2] =	stream.indirect.scatter.add.f32 @!p1 [tilespmem:s26], [sflag:$0x3], $0x80, s25, s24, $0xb8;
	[tilespmem:$0x1AC80] =	vst v63  }
0x218: {  	s24 =	simm.s32 @!p1 $0x3  }
0x219: {  	_ =	swait.ge @!p1 [sflag:s24], $0x4000  }
0x21a: {  	[sflag:s24] =	ssyncset.done @!p1 $0x0  }
0x21b: {  	[sflag:s24] =	ssyncadd.s32 @!p1 $0xFFFFC000;
	p1 =	sge.u32 s16, s28  }
0x21c: {  	v4 =	vld @!p1 [tilespmem:$0x80];
	_ =	sdelay $0x1  }
0x21d: {  	v5 =	vld @!p1 [tilespmem:$0x90]  }
0x21e: {  	v6 =	vld @!p1 [tilespmem:$0x480]  }
0x21f: {  	v7 =	vld @!p1 [tilespmem:$0xA0]  }
0x220: {  	v8 =	vld @!p1 [tilespmem:$0x490];
	v4 =	vshll.u32 @!p1 v4, $0x2  }
0x221: {  	v9 =	vld @!p1 [tilespmem:$0xB0];
	v4 =	vor.u32 @!p1 v1, v4  }
0x222: {  	[tilespmem:$0x800] =	vst @!p1 v4;
	v4 =	vshll.u32 @!p1 v5, $0x2;
	v5 =	vld @!p1 [tilespmem:$0x4A0]  }
0x223: {  	[tilespmem:$0x880] =	vst @!p1 v6;
	v6 =	vld @!p1 [tilespmem:$0xC0];
	v4 =	vor.u32 @!p1 v1, v4  }
0x224: {  	[tilespmem:$0x810] =	vst @!p1 v4;
	v4 =	vshll.u32 @!p1 v7, $0x2;
	v7 =	vld @!p1 [tilespmem:$0x4B0]  }
0x225: {  	[tilespmem:$0x890] =	vst @!p1 v8;
	v8 =	vld @!p1 [tilespmem:$0xD0];
	v4 =	vor.u32 @!p1 v1, v4  }
0x226: {  	[tilespmem:$0x820] =	vst @!p1 v4;
	v4 =	vshll.u32 @!p1 v9, $0x2;
	v9 =	vld @!p1 [tilespmem:$0x4C0]  }
0x227: {  	[tilespmem:$0x8A0] =	vst @!p1 v5;
	v4 =	vor.u32 @!p1 v1, v4;
	v5 =	vld @!p1 [tilespmem:$0xE0]  }
0x228: {  	[tilespmem:$0x830] =	vst @!p1 v4;
	v4 =	vshll.u32 @!p1 v6, $0x2;
	v6 =	vld @!p1 [tilespmem:$0x4D0]  }
0x229: {  	[tilespmem:$0x8B0] =	vst @!p1 v7;
	v4 =	vor.u32 @!p1 v1, v4;
	v7 =	vld @!p1 [tilespmem:$0xF0]  }
0x22a: {  	[tilespmem:$0x840] =	vst @!p1 v4;
	v4 =	vshll.u32 @!p1 v8, $0x2;
	v8 =	vld @!p1 [tilespmem:$0x4E0]  }
0x22b: {  	[tilespmem:$0x8C0] =	vst @!p1 v9;
	v4 =	vor.u32 @!p1 v1, v4  }
0x22c: {  	[tilespmem:$0x850] =	vst @!p1 v4;
	v4 =	vshll.u32 @!p1 v5, $0x2;
	v5 =	vld @!p1 [tilespmem:$0x4F0]  }
0x22d: {  	[tilespmem:$0x8D0] =	vst @!p1 v6;
	v4 =	vor.u32 @!p1 v1, v4  }
0x22e: {  	[tilespmem:$0x860] =	vst @!p1 v4;
	v4 =	vshll.u32 @!p1 v7, $0x2  }
0x22f: {  	[tilespmem:$0x8E0] =	vst @!p1 v8;
	v4 =	vor.u32 @!p1 v1, v4  }
0x230: {  	[tilespmem:$0x870] =	vst @!p1 v4  }
0x231: {  	s24 =	simm.s32 @!p1 $0x80;
	s25 =	simm.s32 @!p1 $0x800;
	s26 =	simm.s32 @!p1 $0x900;
	[tilespmem:$0x8F0] =	vst @!p1 v5  }
0x232: {  	[tilespmem:s26], [sflag:$0x1] =	stream.indirect.gather @!p1 [hbm4b:s5+s24], $0x80, s25, s24, $0xb8;
	[tilespmem:$0x1AC80] =	vst v63  }
0x233: {  	s25 =	simm.s32 @!p1 $0x1  }
0x234: {  	_ =	swait.ge @!p1 [sflag:s25], $0x4000  }
0x235: {  	[sflag:s25] =	ssyncset.done @!p1 $0x0  }
0x236: {  	[sflag:s25] =	ssyncadd.s32 @!p1 $0xFFFFC000;
	s25 =	simm.s32 @!p1 $0x880  }
0x237: {  	[spmem:s2] =	stream.indirect.scatter.add.f32 @!p1 [tilespmem:s26], [sflag:$0x3], $0x80, s25, s24, $0xb8;
	[tilespmem:$0x1AC80] =	vst v63  }
0x238: {  	s24 =	simm.s32 @!p1 $0x3  }
0x239: {  	_ =	swait.ge @!p1 [sflag:s24], $0x4000  }
0x23a: {  	[sflag:s24] =	ssyncset.done @!p1 $0x0  }
0x23b: {  	[sflag:s24] =	ssyncadd.s32 @!p1 $0xFFFFC000;
	p1 =	sge.u32 s16, s29  }
0x23c: {  	v4 =	vld @!p1 [tilespmem:$0x100];
	_ =	sdelay $0x1  }
0x23d: {  	v5 =	vld @!p1 [tilespmem:$0x110]  }
0x23e: {  	v6 =	vld @!p1 [tilespmem:$0x500]  }
0x23f: {  	v7 =	vld @!p1 [tilespmem:$0x120]  }
0x240: {  	v8 =	vld @!p1 [tilespmem:$0x510];
	v4 =	vshll.u32 @!p1 v4, $0x2  }
0x241: {  	v9 =	vld @!p1 [tilespmem:$0x130];
	v4 =	vor.u32 @!p1 v1, v4  }
0x242: {  	[tilespmem:$0x800] =	vst @!p1 v4;
	v4 =	vshll.u32 @!p1 v5, $0x2;
	v5 =	vld @!p1 [tilespmem:$0x520]  }
0x243: {  	[tilespmem:$0x880] =	vst @!p1 v6;
	v6 =	vld @!p1 [tilespmem:$0x140];
	v4 =	vor.u32 @!p1 v1, v4  }
0x244: {  	[tilespmem:$0x810] =	vst @!p1 v4;
	v4 =	vshll.u32 @!p1 v7, $0x2;
	v7 =	vld @!p1 [tilespmem:$0x530]  }
0x245: {  	[tilespmem:$0x890] =	vst @!p1 v8;
	v8 =	vld @!p1 [tilespmem:$0x150];
	v4 =	vor.u32 @!p1 v1, v4  }
0x246: {  	[tilespmem:$0x820] =	vst @!p1 v4;
	v4 =	vshll.u32 @!p1 v9, $0x2;
	v9 =	vld @!p1 [tilespmem:$0x540]  }
0x247: {  	[tilespmem:$0x8A0] =	vst @!p1 v5;
	v4 =	vor.u32 @!p1 v1, v4;
	v5 =	vld @!p1 [tilespmem:$0x160]  }
0x248: {  	[tilespmem:$0x830] =	vst @!p1 v4;
	v4 =	vshll.u32 @!p1 v6, $0x2;
	v6 =	vld @!p1 [tilespmem:$0x550]  }
0x249: {  	[tilespmem:$0x8B0] =	vst @!p1 v7;
	v4 =	vor.u32 @!p1 v1, v4;
	v7 =	vld @!p1 [tilespmem:$0x170]  }
0x24a: {  	[tilespmem:$0x840] =	vst @!p1 v4;
	v4 =	vshll.u32 @!p1 v8, $0x2;
	v8 =	vld @!p1 [tilespmem:$0x560]  }
0x24b: {  	[tilespmem:$0x8C0] =	vst @!p1 v9;
	v4 =	vor.u32 @!p1 v1, v4  }
0x24c: {  	[tilespmem:$0x850] =	vst @!p1 v4;
	v4 =	vshll.u32 @!p1 v5, $0x2;
	v5 =	vld @!p1 [tilespmem:$0x570]  }
0x24d: {  	[tilespmem:$0x8D0] =	vst @!p1 v6;
	v4 =	vor.u32 @!p1 v1, v4  }
0x24e: {  	[tilespmem:$0x860] =	vst @!p1 v4;
	v4 =	vshll.u32 @!p1 v7, $0x2  }
0x24f: {  	[tilespmem:$0x8E0] =	vst @!p1 v8;
	v4 =	vor.u32 @!p1 v1, v4  }
0x250: {  	[tilespmem:$0x870] =	vst @!p1 v4  }
0x251: {  	s24 =	simm.s32 @!p1 $0x80;
	s25 =	simm.s32 @!p1 $0x800;
	s26 =	simm.s32 @!p1 $0x900;
	[tilespmem:$0x8F0] =	vst @!p1 v5  }
0x252: {  	[tilespmem:s26], [sflag:$0x1] =	stream.indirect.gather @!p1 [hbm4b:s5+s24], $0x80, s25, s24, $0xb8;
	[tilespmem:$0x1AC80] =	vst v63  }
0x253: {  	s25 =	simm.s32 @!p1 $0x1  }
0x254: {  	_ =	swait.ge @!p1 [sflag:s25], $0x4000  }
0x255: {  	[sflag:s25] =	ssyncset.done @!p1 $0x0  }
0x256: {  	[sflag:s25] =	ssyncadd.s32 @!p1 $0xFFFFC000;
	s25 =	simm.s32 @!p1 $0x880  }
0x257: {  	[spmem:s2] =	stream.indirect.scatter.add.f32 @!p1 [tilespmem:s26], [sflag:$0x3], $0x80, s25, s24, $0xb8;
	[tilespmem:$0x1AC80] =	vst v63  }
0x258: {  	s24 =	simm.s32 @!p1 $0x3  }
0x259: {  	_ =	swait.ge @!p1 [sflag:s24], $0x4000  }
0x25a: {  	[sflag:s24] =	ssyncset.done @!p1 $0x0  }
0x25b: {  	[sflag:s24] =	ssyncadd.s32 @!p1 $0xFFFFC000;
	p1 =	sge.u32 s16, s30  }
0x25c: {  	v4 =	vld @!p1 [tilespmem:$0x180];
	_ =	sdelay $0x1  }
0x25d: {  	v5 =	vld @!p1 [tilespmem:$0x190]  }
0x25e: {  	v6 =	vld @!p1 [tilespmem:$0x580]  }
0x25f: {  	v7 =	vld @!p1 [tilespmem:$0x1A0]  }
0x260: {  	v8 =	vld @!p1 [tilespmem:$0x590];
	v4 =	vshll.u32 @!p1 v4, $0x2  }
0x261: {  	v9 =	vld @!p1 [tilespmem:$0x1B0];
	v4 =	vor.u32 @!p1 v1, v4  }
0x262: {  	[tilespmem:$0x800] =	vst @!p1 v4;
	v4 =	vshll.u32 @!p1 v5, $0x2;
	v5 =	vld @!p1 [tilespmem:$0x5A0]  }
0x263: {  	[tilespmem:$0x880] =	vst @!p1 v6;
	v6 =	vld @!p1 [tilespmem:$0x1C0];
	v4 =	vor.u32 @!p1 v1, v4  }
0x264: {  	[tilespmem:$0x810] =	vst @!p1 v4;
	v4 =	vshll.u32 @!p1 v7, $0x2;
	v7 =	vld @!p1 [tilespmem:$0x5B0]  }
0x265: {  	[tilespmem:$0x890] =	vst @!p1 v8;
	v8 =	vld @!p1 [tilespmem:$0x1D0];
	v4 =	vor.u32 @!p1 v1, v4  }
0x266: {  	[tilespmem:$0x820] =	vst @!p1 v4;
	v4 =	vshll.u32 @!p1 v9, $0x2;
	v9 =	vld @!p1 [tilespmem:$0x5C0]  }
0x267: {  	[tilespmem:$0x8A0] =	vst @!p1 v5;
	v4 =	vor.u32 @!p1 v1, v4;
	v5 =	vld @!p1 [tilespmem:$0x1E0]  }
0x268: {  	[tilespmem:$0x830] =	vst @!p1 v4;
	v4 =	vshll.u32 @!p1 v6, $0x2;
	v6 =	vld @!p1 [tilespmem:$0x5D0]  }
0x269: {  	[tilespmem:$0x8B0] =	vst @!p1 v7;
	v4 =	vor.u32 @!p1 v1, v4;
	v7 =	vld @!p1 [tilespmem:$0x1F0]  }
0x26a: {  	[tilespmem:$0x840] =	vst @!p1 v4;
	v4 =	vshll.u32 @!p1 v8, $0x2;
	v8 =	vld @!p1 [tilespmem:$0x5E0]  }
0x26b: {  	[tilespmem:$0x8C0] =	vst @!p1 v9;
	v4 =	vor.u32 @!p1 v1, v4  }
0x26c: {  	[tilespmem:$0x850] =	vst @!p1 v4;
	v4 =	vshll.u32 @!p1 v5, $0x2;
	v5 =	vld @!p1 [tilespmem:$0x5F0]  }
0x26d: {  	[tilespmem:$0x8D0] =	vst @!p1 v6;
	v4 =	vor.u32 @!p1 v1, v4  }
0x26e: {  	[tilespmem:$0x860] =	vst @!p1 v4;
	v4 =	vshll.u32 @!p1 v7, $0x2  }
0x26f: {  	[tilespmem:$0x8E0] =	vst @!p1 v8;
	v4 =	vor.u32 @!p1 v1, v4  }
0x270: {  	[tilespmem:$0x870] =	vst @!p1 v4  }
0x271: {  	s24 =	simm.s32 @!p1 $0x80;
	s25 =	simm.s32 @!p1 $0x800;
	s26 =	simm.s32 @!p1 $0x900;
	[tilespmem:$0x8F0] =	vst @!p1 v5  }
0x272: {  	[tilespmem:s26], [sflag:$0x1] =	stream.indirect.gather @!p1 [hbm4b:s5+s24], $0x80, s25, s24, $0xb8;
	[tilespmem:$0x1AC80] =	vst v63  }
0x273: {  	s25 =	simm.s32 @!p1 $0x1  }
0x274: {  	_ =	swait.ge @!p1 [sflag:s25], $0x4000  }
0x275: {  	[sflag:s25] =	ssyncset.done @!p1 $0x0  }
0x276: {  	[sflag:s25] =	ssyncadd.s32 @!p1 $0xFFFFC000;
	s25 =	simm.s32 @!p1 $0x880  }
0x277: {  	[spmem:s2] =	stream.indirect.scatter.add.f32 @!p1 [tilespmem:s26], [sflag:$0x3], $0x80, s25, s24, $0xb8;
	[tilespmem:$0x1AC80] =	vst v63  }
0x278: {  	s24 =	simm.s32 @!p1 $0x3  }
0x279: {  	_ =	swait.ge @!p1 [sflag:s24], $0x4000  }
0x27a: {  	[sflag:s24] =	ssyncset.done @!p1 $0x0  }
0x27b: {  	[sflag:s24] =	ssyncadd.s32 @!p1 $0xFFFFC000;
	p1 =	sge.u32 s16, s31  }
0x27c: {  	v4 =	vld @!p1 [tilespmem:$0x200];
	_ =	sdelay $0x1  }
0x27d: {  	v5 =	vld @!p1 [tilespmem:$0x210]  }
0x27e: {  	v6 =	vld @!p1 [tilespmem:$0x600]  }
0x27f: {  	v7 =	vld @!p1 [tilespmem:$0x220]  }
0x280: {  	v8 =	vld @!p1 [tilespmem:$0x610];
	v4 =	vshll.u32 @!p1 v4, $0x2  }
0x281: {  	v9 =	vld @!p1 [tilespmem:$0x230];
	v4 =	vor.u32 @!p1 v1, v4  }
0x282: {  	[tilespmem:$0x800] =	vst @!p1 v4;
	v4 =	vshll.u32 @!p1 v5, $0x2;
	v5 =	vld @!p1 [tilespmem:$0x620]  }
0x283: {  	[tilespmem:$0x880] =	vst @!p1 v6;
	v6 =	vld @!p1 [tilespmem:$0x240];
	v4 =	vor.u32 @!p1 v1, v4  }
0x284: {  	[tilespmem:$0x810] =	vst @!p1 v4;
	v4 =	vshll.u32 @!p1 v7, $0x2;
	v7 =	vld @!p1 [tilespmem:$0x630]  }
0x285: {  	[tilespmem:$0x890] =	vst @!p1 v8;
	v8 =	vld @!p1 [tilespmem:$0x250];
	v4 =	vor.u32 @!p1 v1, v4  }
0x286: {  	[tilespmem:$0x820] =	vst @!p1 v4;
	v4 =	vshll.u32 @!p1 v9, $0x2;
	v9 =	vld @!p1 [tilespmem:$0x640]  }
0x287: {  	[tilespmem:$0x8A0] =	vst @!p1 v5;
	v4 =	vor.u32 @!p1 v1, v4;
	v5 =	vld @!p1 [tilespmem:$0x260]  }
0x288: {  	[tilespmem:$0x830] =	vst @!p1 v4;
	v4 =	vshll.u32 @!p1 v6, $0x2;
	v6 =	vld @!p1 [tilespmem:$0x650]  }
0x289: {  	[tilespmem:$0x8B0] =	vst @!p1 v7;
	v4 =	vor.u32 @!p1 v1, v4;
	v7 =	vld @!p1 [tilespmem:$0x270]  }
0x28a: {  	[tilespmem:$0x840] =	vst @!p1 v4;
	v4 =	vshll.u32 @!p1 v8, $0x2;
	v8 =	vld @!p1 [tilespmem:$0x660]  }
0x28b: {  	[tilespmem:$0x8C0] =	vst @!p1 v9;
	v4 =	vor.u32 @!p1 v1, v4  }
0x28c: {  	[tilespmem:$0x850] =	vst @!p1 v4;
	v4 =	vshll.u32 @!p1 v5, $0x2;
	v5 =	vld @!p1 [tilespmem:$0x670]  }
0x28d: {  	[tilespmem:$0x8D0] =	vst @!p1 v6;
	v4 =	vor.u32 @!p1 v1, v4  }
0x28e: {  	[tilespmem:$0x860] =	vst @!p1 v4;
	v4 =	vshll.u32 @!p1 v7, $0x2  }
0x28f: {  	[tilespmem:$0x8E0] =	vst @!p1 v8;
	v4 =	vor.u32 @!p1 v1, v4  }
0x290: {  	[tilespmem:$0x870] =	vst @!p1 v4  }
0x291: {  	s24 =	simm.s32 @!p1 $0x80;
	s25 =	simm.s32 @!p1 $0x800;
	s26 =	simm.s32 @!p1 $0x900;
	[tilespmem:$0x8F0] =	vst @!p1 v5  }
0x292: {  	[tilespmem:s26], [sflag:$0x1] =	stream.indirect.gather @!p1 [hbm4b:s5+s24], $0x80, s25, s24, $0xb8;
	[tilespmem:$0x1AC80] =	vst v63  }
0x293: {  	s25 =	simm.s32 @!p1 $0x1  }
0x294: {  	_ =	swait.ge @!p1 [sflag:s25], $0x4000  }
0x295: {  	[sflag:s25] =	ssyncset.done @!p1 $0x0  }
0x296: {  	[sflag:s25] =	ssyncadd.s32 @!p1 $0xFFFFC000;
	s25 =	simm.s32 @!p1 $0x880  }
0x297: {  	[spmem:s2] =	stream.indirect.scatter.add.f32 @!p1 [tilespmem:s26], [sflag:$0x3], $0x80, s25, s24, $0xb8;
	[tilespmem:$0x1AC80] =	vst v63  }
0x298: {  	s24 =	simm.s32 @!p1 $0x3  }
0x299: {  	_ =	swait.ge @!p1 [sflag:s24], $0x4000  }
0x29a: {  	[sflag:s24] =	ssyncset.done @!p1 $0x0  }
0x29b: {  	[sflag:s24] =	ssyncadd.s32 @!p1 $0xFFFFC000;
	p1 =	sge.u32 s16, s0  }
0x29c: {  	v4 =	vld @!p1 [tilespmem:$0x280];
	_ =	sdelay $0x1  }
0x29d: {  	v5 =	vld @!p1 [tilespmem:$0x290]  }
0x29e: {  	v6 =	vld @!p1 [tilespmem:$0x680]  }
0x29f: {  	v7 =	vld @!p1 [tilespmem:$0x2A0]  }
0x2a0: {  	v8 =	vld @!p1 [tilespmem:$0x690];
	v4 =	vshll.u32 @!p1 v4, $0x2  }
0x2a1: {  	v9 =	vld @!p1 [tilespmem:$0x2B0];
	v4 =	vor.u32 @!p1 v1, v4  }
0x2a2: {  	[tilespmem:$0x800] =	vst @!p1 v4;
	v4 =	vshll.u32 @!p1 v5, $0x2;
	v5 =	vld @!p1 [tilespmem:$0x6A0]  }
0x2a3: {  	[tilespmem:$0x880] =	vst @!p1 v6;
	v6 =	vld @!p1 [tilespmem:$0x2C0];
	v4 =	vor.u32 @!p1 v1, v4  }
0x2a4: {  	[tilespmem:$0x810] =	vst @!p1 v4;
	v4 =	vshll.u32 @!p1 v7, $0x2;
	v7 =	vld @!p1 [tilespmem:$0x6B0]  }
0x2a5: {  	[tilespmem:$0x890] =	vst @!p1 v8;
	v8 =	vld @!p1 [tilespmem:$0x2D0];
	v4 =	vor.u32 @!p1 v1, v4  }
0x2a6: {  	[tilespmem:$0x820] =	vst @!p1 v4;
	v4 =	vshll.u32 @!p1 v9, $0x2;
	v9 =	vld @!p1 [tilespmem:$0x6C0]  }
0x2a7: {  	[tilespmem:$0x8A0] =	vst @!p1 v5;
	v4 =	vor.u32 @!p1 v1, v4;
	v5 =	vld @!p1 [tilespmem:$0x2E0]  }
0x2a8: {  	[tilespmem:$0x830] =	vst @!p1 v4;
	v4 =	vshll.u32 @!p1 v6, $0x2;
	v6 =	vld @!p1 [tilespmem:$0x6D0]  }
0x2a9: {  	[tilespmem:$0x8B0] =	vst @!p1 v7;
	v4 =	vor.u32 @!p1 v1, v4;
	v7 =	vld @!p1 [tilespmem:$0x2F0]  }
0x2aa: {  	[tilespmem:$0x840] =	vst @!p1 v4;
	v4 =	vshll.u32 @!p1 v8, $0x2;
	v8 =	vld @!p1 [tilespmem:$0x6E0]  }
0x2ab: {  	[tilespmem:$0x8C0] =	vst @!p1 v9;
	v4 =	vor.u32 @!p1 v1, v4  }
0x2ac: {  	[tilespmem:$0x850] =	vst @!p1 v4;
	v4 =	vshll.u32 @!p1 v5, $0x2;
	v5 =	vld @!p1 [tilespmem:$0x6F0]  }
0x2ad: {  	[tilespmem:$0x8D0] =	vst @!p1 v6;
	v4 =	vor.u32 @!p1 v1, v4  }
0x2ae: {  	[tilespmem:$0x860] =	vst @!p1 v4;
	v4 =	vshll.u32 @!p1 v7, $0x2  }
0x2af: {  	[tilespmem:$0x8E0] =	vst @!p1 v8;
	v4 =	vor.u32 @!p1 v1, v4  }
0x2b0: {  	[tilespmem:$0x870] =	vst @!p1 v4  }
0x2b1: {  	s24 =	simm.s32 @!p1 $0x80;
	s25 =	simm.s32 @!p1 $0x800;
	s26 =	simm.s32 @!p1 $0x900;
	[tilespmem:$0x8F0] =	vst @!p1 v5  }
0x2b2: {  	[tilespmem:s26], [sflag:$0x1] =	stream.indirect.gather @!p1 [hbm4b:s5+s24], $0x80, s25, s24, $0xb8;
	[tilespmem:$0x1AC80] =	vst v63  }
0x2b3: {  	s25 =	simm.s32 @!p1 $0x1  }
0x2b4: {  	_ =	swait.ge @!p1 [sflag:s25], $0x4000  }
0x2b5: {  	[sflag:s25] =	ssyncset.done @!p1 $0x0  }
0x2b6: {  	[sflag:s25] =	ssyncadd.s32 @!p1 $0xFFFFC000;
	s25 =	simm.s32 @!p1 $0x880  }
0x2b7: {  	[spmem:s2] =	stream.indirect.scatter.add.f32 @!p1 [tilespmem:s26], [sflag:$0x3], $0x80, s25, s24, $0xb8;
	[tilespmem:$0x1AC80] =	vst v63  }
0x2b8: {  	s24 =	simm.s32 @!p1 $0x3  }
0x2b9: {  	_ =	swait.ge @!p1 [sflag:s24], $0x4000  }
0x2ba: {  	[sflag:s24] =	ssyncset.done @!p1 $0x0  }
0x2bb: {  	[sflag:s24] =	ssyncadd.s32 @!p1 $0xFFFFC000;
	p1 =	sge.u32 s16, s1  }
0x2bc: {  	v4 =	vld @!p1 [tilespmem:$0x300];
	_ =	sdelay $0x1  }
0x2bd: {  	v5 =	vld @!p1 [tilespmem:$0x310]  }
0x2be: {  	v6 =	vld @!p1 [tilespmem:$0x700]  }
0x2bf: {  	v7 =	vld @!p1 [tilespmem:$0x320]  }
0x2c0: {  	v8 =	vld @!p1 [tilespmem:$0x710];
	v4 =	vshll.u32 @!p1 v4, $0x2  }
0x2c1: {  	v9 =	vld @!p1 [tilespmem:$0x330];
	v4 =	vor.u32 @!p1 v1, v4  }
0x2c2: {  	[tilespmem:$0x800] =	vst @!p1 v4;
	v4 =	vshll.u32 @!p1 v5, $0x2;
	v5 =	vld @!p1 [tilespmem:$0x720]  }
0x2c3: {  	[tilespmem:$0x880] =	vst @!p1 v6;
	v6 =	vld @!p1 [tilespmem:$0x340];
	v4 =	vor.u32 @!p1 v1, v4  }
0x2c4: {  	[tilespmem:$0x810] =	vst @!p1 v4;
	v4 =	vshll.u32 @!p1 v7, $0x2;
	v7 =	vld @!p1 [tilespmem:$0x730]  }
0x2c5: {  	[tilespmem:$0x890] =	vst @!p1 v8;
	v8 =	vld @!p1 [tilespmem:$0x350];
	v4 =	vor.u32 @!p1 v1, v4  }
0x2c6: {  	[tilespmem:$0x820] =	vst @!p1 v4;
	v4 =	vshll.u32 @!p1 v9, $0x2;
	v9 =	vld @!p1 [tilespmem:$0x740]  }
0x2c7: {  	[tilespmem:$0x8A0] =	vst @!p1 v5;
	v4 =	vor.u32 @!p1 v1, v4;
	v5 =	vld @!p1 [tilespmem:$0x360]  }
0x2c8: {  	[tilespmem:$0x830] =	vst @!p1 v4;
	v4 =	vshll.u32 @!p1 v6, $0x2;
	v6 =	vld @!p1 [tilespmem:$0x750]  }
0x2c9: {  	[tilespmem:$0x8B0] =	vst @!p1 v7;
	v4 =	vor.u32 @!p1 v1, v4;
	v7 =	vld @!p1 [tilespmem:$0x370]  }
0x2ca: {  	[tilespmem:$0x840] =	vst @!p1 v4;
	v4 =	vshll.u32 @!p1 v8, $0x2;
	v8 =	vld @!p1 [tilespmem:$0x760]  }
0x2cb: {  	[tilespmem:$0x8C0] =	vst @!p1 v9;
	v4 =	vor.u32 @!p1 v1, v4  }
0x2cc: {  	[tilespmem:$0x850] =	vst @!p1 v4;
	v4 =	vshll.u32 @!p1 v5, $0x2;
	v5 =	vld @!p1 [tilespmem:$0x770]  }
0x2cd: {  	[tilespmem:$0x8D0] =	vst @!p1 v6;
	v4 =	vor.u32 @!p1 v1, v4  }
0x2ce: {  	[tilespmem:$0x860] =	vst @!p1 v4;
	v4 =	vshll.u32 @!p1 v7, $0x2  }
0x2cf: {  	[tilespmem:$0x8E0] =	vst @!p1 v8;
	v4 =	vor.u32 @!p1 v1, v4  }
0x2d0: {  	[tilespmem:$0x870] =	vst @!p1 v4  }
0x2d1: {  	s24 =	simm.s32 @!p1 $0x80;
	s25 =	simm.s32 @!p1 $0x800;
	s26 =	simm.s32 @!p1 $0x900;
	[tilespmem:$0x8F0] =	vst @!p1 v5  }
0x2d2: {  	[tilespmem:s26], [sflag:$0x1] =	stream.indirect.gather @!p1 [hbm4b:s5+s24], $0x80, s25, s24, $0xb8;
	[tilespmem:$0x1AC80] =	vst v63  }
0x2d3: {  	s25 =	simm.s32 @!p1 $0x1  }
0x2d4: {  	_ =	swait.ge @!p1 [sflag:s25], $0x4000  }
0x2d5: {  	[sflag:s25] =	ssyncset.done @!p1 $0x0  }
0x2d6: {  	[sflag:s25] =	ssyncadd.s32 @!p1 $0xFFFFC000;
	s25 =	simm.s32 @!p1 $0x880  }
0x2d7: {  	[spmem:s2] =	stream.indirect.scatter.add.f32 @!p1 [tilespmem:s26], [sflag:$0x3], $0x80, s25, s24, $0xb8;
	[tilespmem:$0x1AC80] =	vst v63  }
0x2d8: {  	s24 =	simm.s32 @!p1 $0x3  }
0x2d9: {  	_ =	swait.ge @!p1 [sflag:s24], $0x4000  }
0x2da: {  	[sflag:s24] =	ssyncset.done @!p1 $0x0  }
0x2db: {  	[sflag:s24] =	ssyncadd.s32 @!p1 $0xFFFFC000;
	p1 =	sge.u32 s16, s11  }
0x2dc: {  	v4 =	vld @!p1 [tilespmem:$0x380];
	_ =	sdelay $0x1  }
0x2dd: {  	v5 =	vld @!p1 [tilespmem:$0x390]  }
0x2de: {  	v6 =	vld @!p1 [tilespmem:$0x780]  }
0x2df: {  	v7 =	vld @!p1 [tilespmem:$0x3A0]  }
0x2e0: {  	v8 =	vld @!p1 [tilespmem:$0x790];
	v4 =	vshll.u32 @!p1 v4, $0x2  }
0x2e1: {  	v9 =	vld @!p1 [tilespmem:$0x3B0];
	v4 =	vor.u32 @!p1 v1, v4  }
0x2e2: {  	[tilespmem:$0x800] =	vst @!p1 v4;
	v4 =	vshll.u32 @!p1 v5, $0x2;
	v5 =	vld @!p1 [tilespmem:$0x7A0]  }
0x2e3: {  	[tilespmem:$0x880] =	vst @!p1 v6;
	v6 =	vld @!p1 [tilespmem:$0x3C0];
	v4 =	vor.u32 @!p1 v1, v4  }
0x2e4: {  	[tilespmem:$0x810] =	vst @!p1 v4;
	v4 =	vshll.u32 @!p1 v7, $0x2;
	v7 =	vld @!p1 [tilespmem:$0x7B0]  }
0x2e5: {  	[tilespmem:$0x890] =	vst @!p1 v8;
	v8 =	vld @!p1 [tilespmem:$0x3D0];
	v4 =	vor.u32 @!p1 v1, v4  }
0x2e6: {  	[tilespmem:$0x820] =	vst @!p1 v4;
	v4 =	vshll.u32 @!p1 v9, $0x2;
	v9 =	vld @!p1 [tilespmem:$0x7C0]  }
0x2e7: {  	[tilespmem:$0x8A0] =	vst @!p1 v5;
	v4 =	vor.u32 @!p1 v1, v4;
	v5 =	vld @!p1 [tilespmem:$0x3E0]  }
0x2e8: {  	[tilespmem:$0x830] =	vst @!p1 v4;
	v4 =	vshll.u32 @!p1 v6, $0x2;
	v6 =	vld @!p1 [tilespmem:$0x7D0]  }
0x2e9: {  	[tilespmem:$0x8B0] =	vst @!p1 v7;
	v4 =	vor.u32 @!p1 v1, v4;
	v7 =	vld @!p1 [tilespmem:$0x3F0]  }
0x2ea: {  	[tilespmem:$0x840] =	vst @!p1 v4;
	v4 =	vshll.u32 @!p1 v8, $0x2;
	v8 =	vld @!p1 [tilespmem:$0x7E0]  }
0x2eb: {  	[tilespmem:$0x8C0] =	vst @!p1 v9;
	v4 =	vor.u32 @!p1 v1, v4  }
0x2ec: {  	[tilespmem:$0x850] =	vst @!p1 v4;
	v4 =	vshll.u32 @!p1 v5, $0x2;
	v5 =	vld @!p1 [tilespmem:$0x7F0]  }
0x2ed: {  	[tilespmem:$0x8D0] =	vst @!p1 v6;
	v4 =	vor.u32 @!p1 v1, v4  }
0x2ee: {  	[tilespmem:$0x860] =	vst @!p1 v4;
	v4 =	vshll.u32 @!p1 v7, $0x2  }
0x2ef: {  	[tilespmem:$0x8E0] =	vst @!p1 v8;
	v4 =	vor.u32 @!p1 v1, v4  }
0x2f0: {  	[tilespmem:$0x870] =	vst @!p1 v4  }
0x2f1: {  	s24 =	simm.s32 @!p1 $0x80;
	s25 =	simm.s32 @!p1 $0x800;
	s26 =	simm.s32 @!p1 $0x900;
	[tilespmem:$0x8F0] =	vst @!p1 v5  }
0x2f2: {  	[tilespmem:s26], [sflag:$0x1] =	stream.indirect.gather @!p1 [hbm4b:s5+s24], $0x80, s25, s24, $0xb8;
	[tilespmem:$0x1AC80] =	vst v63  }
0x2f3: {  	s25 =	simm.s32 @!p1 $0x1  }
0x2f4: {  	_ =	swait.ge @!p1 [sflag:s25], $0x4000  }
0x2f5: {  	s16 =	sadd.s32 $0x8, s16;
	[sflag:s25] =	ssyncset.done @!p1 $0x0  }
0x2f6: {  	p2 =	sne.s32 s16, $0xA0;
	[sflag:s25] =	ssyncadd.s32 @!p1 $0xFFFFC000;
	s25 =	simm.s32 @!p1 $0x880  }
0x2f7: {  	[spmem:s2] =	stream.indirect.scatter.add.f32 @!p1 [tilespmem:s26], [sflag:$0x2], $0x80, s25, s24, $0xb8;
	[tilespmem:$0x1AC80] =	vst v63  }
.Ltmp12:
0x2f8: {  	_ = 	snop;
	(pc) =	sbr.rel @p2 .LBB2_22-.Ltmp12, $4  }
0x2f9: {  	s24 =	simm.s32 @!p1 $0x2  }
0x2fa: {  	_ =	swait.ge @!p1 [sflag:s24], $0x4000  }
0x2fb: {  	[sflag:s24] =	ssyncset.done @!p1 $0x0  }
0x2fc: {  	s23 =	sadd.s32 $0x80, s23;
	[sflag:s24] =	ssyncadd.s32 @!p1 $0xFFFFC000  }
0x2fd: {  	[bflag:$0x0] =	sbarrier.arrive $0xFFFF  }
0x2fe: {  	s23 =	simm.s32 $0x8;
	s24 =	simm.s32 $0x200;
	s16 =	rddreg [dreg:$0x9]  }
0x2ff: {  	[hbm:s16@s24], [sflag:s14] =	dma.strided [spmem:s15@s20], $0x2800, s23, $0x10   }
0x300: {  	_ =	swait.ge [sflag:s13], $0x2800  }
0x301: {  	s10 =	sadd.s32 $0x1, s10;
	s26 =	rddreg [dreg:$0x12]  }
0x302: {  	p1 =	sne.s32 s10, s26  }
.Ltmp13:
0x303: {  	[sflag:s13] =	ssyncset.done $0x0;
	(pc) =	sbr.rel @p1 .LBB2_1-.Ltmp13, $4  }
0x304: {  	[sflag:s13] =	ssyncadd.s32 $0xFFFFD800  }
0x305: {  	[bflag:$0x0] =	sbarrier.arrive $0xFFFF  }
0x306: {  	s26 =	smov.u32 s7;
	s7 =	rddreg [dreg:$0x5]  }
0x307: {  	s25 =	smov.u32 s17;
	s17 =	rddreg [dreg:$0xd]  }
0x308: {  	_ =	sfence.sel $0x180000  }
0x309: {  	[bflag:$0x0] =	sbarrier.arrive $0xFFFF  }
0x30a: {  	_ =	strace $0x90000047  }
0x30b: {  	s0 =	stileid.u32;
	[bflag:$0x2] =	sbarrier.arrive $0xFFFF  }
0x30c: {  	p0 =	sne.s32 s0, $0x0;
	s0 =	rddreg [dreg:$0x4]  }
0x30d: {  	s0 =	sadd.s32 @!p0 $0x100000, s0  }
0x30e: {  	[sflag:s0] =	ssyncadd.tile.s32 @!p0 $0x1;
	_ =	shalt  }
.Lfunc_end2:
_tile_overlayer_lowered:
.L_overlay_start_2:
0x30f: {  	(tag) =	ssettag $0x2  }
0x310: {  	s0 =	rddreg [dreg:$0x0];
	s2 =	stileid.u32  }
0x311: {  	s1 =	rddreg [dreg:$0x1];
	p0 =	sne.s32 s2, $0x0  }
0x312: {  	s3 =	rddreg [dreg:$0x2];
	[bflag:$0x3] =	sbarrier.arrive $0xFFFF;
	s2 =	simm.s32 @!p0 $0x1C02  }
0x313: {  	[timem:s3], [sflag:s2] =	dma.local @!p0 [hbm:s0], s1  }
0x314: {  	s0 =	simm.s32 @!p0 $0x2  }
0x315: {  	_ =	swait.ge @!p0 [sflag:s0], s1  }
0x316: {  	s1 =	ssub.s32 @!p0 $0x0, s1;
	[sflag:s0] =	ssyncset.done @!p0 $0x0  }
0x317: {  	[sflag:s0] =	ssyncadd.s32 @!p0 s1  }
0x318: {  	[bflag:$0x3] =	sbarrier.arrive $0xFFFF  }
0x319: {  	_ =	shalt  }

</sc_bundles>
